<compile_context>
chip_gen: v7x
topology: tpu7x:2x2x1
jax: 0.10.2.dev20260603
libtpu: 0.0.44.dev20260713+nightly
codegen_flags: <defaults>
</compile_context>

<pallas_src>
import functools

import jax
import jax.numpy as jnp
from jax import lax
from jax.experimental import pallas as pl
from jax.experimental.pallas import tpu as pltpu
from jax.experimental.pallas import tpu_sc as plsc

_N = 10000
_E = 160000
_F = 256
_NP = 10240
_EP = 163840
_CH = 128
_EC = 64
_NCH = _EP // 16 // _EC
_WCH = 32
_BR = 2048

_mesh = plsc.VectorSubcoreMesh(core_axis_name="c", subcore_axis_name="s")



@functools.partial(
    pl.kernel,
    out_type=jax.ShapeDtypeStruct((2, _NP), jnp.float32),
    mesh=_mesh,
    scratch_types=[
        pltpu.VMEM((80, _EC), jnp.int32),
        pltpu.VMEM((_CH,), jnp.float32),
        pltpu.VMEM((_CH,), jnp.float32),
        pltpu.VMEM_SHARED((_NP,), jnp.float32),
    ],
)
def _deg_kernel(dst_hbm, out_hbm, idx_v, ones_v, zero_v, acc):
    cid = lax.axis_index("c")
    sid = lax.axis_index("s")
    for k in range(8):
        ones_v[pl.ds(k * 16, 16)] = jnp.ones((16,), jnp.float32)
        zero_v[pl.ds(k * 16, 16)] = jnp.zeros((16,), jnp.float32)
    base = sid * (_NP // 16)
    for j in range(_NP // 16 // _CH):
        pltpu.sync_copy(zero_v, acc.at[pl.ds(base + j * _CH, _CH)])
    plsc.subcore_barrier()
    pltpu.sync_copy(dst_hbm.at[sid, pl.ds(cid * 80, 80)], idx_v)

    @pl.loop(0, 80)
    def _(g):
        pltpu.sync_copy(ones_v.at[pl.ds(0, _EC)], acc.at[idx_v.at[g]],
                        add=True)

    plsc.subcore_barrier()
    pltpu.sync_copy(acc.at[pl.ds(base, _NP // 16)],
                    out_hbm.at[cid, pl.ds(base, _NP // 16)])


@functools.partial(
    pl.kernel,
    out_type=jax.ShapeDtypeStruct((2, _NP, 128), jnp.float32),
    mesh=_mesh,
    scratch_types=[
        pltpu.VMEM((_WCH, _EC), jnp.int32),
        pltpu.VMEM((_WCH, _EC), jnp.int32),
        pltpu.VMEM((_EC, 128), jnp.float32),
        pltpu.VMEM((_EC, 128), jnp.float32),
        pltpu.VMEM((_EC, 128), jnp.float32),
        pltpu.VMEM((_EC, 128), jnp.float32),
        pltpu.VMEM_SHARED((_NP, 128), jnp.float32),
        pltpu.SemaphoreType.DMA,
        pltpu.SemaphoreType.DMA,
        pltpu.SemaphoreType.DMA,
        pltpu.SemaphoreType.DMA,
    ],
)
def _conv_kernel(tbl_hbm, src_hbm, dst_hbm, out_hbm, src_w, dst_w, rb0, rb1,
                 rb2, rb3, acc, sm0, sm1, sm2, sm3):
    cid = lax.axis_index("c")
    sid = lax.axis_index("s")
    rows_v = (rb0, rb1, rb2, rb3)
    sems = (sm0, sm1, sm2, sm3)
    rows_per = _NP // 16
    base = sid * rows_per

    @pl.loop(0, _EC)
    def _(i):
        for k in range(8):
            rows_v[0][i, pl.ds(k * 16, 16)] = jnp.zeros((16,), jnp.float32)

    for j in range(rows_per // _EC):
        pltpu.sync_copy(rows_v[0], acc.at[pl.ds(base + j * _EC, _EC)])
    plsc.subcore_barrier()

    tbl = tbl_hbm.at[cid]

    @pl.loop(0, _NCH // _WCH)
    def _(w):
        pltpu.sync_copy(src_hbm.at[sid, pl.ds(w * _WCH, _WCH)], src_w)
        pltpu.sync_copy(dst_hbm.at[sid, pl.ds(w * _WCH, _WCH)], dst_w)

        for i in range(4):
            pltpu.async_copy(tbl.at[src_w.at[i]], rows_v[i], sems[i])

        @pl.loop(0, _WCH, step=4)
        def _(g):
            for i in range(4):
                pltpu.make_async_copy(tbl.at[src_w.at[g + i]], rows_v[i],
                                      sems[i]).wait()
                pltpu.sync_copy(rows_v[i], acc.at[dst_w.at[g + i]], add=True)
                gnext = jnp.minimum(g + 4 + i, _WCH - 1)
                pltpu.async_copy(tbl.at[src_w.at[gnext]], rows_v[i], sems[i])

        for i in range(4):
            pltpu.make_async_copy(tbl.at[src_w.at[_WCH - 1]], rows_v[i],
                                  sems[i]).wait()

    plsc.subcore_barrier()
    pltpu.sync_copy(acc.at[pl.ds(base, rows_per)],
                    out_hbm.at[cid, pl.ds(base, rows_per)])



def _colvec(row, n):
    eye = (lax.broadcasted_iota(jnp.int32, (n, n), 0)
           == lax.broadcasted_iota(jnp.int32, (n, n), 1)).astype(jnp.float32)
    return lax.dot_general(eye, row, (((1,), (1,)), ((), ())),
                           preferred_element_type=jnp.float32)


def _pre_body(x_ref, w_ref, deg_ref, zt_ref, dinv_ref):
    i = pl.program_id(0)
    y = jnp.dot(x_ref[...], w_ref[...], preferred_element_type=jnp.float32)
    dsl = deg_ref[:, pl.ds(i * _BR, _BR)]
    dl = lax.rsqrt(dsl[0:1] + dsl[1:2] + 1.0)
    dc = _colvec(dl, _BR)
    z = y * dc
    zt_ref[0] = z[:, :128]
    zt_ref[1] = z[:, 128:]
    dinv_ref[...] = jnp.broadcast_to(dc, (_BR, 128))


def _pre(xp, W, deg2):
    return pl.pallas_call(
        _pre_body,
        grid=(_NP // _BR,),
        in_specs=[
            pl.BlockSpec((_BR, _F), lambda i: (i, 0)),
            pl.BlockSpec((_F, _F), lambda i: (0, 0)),
            pl.BlockSpec((2, _NP), lambda i: (0, 0)),
        ],
        out_specs=[
            pl.BlockSpec((2, _BR, 128), lambda i: (0, i, 0)),
            pl.BlockSpec((_BR, 128), lambda i: (i, 0)),
        ],
        out_shape=[
            jax.ShapeDtypeStruct((2, _NP, 128), jnp.float32),
            jax.ShapeDtypeStruct((_NP, 128), jnp.float32),
        ],
    )(xp, W, deg2)


def _mid_body(res, acc_ref, ztp_ref, dinv_ref, b_ref, w_ref, *rest):
    if res:
        res_ref, zt_ref, y_ref = rest
    else:
        zt_ref, y_ref = rest
    dinv = dinv_ref[...]
    h0 = (acc_ref[0] + ztp_ref[0]) * dinv
    h1 = (acc_ref[1] + ztp_ref[1]) * dinv
    y = jnp.concatenate([h0, h1], axis=1) + b_ref[...]
    if res:
        y = y + res_ref[...]
    y = jnp.maximum(y, 0.0)
    y_ref[...] = y
    z = jnp.dot(y, w_ref[...], preferred_element_type=jnp.float32)
    zt_ref[0] = z[:, :128] * dinv
    zt_ref[1] = z[:, 128:] * dinv


def _mid(acc, ztp, dinvb, b2, W, res=None):
    in_specs = [
        pl.BlockSpec((2, _BR, 128), lambda i: (0, i, 0)),
        pl.BlockSpec((2, _BR, 128), lambda i: (0, i, 0)),
        pl.BlockSpec((_BR, 128), lambda i: (i, 0)),
        pl.BlockSpec((1, _F), lambda i: (0, 0)),
        pl.BlockSpec((_F, _F), lambda i: (0, 0)),
    ]
    args = [acc, ztp, dinvb, b2, W]
    if res is not None:
        in_specs.append(pl.BlockSpec((_BR, _F), lambda i: (i, 0)))
        args.append(res)
    return pl.pallas_call(
        functools.partial(_mid_body, res is not None),
        grid=(_NP // _BR,),
        in_specs=in_specs,
        out_specs=[
            pl.BlockSpec((2, _BR, 128), lambda i: (0, i, 0)),
            pl.BlockSpec((_BR, _F), lambda i: (i, 0)),
        ],
        out_shape=[
            jax.ShapeDtypeStruct((2, _NP, 128), jnp.float32),
            jax.ShapeDtypeStruct((_NP, _F), jnp.float32),
        ],
    )(*args)


def _final_body(acc_ref, ztp_ref, dinv_ref, b_ref, res_ref, w1_ref, b1_ref,
                w2_ref, b2_ref, w3_ref, b3_ref, out_ref):
    dinv = dinv_ref[...]
    h0 = (acc_ref[0] + ztp_ref[0]) * dinv
    h1 = (acc_ref[1] + ztp_ref[1]) * dinv
    y = jnp.concatenate([h0, h1], axis=1) + b_ref[...] + res_ref[...]
    y = jnp.maximum(y, 0.0)
    y = jnp.maximum(jnp.dot(y, w1_ref[...],
                            preferred_element_type=jnp.float32) + b1_ref[...],
                    0.0)
    y = jnp.maximum(jnp.dot(y, w2_ref[...],
                            preferred_element_type=jnp.float32) + b2_ref[...],
                    0.0)
    p = jnp.dot(y, w3_ref[...], preferred_element_type=jnp.float32) + b3_ref[...]
    col = lax.broadcasted_iota(jnp.int32, (_BR, 128), 1)
    pm = jnp.where(col < 7, p, -1e30)
    m = jnp.max(pm, axis=1, keepdims=True)
    s = jnp.sum(jnp.exp(pm - m), axis=1, keepdims=True)
    out_ref[...] = p - m - jnp.log(s)


def _final(acc, ztp, dinvb, b2d, y1, W1, b1, W2, b2, W3p, b3p):
    return pl.pallas_call(
        _final_body,
        grid=(_NP // _BR,),
        in_specs=[
            pl.BlockSpec((2, _BR, 128), lambda i: (0, i, 0)),
            pl.BlockSpec((2, _BR, 128), lambda i: (0, i, 0)),
            pl.BlockSpec((_BR, 128), lambda i: (i, 0)),
            pl.BlockSpec((1, _F), lambda i: (0, 0)),
            pl.BlockSpec((_BR, _F), lambda i: (i, 0)),
            pl.BlockSpec((_F, _F), lambda i: (0, 0)),
            pl.BlockSpec((1, _F), lambda i: (0, 0)),
            pl.BlockSpec((_F, _F), lambda i: (0, 0)),
            pl.BlockSpec((1, _F), lambda i: (0, 0)),
            pl.BlockSpec((_F, 128), lambda i: (0, 0)),
            pl.BlockSpec((1, 128), lambda i: (0, 0)),
        ],
        out_specs=pl.BlockSpec((_BR, 128), lambda i: (i, 0)),
        out_shape=jax.ShapeDtypeStruct((_NP, 128), jnp.float32),
    )(acc, ztp, dinvb, b2d, y1, W1, b1, W2, b2, W3p, b3p)



def kernel(x, edge_index, TRAIN, Wc0, bc0, Wc1, bc1, Wc2, bc2,
           Wf1, bf1, Wf2, bf2, Wf3, bf3):
    pad = jnp.full((_EP - _E,), _N, jnp.int32)
    src3 = jnp.concatenate([edge_index[0], pad]).reshape(16, _NCH, _EC)
    dst3 = jnp.concatenate([edge_index[1], pad]).reshape(16, _NCH, _EC)
    xp = jnp.pad(x, ((0, _NP - _N), (0, 0)))

    deg2 = _deg_kernel(dst3)
    zt0, dinvb = _pre(xp, Wc0, deg2)
    acc1 = _conv_kernel(zt0, src3, dst3)
    zt1, y1 = _mid(acc1, zt0, dinvb, bc0.reshape(1, -1), Wc1)
    acc2 = _conv_kernel(zt1, src3, dst3)
    zt2, _ = _mid(acc2, zt1, dinvb, bc1.reshape(1, -1), Wc2, res=y1)
    acc3 = _conv_kernel(zt2, src3, dst3)
    outp = _final(acc3, zt2, dinvb, bc2.reshape(1, -1), y1,
                  Wf1, bf1.reshape(1, -1), Wf2, bf2.reshape(1, -1),
                  jnp.pad(Wf3, ((0, 0), (0, 128 - 7))),
                  jnp.pad(bf3, (0, 128 - 7)).reshape(1, 128))
    return outp[:_N, :7]

# --- scband reference (transcript-rebuilt; emitter-appended) ---
"""Pipeline reference for scband-net-12936441495799 (READ-ONLY COPY).

The authoritative reference and input builder live on the scoring server;
editing this copy changes nothing except your own understanding.
"""

import jax, jax.numpy as jnp
import numpy as np

N = 10000
E = 160000
F_IN = 256
H = 256
C = 7


def setup_inputs(seed: int = 0) -> dict:
    key = jax.random.key(seed)
    ks = jax.random.split(key, 16)
    s = 0.05
    inp = {}
    inp["x"] = jax.random.normal(ks[0], (N, F_IN), dtype=jnp.float32)
    inp["edge_index"] = jax.random.randint(ks[1], (2, E), 0, N, dtype=jnp.int32)
    inp["TRAIN"] = 0
    inp["Wc0"] = jax.random.normal(ks[2], (F_IN, H), dtype=jnp.float32) * s
    inp["bc0"] = jnp.zeros((H,), dtype=jnp.float32)
    inp["Wc1"] = jax.random.normal(ks[3], (H, H), dtype=jnp.float32) * s
    inp["bc1"] = jnp.zeros((H,), dtype=jnp.float32)
    inp["Wc2"] = jax.random.normal(ks[4], (H, H), dtype=jnp.float32) * s
    inp["bc2"] = jnp.zeros((H,), dtype=jnp.float32)
    inp["Wf1"] = jax.random.normal(ks[5], (H, H), dtype=jnp.float32) * s
    inp["bf1"] = jnp.zeros((H,), dtype=jnp.float32)
    inp["Wf2"] = jax.random.normal(ks[6], (H, H), dtype=jnp.float32) * s
    inp["bf2"] = jnp.zeros((H,), dtype=jnp.float32)
    inp["Wf3"] = jax.random.normal(ks[7], (H, C), dtype=jnp.float32) * s
    inp["bf3"] = jnp.zeros((C,), dtype=jnp.float32)
    return inp


def gcn_conv(x, edge_index, W, b, n_nodes):
    # GCNConv: x' = D^-1/2 (A + I) D^-1/2 (x W) + b
    xW = x @ W
    loop = jnp.arange(n_nodes, dtype=edge_index.dtype)
    src = jnp.concatenate([edge_index[0], loop])
    dst = jnp.concatenate([edge_index[1], loop])
    deg = jax.ops.segment_sum(jnp.ones_like(dst, dtype=jnp.float32), dst, num_segments=n_nodes)
    dinv = jnp.where(deg > 0, jax.lax.rsqrt(deg), 0.0)
    norm = dinv[src] * dinv[dst]
    msgs = jnp.take(xW, src, axis=0) * norm[:, None]
    out = jax.ops.segment_sum(msgs, dst, num_segments=n_nodes)
    return out + b


def reference(x, edge_index, TRAIN, Wc0, bc0, Wc1, bc1, Wc2, bc2, Wf1, bf1, Wf2, bf2, Wf3, bf3):
    n = x.shape[0]
    # dr = 0.0 -> bernoulli(ones * (1-dr)) is deterministically all ones; eval (TRAIN falsy) path
    y1 = jax.nn.relu(gcn_conv(x, edge_index, Wc0, bc0, n))
    y = jnp.ones((n, 1), dtype=x.dtype) * y1
    y = jax.nn.relu(gcn_conv(y, edge_index, Wc1, bc1, n) + y1)
    y = jax.nn.relu(gcn_conv(y, edge_index, Wc2, bc2, n) + y1)
    y = jax.nn.relu(y @ Wf1 + bf1)
    y = jax.nn.relu(y @ Wf2 + bf2)
    y = y @ Wf3 + bf3
    y = jax.nn.log_softmax(y, axis=1)
    return y

if __name__ == "__main__":
    import jax
    _d = setup_inputs()
    print(jax.jit(kernel)(*tuple(_d.values())))

</pallas_src>

<mosaic_0001>
#map = affine_map<(d0, d1) -> (0, 0, 0)>
module attributes {stable_mosaic.version = 14 : i64} {
  func.func @_conv_kernel(%arg0: i32, %arg1: i32, %arg2: memref<2x10240x128xf32, #tpu.memory_space<hbm>>, %arg3: memref<16x160x64xi32, #tpu.memory_space<hbm>>, %arg4: memref<16x160x64xi32, #tpu.memory_space<hbm>>, %arg5: memref<2x10240x128xf32, #tpu.memory_space<hbm>>, %arg6: memref<32x64xi32, #tpu.memory_space<vmem>>, %arg7: memref<32x64xi32, #tpu.memory_space<vmem>>, %arg8: memref<64x128xf32, #tpu.memory_space<vmem>>, %arg9: memref<64x128xf32, #tpu.memory_space<vmem>>, %arg10: memref<64x128xf32, #tpu.memory_space<vmem>>, %arg11: memref<64x128xf32, #tpu.memory_space<vmem>>, %arg12: memref<10240x128xf32, #tpu.memory_space<vmem_shared>>, %arg13: memref<!tpu.dma_semaphore, #tpu.memory_space<semaphore_mem>>, %arg14: memref<!tpu.dma_semaphore, #tpu.memory_space<semaphore_mem>>, %arg15: memref<!tpu.dma_semaphore, #tpu.memory_space<semaphore_mem>>, %arg16: memref<!tpu.dma_semaphore, #tpu.memory_space<semaphore_mem>>) attributes {dimension_semantics = [#tpu.dimension_semantics<core_parallel>, #tpu.dimension_semantics<subcore_parallel>], iteration_bounds = array<i64: 2, 16>, scalar_prefetch = 0 : i64, scratch_operands = 11 : i64, tpu.core_type = #tpu.core_type<sc_vector_subcore>, window_params = [{transform_indices = #map}, {transform_indices = #map}, {transform_indices = #map}, {transform_indices = #map}]} {
    %mul3A = arith.constant 640 : i32
    %mul3A_0 = arith.muli %arg1, %mul3A : i32
    %scan3A = arith.constant 0 : i32
    %scan3A_1 = arith.constant 64 : i32
    %scan3A_2 = arith.addi %scan3A, %scan3A_1 : i32
    %scan3A_3 = arith.constant 1 : i32
    scf.for %scan3A_30 = %scan3A to %scan3A_2 step %scan3A_3  : i32 {
      %mul3A_31 = arith.constant 1 : i32
      %mul3A_32 = arith.muli %scan3A_30, %mul3A_31 : i32
      %add3A_33 = arith.constant 0 : i32
      %add3A_34 = arith.addi %add3A_33, %mul3A_32 : i32
      %broadcast_in_dim3A = arith.constant 0.000000e+00 : f32
      %broadcast_in_dim3A_35 = vector.broadcast %broadcast_in_dim3A : f32 to vector<16xf32>
      %swap3A = arith.index_cast %add3A_34 : i32 to index
      %swap3A_36 = arith.constant 0 : index
      %swap3A_37 = tpu.vector_load %arg8[%swap3A, %swap3A_36] {strides = array<i32>} : memref<64x128xf32, #tpu.memory_space<vmem>>, vector<1x16xf32>,
      %swap3A_38 = vector.shape_cast %swap3A_37 : vector<1x16xf32> to vector<16xf32>
      %swap3A_39 = vector.shape_cast %broadcast_in_dim3A_35 : vector<16xf32> to vector<1x16xf32>
      tpu.vector_store %arg8[%swap3A, %swap3A_36], %swap3A_39 {strides = array<i32>} : memref<64x128xf32, #tpu.memory_space<vmem>>, vector<1x16xf32>,
      %broadcast_in_dim3A_40 = arith.constant 0.000000e+00 : f32
      %broadcast_in_dim3A_41 = vector.broadcast %broadcast_in_dim3A_40 : f32 to vector<16xf32>
      %swap3A_42 = arith.index_cast %add3A_34 : i32 to index
      %swap3A_43 = arith.constant 16 : index
      %swap3A_44 = tpu.vector_load %arg8[%swap3A_42, %swap3A_43] {strides = array<i32>} : memref<64x128xf32, #tpu.memory_space<vmem>>, vector<1x16xf32>,
      %swap3A_45 = vector.shape_cast %swap3A_44 : vector<1x16xf32> to vector<16xf32>
      %swap3A_46 = vector.shape_cast %broadcast_in_dim3A_41 : vector<16xf32> to vector<1x16xf32>
      tpu.vector_store %arg8[%swap3A_42, %swap3A_43], %swap3A_46 {strides = array<i32>} : memref<64x128xf32, #tpu.memory_space<vmem>>, vector<1x16xf32>,
      %broadcast_in_dim3A_47 = arith.constant 0.000000e+00 : f32
      %broadcast_in_dim3A_48 = vector.broadcast %broadcast_in_dim3A_47 : f32 to vector<16xf32>
      %swap3A_49 = arith.index_cast %add3A_34 : i32 to index
      %swap3A_50 = arith.constant 32 : index
      %swap3A_51 = tpu.vector_load %arg8[%swap3A_49, %swap3A_50] {strides = array<i32>} : memref<64x128xf32, #tpu.memory_space<vmem>>, vector<1x16xf32>,
      %swap3A_52 = vector.shape_cast %swap3A_51 : vector<1x16xf32> to vector<16xf32>
      %swap3A_53 = vector.shape_cast %broadcast_in_dim3A_48 : vector<16xf32> to vector<1x16xf32>
      tpu.vector_store %arg8[%swap3A_49, %swap3A_50], %swap3A_53 {strides = array<i32>} : memref<64x128xf32, #tpu.memory_space<vmem>>, vector<1x16xf32>,
      %broadcast_in_dim3A_54 = arith.constant 0.000000e+00 : f32
      %broadcast_in_dim3A_55 = vector.broadcast %broadcast_in_dim3A_54 : f32 to vector<16xf32>
      %swap3A_56 = arith.index_cast %add3A_34 : i32 to index
      %swap3A_57 = arith.constant 48 : index
      %swap3A_58 = tpu.vector_load %arg8[%swap3A_56, %swap3A_57] {strides = array<i32>} : memref<64x128xf32, #tpu.memory_space<vmem>>, vector<1x16xf32>,
      %swap3A_59 = vector.shape_cast %swap3A_58 : vector<1x16xf32> to vector<16xf32>
      %swap3A_60 = vector.shape_cast %broadcast_in_dim3A_55 : vector<16xf32> to vector<1x16xf32>
      tpu.vector_store %arg8[%swap3A_56, %swap3A_57], %swap3A_60 {strides = array<i32>} : memref<64x128xf32, #tpu.memory_space<vmem>>, vector<1x16xf32>,
      %broadcast_in_dim3A_61 = arith.constant 0.000000e+00 : f32
      %broadcast_in_dim3A_62 = vector.broadcast %broadcast_in_dim3A_61 : f32 to vector<16xf32>
      %swap3A_63 = arith.index_cast %add3A_34 : i32 to index
      %swap3A_64 = arith.constant 64 : index
      %swap3A_65 = tpu.vector_load %arg8[%swap3A_63, %swap3A_64] {strides = array<i32>} : memref<64x128xf32, #tpu.memory_space<vmem>>, vector<1x16xf32>,
      %swap3A_66 = vector.shape_cast %swap3A_65 : vector<1x16xf32> to vector<16xf32>
      %swap3A_67 = vector.shape_cast %broadcast_in_dim3A_62 : vector<16xf32> to vector<1x16xf32>
      tpu.vector_store %arg8[%swap3A_63, %swap3A_64], %swap3A_67 {strides = array<i32>} : memref<64x128xf32, #tpu.memory_space<vmem>>, vector<1x16xf32>,
      %broadcast_in_dim3A_68 = arith.constant 0.000000e+00 : f32
      %broadcast_in_dim3A_69 = vector.broadcast %broadcast_in_dim3A_68 : f32 to vector<16xf32>
      %swap3A_70 = arith.index_cast %add3A_34 : i32 to index
      %swap3A_71 = arith.constant 80 : index
      %swap3A_72 = tpu.vector_load %arg8[%swap3A_70, %swap3A_71] {strides = array<i32>} : memref<64x128xf32, #tpu.memory_space<vmem>>, vector<1x16xf32>,
      %swap3A_73 = vector.shape_cast %swap3A_72 : vector<1x16xf32> to vector<16xf32>
      %swap3A_74 = vector.shape_cast %broadcast_in_dim3A_69 : vector<16xf32> to vector<1x16xf32>
      tpu.vector_store %arg8[%swap3A_70, %swap3A_71], %swap3A_74 {strides = array<i32>} : memref<64x128xf32, #tpu.memory_space<vmem>>, vector<1x16xf32>,
      %broadcast_in_dim3A_75 = arith.constant 0.000000e+00 : f32
      %broadcast_in_dim3A_76 = vector.broadcast %broadcast_in_dim3A_75 : f32 to vector<16xf32>
      %swap3A_77 = arith.index_cast %add3A_34 : i32 to index
      %swap3A_78 = arith.constant 96 : index
      %swap3A_79 = tpu.vector_load %arg8[%swap3A_77, %swap3A_78] {strides = array<i32>} : memref<64x128xf32, #tpu.memory_space<vmem>>, vector<1x16xf32>,
      %swap3A_80 = vector.shape_cast %swap3A_79 : vector<1x16xf32> to vector<16xf32>
      %swap3A_81 = vector.shape_cast %broadcast_in_dim3A_76 : vector<16xf32> to vector<1x16xf32>
      tpu.vector_store %arg8[%swap3A_77, %swap3A_78], %swap3A_81 {strides = array<i32>} : memref<64x128xf32, #tpu.memory_space<vmem>>, vector<1x16xf32>,
      %broadcast_in_dim3A_82 = arith.constant 0.000000e+00 : f32
      %broadcast_in_dim3A_83 = vector.broadcast %broadcast_in_dim3A_82 : f32 to vector<16xf32>
      %swap3A_84 = arith.index_cast %add3A_34 : i32 to index
      %swap3A_85 = arith.constant 112 : index
      %swap3A_86 = tpu.vector_load %arg8[%swap3A_84, %swap3A_85] {strides = array<i32>} : memref<64x128xf32, #tpu.memory_space<vmem>>, vector<1x16xf32>,
      %swap3A_87 = vector.shape_cast %swap3A_86 : vector<1x16xf32> to vector<16xf32>
      %swap3A_88 = vector.shape_cast %broadcast_in_dim3A_83 : vector<16xf32> to vector<1x16xf32>
      tpu.vector_store %arg8[%swap3A_84, %swap3A_85], %swap3A_88 {strides = array<i32>} : memref<64x128xf32, #tpu.memory_space<vmem>>, vector<1x16xf32>,
    }
    %scan3A_4 = arith.constant 64 : i32
    %add3A = arith.constant 0 : i32
    %add3A_5 = arith.addi %mul3A_0, %add3A : i32
    "tpu.region"() ({
      %run_scoped3A = tpu.sem_alloc : memref<!tpu.dma_semaphore, #tpu.memory_space<semaphore_mem>>
      %dma_start3A = arith.constant 0 : i32
      %dma_start3A_30 = tpu.memref_slice %arg12[%add3A_5, %dma_start3A] : memref<10240x128xf32, #tpu.memory_space<vmem_shared>> -> memref<64x128xf32, #tpu.memory_space<vmem_shared>>
      %dma_start3A_31 = arith.constant 0 : i32
      %dma_start3A_32 = tpu.memref_slice %arg12[%add3A_5, %dma_start3A_31] : memref<10240x128xf32, #tpu.memory_space<vmem_shared>> -> memref<64x128xf32, #tpu.memory_space<vmem_shared>>
      tpu.enqueue_dma source(%arg8 : memref<64x128xf32, #tpu.memory_space<vmem>>) target(%dma_start3A_32 : memref<64x128xf32, #tpu.memory_space<vmem_shared>>) target_semaphore(%run_scoped3A : memref<!tpu.dma_semaphore, #tpu.memory_space<semaphore_mem>>)
      %dma_wait3A = arith.constant 0 : i32
      %dma_wait3A_33 = tpu.memref_slice %arg12[%add3A_5, %dma_wait3A] : memref<10240x128xf32, #tpu.memory_space<vmem_shared>> -> memref<64x128xf32, #tpu.memory_space<vmem_shared>>
      %dma_wait3A_34 = arith.constant 0 : i32
      %dma_wait3A_35 = tpu.memref_slice %arg12[%add3A_5, %dma_wait3A_34] : memref<10240x128xf32, #tpu.memory_space<vmem_shared>> -> memref<64x128xf32, #tpu.memory_space<vmem_shared>>
      tpu.wait_dma2 semaphore(%run_scoped3A : memref<!tpu.dma_semaphore, #tpu.memory_space<semaphore_mem>>) src(%arg8 : memref<64x128xf32, #tpu.memory_space<vmem>>) dst(%dma_wait3A_35 : memref<64x128xf32, #tpu.memory_space<vmem_shared>>)
      tpu.yield
    }) : () -> ()
    %add3A_6 = arith.constant 64 : i32
    %add3A_7 = arith.addi %mul3A_0, %add3A_6 : i32
    "tpu.region"() ({
      %run_scoped3A = tpu.sem_alloc : memref<!tpu.dma_semaphore, #tpu.memory_space<semaphore_mem>>
      %dma_start3A = arith.constant 0 : i32
      %dma_start3A_30 = tpu.memref_slice %arg12[%add3A_7, %dma_start3A] : memref<10240x128xf32, #tpu.memory_space<vmem_shared>> -> memref<64x128xf32, #tpu.memory_space<vmem_shared>>
      %dma_start3A_31 = arith.constant 0 : i32
      %dma_start3A_32 = tpu.memref_slice %arg12[%add3A_7, %dma_start3A_31] : memref<10240x128xf32, #tpu.memory_space<vmem_shared>> -> memref<64x128xf32, #tpu.memory_space<vmem_shared>>
      tpu.enqueue_dma source(%arg8 : memref<64x128xf32, #tpu.memory_space<vmem>>) target(%dma_start3A_32 : memref<64x128xf32, #tpu.memory_space<vmem_shared>>) target_semaphore(%run_scoped3A : memref<!tpu.dma_semaphore, #tpu.memory_space<semaphore_mem>>)
      %dma_wait3A = arith.constant 0 : i32
      %dma_wait3A_33 = tpu.memref_slice %arg12[%add3A_7, %dma_wait3A] : memref<10240x128xf32, #tpu.memory_space<vmem_shared>> -> memref<64x128xf32, #tpu.memory_space<vmem_shared>>
      %dma_wait3A_34 = arith.constant 0 : i32
      %dma_wait3A_35 = tpu.memref_slice %arg12[%add3A_7, %dma_wait3A_34] : memref<10240x128xf32, #tpu.memory_space<vmem_shared>> -> memref<64x128xf32, #tpu.memory_space<vmem_shared>>
      tpu.wait_dma2 semaphore(%run_scoped3A : memref<!tpu.dma_semaphore, #tpu.memory_space<semaphore_mem>>) src(%arg8 : memref<64x128xf32, #tpu.memory_space<vmem>>) dst(%dma_wait3A_35 : memref<64x128xf32, #tpu.memory_space<vmem_shared>>)
      tpu.yield
    }) : () -> ()
    %add3A_8 = arith.constant 128 : i32
    %add3A_9 = arith.addi %mul3A_0, %add3A_8 : i32
    "tpu.region"() ({
      %run_scoped3A = tpu.sem_alloc : memref<!tpu.dma_semaphore, #tpu.memory_space<semaphore_mem>>
      %dma_start3A = arith.constant 0 : i32
      %dma_start3A_30 = tpu.memref_slice %arg12[%add3A_9, %dma_start3A] : memref<10240x128xf32, #tpu.memory_space<vmem_shared>> -> memref<64x128xf32, #tpu.memory_space<vmem_shared>>
      %dma_start3A_31 = arith.constant 0 : i32
      %dma_start3A_32 = tpu.memref_slice %arg12[%add3A_9, %dma_start3A_31] : memref<10240x128xf32, #tpu.memory_space<vmem_shared>> -> memref<64x128xf32, #tpu.memory_space<vmem_shared>>
      tpu.enqueue_dma source(%arg8 : memref<64x128xf32, #tpu.memory_space<vmem>>) target(%dma_start3A_32 : memref<64x128xf32, #tpu.memory_space<vmem_shared>>) target_semaphore(%run_scoped3A : memref<!tpu.dma_semaphore, #tpu.memory_space<semaphore_mem>>)
      %dma_wait3A = arith.constant 0 : i32
      %dma_wait3A_33 = tpu.memref_slice %arg12[%add3A_9, %dma_wait3A] : memref<10240x128xf32, #tpu.memory_space<vmem_shared>> -> memref<64x128xf32, #tpu.memory_space<vmem_shared>>
      %dma_wait3A_34 = arith.constant 0 : i32
      %dma_wait3A_35 = tpu.memref_slice %arg12[%add3A_9, %dma_wait3A_34] : memref<10240x128xf32, #tpu.memory_space<vmem_shared>> -> memref<64x128xf32, #tpu.memory_space<vmem_shared>>
      tpu.wait_dma2 semaphore(%run_scoped3A : memref<!tpu.dma_semaphore, #tpu.memory_space<semaphore_mem>>) src(%arg8 : memref<64x128xf32, #tpu.memory_space<vmem>>) dst(%dma_wait3A_35 : memref<64x128xf32, #tpu.memory_space<vmem_shared>>)
      tpu.yield
    }) : () -> ()
    %add3A_10 = arith.constant 192 : i32
    %add3A_11 = arith.addi %mul3A_0, %add3A_10 : i32
    "tpu.region"() ({
      %run_scoped3A = tpu.sem_alloc : memref<!tpu.dma_semaphore, #tpu.memory_space<semaphore_mem>>
      %dma_start3A = arith.constant 0 : i32
      %dma_start3A_30 = tpu.memref_slice %arg12[%add3A_11, %dma_start3A] : memref<10240x128xf32, #tpu.memory_space<vmem_shared>> -> memref<64x128xf32, #tpu.memory_space<vmem_shared>>
      %dma_start3A_31 = arith.constant 0 : i32
      %dma_start3A_32 = tpu.memref_slice %arg12[%add3A_11, %dma_start3A_31] : memref<10240x128xf32, #tpu.memory_space<vmem_shared>> -> memref<64x128xf32, #tpu.memory_space<vmem_shared>>
      tpu.enqueue_dma source(%arg8 : memref<64x128xf32, #tpu.memory_space<vmem>>) target(%dma_start3A_32 : memref<64x128xf32, #tpu.memory_space<vmem_shared>>) target_semaphore(%run_scoped3A : memref<!tpu.dma_semaphore, #tpu.memory_space<semaphore_mem>>)
      %dma_wait3A = arith.constant 0 : i32
      %dma_wait3A_33 = tpu.memref_slice %arg12[%add3A_11, %dma_wait3A] : memref<10240x128xf32, #tpu.memory_space<vmem_shared>> -> memref<64x128xf32, #tpu.memory_space<vmem_shared>>
      %dma_wait3A_34 = arith.constant 0 : i32
      %dma_wait3A_35 = tpu.memref_slice %arg12[%add3A_11, %dma_wait3A_34] : memref<10240x128xf32, #tpu.memory_space<vmem_shared>> -> memref<64x128xf32, #tpu.memory_space<vmem_shared>>
      tpu.wait_dma2 semaphore(%run_scoped3A : memref<!tpu.dma_semaphore, #tpu.memory_space<semaphore_mem>>) src(%arg8 : memref<64x128xf32, #tpu.memory_space<vmem>>) dst(%dma_wait3A_35 : memref<64x128xf32, #tpu.memory_space<vmem_shared>>)
      tpu.yield
    }) : () -> ()
    %add3A_12 = arith.constant 256 : i32
    %add3A_13 = arith.addi %mul3A_0, %add3A_12 : i32
    "tpu.region"() ({
      %run_scoped3A = tpu.sem_alloc : memref<!tpu.dma_semaphore, #tpu.memory_space<semaphore_mem>>
      %dma_start3A = arith.constant 0 : i32
      %dma_start3A_30 = tpu.memref_slice %arg12[%add3A_13, %dma_start3A] : memref<10240x128xf32, #tpu.memory_space<vmem_shared>> -> memref<64x128xf32, #tpu.memory_space<vmem_shared>>
      %dma_start3A_31 = arith.constant 0 : i32
      %dma_start3A_32 = tpu.memref_slice %arg12[%add3A_13, %dma_start3A_31] : memref<10240x128xf32, #tpu.memory_space<vmem_shared>> -> memref<64x128xf32, #tpu.memory_space<vmem_shared>>
      tpu.enqueue_dma source(%arg8 : memref<64x128xf32, #tpu.memory_space<vmem>>) target(%dma_start3A_32 : memref<64x128xf32, #tpu.memory_space<vmem_shared>>) target_semaphore(%run_scoped3A : memref<!tpu.dma_semaphore, #tpu.memory_space<semaphore_mem>>)
      %dma_wait3A = arith.constant 0 : i32
      %dma_wait3A_33 = tpu.memref_slice %arg12[%add3A_13, %dma_wait3A] : memref<10240x128xf32, #tpu.memory_space<vmem_shared>> -> memref<64x128xf32, #tpu.memory_space<vmem_shared>>
      %dma_wait3A_34 = arith.constant 0 : i32
      %dma_wait3A_35 = tpu.memref_slice %arg12[%add3A_13, %dma_wait3A_34] : memref<10240x128xf32, #tpu.memory_space<vmem_shared>> -> memref<64x128xf32, #tpu.memory_space<vmem_shared>>
      tpu.wait_dma2 semaphore(%run_scoped3A : memref<!tpu.dma_semaphore, #tpu.memory_space<semaphore_mem>>) src(%arg8 : memref<64x128xf32, #tpu.memory_space<vmem>>) dst(%dma_wait3A_35 : memref<64x128xf32, #tpu.memory_space<vmem_shared>>)
      tpu.yield
    }) : () -> ()
    %add3A_14 = arith.constant 320 : i32
    %add3A_15 = arith.addi %mul3A_0, %add3A_14 : i32
    "tpu.region"() ({
      %run_scoped3A = tpu.sem_alloc : memref<!tpu.dma_semaphore, #tpu.memory_space<semaphore_mem>>
      %dma_start3A = arith.constant 0 : i32
      %dma_start3A_30 = tpu.memref_slice %arg12[%add3A_15, %dma_start3A] : memref<10240x128xf32, #tpu.memory_space<vmem_shared>> -> memref<64x128xf32, #tpu.memory_space<vmem_shared>>
      %dma_start3A_31 = arith.constant 0 : i32
      %dma_start3A_32 = tpu.memref_slice %arg12[%add3A_15, %dma_start3A_31] : memref<10240x128xf32, #tpu.memory_space<vmem_shared>> -> memref<64x128xf32, #tpu.memory_space<vmem_shared>>
      tpu.enqueue_dma source(%arg8 : memref<64x128xf32, #tpu.memory_space<vmem>>) target(%dma_start3A_32 : memref<64x128xf32, #tpu.memory_space<vmem_shared>>) target_semaphore(%run_scoped3A : memref<!tpu.dma_semaphore, #tpu.memory_space<semaphore_mem>>)
      %dma_wait3A = arith.constant 0 : i32
      %dma_wait3A_33 = tpu.memref_slice %arg12[%add3A_15, %dma_wait3A] : memref<10240x128xf32, #tpu.memory_space<vmem_shared>> -> memref<64x128xf32, #tpu.memory_space<vmem_shared>>
      %dma_wait3A_34 = arith.constant 0 : i32
      %dma_wait3A_35 = tpu.memref_slice %arg12[%add3A_15, %dma_wait3A_34] : memref<10240x128xf32, #tpu.memory_space<vmem_shared>> -> memref<64x128xf32, #tpu.memory_space<vmem_shared>>
      tpu.wait_dma2 semaphore(%run_scoped3A : memref<!tpu.dma_semaphore, #tpu.memory_space<semaphore_mem>>) src(%arg8 : memref<64x128xf32, #tpu.memory_space<vmem>>) dst(%dma_wait3A_35 : memref<64x128xf32, #tpu.memory_space<vmem_shared>>)
      tpu.yield
    }) : () -> ()
    %add3A_16 = arith.constant 384 : i32
    %add3A_17 = arith.addi %mul3A_0, %add3A_16 : i32
    "tpu.region"() ({
      %run_scoped3A = tpu.sem_alloc : memref<!tpu.dma_semaphore, #tpu.memory_space<semaphore_mem>>
      %dma_start3A = arith.constant 0 : i32
      %dma_start3A_30 = tpu.memref_slice %arg12[%add3A_17, %dma_start3A] : memref<10240x128xf32, #tpu.memory_space<vmem_shared>> -> memref<64x128xf32, #tpu.memory_space<vmem_shared>>
      %dma_start3A_31 = arith.constant 0 : i32
      %dma_start3A_32 = tpu.memref_slice %arg12[%add3A_17, %dma_start3A_31] : memref<10240x128xf32, #tpu.memory_space<vmem_shared>> -> memref<64x128xf32, #tpu.memory_space<vmem_shared>>
      tpu.enqueue_dma source(%arg8 : memref<64x128xf32, #tpu.memory_space<vmem>>) target(%dma_start3A_32 : memref<64x128xf32, #tpu.memory_space<vmem_shared>>) target_semaphore(%run_scoped3A : memref<!tpu.dma_semaphore, #tpu.memory_space<semaphore_mem>>)
      %dma_wait3A = arith.constant 0 : i32
      %dma_wait3A_33 = tpu.memref_slice %arg12[%add3A_17, %dma_wait3A] : memref<10240x128xf32, #tpu.memory_space<vmem_shared>> -> memref<64x128xf32, #tpu.memory_space<vmem_shared>>
      %dma_wait3A_34 = arith.constant 0 : i32
      %dma_wait3A_35 = tpu.memref_slice %arg12[%add3A_17, %dma_wait3A_34] : memref<10240x128xf32, #tpu.memory_space<vmem_shared>> -> memref<64x128xf32, #tpu.memory_space<vmem_shared>>
      tpu.wait_dma2 semaphore(%run_scoped3A : memref<!tpu.dma_semaphore, #tpu.memory_space<semaphore_mem>>) src(%arg8 : memref<64x128xf32, #tpu.memory_space<vmem>>) dst(%dma_wait3A_35 : memref<64x128xf32, #tpu.memory_space<vmem_shared>>)
      tpu.yield
    }) : () -> ()
    %add3A_18 = arith.constant 448 : i32
    %add3A_19 = arith.addi %mul3A_0, %add3A_18 : i32
    "tpu.region"() ({
      %run_scoped3A = tpu.sem_alloc : memref<!tpu.dma_semaphore, #tpu.memory_space<semaphore_mem>>
      %dma_start3A = arith.constant 0 : i32
      %dma_start3A_30 = tpu.memref_slice %arg12[%add3A_19, %dma_start3A] : memref<10240x128xf32, #tpu.memory_space<vmem_shared>> -> memref<64x128xf32, #tpu.memory_space<vmem_shared>>
      %dma_start3A_31 = arith.constant 0 : i32
      %dma_start3A_32 = tpu.memref_slice %arg12[%add3A_19, %dma_start3A_31] : memref<10240x128xf32, #tpu.memory_space<vmem_shared>> -> memref<64x128xf32, #tpu.memory_space<vmem_shared>>
      tpu.enqueue_dma source(%arg8 : memref<64x128xf32, #tpu.memory_space<vmem>>) target(%dma_start3A_32 : memref<64x128xf32, #tpu.memory_space<vmem_shared>>) target_semaphore(%run_scoped3A : memref<!tpu.dma_semaphore, #tpu.memory_space<semaphore_mem>>)
      %dma_wait3A = arith.constant 0 : i32
      %dma_wait3A_33 = tpu.memref_slice %arg12[%add3A_19, %dma_wait3A] : memref<10240x128xf32, #tpu.memory_space<vmem_shared>> -> memref<64x128xf32, #tpu.memory_space<vmem_shared>>
      %dma_wait3A_34 = arith.constant 0 : i32
      %dma_wait3A_35 = tpu.memref_slice %arg12[%add3A_19, %dma_wait3A_34] : memref<10240x128xf32, #tpu.memory_space<vmem_shared>> -> memref<64x128xf32, #tpu.memory_space<vmem_shared>>
      tpu.wait_dma2 semaphore(%run_scoped3A : memref<!tpu.dma_semaphore, #tpu.memory_space<semaphore_mem>>) src(%arg8 : memref<64x128xf32, #tpu.memory_space<vmem>>) dst(%dma_wait3A_35 : memref<64x128xf32, #tpu.memory_space<vmem_shared>>)
      tpu.yield
    }) : () -> ()
    %add3A_20 = arith.constant 512 : i32
    %add3A_21 = arith.addi %mul3A_0, %add3A_20 : i32
    "tpu.region"() ({
      %run_scoped3A = tpu.sem_alloc : memref<!tpu.dma_semaphore, #tpu.memory_space<semaphore_mem>>
      %dma_start3A = arith.constant 0 : i32
      %dma_start3A_30 = tpu.memref_slice %arg12[%add3A_21, %dma_start3A] : memref<10240x128xf32, #tpu.memory_space<vmem_shared>> -> memref<64x128xf32, #tpu.memory_space<vmem_shared>>
      %dma_start3A_31 = arith.constant 0 : i32
      %dma_start3A_32 = tpu.memref_slice %arg12[%add3A_21, %dma_start3A_31] : memref<10240x128xf32, #tpu.memory_space<vmem_shared>> -> memref<64x128xf32, #tpu.memory_space<vmem_shared>>
      tpu.enqueue_dma source(%arg8 : memref<64x128xf32, #tpu.memory_space<vmem>>) target(%dma_start3A_32 : memref<64x128xf32, #tpu.memory_space<vmem_shared>>) target_semaphore(%run_scoped3A : memref<!tpu.dma_semaphore, #tpu.memory_space<semaphore_mem>>)
      %dma_wait3A = arith.constant 0 : i32
      %dma_wait3A_33 = tpu.memref_slice %arg12[%add3A_21, %dma_wait3A] : memref<10240x128xf32, #tpu.memory_space<vmem_shared>> -> memref<64x128xf32, #tpu.memory_space<vmem_shared>>
      %dma_wait3A_34 = arith.constant 0 : i32
      %dma_wait3A_35 = tpu.memref_slice %arg12[%add3A_21, %dma_wait3A_34] : memref<10240x128xf32, #tpu.memory_space<vmem_shared>> -> memref<64x128xf32, #tpu.memory_space<vmem_shared>>
      tpu.wait_dma2 semaphore(%run_scoped3A : memref<!tpu.dma_semaphore, #tpu.memory_space<semaphore_mem>>) src(%arg8 : memref<64x128xf32, #tpu.memory_space<vmem>>) dst(%dma_wait3A_35 : memref<64x128xf32, #tpu.memory_space<vmem_shared>>)
      tpu.yield
    }) : () -> ()
    %add3A_22 = arith.constant 576 : i32
    %add3A_23 = arith.addi %mul3A_0, %add3A_22 : i32
    "tpu.region"() ({
      %run_scoped3A = tpu.sem_alloc : memref<!tpu.dma_semaphore, #tpu.memory_space<semaphore_mem>>
      %dma_start3A = arith.constant 0 : i32
      %dma_start3A_30 = tpu.memref_slice %arg12[%add3A_23, %dma_start3A] : memref<10240x128xf32, #tpu.memory_space<vmem_shared>> -> memref<64x128xf32, #tpu.memory_space<vmem_shared>>
      %dma_start3A_31 = arith.constant 0 : i32
      %dma_start3A_32 = tpu.memref_slice %arg12[%add3A_23, %dma_start3A_31] : memref<10240x128xf32, #tpu.memory_space<vmem_shared>> -> memref<64x128xf32, #tpu.memory_space<vmem_shared>>
      tpu.enqueue_dma source(%arg8 : memref<64x128xf32, #tpu.memory_space<vmem>>) target(%dma_start3A_32 : memref<64x128xf32, #tpu.memory_space<vmem_shared>>) target_semaphore(%run_scoped3A : memref<!tpu.dma_semaphore, #tpu.memory_space<semaphore_mem>>)
      %dma_wait3A = arith.constant 0 : i32
      %dma_wait3A_33 = tpu.memref_slice %arg12[%add3A_23, %dma_wait3A] : memref<10240x128xf32, #tpu.memory_space<vmem_shared>> -> memref<64x128xf32, #tpu.memory_space<vmem_shared>>
      %dma_wait3A_34 = arith.constant 0 : i32
      %dma_wait3A_35 = tpu.memref_slice %arg12[%add3A_23, %dma_wait3A_34] : memref<10240x128xf32, #tpu.memory_space<vmem_shared>> -> memref<64x128xf32, #tpu.memory_space<vmem_shared>>
      tpu.wait_dma2 semaphore(%run_scoped3A : memref<!tpu.dma_semaphore, #tpu.memory_space<semaphore_mem>>) src(%arg8 : memref<64x128xf32, #tpu.memory_space<vmem>>) dst(%dma_wait3A_35 : memref<64x128xf32, #tpu.memory_space<vmem_shared>>)
      tpu.yield
    }) : () -> ()
    %barrier3A = arith.constant 0 : index
    tpu.barrier barrier_id(%barrier3A)
    %scan3A_24 = arith.constant 0 : i32
    %scan3A_25 = arith.constant 5 : i32
    %scan3A_26 = arith.addi %scan3A_24, %scan3A_25 : i32
    %scan3A_27 = arith.constant 1 : i32
    scf.for %scan3A_30 = %scan3A_24 to %scan3A_26 step %scan3A_27  : i32 {
      %mul3A_31 = arith.constant 1 : i32
      %mul3A_32 = arith.muli %scan3A_30, %mul3A_31 : i32
      %add3A_33 = arith.constant 0 : i32
      %add3A_34 = arith.addi %add3A_33, %mul3A_32 : i32
      %mul3A_35 = arith.constant 32 : i32
      %mul3A_36 = arith.muli %add3A_34, %mul3A_35 : i32
      "tpu.region"() ({
        %run_scoped3A = tpu.sem_alloc : memref<!tpu.dma_semaphore, #tpu.memory_space<semaphore_mem>>
        %dma_start3A_130 = arith.constant 0 : i32
        %dma_start3A_131 = tpu.memref_slice %arg3[%arg1, %mul3A_36, %dma_start3A_130] : memref<16x160x64xi32, #tpu.memory_space<hbm>> -> memref<1x32x64xi32, #tpu.memory_space<hbm>>
        %dma_start3A_132 = tpu.memref_squeeze %dma_start3A_131 : memref<1x32x64xi32, #tpu.memory_space<hbm>> -> memref<32x64xi32, #tpu.memory_space<hbm>>
        %dma_start3A_133 = arith.constant 0 : i32
        %dma_start3A_134 = tpu.memref_slice %arg3[%arg1, %mul3A_36, %dma_start3A_133] : memref<16x160x64xi32, #tpu.memory_space<hbm>> -> memref<1x32x64xi32, #tpu.memory_space<hbm>>
        %dma_start3A_135 = tpu.memref_squeeze %dma_start3A_134 : memref<1x32x64xi32, #tpu.memory_space<hbm>> -> memref<32x64xi32, #tpu.memory_space<hbm>>
        tpu.enqueue_dma source(%dma_start3A_135 : memref<32x64xi32, #tpu.memory_space<hbm>>) target(%arg6 : memref<32x64xi32, #tpu.memory_space<vmem>>) target_semaphore(%run_scoped3A : memref<!tpu.dma_semaphore, #tpu.memory_space<semaphore_mem>>)
        %dma_wait3A_136 = arith.constant 0 : i32
        %dma_wait3A_137 = tpu.memref_slice %arg3[%arg1, %mul3A_36, %dma_wait3A_136] : memref<16x160x64xi32, #tpu.memory_space<hbm>> -> memref<1x32x64xi32, #tpu.memory_space<hbm>>
        %dma_wait3A_138 = tpu.memref_squeeze %dma_wait3A_137 : memref<1x32x64xi32, #tpu.memory_space<hbm>> -> memref<32x64xi32, #tpu.memory_space<hbm>>
        %dma_wait3A_139 = arith.constant 0 : i32
        %dma_wait3A_140 = tpu.memref_slice %arg3[%arg1, %mul3A_36, %dma_wait3A_139] : memref<16x160x64xi32, #tpu.memory_space<hbm>> -> memref<1x32x64xi32, #tpu.memory_space<hbm>>
        %dma_wait3A_141 = tpu.memref_squeeze %dma_wait3A_140 : memref<1x32x64xi32, #tpu.memory_space<hbm>> -> memref<32x64xi32, #tpu.memory_space<hbm>>
        tpu.wait_dma2 semaphore(%run_scoped3A : memref<!tpu.dma_semaphore, #tpu.memory_space<semaphore_mem>>) src(%dma_wait3A_141 : memref<32x64xi32, #tpu.memory_space<hbm>>) dst(%arg6 : memref<32x64xi32, #tpu.memory_space<vmem>>)
        tpu.yield
      }) : () -> ()
      %mul3A_37 = arith.constant 32 : i32
      %mul3A_38 = arith.muli %add3A_34, %mul3A_37 : i32
      "tpu.region"() ({
        %run_scoped3A = tpu.sem_alloc : memref<!tpu.dma_semaphore, #tpu.memory_space<semaphore_mem>>
        %dma_start3A_130 = arith.constant 0 : i32
        %dma_start3A_131 = tpu.memref_slice %arg4[%arg1, %mul3A_38, %dma_start3A_130] : memref<16x160x64xi32, #tpu.memory_space<hbm>> -> memref<1x32x64xi32, #tpu.memory_space<hbm>>
        %dma_start3A_132 = tpu.memref_squeeze %dma_start3A_131 : memref<1x32x64xi32, #tpu.memory_space<hbm>> -> memref<32x64xi32, #tpu.memory_space<hbm>>
        %dma_start3A_133 = arith.constant 0 : i32
        %dma_start3A_134 = tpu.memref_slice %arg4[%arg1, %mul3A_38, %dma_start3A_133] : memref<16x160x64xi32, #tpu.memory_space<hbm>> -> memref<1x32x64xi32, #tpu.memory_space<hbm>>
        %dma_start3A_135 = tpu.memref_squeeze %dma_start3A_134 : memref<1x32x64xi32, #tpu.memory_space<hbm>> -> memref<32x64xi32, #tpu.memory_space<hbm>>
        tpu.enqueue_dma source(%dma_start3A_135 : memref<32x64xi32, #tpu.memory_space<hbm>>) target(%arg7 : memref<32x64xi32, #tpu.memory_space<vmem>>) target_semaphore(%run_scoped3A : memref<!tpu.dma_semaphore, #tpu.memory_space<semaphore_mem>>)
        %dma_wait3A_136 = arith.constant 0 : i32
        %dma_wait3A_137 = tpu.memref_slice %arg4[%arg1, %mul3A_38, %dma_wait3A_136] : memref<16x160x64xi32, #tpu.memory_space<hbm>> -> memref<1x32x64xi32, #tpu.memory_space<hbm>>
        %dma_wait3A_138 = tpu.memref_squeeze %dma_wait3A_137 : memref<1x32x64xi32, #tpu.memory_space<hbm>> -> memref<32x64xi32, #tpu.memory_space<hbm>>
        %dma_wait3A_139 = arith.constant 0 : i32
        %dma_wait3A_140 = tpu.memref_slice %arg4[%arg1, %mul3A_38, %dma_wait3A_139] : memref<16x160x64xi32, #tpu.memory_space<hbm>> -> memref<1x32x64xi32, #tpu.memory_space<hbm>>
        %dma_wait3A_141 = tpu.memref_squeeze %dma_wait3A_140 : memref<1x32x64xi32, #tpu.memory_space<hbm>> -> memref<32x64xi32, #tpu.memory_space<hbm>>
        tpu.wait_dma2 semaphore(%run_scoped3A : memref<!tpu.dma_semaphore, #tpu.memory_space<semaphore_mem>>) src(%dma_wait3A_141 : memref<32x64xi32, #tpu.memory_space<hbm>>) dst(%arg7 : memref<32x64xi32, #tpu.memory_space<vmem>>)
        tpu.yield
      }) : () -> ()
      %dma_start3A = arith.constant 0 : i32
      %dma_start3A_39 = arith.constant 0 : i32
      %dma_start3A_40 = tpu.memref_slice %arg6[%dma_start3A, %dma_start3A_39] : memref<32x64xi32, #tpu.memory_space<vmem>> -> memref<1x64xi32, #tpu.memory_space<vmem>>
      %dma_start3A_41 = tpu.memref_squeeze %dma_start3A_40 : memref<1x64xi32, #tpu.memory_space<vmem>> -> memref<64xi32, #tpu.memory_space<vmem>>
      %dma_start3A_42 = arith.constant 0 : i32
      %dma_start3A_43 = arith.constant 0 : i32
      %dma_start3A_44 = tpu.memref_slice %arg2[%arg0, %dma_start3A_42, %dma_start3A_43] : memref<2x10240x128xf32, #tpu.memory_space<hbm>> -> memref<1x10240x128xf32, #tpu.memory_space<hbm>>
      %dma_start3A_45 = tpu.memref_squeeze %dma_start3A_44 : memref<1x10240x128xf32, #tpu.memory_space<hbm>> -> memref<10240x128xf32, #tpu.memory_space<hbm>>
      %dma_start3A_46 = arith.constant 0 : i32
      %dma_start3A_47 = arith.constant 0 : i32
      %dma_start3A_48 = tpu.memref_slice %dma_start3A_45[%dma_start3A_46, %dma_start3A_47] : memref<10240x128xf32, #tpu.memory_space<hbm>> -> memref<10240x128xf32, #tpu.memory_space<hbm>>
      tpu.enqueue_indirect_dma source(%dma_start3A_48 : memref<10240x128xf32, #tpu.memory_space<hbm>>) target(%arg8 : memref<64x128xf32, #tpu.memory_space<vmem>>) offsets(%dma_start3A_41 : memref<64xi32, #tpu.memory_space<vmem>>) semaphore(%arg13 : memref<!tpu.dma_semaphore, #tpu.memory_space<semaphore_mem>>)
      %dma_start3A_49 = arith.constant 1 : i32
      %dma_start3A_50 = arith.constant 0 : i32
      %dma_start3A_51 = tpu.memref_slice %arg6[%dma_start3A_49, %dma_start3A_50] : memref<32x64xi32, #tpu.memory_space<vmem>> -> memref<1x64xi32, #tpu.memory_space<vmem>>
      %dma_start3A_52 = tpu.memref_squeeze %dma_start3A_51 : memref<1x64xi32, #tpu.memory_space<vmem>> -> memref<64xi32, #tpu.memory_space<vmem>>
      %dma_start3A_53 = arith.constant 0 : i32
      %dma_start3A_54 = arith.constant 0 : i32
      %dma_start3A_55 = tpu.memref_slice %arg2[%arg0, %dma_start3A_53, %dma_start3A_54] : memref<2x10240x128xf32, #tpu.memory_space<hbm>> -> memref<1x10240x128xf32, #tpu.memory_space<hbm>>
      %dma_start3A_56 = tpu.memref_squeeze %dma_start3A_55 : memref<1x10240x128xf32, #tpu.memory_space<hbm>> -> memref<10240x128xf32, #tpu.memory_space<hbm>>
      %dma_start3A_57 = arith.constant 0 : i32
      %dma_start3A_58 = arith.constant 0 : i32
      %dma_start3A_59 = tpu.memref_slice %dma_start3A_56[%dma_start3A_57, %dma_start3A_58] : memref<10240x128xf32, #tpu.memory_space<hbm>> -> memref<10240x128xf32, #tpu.memory_space<hbm>>
      tpu.enqueue_indirect_dma source(%dma_start3A_59 : memref<10240x128xf32, #tpu.memory_space<hbm>>) target(%arg9 : memref<64x128xf32, #tpu.memory_space<vmem>>) offsets(%dma_start3A_52 : memref<64xi32, #tpu.memory_space<vmem>>) semaphore(%arg14 : memref<!tpu.dma_semaphore, #tpu.memory_space<semaphore_mem>>)
      %dma_start3A_60 = arith.constant 2 : i32
      %dma_start3A_61 = arith.constant 0 : i32
      %dma_start3A_62 = tpu.memref_slice %arg6[%dma_start3A_60, %dma_start3A_61] : memref<32x64xi32, #tpu.memory_space<vmem>> -> memref<1x64xi32, #tpu.memory_space<vmem>>
      %dma_start3A_63 = tpu.memref_squeeze %dma_start3A_62 : memref<1x64xi32, #tpu.memory_space<vmem>> -> memref<64xi32, #tpu.memory_space<vmem>>
      %dma_start3A_64 = arith.constant 0 : i32
      %dma_start3A_65 = arith.constant 0 : i32
      %dma_start3A_66 = tpu.memref_slice %arg2[%arg0, %dma_start3A_64, %dma_start3A_65] : memref<2x10240x128xf32, #tpu.memory_space<hbm>> -> memref<1x10240x128xf32, #tpu.memory_space<hbm>>
      %dma_start3A_67 = tpu.memref_squeeze %dma_start3A_66 : memref<1x10240x128xf32, #tpu.memory_space<hbm>> -> memref<10240x128xf32, #tpu.memory_space<hbm>>
      %dma_start3A_68 = arith.constant 0 : i32
      %dma_start3A_69 = arith.constant 0 : i32
      %dma_start3A_70 = tpu.memref_slice %dma_start3A_67[%dma_start3A_68, %dma_start3A_69] : memref<10240x128xf32, #tpu.memory_space<hbm>> -> memref<10240x128xf32, #tpu.memory_space<hbm>>
      tpu.enqueue_indirect_dma source(%dma_start3A_70 : memref<10240x128xf32, #tpu.memory_space<hbm>>) target(%arg10 : memref<64x128xf32, #tpu.memory_space<vmem>>) offsets(%dma_start3A_63 : memref<64xi32, #tpu.memory_space<vmem>>) semaphore(%arg15 : memref<!tpu.dma_semaphore, #tpu.memory_space<semaphore_mem>>)
      %dma_start3A_71 = arith.constant 3 : i32
      %dma_start3A_72 = arith.constant 0 : i32
      %dma_start3A_73 = tpu.memref_slice %arg6[%dma_start3A_71, %dma_start3A_72] : memref<32x64xi32, #tpu.memory_space<vmem>> -> memref<1x64xi32, #tpu.memory_space<vmem>>
      %dma_start3A_74 = tpu.memref_squeeze %dma_start3A_73 : memref<1x64xi32, #tpu.memory_space<vmem>> -> memref<64xi32, #tpu.memory_space<vmem>>
      %dma_start3A_75 = arith.constant 0 : i32
      %dma_start3A_76 = arith.constant 0 : i32
      %dma_start3A_77 = tpu.memref_slice %arg2[%arg0, %dma_start3A_75, %dma_start3A_76] : memref<2x10240x128xf32, #tpu.memory_space<hbm>> -> memref<1x10240x128xf32, #tpu.memory_space<hbm>>
      %dma_start3A_78 = tpu.memref_squeeze %dma_start3A_77 : memref<1x10240x128xf32, #tpu.memory_space<hbm>> -> memref<10240x128xf32, #tpu.memory_space<hbm>>
      %dma_start3A_79 = arith.constant 0 : i32
      %dma_start3A_80 = arith.constant 0 : i32
      %dma_start3A_81 = tpu.memref_slice %dma_start3A_78[%dma_start3A_79, %dma_start3A_80] : memref<10240x128xf32, #tpu.memory_space<hbm>> -> memref<10240x128xf32, #tpu.memory_space<hbm>>
      tpu.enqueue_indirect_dma source(%dma_start3A_81 : memref<10240x128xf32, #tpu.memory_space<hbm>>) target(%arg11 : memref<64x128xf32, #tpu.memory_space<vmem>>) offsets(%dma_start3A_74 : memref<64xi32, #tpu.memory_space<vmem>>) semaphore(%arg16 : memref<!tpu.dma_semaphore, #tpu.memory_space<semaphore_mem>>)
      %scan3A_82 = arith.constant 0 : i32
      %scan3A_83 = arith.constant 8 : i32
      %scan3A_84 = arith.addi %scan3A_82, %scan3A_83 : i32
      %scan3A_85 = arith.constant 1 : i32
      scf.for %scan3A_130 = %scan3A_82 to %scan3A_84 step %scan3A_85  : i32 {
        %mul3A_131 = arith.constant 4 : i32
        %mul3A_132 = arith.muli %scan3A_130, %mul3A_131 : i32
        %add3A_133 = arith.constant 0 : i32
        %add3A_134 = arith.addi %add3A_133, %mul3A_132 : i32
        %add3A_135 = arith.constant 0 : i32
        %add3A_136 = arith.addi %add3A_134, %add3A_135 : i32
        %dma_wait3A_137 = arith.constant 0 : i32
        %dma_wait3A_138 = tpu.memref_slice %arg6[%add3A_136, %dma_wait3A_137] : memref<32x64xi32, #tpu.memory_space<vmem>> -> memref<1x64xi32, #tpu.memory_space<vmem>>
        %dma_wait3A_139 = tpu.memref_squeeze %dma_wait3A_138 : memref<1x64xi32, #tpu.memory_space<vmem>> -> memref<64xi32, #tpu.memory_space<vmem>>
        %dma_wait3A_140 = arith.constant 0 : i32
        %dma_wait3A_141 = arith.constant 0 : i32
        %dma_wait3A_142 = tpu.memref_slice %arg2[%arg0, %dma_wait3A_140, %dma_wait3A_141] : memref<2x10240x128xf32, #tpu.memory_space<hbm>> -> memref<1x10240x128xf32, #tpu.memory_space<hbm>>
        %dma_wait3A_143 = tpu.memref_squeeze %dma_wait3A_142 : memref<1x10240x128xf32, #tpu.memory_space<hbm>> -> memref<10240x128xf32, #tpu.memory_space<hbm>>
        %dma_wait3A_144 = arith.constant 0 : i32
        %dma_wait3A_145 = arith.constant 0 : i32
        %dma_wait3A_146 = tpu.memref_slice %dma_wait3A_143[%dma_wait3A_144, %dma_wait3A_145] : memref<10240x128xf32, #tpu.memory_space<hbm>> -> memref<10240x128xf32, #tpu.memory_space<hbm>>
        tpu.wait_indirect_dma semaphore(%arg13 : memref<!tpu.dma_semaphore, #tpu.memory_space<semaphore_mem>>) src(%dma_wait3A_146 : memref<10240x128xf32, #tpu.memory_space<hbm>>) dst(%arg8 : memref<64x128xf32, #tpu.memory_space<vmem>>)
        %add3A_147 = arith.constant 0 : i32
        %add3A_148 = arith.addi %add3A_134, %add3A_147 : i32
        "tpu.region"() ({
          %run_scoped3A = tpu.sem_alloc : memref<!tpu.dma_semaphore, #tpu.memory_space<semaphore_mem>>
          %dma_start3A_254 = arith.constant 0 : i32
          %dma_start3A_255 = tpu.memref_slice %arg7[%add3A_148, %dma_start3A_254] : memref<32x64xi32, #tpu.memory_space<vmem>> -> memref<1x64xi32, #tpu.memory_space<vmem>>
          %dma_start3A_256 = tpu.memref_squeeze %dma_start3A_255 : memref<1x64xi32, #tpu.memory_space<vmem>> -> memref<64xi32, #tpu.memory_space<vmem>>
          %dma_start3A_257 = arith.constant 0 : i32
          %dma_start3A_258 = arith.constant 0 : i32
          %dma_start3A_259 = tpu.memref_slice %arg12[%dma_start3A_257, %dma_start3A_258] : memref<10240x128xf32, #tpu.memory_space<vmem_shared>> -> memref<10240x128xf32, #tpu.memory_space<vmem_shared>>
          tpu.enqueue_indirect_dma source(%arg8 : memref<64x128xf32, #tpu.memory_space<vmem>>) target(%dma_start3A_259 : memref<10240x128xf32, #tpu.memory_space<vmem_shared>>) offsets(%dma_start3A_256 : memref<64xi32, #tpu.memory_space<vmem>>) semaphore(%run_scoped3A : memref<!tpu.dma_semaphore, #tpu.memory_space<semaphore_mem>>) {add = true}
          %dma_wait3A_260 = arith.constant 0 : i32
          %dma_wait3A_261 = tpu.memref_slice %arg7[%add3A_148, %dma_wait3A_260] : memref<32x64xi32, #tpu.memory_space<vmem>> -> memref<1x64xi32, #tpu.memory_space<vmem>>
          %dma_wait3A_262 = tpu.memref_squeeze %dma_wait3A_261 : memref<1x64xi32, #tpu.memory_space<vmem>> -> memref<64xi32, #tpu.memory_space<vmem>>
          %dma_wait3A_263 = arith.constant 0 : i32
          %dma_wait3A_264 = arith.constant 0 : i32
          %dma_wait3A_265 = tpu.memref_slice %arg12[%dma_wait3A_263, %dma_wait3A_264] : memref<10240x128xf32, #tpu.memory_space<vmem_shared>> -> memref<10240x128xf32, #tpu.memory_space<vmem_shared>>
          tpu.wait_indirect_dma semaphore(%run_scoped3A : memref<!tpu.dma_semaphore, #tpu.memory_space<semaphore_mem>>) src(%arg8 : memref<64x128xf32, #tpu.memory_space<vmem>>) dst(%dma_wait3A_265 : memref<10240x128xf32, #tpu.memory_space<vmem_shared>>)
          tpu.yield
        }) : () -> ()
        %add3A_149 = arith.constant 4 : i32
        %add3A_150 = arith.addi %add3A_134, %add3A_149 : i32
        %add3A_151 = arith.constant 0 : i32
        %add3A_152 = arith.addi %add3A_150, %add3A_151 : i32
        %min3A = arith.constant 31 : i32
        %min3A_153 = arith.minsi %add3A_152, %min3A : i32
        %dma_start3A_154 = arith.constant 0 : i32
        %dma_start3A_155 = tpu.memref_slice %arg6[%min3A_153, %dma_start3A_154] : memref<32x64xi32, #tpu.memory_space<vmem>> -> memref<1x64xi32, #tpu.memory_space<vmem>>
        %dma_start3A_156 = tpu.memref_squeeze %dma_start3A_155 : memref<1x64xi32, #tpu.memory_space<vmem>> -> memref<64xi32, #tpu.memory_space<vmem>>
        %dma_start3A_157 = arith.constant 0 : i32
        %dma_start3A_158 = arith.constant 0 : i32
        %dma_start3A_159 = tpu.memref_slice %arg2[%arg0, %dma_start3A_157, %dma_start3A_158] : memref<2x10240x128xf32, #tpu.memory_space<hbm>> -> memref<1x10240x128xf32, #tpu.memory_space<hbm>>
        %dma_start3A_160 = tpu.memref_squeeze %dma_start3A_159 : memref<1x10240x128xf32, #tpu.memory_space<hbm>> -> memref<10240x128xf32, #tpu.memory_space<hbm>>
        %dma_start3A_161 = arith.constant 0 : i32
        %dma_start3A_162 = arith.constant 0 : i32
        %dma_start3A_163 = tpu.memref_slice %dma_start3A_160[%dma_start3A_161, %dma_start3A_162] : memref<10240x128xf32, #tpu.memory_space<hbm>> -> memref<10240x128xf32, #tpu.memory_space<hbm>>
        tpu.enqueue_indirect_dma source(%dma_start3A_163 : memref<10240x128xf32, #tpu.memory_space<hbm>>) target(%arg8 : memref<64x128xf32, #tpu.memory_space<vmem>>) offsets(%dma_start3A_156 : memref<64xi32, #tpu.memory_space<vmem>>) semaphore(%arg13 : memref<!tpu.dma_semaphore, #tpu.memory_space<semaphore_mem>>)
        %add3A_164 = arith.constant 1 : i32
        %add3A_165 = arith.addi %add3A_134, %add3A_164 : i32
        %dma_wait3A_166 = arith.constant 0 : i32
        %dma_wait3A_167 = tpu.memref_slice %arg6[%add3A_165, %dma_wait3A_166] : memref<32x64xi32, #tpu.memory_space<vmem>> -> memref<1x64xi32, #tpu.memory_space<vmem>>
        %dma_wait3A_168 = tpu.memref_squeeze %dma_wait3A_167 : memref<1x64xi32, #tpu.memory_space<vmem>> -> memref<64xi32, #tpu.memory_space<vmem>>
        %dma_wait3A_169 = arith.constant 0 : i32
        %dma_wait3A_170 = arith.constant 0 : i32
        %dma_wait3A_171 = tpu.memref_slice %arg2[%arg0, %dma_wait3A_169, %dma_wait3A_170] : memref<2x10240x128xf32, #tpu.memory_space<hbm>> -> memref<1x10240x128xf32, #tpu.memory_space<hbm>>
        %dma_wait3A_172 = tpu.memref_squeeze %dma_wait3A_171 : memref<1x10240x128xf32, #tpu.memory_space<hbm>> -> memref<10240x128xf32, #tpu.memory_space<hbm>>
        %dma_wait3A_173 = arith.constant 0 : i32
        %dma_wait3A_174 = arith.constant 0 : i32
        %dma_wait3A_175 = tpu.memref_slice %dma_wait3A_172[%dma_wait3A_173, %dma_wait3A_174] : memref<10240x128xf32, #tpu.memory_space<hbm>> -> memref<10240x128xf32, #tpu.memory_space<hbm>>
        tpu.wait_indirect_dma semaphore(%arg14 : memref<!tpu.dma_semaphore, #tpu.memory_space<semaphore_mem>>) src(%dma_wait3A_175 : memref<10240x128xf32, #tpu.memory_space<hbm>>) dst(%arg9 : memref<64x128xf32, #tpu.memory_space<vmem>>)
        %add3A_176 = arith.constant 1 : i32
        %add3A_177 = arith.addi %add3A_134, %add3A_176 : i32
        "tpu.region"() ({
          %run_scoped3A = tpu.sem_alloc : memref<!tpu.dma_semaphore, #tpu.memory_space<semaphore_mem>>
          %dma_start3A_254 = arith.constant 0 : i32
          %dma_start3A_255 = tpu.memref_slice %arg7[%add3A_177, %dma_start3A_254] : memref<32x64xi32, #tpu.memory_space<vmem>> -> memref<1x64xi32, #tpu.memory_space<vmem>>
          %dma_start3A_256 = tpu.memref_squeeze %dma_start3A_255 : memref<1x64xi32, #tpu.memory_space<vmem>> -> memref<64xi32, #tpu.memory_space<vmem>>
          %dma_start3A_257 = arith.constant 0 : i32
          %dma_start3A_258 = arith.constant 0 : i32
          %dma_start3A_259 = tpu.memref_slice %arg12[%dma_start3A_257, %dma_start3A_258] : memref<10240x128xf32, #tpu.memory_space<vmem_shared>> -> memref<10240x128xf32, #tpu.memory_space<vmem_shared>>
          tpu.enqueue_indirect_dma source(%arg9 : memref<64x128xf32, #tpu.memory_space<vmem>>) target(%dma_start3A_259 : memref<10240x128xf32, #tpu.memory_space<vmem_shared>>) offsets(%dma_start3A_256 : memref<64xi32, #tpu.memory_space<vmem>>) semaphore(%run_scoped3A : memref<!tpu.dma_semaphore, #tpu.memory_space<semaphore_mem>>) {add = true}
          %dma_wait3A_260 = arith.constant 0 : i32
          %dma_wait3A_261 = tpu.memref_slice %arg7[%add3A_177, %dma_wait3A_260] : memref<32x64xi32, #tpu.memory_space<vmem>> -> memref<1x64xi32, #tpu.memory_space<vmem>>
          %dma_wait3A_262 = tpu.memref_squeeze %dma_wait3A_261 : memref<1x64xi32, #tpu.memory_space<vmem>> -> memref<64xi32, #tpu.memory_space<vmem>>
          %dma_wait3A_263 = arith.constant 0 : i32
          %dma_wait3A_264 = arith.constant 0 : i32
          %dma_wait3A_265 = tpu.memref_slice %arg12[%dma_wait3A_263, %dma_wait3A_264] : memref<10240x128xf32, #tpu.memory_space<vmem_shared>> -> memref<10240x128xf32, #tpu.memory_space<vmem_shared>>
          tpu.wait_indirect_dma semaphore(%run_scoped3A : memref<!tpu.dma_semaphore, #tpu.memory_space<semaphore_mem>>) src(%arg9 : memref<64x128xf32, #tpu.memory_space<vmem>>) dst(%dma_wait3A_265 : memref<10240x128xf32, #tpu.memory_space<vmem_shared>>)
          tpu.yield
        }) : () -> ()
        %add3A_178 = arith.constant 4 : i32
        %add3A_179 = arith.addi %add3A_134, %add3A_178 : i32
        %add3A_180 = arith.constant 1 : i32
        %add3A_181 = arith.addi %add3A_179, %add3A_180 : i32
        %min3A_182 = arith.constant 31 : i32
        %min3A_183 = arith.minsi %add3A_181, %min3A_182 : i32
        %dma_start3A_184 = arith.constant 0 : i32
        %dma_start3A_185 = tpu.memref_slice %arg6[%min3A_183, %dma_start3A_184] : memref<32x64xi32, #tpu.memory_space<vmem>> -> memref<1x64xi32, #tpu.memory_space<vmem>>
        %dma_start3A_186 = tpu.memref_squeeze %dma_start3A_185 : memref<1x64xi32, #tpu.memory_space<vmem>> -> memref<64xi32, #tpu.memory_space<vmem>>
        %dma_start3A_187 = arith.constant 0 : i32
        %dma_start3A_188 = arith.constant 0 : i32
        %dma_start3A_189 = tpu.memref_slice %arg2[%arg0, %dma_start3A_187, %dma_start3A_188] : memref<2x10240x128xf32, #tpu.memory_space<hbm>> -> memref<1x10240x128xf32, #tpu.memory_space<hbm>>
        %dma_start3A_190 = tpu.memref_squeeze %dma_start3A_189 : memref<1x10240x128xf32, #tpu.memory_space<hbm>> -> memref<10240x128xf32, #tpu.memory_space<hbm>>
        %dma_start3A_191 = arith.constant 0 : i32
        %dma_start3A_192 = arith.constant 0 : i32
        %dma_start3A_193 = tpu.memref_slice %dma_start3A_190[%dma_start3A_191, %dma_start3A_192] : memref<10240x128xf32, #tpu.memory_space<hbm>> -> memref<10240x128xf32, #tpu.memory_space<hbm>>
        tpu.enqueue_indirect_dma source(%dma_start3A_193 : memref<10240x128xf32, #tpu.memory_space<hbm>>) target(%arg9 : memref<64x128xf32, #tpu.memory_space<vmem>>) offsets(%dma_start3A_186 : memref<64xi32, #tpu.memory_space<vmem>>) semaphore(%arg14 : memref<!tpu.dma_semaphore, #tpu.memory_space<semaphore_mem>>)
        %add3A_194 = arith.constant 2 : i32
        %add3A_195 = arith.addi %add3A_134, %add3A_194 : i32
        %dma_wait3A_196 = arith.constant 0 : i32
        %dma_wait3A_197 = tpu.memref_slice %arg6[%add3A_195, %dma_wait3A_196] : memref<32x64xi32, #tpu.memory_space<vmem>> -> memref<1x64xi32, #tpu.memory_space<vmem>>
        %dma_wait3A_198 = tpu.memref_squeeze %dma_wait3A_197 : memref<1x64xi32, #tpu.memory_space<vmem>> -> memref<64xi32, #tpu.memory_space<vmem>>
        %dma_wait3A_199 = arith.constant 0 : i32
        %dma_wait3A_200 = arith.constant 0 : i32
        %dma_wait3A_201 = tpu.memref_slice %arg2[%arg0, %dma_wait3A_199, %dma_wait3A_200] : memref<2x10240x128xf32, #tpu.memory_space<hbm>> -> memref<1x10240x128xf32, #tpu.memory_space<hbm>>
        %dma_wait3A_202 = tpu.memref_squeeze %dma_wait3A_201 : memref<1x10240x128xf32, #tpu.memory_space<hbm>> -> memref<10240x128xf32, #tpu.memory_space<hbm>>
        %dma_wait3A_203 = arith.constant 0 : i32
        %dma_wait3A_204 = arith.constant 0 : i32
        %dma_wait3A_205 = tpu.memref_slice %dma_wait3A_202[%dma_wait3A_203, %dma_wait3A_204] : memref<10240x128xf32, #tpu.memory_space<hbm>> -> memref<10240x128xf32, #tpu.memory_space<hbm>>
        tpu.wait_indirect_dma semaphore(%arg15 : memref<!tpu.dma_semaphore, #tpu.memory_space<semaphore_mem>>) src(%dma_wait3A_205 : memref<10240x128xf32, #tpu.memory_space<hbm>>) dst(%arg10 : memref<64x128xf32, #tpu.memory_space<vmem>>)
        %add3A_206 = arith.constant 2 : i32
        %add3A_207 = arith.addi %add3A_134, %add3A_206 : i32
        "tpu.region"() ({
          %run_scoped3A = tpu.sem_alloc : memref<!tpu.dma_semaphore, #tpu.memory_space<semaphore_mem>>
          %dma_start3A_254 = arith.constant 0 : i32
          %dma_start3A_255 = tpu.memref_slice %arg7[%add3A_207, %dma_start3A_254] : memref<32x64xi32, #tpu.memory_space<vmem>> -> memref<1x64xi32, #tpu.memory_space<vmem>>
          %dma_start3A_256 = tpu.memref_squeeze %dma_start3A_255 : memref<1x64xi32, #tpu.memory_space<vmem>> -> memref<64xi32, #tpu.memory_space<vmem>>
          %dma_start3A_257 = arith.constant 0 : i32
          %dma_start3A_258 = arith.constant 0 : i32
          %dma_start3A_259 = tpu.memref_slice %arg12[%dma_start3A_257, %dma_start3A_258] : memref<10240x128xf32, #tpu.memory_space<vmem_shared>> -> memref<10240x128xf32, #tpu.memory_space<vmem_shared>>
          tpu.enqueue_indirect_dma source(%arg10 : memref<64x128xf32, #tpu.memory_space<vmem>>) target(%dma_start3A_259 : memref<10240x128xf32, #tpu.memory_space<vmem_shared>>) offsets(%dma_start3A_256 : memref<64xi32, #tpu.memory_space<vmem>>) semaphore(%run_scoped3A : memref<!tpu.dma_semaphore, #tpu.memory_space<semaphore_mem>>) {add = true}
          %dma_wait3A_260 = arith.constant 0 : i32
          %dma_wait3A_261 = tpu.memref_slice %arg7[%add3A_207, %dma_wait3A_260] : memref<32x64xi32, #tpu.memory_space<vmem>> -> memref<1x64xi32, #tpu.memory_space<vmem>>
          %dma_wait3A_262 = tpu.memref_squeeze %dma_wait3A_261 : memref<1x64xi32, #tpu.memory_space<vmem>> -> memref<64xi32, #tpu.memory_space<vmem>>
          %dma_wait3A_263 = arith.constant 0 : i32
          %dma_wait3A_264 = arith.constant 0 : i32
          %dma_wait3A_265 = tpu.memref_slice %arg12[%dma_wait3A_263, %dma_wait3A_264] : memref<10240x128xf32, #tpu.memory_space<vmem_shared>> -> memref<10240x128xf32, #tpu.memory_space<vmem_shared>>
          tpu.wait_indirect_dma semaphore(%run_scoped3A : memref<!tpu.dma_semaphore, #tpu.memory_space<semaphore_mem>>) src(%arg10 : memref<64x128xf32, #tpu.memory_space<vmem>>) dst(%dma_wait3A_265 : memref<10240x128xf32, #tpu.memory_space<vmem_shared>>)
          tpu.yield
        }) : () -> ()
        %add3A_208 = arith.constant 4 : i32
        %add3A_209 = arith.addi %add3A_134, %add3A_208 : i32
        %add3A_210 = arith.constant 2 : i32
        %add3A_211 = arith.addi %add3A_209, %add3A_210 : i32
        %min3A_212 = arith.constant 31 : i32
        %min3A_213 = arith.minsi %add3A_211, %min3A_212 : i32
        %dma_start3A_214 = arith.constant 0 : i32
        %dma_start3A_215 = tpu.memref_slice %arg6[%min3A_213, %dma_start3A_214] : memref<32x64xi32, #tpu.memory_space<vmem>> -> memref<1x64xi32, #tpu.memory_space<vmem>>
        %dma_start3A_216 = tpu.memref_squeeze %dma_start3A_215 : memref<1x64xi32, #tpu.memory_space<vmem>> -> memref<64xi32, #tpu.memory_space<vmem>>
        %dma_start3A_217 = arith.constant 0 : i32
        %dma_start3A_218 = arith.constant 0 : i32
        %dma_start3A_219 = tpu.memref_slice %arg2[%arg0, %dma_start3A_217, %dma_start3A_218] : memref<2x10240x128xf32, #tpu.memory_space<hbm>> -> memref<1x10240x128xf32, #tpu.memory_space<hbm>>
        %dma_start3A_220 = tpu.memref_squeeze %dma_start3A_219 : memref<1x10240x128xf32, #tpu.memory_space<hbm>> -> memref<10240x128xf32, #tpu.memory_space<hbm>>
        %dma_start3A_221 = arith.constant 0 : i32
        %dma_start3A_222 = arith.constant 0 : i32
        %dma_start3A_223 = tpu.memref_slice %dma_start3A_220[%dma_start3A_221, %dma_start3A_222] : memref<10240x128xf32, #tpu.memory_space<hbm>> -> memref<10240x128xf32, #tpu.memory_space<hbm>>
        tpu.enqueue_indirect_dma source(%dma_start3A_223 : memref<10240x128xf32, #tpu.memory_space<hbm>>) target(%arg10 : memref<64x128xf32, #tpu.memory_space<vmem>>) offsets(%dma_start3A_216 : memref<64xi32, #tpu.memory_space<vmem>>) semaphore(%arg15 : memref<!tpu.dma_semaphore, #tpu.memory_space<semaphore_mem>>)
        %add3A_224 = arith.constant 3 : i32
        %add3A_225 = arith.addi %add3A_134, %add3A_224 : i32
        %dma_wait3A_226 = arith.constant 0 : i32
        %dma_wait3A_227 = tpu.memref_slice %arg6[%add3A_225, %dma_wait3A_226] : memref<32x64xi32, #tpu.memory_space<vmem>> -> memref<1x64xi32, #tpu.memory_space<vmem>>
        %dma_wait3A_228 = tpu.memref_squeeze %dma_wait3A_227 : memref<1x64xi32, #tpu.memory_space<vmem>> -> memref<64xi32, #tpu.memory_space<vmem>>
        %dma_wait3A_229 = arith.constant 0 : i32
        %dma_wait3A_230 = arith.constant 0 : i32
        %dma_wait3A_231 = tpu.memref_slice %arg2[%arg0, %dma_wait3A_229, %dma_wait3A_230] : memref<2x10240x128xf32, #tpu.memory_space<hbm>> -> memref<1x10240x128xf32, #tpu.memory_space<hbm>>
        %dma_wait3A_232 = tpu.memref_squeeze %dma_wait3A_231 : memref<1x10240x128xf32, #tpu.memory_space<hbm>> -> memref<10240x128xf32, #tpu.memory_space<hbm>>
        %dma_wait3A_233 = arith.constant 0 : i32
        %dma_wait3A_234 = arith.constant 0 : i32
        %dma_wait3A_235 = tpu.memref_slice %dma_wait3A_232[%dma_wait3A_233, %dma_wait3A_234] : memref<10240x128xf32, #tpu.memory_space<hbm>> -> memref<10240x128xf32, #tpu.memory_space<hbm>>
        tpu.wait_indirect_dma semaphore(%arg16 : memref<!tpu.dma_semaphore, #tpu.memory_space<semaphore_mem>>) src(%dma_wait3A_235 : memref<10240x128xf32, #tpu.memory_space<hbm>>) dst(%arg11 : memref<64x128xf32, #tpu.memory_space<vmem>>)
        %add3A_236 = arith.constant 3 : i32
        %add3A_237 = arith.addi %add3A_134, %add3A_236 : i32
        "tpu.region"() ({
          %run_scoped3A = tpu.sem_alloc : memref<!tpu.dma_semaphore, #tpu.memory_space<semaphore_mem>>
          %dma_start3A_254 = arith.constant 0 : i32
          %dma_start3A_255 = tpu.memref_slice %arg7[%add3A_237, %dma_start3A_254] : memref<32x64xi32, #tpu.memory_space<vmem>> -> memref<1x64xi32, #tpu.memory_space<vmem>>
          %dma_start3A_256 = tpu.memref_squeeze %dma_start3A_255 : memref<1x64xi32, #tpu.memory_space<vmem>> -> memref<64xi32, #tpu.memory_space<vmem>>
          %dma_start3A_257 = arith.constant 0 : i32
          %dma_start3A_258 = arith.constant 0 : i32
          %dma_start3A_259 = tpu.memref_slice %arg12[%dma_start3A_257, %dma_start3A_258] : memref<10240x128xf32, #tpu.memory_space<vmem_shared>> -> memref<10240x128xf32, #tpu.memory_space<vmem_shared>>
          tpu.enqueue_indirect_dma source(%arg11 : memref<64x128xf32, #tpu.memory_space<vmem>>) target(%dma_start3A_259 : memref<10240x128xf32, #tpu.memory_space<vmem_shared>>) offsets(%dma_start3A_256 : memref<64xi32, #tpu.memory_space<vmem>>) semaphore(%run_scoped3A : memref<!tpu.dma_semaphore, #tpu.memory_space<semaphore_mem>>) {add = true}
          %dma_wait3A_260 = arith.constant 0 : i32
          %dma_wait3A_261 = tpu.memref_slice %arg7[%add3A_237, %dma_wait3A_260] : memref<32x64xi32, #tpu.memory_space<vmem>> -> memref<1x64xi32, #tpu.memory_space<vmem>>
          %dma_wait3A_262 = tpu.memref_squeeze %dma_wait3A_261 : memref<1x64xi32, #tpu.memory_space<vmem>> -> memref<64xi32, #tpu.memory_space<vmem>>
          %dma_wait3A_263 = arith.constant 0 : i32
          %dma_wait3A_264 = arith.constant 0 : i32
          %dma_wait3A_265 = tpu.memref_slice %arg12[%dma_wait3A_263, %dma_wait3A_264] : memref<10240x128xf32, #tpu.memory_space<vmem_shared>> -> memref<10240x128xf32, #tpu.memory_space<vmem_shared>>
          tpu.wait_indirect_dma semaphore(%run_scoped3A : memref<!tpu.dma_semaphore, #tpu.memory_space<semaphore_mem>>) src(%arg11 : memref<64x128xf32, #tpu.memory_space<vmem>>) dst(%dma_wait3A_265 : memref<10240x128xf32, #tpu.memory_space<vmem_shared>>)
          tpu.yield
        }) : () -> ()
        %add3A_238 = arith.constant 4 : i32
        %add3A_239 = arith.addi %add3A_134, %add3A_238 : i32
        %add3A_240 = arith.constant 3 : i32
        %add3A_241 = arith.addi %add3A_239, %add3A_240 : i32
        %min3A_242 = arith.constant 31 : i32
        %min3A_243 = arith.minsi %add3A_241, %min3A_242 : i32
        %dma_start3A_244 = arith.constant 0 : i32
        %dma_start3A_245 = tpu.memref_slice %arg6[%min3A_243, %dma_start3A_244] : memref<32x64xi32, #tpu.memory_space<vmem>> -> memref<1x64xi32, #tpu.memory_space<vmem>>
        %dma_start3A_246 = tpu.memref_squeeze %dma_start3A_245 : memref<1x64xi32, #tpu.memory_space<vmem>> -> memref<64xi32, #tpu.memory_space<vmem>>
        %dma_start3A_247 = arith.constant 0 : i32
        %dma_start3A_248 = arith.constant 0 : i32
        %dma_start3A_249 = tpu.memref_slice %arg2[%arg0, %dma_start3A_247, %dma_start3A_248] : memref<2x10240x128xf32, #tpu.memory_space<hbm>> -> memref<1x10240x128xf32, #tpu.memory_space<hbm>>
        %dma_start3A_250 = tpu.memref_squeeze %dma_start3A_249 : memref<1x10240x128xf32, #tpu.memory_space<hbm>> -> memref<10240x128xf32, #tpu.memory_space<hbm>>
        %dma_start3A_251 = arith.constant 0 : i32
        %dma_start3A_252 = arith.constant 0 : i32
        %dma_start3A_253 = tpu.memref_slice %dma_start3A_250[%dma_start3A_251, %dma_start3A_252] : memref<10240x128xf32, #tpu.memory_space<hbm>> -> memref<10240x128xf32, #tpu.memory_space<hbm>>
        tpu.enqueue_indirect_dma source(%dma_start3A_253 : memref<10240x128xf32, #tpu.memory_space<hbm>>) target(%arg11 : memref<64x128xf32, #tpu.memory_space<vmem>>) offsets(%dma_start3A_246 : memref<64xi32, #tpu.memory_space<vmem>>) semaphore(%arg16 : memref<!tpu.dma_semaphore, #tpu.memory_space<semaphore_mem>>)
      }
      %scan3A_86 = arith.constant 8 : i32
      %dma_wait3A = arith.constant 31 : i32
      %dma_wait3A_87 = arith.constant 0 : i32
      %dma_wait3A_88 = tpu.memref_slice %arg6[%dma_wait3A, %dma_wait3A_87] : memref<32x64xi32, #tpu.memory_space<vmem>> -> memref<1x64xi32, #tpu.memory_space<vmem>>
      %dma_wait3A_89 = tpu.memref_squeeze %dma_wait3A_88 : memref<1x64xi32, #tpu.memory_space<vmem>> -> memref<64xi32, #tpu.memory_space<vmem>>
      %dma_wait3A_90 = arith.constant 0 : i32
      %dma_wait3A_91 = arith.constant 0 : i32
      %dma_wait3A_92 = tpu.memref_slice %arg2[%arg0, %dma_wait3A_90, %dma_wait3A_91] : memref<2x10240x128xf32, #tpu.memory_space<hbm>> -> memref<1x10240x128xf32, #tpu.memory_space<hbm>>
      %dma_wait3A_93 = tpu.memref_squeeze %dma_wait3A_92 : memref<1x10240x128xf32, #tpu.memory_space<hbm>> -> memref<10240x128xf32, #tpu.memory_space<hbm>>
      %dma_wait3A_94 = arith.constant 0 : i32
      %dma_wait3A_95 = arith.constant 0 : i32
      %dma_wait3A_96 = tpu.memref_slice %dma_wait3A_93[%dma_wait3A_94, %dma_wait3A_95] : memref<10240x128xf32, #tpu.memory_space<hbm>> -> memref<10240x128xf32, #tpu.memory_space<hbm>>
      tpu.wait_indirect_dma semaphore(%arg13 : memref<!tpu.dma_semaphore, #tpu.memory_space<semaphore_mem>>) src(%dma_wait3A_96 : memref<10240x128xf32, #tpu.memory_space<hbm>>) dst(%arg8 : memref<64x128xf32, #tpu.memory_space<vmem>>)
      %dma_wait3A_97 = arith.constant 31 : i32
      %dma_wait3A_98 = arith.constant 0 : i32
      %dma_wait3A_99 = tpu.memref_slice %arg6[%dma_wait3A_97, %dma_wait3A_98] : memref<32x64xi32, #tpu.memory_space<vmem>> -> memref<1x64xi32, #tpu.memory_space<vmem>>
      %dma_wait3A_100 = tpu.memref_squeeze %dma_wait3A_99 : memref<1x64xi32, #tpu.memory_space<vmem>> -> memref<64xi32, #tpu.memory_space<vmem>>
      %dma_wait3A_101 = arith.constant 0 : i32
      %dma_wait3A_102 = arith.constant 0 : i32
      %dma_wait3A_103 = tpu.memref_slice %arg2[%arg0, %dma_wait3A_101, %dma_wait3A_102] : memref<2x10240x128xf32, #tpu.memory_space<hbm>> -> memref<1x10240x128xf32, #tpu.memory_space<hbm>>
      %dma_wait3A_104 = tpu.memref_squeeze %dma_wait3A_103 : memref<1x10240x128xf32, #tpu.memory_space<hbm>> -> memref<10240x128xf32, #tpu.memory_space<hbm>>
      %dma_wait3A_105 = arith.constant 0 : i32
      %dma_wait3A_106 = arith.constant 0 : i32
      %dma_wait3A_107 = tpu.memref_slice %dma_wait3A_104[%dma_wait3A_105, %dma_wait3A_106] : memref<10240x128xf32, #tpu.memory_space<hbm>> -> memref<10240x128xf32, #tpu.memory_space<hbm>>
      tpu.wait_indirect_dma semaphore(%arg14 : memref<!tpu.dma_semaphore, #tpu.memory_space<semaphore_mem>>) src(%dma_wait3A_107 : memref<10240x128xf32, #tpu.memory_space<hbm>>) dst(%arg9 : memref<64x128xf32, #tpu.memory_space<vmem>>)
      %dma_wait3A_108 = arith.constant 31 : i32
      %dma_wait3A_109 = arith.constant 0 : i32
      %dma_wait3A_110 = tpu.memref_slice %arg6[%dma_wait3A_108, %dma_wait3A_109] : memref<32x64xi32, #tpu.memory_space<vmem>> -> memref<1x64xi32, #tpu.memory_space<vmem>>
      %dma_wait3A_111 = tpu.memref_squeeze %dma_wait3A_110 : memref<1x64xi32, #tpu.memory_space<vmem>> -> memref<64xi32, #tpu.memory_space<vmem>>
      %dma_wait3A_112 = arith.constant 0 : i32
      %dma_wait3A_113 = arith.constant 0 : i32
      %dma_wait3A_114 = tpu.memref_slice %arg2[%arg0, %dma_wait3A_112, %dma_wait3A_113] : memref<2x10240x128xf32, #tpu.memory_space<hbm>> -> memref<1x10240x128xf32, #tpu.memory_space<hbm>>
      %dma_wait3A_115 = tpu.memref_squeeze %dma_wait3A_114 : memref<1x10240x128xf32, #tpu.memory_space<hbm>> -> memref<10240x128xf32, #tpu.memory_space<hbm>>
      %dma_wait3A_116 = arith.constant 0 : i32
      %dma_wait3A_117 = arith.constant 0 : i32
      %dma_wait3A_118 = tpu.memref_slice %dma_wait3A_115[%dma_wait3A_116, %dma_wait3A_117] : memref<10240x128xf32, #tpu.memory_space<hbm>> -> memref<10240x128xf32, #tpu.memory_space<hbm>>
      tpu.wait_indirect_dma semaphore(%arg15 : memref<!tpu.dma_semaphore, #tpu.memory_space<semaphore_mem>>) src(%dma_wait3A_118 : memref<10240x128xf32, #tpu.memory_space<hbm>>) dst(%arg10 : memref<64x128xf32, #tpu.memory_space<vmem>>)
      %dma_wait3A_119 = arith.constant 31 : i32
      %dma_wait3A_120 = arith.constant 0 : i32
      %dma_wait3A_121 = tpu.memref_slice %arg6[%dma_wait3A_119, %dma_wait3A_120] : memref<32x64xi32, #tpu.memory_space<vmem>> -> memref<1x64xi32, #tpu.memory_space<vmem>>
      %dma_wait3A_122 = tpu.memref_squeeze %dma_wait3A_121 : memref<1x64xi32, #tpu.memory_space<vmem>> -> memref<64xi32, #tpu.memory_space<vmem>>
      %dma_wait3A_123 = arith.constant 0 : i32
      %dma_wait3A_124 = arith.constant 0 : i32
      %dma_wait3A_125 = tpu.memref_slice %arg2[%arg0, %dma_wait3A_123, %dma_wait3A_124] : memref<2x10240x128xf32, #tpu.memory_space<hbm>> -> memref<1x10240x128xf32, #tpu.memory_space<hbm>>
      %dma_wait3A_126 = tpu.memref_squeeze %dma_wait3A_125 : memref<1x10240x128xf32, #tpu.memory_space<hbm>> -> memref<10240x128xf32, #tpu.memory_space<hbm>>
      %dma_wait3A_127 = arith.constant 0 : i32
      %dma_wait3A_128 = arith.constant 0 : i32
      %dma_wait3A_129 = tpu.memref_slice %dma_wait3A_126[%dma_wait3A_127, %dma_wait3A_128] : memref<10240x128xf32, #tpu.memory_space<hbm>> -> memref<10240x128xf32, #tpu.memory_space<hbm>>
      tpu.wait_indirect_dma semaphore(%arg16 : memref<!tpu.dma_semaphore, #tpu.memory_space<semaphore_mem>>) src(%dma_wait3A_129 : memref<10240x128xf32, #tpu.memory_space<hbm>>) dst(%arg11 : memref<64x128xf32, #tpu.memory_space<vmem>>)
    }
    %scan3A_28 = arith.constant 5 : i32
    %barrier3A_29 = arith.constant 0 : index
    tpu.barrier barrier_id(%barrier3A_29)
    "tpu.region"() ({
      %run_scoped3A = tpu.sem_alloc : memref<!tpu.dma_semaphore, #tpu.memory_space<semaphore_mem>>
      %dma_start3A = arith.constant 0 : i32
      %dma_start3A_30 = tpu.memref_slice %arg5[%arg0, %mul3A_0, %dma_start3A] : memref<2x10240x128xf32, #tpu.memory_space<hbm>> -> memref<1x640x128xf32, #tpu.memory_space<hbm>>
      %dma_start3A_31 = tpu.memref_squeeze %dma_start3A_30 : memref<1x640x128xf32, #tpu.memory_space<hbm>> -> memref<640x128xf32, #tpu.memory_space<hbm>>
      %dma_start3A_32 = arith.constant 0 : i32
      %dma_start3A_33 = tpu.memref_slice %arg12[%mul3A_0, %dma_start3A_32] : memref<10240x128xf32, #tpu.memory_space<vmem_shared>> -> memref<640x128xf32, #tpu.memory_space<vmem_shared>>
      tpu.enqueue_dma source(%dma_start3A_33 : memref<640x128xf32, #tpu.memory_space<vmem_shared>>) target(%dma_start3A_31 : memref<640x128xf32, #tpu.memory_space<hbm>>) target_semaphore(%run_scoped3A : memref<!tpu.dma_semaphore, #tpu.memory_space<semaphore_mem>>)
      %dma_wait3A = arith.constant 0 : i32
      %dma_wait3A_34 = tpu.memref_slice %arg5[%arg0, %mul3A_0, %dma_wait3A] : memref<2x10240x128xf32, #tpu.memory_space<hbm>> -> memref<1x640x128xf32, #tpu.memory_space<hbm>>
      %dma_wait3A_35 = tpu.memref_squeeze %dma_wait3A_34 : memref<1x640x128xf32, #tpu.memory_space<hbm>> -> memref<640x128xf32, #tpu.memory_space<hbm>>
      %dma_wait3A_36 = arith.constant 0 : i32
      %dma_wait3A_37 = tpu.memref_slice %arg12[%mul3A_0, %dma_wait3A_36] : memref<10240x128xf32, #tpu.memory_space<vmem_shared>> -> memref<640x128xf32, #tpu.memory_space<vmem_shared>>
      tpu.wait_dma2 semaphore(%run_scoped3A : memref<!tpu.dma_semaphore, #tpu.memory_space<semaphore_mem>>) src(%dma_wait3A_37 : memref<640x128xf32, #tpu.memory_space<vmem_shared>>) dst(%dma_wait3A_35 : memref<640x128xf32, #tpu.memory_space<hbm>>)
      tpu.yield
    }) : () -> ()
    return
  }
}

#map = affine_map<(d0, d1) -> (0, 0, 0)>
module attributes {stable_mosaic.version = 14 : i64} {
  func.func @_conv_kernel(%arg0: i32, %arg1: i32, %arg2: memref<2x10240x128xf32, #tpu.memory_space<hbm>>, %arg3: memref<16x160x64xi32, #tpu.memory_space<hbm>>, %arg4: memref<16x160x64xi32, #tpu.memory_space<hbm>>, %arg5: memref<2x10240x128xf32, #tpu.memory_space<hbm>>, %arg6: memref<32x64xi32, #tpu.memory_space<vmem>>, %arg7: memref<32x64xi32, #tpu.memory_space<vmem>>, %arg8: memref<64x128xf32, #tpu.memory_space<vmem>>, %arg9: memref<64x128xf32, #tpu.memory_space<vmem>>, %arg10: memref<64x128xf32, #tpu.memory_space<vmem>>, %arg11: memref<64x128xf32, #tpu.memory_space<vmem>>, %arg12: memref<10240x128xf32, #tpu.memory_space<vmem_shared>>, %arg13: memref<!tpu.dma_semaphore, #tpu.memory_space<semaphore_mem>>, %arg14: memref<!tpu.dma_semaphore, #tpu.memory_space<semaphore_mem>>, %arg15: memref<!tpu.dma_semaphore, #tpu.memory_space<semaphore_mem>>, %arg16: memref<!tpu.dma_semaphore, #tpu.memory_space<semaphore_mem>>) attributes {dimension_semantics = [#tpu.dimension_semantics<core_parallel>, #tpu.dimension_semantics<subcore_parallel>], iteration_bounds = array<i64: 2, 16>, scalar_prefetch = 0 : i64, scratch_operands = 11 : i64, tpu.core_type = #tpu.core_type<sc_vector_subcore>, window_params = [{transform_indices = #map}, {transform_indices = #map}, {transform_indices = #map}, {transform_indices = #map}]} {
    %mul3A = arith.constant 640 : i32
    %mul3A_0 = arith.muli %arg1, %mul3A : i32
    %scan3A = arith.constant 0 : i32
    %scan3A_1 = arith.constant 64 : i32
    %scan3A_2 = arith.addi %scan3A, %scan3A_1 : i32
    %scan3A_3 = arith.constant 1 : i32
    scf.for %scan3A_30 = %scan3A to %scan3A_2 step %scan3A_3  : i32 {
      %mul3A_31 = arith.constant 1 : i32
      %mul3A_32 = arith.muli %scan3A_30, %mul3A_31 : i32
      %add3A_33 = arith.constant 0 : i32
      %add3A_34 = arith.addi %add3A_33, %mul3A_32 : i32
      %broadcast_in_dim3A = arith.constant 0.000000e+00 : f32
      %broadcast_in_dim3A_35 = vector.broadcast %broadcast_in_dim3A : f32 to vector<16xf32>
      %swap3A = arith.index_cast %add3A_34 : i32 to index
      %swap3A_36 = arith.constant 0 : index
      %swap3A_37 = tpu.vector_load %arg8[%swap3A, %swap3A_36] {strides = array<i32>} : memref<64x128xf32, #tpu.memory_space<vmem>>, vector<1x16xf32>,
      %swap3A_38 = vector.shape_cast %swap3A_37 : vector<1x16xf32> to vector<16xf32>
      %swap3A_39 = vector.shape_cast %broadcast_in_dim3A_35 : vector<16xf32> to vector<1x16xf32>
      tpu.vector_store %arg8[%swap3A, %swap3A_36], %swap3A_39 {strides = array<i32>} : memref<64x128xf32, #tpu.memory_space<vmem>>, vector<1x16xf32>,
      %broadcast_in_dim3A_40 = arith.constant 0.000000e+00 : f32
      %broadcast_in_dim3A_41 = vector.broadcast %broadcast_in_dim3A_40 : f32 to vector<16xf32>
      %swap3A_42 = arith.index_cast %add3A_34 : i32 to index
      %swap3A_43 = arith.constant 16 : index
      %swap3A_44 = tpu.vector_load %arg8[%swap3A_42, %swap3A_43] {strides = array<i32>} : memref<64x128xf32, #tpu.memory_space<vmem>>, vector<1x16xf32>,
      %swap3A_45 = vector.shape_cast %swap3A_44 : vector<1x16xf32> to vector<16xf32>
      %swap3A_46 = vector.shape_cast %broadcast_in_dim3A_41 : vector<16xf32> to vector<1x16xf32>
      tpu.vector_store %arg8[%swap3A_42, %swap3A_43], %swap3A_46 {strides = array<i32>} : memref<64x128xf32, #tpu.memory_space<vmem>>, vector<1x16xf32>,
      %broadcast_in_dim3A_47 = arith.constant 0.000000e+00 : f32
      %broadcast_in_dim3A_48 = vector.broadcast %broadcast_in_dim3A_47 : f32 to vector<16xf32>
      %swap3A_49 = arith.index_cast %add3A_34 : i32 to index
      %swap3A_50 = arith.constant 32 : index
      %swap3A_51 = tpu.vector_load %arg8[%swap3A_49, %swap3A_50] {strides = array<i32>} : memref<64x128xf32, #tpu.memory_space<vmem>>, vector<1x16xf32>,
      %swap3A_52 = vector.shape_cast %swap3A_51 : vector<1x16xf32> to vector<16xf32>
      %swap3A_53 = vector.shape_cast %broadcast_in_dim3A_48 : vector<16xf32> to vector<1x16xf32>
      tpu.vector_store %arg8[%swap3A_49, %swap3A_50], %swap3A_53 {strides = array<i32>} : memref<64x128xf32, #tpu.memory_space<vmem>>, vector<1x16xf32>,
      %broadcast_in_dim3A_54 = arith.constant 0.000000e+00 : f32
      %broadcast_in_dim3A_55 = vector.broadcast %broadcast_in_dim3A_54 : f32 to vector<16xf32>
      %swap3A_56 = arith.index_cast %add3A_34 : i32 to index
      %swap3A_57 = arith.constant 48 : index
      %swap3A_58 = tpu.vector_load %arg8[%swap3A_56, %swap3A_57] {strides = array<i32>} : memref<64x128xf32, #tpu.memory_space<vmem>>, vector<1x16xf32>,
      %swap3A_59 = vector.shape_cast %swap3A_58 : vector<1x16xf32> to vector<16xf32>
      %swap3A_60 = vector.shape_cast %broadcast_in_dim3A_55 : vector<16xf32> to vector<1x16xf32>
      tpu.vector_store %arg8[%swap3A_56, %swap3A_57], %swap3A_60 {strides = array<i32>} : memref<64x128xf32, #tpu.memory_space<vmem>>, vector<1x16xf32>,
      %broadcast_in_dim3A_61 = arith.constant 0.000000e+00 : f32
      %broadcast_in_dim3A_62 = vector.broadcast %broadcast_in_dim3A_61 : f32 to vector<16xf32>
      %swap3A_63 = arith.index_cast %add3A_34 : i32 to index
      %swap3A_64 = arith.constant 64 : index
      %swap3A_65 = tpu.vector_load %arg8[%swap3A_63, %swap3A_64] {strides = array<i32>} : memref<64x128xf32, #tpu.memory_space<vmem>>, vector<1x16xf32>,
      %swap3A_66 = vector.shape_cast %swap3A_65 : vector<1x16xf32> to vector<16xf32>
      %swap3A_67 = vector.shape_cast %broadcast_in_dim3A_62 : vector<16xf32> to vector<1x16xf32>
      tpu.vector_store %arg8[%swap3A_63, %swap3A_64], %swap3A_67 {strides = array<i32>} : memref<64x128xf32, #tpu.memory_space<vmem>>, vector<1x16xf32>,
      %broadcast_in_dim3A_68 = arith.constant 0.000000e+00 : f32
      %broadcast_in_dim3A_69 = vector.broadcast %broadcast_in_dim3A_68 : f32 to vector<16xf32>
      %swap3A_70 = arith.index_cast %add3A_34 : i32 to index
      %swap3A_71 = arith.constant 80 : index
      %swap3A_72 = tpu.vector_load %arg8[%swap3A_70, %swap3A_71] {strides = array<i32>} : memref<64x128xf32, #tpu.memory_space<vmem>>, vector<1x16xf32>,
      %swap3A_73 = vector.shape_cast %swap3A_72 : vector<1x16xf32> to vector<16xf32>
      %swap3A_74 = vector.shape_cast %broadcast_in_dim3A_69 : vector<16xf32> to vector<1x16xf32>
      tpu.vector_store %arg8[%swap3A_70, %swap3A_71], %swap3A_74 {strides = array<i32>} : memref<64x128xf32, #tpu.memory_space<vmem>>, vector<1x16xf32>,
      %broadcast_in_dim3A_75 = arith.constant 0.000000e+00 : f32
      %broadcast_in_dim3A_76 = vector.broadcast %broadcast_in_dim3A_75 : f32 to vector<16xf32>
      %swap3A_77 = arith.index_cast %add3A_34 : i32 to index
      %swap3A_78 = arith.constant 96 : index
      %swap3A_79 = tpu.vector_load %arg8[%swap3A_77, %swap3A_78] {strides = array<i32>} : memref<64x128xf32, #tpu.memory_space<vmem>>, vector<1x16xf32>,
      %swap3A_80 = vector.shape_cast %swap3A_79 : vector<1x16xf32> to vector<16xf32>
      %swap3A_81 = vector.shape_cast %broadcast_in_dim3A_76 : vector<16xf32> to vector<1x16xf32>
      tpu.vector_store %arg8[%swap3A_77, %swap3A_78], %swap3A_81 {strides = array<i32>} : memref<64x128xf32, #tpu.memory_space<vmem>>, vector<1x16xf32>,
      %broadcast_in_dim3A_82 = arith.constant 0.000000e+00 : f32
      %broadcast_in_dim3A_83 = vector.broadcast %broadcast_in_dim3A_82 : f32 to vector<16xf32>
      %swap3A_84 = arith.index_cast %add3A_34 : i32 to index
      %swap3A_85 = arith.constant 112 : index
      %swap3A_86 = tpu.vector_load %arg8[%swap3A_84, %swap3A_85] {strides = array<i32>} : memref<64x128xf32, #tpu.memory_space<vmem>>, vector<1x16xf32>,
      %swap3A_87 = vector.shape_cast %swap3A_86 : vector<1x16xf32> to vector<16xf32>
      %swap3A_88 = vector.shape_cast %broadcast_in_dim3A_83 : vector<16xf32> to vector<1x16xf32>
      tpu.vector_store %arg8[%swap3A_84, %swap3A_85], %swap3A_88 {strides = array<i32>} : memref<64x128xf32, #tpu.memory_space<vmem>>, vector<1x16xf32>,
    }
    %scan3A_4 = arith.constant 64 : i32
    %add3A = arith.constant 0 : i32
    %add3A_5 = arith.addi %mul3A_0, %add3A : i32
    "tpu.region"() ({
      %run_scoped3A = tpu.sem_alloc : memref<!tpu.dma_semaphore, #tpu.memory_space<semaphore_mem>>
      %dma_start3A = arith.constant 0 : i32
      %dma_start3A_30 = tpu.memref_slice %arg12[%add3A_5, %dma_start3A] : memref<10240x128xf32, #tpu.memory_space<vmem_shared>> -> memref<64x128xf32, #tpu.memory_space<vmem_shared>>
      %dma_start3A_31 = arith.constant 0 : i32
      %dma_start3A_32 = tpu.memref_slice %arg12[%add3A_5, %dma_start3A_31] : memref<10240x128xf32, #tpu.memory_space<vmem_shared>> -> memref<64x128xf32, #tpu.memory_space<vmem_shared>>
      tpu.enqueue_dma source(%arg8 : memref<64x128xf32, #tpu.memory_space<vmem>>) target(%dma_start3A_32 : memref<64x128xf32, #tpu.memory_space<vmem_shared>>) target_semaphore(%run_scoped3A : memref<!tpu.dma_semaphore, #tpu.memory_space<semaphore_mem>>)
      %dma_wait3A = arith.constant 0 : i32
      %dma_wait3A_33 = tpu.memref_slice %arg12[%add3A_5, %dma_wait3A] : memref<10240x128xf32, #tpu.memory_space<vmem_shared>> -> memref<64x128xf32, #tpu.memory_space<vmem_shared>>
      %dma_wait3A_34 = arith.constant 0 : i32
      %dma_wait3A_35 = tpu.memref_slice %arg12[%add3A_5, %dma_wait3A_34] : memref<10240x128xf32, #tpu.memory_space<vmem_shared>> -> memref<64x128xf32, #tpu.memory_space<vmem_shared>>
      tpu.wait_dma2 semaphore(%run_scoped3A : memref<!tpu.dma_semaphore, #tpu.memory_space<semaphore_mem>>) src(%arg8 : memref<64x128xf32, #tpu.memory_space<vmem>>) dst(%dma_wait3A_35 : memref<64x128xf32, #tpu.memory_space<vmem_shared>>)
      tpu.yield
    }) : () -> ()
    %add3A_6 = arith.constant 64 : i32
    %add3A_7 = arith.addi %mul3A_0, %add3A_6 : i32
    "tpu.region"() ({
      %run_scoped3A = tpu.sem_alloc : memref<!tpu.dma_semaphore, #tpu.memory_space<semaphore_mem>>
      %dma_start3A = arith.constant 0 : i32
      %dma_start3A_30 = tpu.memref_slice %arg12[%add3A_7, %dma_start3A] : memref<10240x128xf32, #tpu.memory_space<vmem_shared>> -> memref<64x128xf32, #tpu.memory_space<vmem_shared>>
      %dma_start3A_31 = arith.constant 0 : i32
      %dma_start3A_32 = tpu.memref_slice %arg12[%add3A_7, %dma_start3A_31] : memref<10240x128xf32, #tpu.memory_space<vmem_shared>> -> memref<64x128xf32, #tpu.memory_space<vmem_shared>>
      tpu.enqueue_dma source(%arg8 : memref<64x128xf32, #tpu.memory_space<vmem>>) target(%dma_start3A_32 : memref<64x128xf32, #tpu.memory_space<vmem_shared>>) target_semaphore(%run_scoped3A : memref<!tpu.dma_semaphore, #tpu.memory_space<semaphore_mem>>)
      %dma_wait3A = arith.constant 0 : i32
      %dma_wait3A_33 = tpu.memref_slice %arg12[%add3A_7, %dma_wait3A] : memref<10240x128xf32, #tpu.memory_space<vmem_shared>> -> memref<64x128xf32, #tpu.memory_space<vmem_shared>>
      %dma_wait3A_34 = arith.constant 0 : i32
      %dma_wait3A_35 = tpu.memref_slice %arg12[%add3A_7, %dma_wait3A_34] : memref<10240x128xf32, #tpu.memory_space<vmem_shared>> -> memref<64x128xf32, #tpu.memory_space<vmem_shared>>
      tpu.wait_dma2 semaphore(%run_scoped3A : memref<!tpu.dma_semaphore, #tpu.memory_space<semaphore_mem>>) src(%arg8 : memref<64x128xf32, #tpu.memory_space<vmem>>) dst(%dma_wait3A_35 : memref<64x128xf32, #tpu.memory_space<vmem_shared>>)
      tpu.yield
    }) : () -> ()
    %add3A_8 = arith.constant 128 : i32
    %add3A_9 = arith.addi %mul3A_0, %add3A_8 : i32
    "tpu.region"() ({
      %run_scoped3A = tpu.sem_alloc : memref<!tpu.dma_semaphore, #tpu.memory_space<semaphore_mem>>
      %dma_start3A = arith.constant 0 : i32
      %dma_start3A_30 = tpu.memref_slice %arg12[%add3A_9, %dma_start3A] : memref<10240x128xf32, #tpu.memory_space<vmem_shared>> -> memref<64x128xf32, #tpu.memory_space<vmem_shared>>
      %dma_start3A_31 = arith.constant 0 : i32
      %dma_start3A_32 = tpu.memref_slice %arg12[%add3A_9, %dma_start3A_31] : memref<10240x128xf32, #tpu.memory_space<vmem_shared>> -> memref<64x128xf32, #tpu.memory_space<vmem_shared>>
      tpu.enqueue_dma source(%arg8 : memref<64x128xf32, #tpu.memory_space<vmem>>) target(%dma_start3A_32 : memref<64x128xf32, #tpu.memory_space<vmem_shared>>) target_semaphore(%run_scoped3A : memref<!tpu.dma_semaphore, #tpu.memory_space<semaphore_mem>>)
      %dma_wait3A = arith.constant 0 : i32
      %dma_wait3A_33 = tpu.memref_slice %arg12[%add3A_9, %dma_wait3A] : memref<10240x128xf32, #tpu.memory_space<vmem_shared>> -> memref<64x128xf32, #tpu.memory_space<vmem_shared>>
      %dma_wait3A_34 = arith.constant 0 : i32
      %dma_wait3A_35 = tpu.memref_slice %arg12[%add3A_9, %dma_wait3A_34] : memref<10240x128xf32, #tpu.memory_space<vmem_shared>> -> memref<64x128xf32, #tpu.memory_space<vmem_shared>>
      tpu.wait_dma2 semaphore(%run_scoped3A : memref<!tpu.dma_semaphore, #tpu.memory_space<semaphore_mem>>) src(%arg8 : memref<64x128xf32, #tpu.memory_space<vmem>>) dst(%dma_wait3A_35 : memref<64x128xf32, #tpu.memory_space<vmem_shared>>)
      tpu.yield
    }) : () -> ()
    %add3A_10 = arith.constant 192 : i32
    %add3A_11 = arith.addi %mul3A_0, %add3A_10 : i32
    "tpu.region"() ({
      %run_scoped3A = tpu.sem_alloc : memref<!tpu.dma_semaphore, #tpu.memory_space<semaphore_mem>>
      %dma_start3A = arith.constant 0 : i32
      %dma_start3A_30 = tpu.memref_slice %arg12[%add3A_11, %dma_start3A] : memref<10240x128xf32, #tpu.memory_space<vmem_shared>> -> memref<64x128xf32, #tpu.memory_space<vmem_shared>>
      %dma_start3A_31 = arith.constant 0 : i32
      %dma_start3A_32 = tpu.memref_slice %arg12[%add3A_11, %dma_start3A_31] : memref<10240x128xf32, #tpu.memory_space<vmem_shared>> -> memref<64x128xf32, #tpu.memory_space<vmem_shared>>
      tpu.enqueue_dma source(%arg8 : memref<64x128xf32, #tpu.memory_space<vmem>>) target(%dma_start3A_32 : memref<64x128xf32, #tpu.memory_space<vmem_shared>>) target_semaphore(%run_scoped3A : memref<!tpu.dma_semaphore, #tpu.memory_space<semaphore_mem>>)
      %dma_wait3A = arith.constant 0 : i32
      %dma_wait3A_33 = tpu.memref_slice %arg12[%add3A_11, %dma_wait3A] : memref<10240x128xf32, #tpu.memory_space<vmem_shared>> -> memref<64x128xf32, #tpu.memory_space<vmem_shared>>
      %dma_wait3A_34 = arith.constant 0 : i32
      %dma_wait3A_35 = tpu.memref_slice %arg12[%add3A_11, %dma_wait3A_34] : memref<10240x128xf32, #tpu.memory_space<vmem_shared>> -> memref<64x128xf32, #tpu.memory_space<vmem_shared>>
      tpu.wait_dma2 semaphore(%run_scoped3A : memref<!tpu.dma_semaphore, #tpu.memory_space<semaphore_mem>>) src(%arg8 : memref<64x128xf32, #tpu.memory_space<vmem>>) dst(%dma_wait3A_35 : memref<64x128xf32, #tpu.memory_space<vmem_shared>>)
      tpu.yield
    }) : () -> ()
    %add3A_12 = arith.constant 256 : i32
    %add3A_13 = arith.addi %mul3A_0, %add3A_12 : i32
    "tpu.region"() ({
      %run_scoped3A = tpu.sem_alloc : memref<!tpu.dma_semaphore, #tpu.memory_space<semaphore_mem>>
      %dma_start3A = arith.constant 0 : i32
      %dma_start3A_30 = tpu.memref_slice %arg12[%add3A_13, %dma_start3A] : memref<10240x128xf32, #tpu.memory_space<vmem_shared>> -> memref<64x128xf32, #tpu.memory_space<vmem_shared>>
      %dma_start3A_31 = arith.constant 0 : i32
      %dma_start3A_32 = tpu.memref_slice %arg12[%add3A_13, %dma_start3A_31] : memref<10240x128xf32, #tpu.memory_space<vmem_shared>> -> memref<64x128xf32, #tpu.memory_space<vmem_shared>>
      tpu.enqueue_dma source(%arg8 : memref<64x128xf32, #tpu.memory_space<vmem>>) target(%dma_start3A_32 : memref<64x128xf32, #tpu.memory_space<vmem_shared>>) target_semaphore(%run_scoped3A : memref<!tpu.dma_semaphore, #tpu.memory_space<semaphore_mem>>)
      %dma_wait3A = arith.constant 0 : i32
      %dma_wait3A_33 = tpu.memref_slice %arg12[%add3A_13, %dma_wait3A] : memref<10240x128xf32, #tpu.memory_space<vmem_shared>> -> memref<64x128xf32, #tpu.memory_space<vmem_shared>>
      %dma_wait3A_34 = arith.constant 0 : i32
      %dma_wait3A_35 = tpu.memref_slice %arg12[%add3A_13, %dma_wait3A_34] : memref<10240x128xf32, #tpu.memory_space<vmem_shared>> -> memref<64x128xf32, #tpu.memory_space<vmem_shared>>
      tpu.wait_dma2 semaphore(%run_scoped3A : memref<!tpu.dma_semaphore, #tpu.memory_space<semaphore_mem>>) src(%arg8 : memref<64x128xf32, #tpu.memory_space<vmem>>) dst(%dma_wait3A_35 : memref<64x128xf32, #tpu.memory_space<vmem_shared>>)
      tpu.yield
    }) : () -> ()
    %add3A_14 = arith.constant 320 : i32
    %add3A_15 = arith.addi %mul3A_0, %add3A_14 : i32
    "tpu.region"() ({
      %run_scoped3A = tpu.sem_alloc : memref<!tpu.dma_semaphore, #tpu.memory_space<semaphore_mem>>
      %dma_start3A = arith.constant 0 : i32
      %dma_start3A_30 = tpu.memref_slice %arg12[%add3A_15, %dma_start3A] : memref<10240x128xf32, #tpu.memory_space<vmem_shared>> -> memref<64x128xf32, #tpu.memory_space<vmem_shared>>
      %dma_start3A_31 = arith.constant 0 : i32
      %dma_start3A_32 = tpu.memref_slice %arg12[%add3A_15, %dma_start3A_31] : memref<10240x128xf32, #tpu.memory_space<vmem_shared>> -> memref<64x128xf32, #tpu.memory_space<vmem_shared>>
      tpu.enqueue_dma source(%arg8 : memref<64x128xf32, #tpu.memory_space<vmem>>) target(%dma_start3A_32 : memref<64x128xf32, #tpu.memory_space<vmem_shared>>) target_semaphore(%run_scoped3A : memref<!tpu.dma_semaphore, #tpu.memory_space<semaphore_mem>>)
      %dma_wait3A = arith.constant 0 : i32
      %dma_wait3A_33 = tpu.memref_slice %arg12[%add3A_15, %dma_wait3A] : memref<10240x128xf32, #tpu.memory_space<vmem_shared>> -> memref<64x128xf32, #tpu.memory_space<vmem_shared>>
      %dma_wait3A_34 = arith.constant 0 : i32
      %dma_wait3A_35 = tpu.memref_slice %arg12[%add3A_15, %dma_wait3A_34] : memref<10240x128xf32, #tpu.memory_space<vmem_shared>> -> memref<64x128xf32, #tpu.memory_space<vmem_shared>>
      tpu.wait_dma2 semaphore(%run_scoped3A : memref<!tpu.dma_semaphore, #tpu.memory_space<semaphore_mem>>) src(%arg8 : memref<64x128xf32, #tpu.memory_space<vmem>>) dst(%dma_wait3A_35 : memref<64x128xf32, #tpu.memory_space<vmem_shared>>)
      tpu.yield
    }) : () -> ()
    %add3A_16 = arith.constant 384 : i32
    %add3A_17 = arith.addi %mul3A_0, %add3A_16 : i32
    "tpu.region"() ({
      %run_scoped3A = tpu.sem_alloc : memref<!tpu.dma_semaphore, #tpu.memory_space<semaphore_mem>>
      %dma_start3A = arith.constant 0 : i32
      %dma_start3A_30 = tpu.memref_slice %arg12[%add3A_17, %dma_start3A] : memref<10240x128xf32, #tpu.memory_space<vmem_shared>> -> memref<64x128xf32, #tpu.memory_space<vmem_shared>>
      %dma_start3A_31 = arith.constant 0 : i32
      %dma_start3A_32 = tpu.memref_slice %arg12[%add3A_17, %dma_start3A_31] : memref<10240x128xf32, #tpu.memory_space<vmem_shared>> -> memref<64x128xf32, #tpu.memory_space<vmem_shared>>
      tpu.enqueue_dma source(%arg8 : memref<64x128xf32, #tpu.memory_space<vmem>>) target(%dma_start3A_32 : memref<64x128xf32, #tpu.memory_space<vmem_shared>>) target_semaphore(%run_scoped3A : memref<!tpu.dma_semaphore, #tpu.memory_space<semaphore_mem>>)
      %dma_wait3A = arith.constant 0 : i32
      %dma_wait3A_33 = tpu.memref_slice %arg12[%add3A_17, %dma_wait3A] : memref<10240x128xf32, #tpu.memory_space<vmem_shared>> -> memref<64x128xf32, #tpu.memory_space<vmem_shared>>
      %dma_wait3A_34 = arith.constant 0 : i32
      %dma_wait3A_35 = tpu.memref_slice %arg12[%add3A_17, %dma_wait3A_34] : memref<10240x128xf32, #tpu.memory_space<vmem_shared>> -> memref<64x128xf32, #tpu.memory_space<vmem_shared>>
      tpu.wait_dma2 semaphore(%run_scoped3A : memref<!tpu.dma_semaphore, #tpu.memory_space<semaphore_mem>>) src(%arg8 : memref<64x128xf32, #tpu.memory_space<vmem>>) dst(%dma_wait3A_35 : memref<64x128xf32, #tpu.memory_space<vmem_shared>>)
      tpu.yield
    }) : () -> ()
    %add3A_18 = arith.constant 448 : i32
    %add3A_19 = arith.addi %mul3A_0, %add3A_18 : i32
    "tpu.region"() ({
      %run_scoped3A = tpu.sem_alloc : memref<!tpu.dma_semaphore, #tpu.memory_space<semaphore_mem>>
      %dma_start3A = arith.constant 0 : i32
      %dma_start3A_30 = tpu.memref_slice %arg12[%add3A_19, %dma_start3A] : memref<10240x128xf32, #tpu.memory_space<vmem_shared>> -> memref<64x128xf32, #tpu.memory_space<vmem_shared>>
      %dma_start3A_31 = arith.constant 0 : i32
      %dma_start3A_32 = tpu.memref_slice %arg12[%add3A_19, %dma_start3A_31] : memref<10240x128xf32, #tpu.memory_space<vmem_shared>> -> memref<64x128xf32, #tpu.memory_space<vmem_shared>>
      tpu.enqueue_dma source(%arg8 : memref<64x128xf32, #tpu.memory_space<vmem>>) target(%dma_start3A_32 : memref<64x128xf32, #tpu.memory_space<vmem_shared>>) target_semaphore(%run_scoped3A : memref<!tpu.dma_semaphore, #tpu.memory_space<semaphore_mem>>)
      %dma_wait3A = arith.constant 0 : i32
      %dma_wait3A_33 = tpu.memref_slice %arg12[%add3A_19, %dma_wait3A] : memref<10240x128xf32, #tpu.memory_space<vmem_shared>> -> memref<64x128xf32, #tpu.memory_space<vmem_shared>>
      %dma_wait3A_34 = arith.constant 0 : i32
      %dma_wait3A_35 = tpu.memref_slice %arg12[%add3A_19, %dma_wait3A_34] : memref<10240x128xf32, #tpu.memory_space<vmem_shared>> -> memref<64x128xf32, #tpu.memory_space<vmem_shared>>
      tpu.wait_dma2 semaphore(%run_scoped3A : memref<!tpu.dma_semaphore, #tpu.memory_space<semaphore_mem>>) src(%arg8 : memref<64x128xf32, #tpu.memory_space<vmem>>) dst(%dma_wait3A_35 : memref<64x128xf32, #tpu.memory_space<vmem_shared>>)
      tpu.yield
    }) : () -> ()
    %add3A_20 = arith.constant 512 : i32
    %add3A_21 = arith.addi %mul3A_0, %add3A_20 : i32
    "tpu.region"() ({
      %run_scoped3A = tpu.sem_alloc : memref<!tpu.dma_semaphore, #tpu.memory_space<semaphore_mem>>
      %dma_start3A = arith.constant 0 : i32
      %dma_start3A_30 = tpu.memref_slice %arg12[%add3A_21, %dma_start3A] : memref<10240x128xf32, #tpu.memory_space<vmem_shared>> -> memref<64x128xf32, #tpu.memory_space<vmem_shared>>
      %dma_start3A_31 = arith.constant 0 : i32
      %dma_start3A_32 = tpu.memref_slice %arg12[%add3A_21, %dma_start3A_31] : memref<10240x128xf32, #tpu.memory_space<vmem_shared>> -> memref<64x128xf32, #tpu.memory_space<vmem_shared>>
      tpu.enqueue_dma source(%arg8 : memref<64x128xf32, #tpu.memory_space<vmem>>) target(%dma_start3A_32 : memref<64x128xf32, #tpu.memory_space<vmem_shared>>) target_semaphore(%run_scoped3A : memref<!tpu.dma_semaphore, #tpu.memory_space<semaphore_mem>>)
      %dma_wait3A = arith.constant 0 : i32
      %dma_wait3A_33 = tpu.memref_slice %arg12[%add3A_21, %dma_wait3A] : memref<10240x128xf32, #tpu.memory_space<vmem_shared>> -> memref<64x128xf32, #tpu.memory_space<vmem_shared>>
      %dma_wait3A_34 = arith.constant 0 : i32
      %dma_wait3A_35 = tpu.memref_slice %arg12[%add3A_21, %dma_wait3A_34] : memref<10240x128xf32, #tpu.memory_space<vmem_shared>> -> memref<64x128xf32, #tpu.memory_space<vmem_shared>>
      tpu.wait_dma2 semaphore(%run_scoped3A : memref<!tpu.dma_semaphore, #tpu.memory_space<semaphore_mem>>) src(%arg8 : memref<64x128xf32, #tpu.memory_space<vmem>>) dst(%dma_wait3A_35 : memref<64x128xf32, #tpu.memory_space<vmem_shared>>)
      tpu.yield
    }) : () -> ()
    %add3A_22 = arith.constant 576 : i32
    %add3A_23 = arith.addi %mul3A_0, %add3A_22 : i32
    "tpu.region"() ({
      %run_scoped3A = tpu.sem_alloc : memref<!tpu.dma_semaphore, #tpu.memory_space<semaphore_mem>>
      %dma_start3A = arith.constant 0 : i32
      %dma_start3A_30 = tpu.memref_slice %arg12[%add3A_23, %dma_start3A] : memref<10240x128xf32, #tpu.memory_space<vmem_shared>> -> memref<64x128xf32, #tpu.memory_space<vmem_shared>>
      %dma_start3A_31 = arith.constant 0 : i32
      %dma_start3A_32 = tpu.memref_slice %arg12[%add3A_23, %dma_start3A_31] : memref<10240x128xf32, #tpu.memory_space<vmem_shared>> -> memref<64x128xf32, #tpu.memory_space<vmem_shared>>
      tpu.enqueue_dma source(%arg8 : memref<64x128xf32, #tpu.memory_space<vmem>>) target(%dma_start3A_32 : memref<64x128xf32, #tpu.memory_space<vmem_shared>>) target_semaphore(%run_scoped3A : memref<!tpu.dma_semaphore, #tpu.memory_space<semaphore_mem>>)
      %dma_wait3A = arith.constant 0 : i32
      %dma_wait3A_33 = tpu.memref_slice %arg12[%add3A_23, %dma_wait3A] : memref<10240x128xf32, #tpu.memory_space<vmem_shared>> -> memref<64x128xf32, #tpu.memory_space<vmem_shared>>
      %dma_wait3A_34 = arith.constant 0 : i32
      %dma_wait3A_35 = tpu.memref_slice %arg12[%add3A_23, %dma_wait3A_34] : memref<10240x128xf32, #tpu.memory_space<vmem_shared>> -> memref<64x128xf32, #tpu.memory_space<vmem_shared>>
      tpu.wait_dma2 semaphore(%run_scoped3A : memref<!tpu.dma_semaphore, #tpu.memory_space<semaphore_mem>>) src(%arg8 : memref<64x128xf32, #tpu.memory_space<vmem>>) dst(%dma_wait3A_35 : memref<64x128xf32, #tpu.memory_space<vmem_shared>>)
      tpu.yield
    }) : () -> ()
    %barrier3A = arith.constant 0 : index
    tpu.barrier barrier_id(%barrier3A)
    %scan3A_24 = arith.constant 0 : i32
    %scan3A_25 = arith.constant 5 : i32
    %scan3A_26 = arith.addi %scan3A_24, %scan3A_25 : i32
    %scan3A_27 = arith.constant 1 : i32
    scf.for %scan3A_30 = %scan3A_24 to %scan3A_26 step %scan3A_27  : i32 {
      %mul3A_31 = arith.constant 1 : i32
      %mul3A_32 = arith.muli %scan3A_30, %mul3A_31 : i32
      %add3A_33 = arith.constant 0 : i32
      %add3A_34 = arith.addi %add3A_33, %mul3A_32 : i32
      %mul3A_35 = arith.constant 32 : i32
      %mul3A_36 = arith.muli %add3A_34, %mul3A_35 : i32
      "tpu.region"() ({
        %run_scoped3A = tpu.sem_alloc : memref<!tpu.dma_semaphore, #tpu.memory_space<semaphore_mem>>
        %dma_start3A_130 = arith.constant 0 : i32
        %dma_start3A_131 = tpu.memref_slice %arg3[%arg1, %mul3A_36, %dma_start3A_130] : memref<16x160x64xi32, #tpu.memory_space<hbm>> -> memref<1x32x64xi32, #tpu.memory_space<hbm>>
        %dma_start3A_132 = tpu.memref_squeeze %dma_start3A_131 : memref<1x32x64xi32, #tpu.memory_space<hbm>> -> memref<32x64xi32, #tpu.memory_space<hbm>>
        %dma_start3A_133 = arith.constant 0 : i32
        %dma_start3A_134 = tpu.memref_slice %arg3[%arg1, %mul3A_36, %dma_start3A_133] : memref<16x160x64xi32, #tpu.memory_space<hbm>> -> memref<1x32x64xi32, #tpu.memory_space<hbm>>
        %dma_start3A_135 = tpu.memref_squeeze %dma_start3A_134 : memref<1x32x64xi32, #tpu.memory_space<hbm>> -> memref<32x64xi32, #tpu.memory_space<hbm>>
        tpu.enqueue_dma source(%dma_start3A_135 : memref<32x64xi32, #tpu.memory_space<hbm>>) target(%arg6 : memref<32x64xi32, #tpu.memory_space<vmem>>) target_semaphore(%run_scoped3A : memref<!tpu.dma_semaphore, #tpu.memory_space<semaphore_mem>>)
        %dma_wait3A_136 = arith.constant 0 : i32
        %dma_wait3A_137 = tpu.memref_slice %arg3[%arg1, %mul3A_36, %dma_wait3A_136] : memref<16x160x64xi32, #tpu.memory_space<hbm>> -> memref<1x32x64xi32, #tpu.memory_space<hbm>>
        %dma_wait3A_138 = tpu.memref_squeeze %dma_wait3A_137 : memref<1x32x64xi32, #tpu.memory_space<hbm>> -> memref<32x64xi32, #tpu.memory_space<hbm>>
        %dma_wait3A_139 = arith.constant 0 : i32
        %dma_wait3A_140 = tpu.memref_slice %arg3[%arg1, %mul3A_36, %dma_wait3A_139] : memref<16x160x64xi32, #tpu.memory_space<hbm>> -> memref<1x32x64xi32, #tpu.memory_space<hbm>>
        %dma_wait3A_141 = tpu.memref_squeeze %dma_wait3A_140 : memref<1x32x64xi32, #tpu.memory_space<hbm>> -> memref<32x64xi32, #tpu.memory_space<hbm>>
        tpu.wait_dma2 semaphore(%run_scoped3A : memref<!tpu.dma_semaphore, #tpu.memory_space<semaphore_mem>>) src(%dma_wait3A_141 : memref<32x64xi32, #tpu.memory_space<hbm>>) dst(%arg6 : memref<32x64xi32, #tpu.memory_space<vmem>>)
        tpu.yield
      }) : () -> ()
      %mul3A_37 = arith.constant 32 : i32
      %mul3A_38 = arith.muli %add3A_34, %mul3A_37 : i32
      "tpu.region"() ({
        %run_scoped3A = tpu.sem_alloc : memref<!tpu.dma_semaphore, #tpu.memory_space<semaphore_mem>>
        %dma_start3A_130 = arith.constant 0 : i32
        %dma_start3A_131 = tpu.memref_slice %arg4[%arg1, %mul3A_38, %dma_start3A_130] : memref<16x160x64xi32, #tpu.memory_space<hbm>> -> memref<1x32x64xi32, #tpu.memory_space<hbm>>
        %dma_start3A_132 = tpu.memref_squeeze %dma_start3A_131 : memref<1x32x64xi32, #tpu.memory_space<hbm>> -> memref<32x64xi32, #tpu.memory_space<hbm>>
        %dma_start3A_133 = arith.constant 0 : i32
        %dma_start3A_134 = tpu.memref_slice %arg4[%arg1, %mul3A_38, %dma_start3A_133] : memref<16x160x64xi32, #tpu.memory_space<hbm>> -> memref<1x32x64xi32, #tpu.memory_space<hbm>>
        %dma_start3A_135 = tpu.memref_squeeze %dma_start3A_134 : memref<1x32x64xi32, #tpu.memory_space<hbm>> -> memref<32x64xi32, #tpu.memory_space<hbm>>
        tpu.enqueue_dma source(%dma_start3A_135 : memref<32x64xi32, #tpu.memory_space<hbm>>) target(%arg7 : memref<32x64xi32, #tpu.memory_space<vmem>>) target_semaphore(%run_scoped3A : memref<!tpu.dma_semaphore, #tpu.memory_space<semaphore_mem>>)
        %dma_wait3A_136 = arith.constant 0 : i32
        %dma_wait3A_137 = tpu.memref_slice %arg4[%arg1, %mul3A_38, %dma_wait3A_136] : memref<16x160x64xi32, #tpu.memory_space<hbm>> -> memref<1x32x64xi32, #tpu.memory_space<hbm>>
        %dma_wait3A_138 = tpu.memref_squeeze %dma_wait3A_137 : memref<1x32x64xi32, #tpu.memory_space<hbm>> -> memref<32x64xi32, #tpu.memory_space<hbm>>
        %dma_wait3A_139 = arith.constant 0 : i32
        %dma_wait3A_140 = tpu.memref_slice %arg4[%arg1, %mul3A_38, %dma_wait3A_139] : memref<16x160x64xi32, #tpu.memory_space<hbm>> -> memref<1x32x64xi32, #tpu.memory_space<hbm>>
        %dma_wait3A_141 = tpu.memref_squeeze %dma_wait3A_140 : memref<1x32x64xi32, #tpu.memory_space<hbm>> -> memref<32x64xi32, #tpu.memory_space<hbm>>
        tpu.wait_dma2 semaphore(%run_scoped3A : memref<!tpu.dma_semaphore, #tpu.memory_space<semaphore_mem>>) src(%dma_wait3A_141 : memref<32x64xi32, #tpu.memory_space<hbm>>) dst(%arg7 : memref<32x64xi32, #tpu.memory_space<vmem>>)
        tpu.yield
      }) : () -> ()
      %dma_start3A = arith.constant 0 : i32
      %dma_start3A_39 = arith.constant 0 : i32
      %dma_start3A_40 = tpu.memref_slice %arg6[%dma_start3A, %dma_start3A_39] : memref<32x64xi32, #tpu.memory_space<vmem>> -> memref<1x64xi32, #tpu.memory_space<vmem>>
      %dma_start3A_41 = tpu.memref_squeeze %dma_start3A_40 : memref<1x64xi32, #tpu.memory_space<vmem>> -> memref<64xi32, #tpu.memory_space<vmem>>
      %dma_start3A_42 = arith.constant 0 : i32
      %dma_start3A_43 = arith.constant 0 : i32
      %dma_start3A_44 = tpu.memref_slice %arg2[%arg0, %dma_start3A_42, %dma_start3A_43] : memref<2x10240x128xf32, #tpu.memory_space<hbm>> -> memref<1x10240x128xf32, #tpu.memory_space<hbm>>
      %dma_start3A_45 = tpu.memref_squeeze %dma_start3A_44 : memref<1x10240x128xf32, #tpu.memory_space<hbm>> -> memref<10240x128xf32, #tpu.memory_space<hbm>>
      %dma_start3A_46 = arith.constant 0 : i32
      %dma_start3A_47 = arith.constant 0 : i32
      %dma_start3A_48 = tpu.memref_slice %dma_start3A_45[%dma_start3A_46, %dma_start3A_47] : memref<10240x128xf32, #tpu.memory_space<hbm>> -> memref<10240x128xf32, #tpu.memory_space<hbm>>
      tpu.enqueue_indirect_dma source(%dma_start3A_48 : memref<10240x128xf32, #tpu.memory_space<hbm>>) target(%arg8 : memref<64x128xf32, #tpu.memory_space<vmem>>) offsets(%dma_start3A_41 : memref<64xi32, #tpu.memory_space<vmem>>) semaphore(%arg13 : memref<!tpu.dma_semaphore, #tpu.memory_space<semaphore_mem>>)
      %dma_start3A_49 = arith.constant 1 : i32
      %dma_start3A_50 = arith.constant 0 : i32
      %dma_start3A_51 = tpu.memref_slice %arg6[%dma_start3A_49, %dma_start3A_50] : memref<32x64xi32, #tpu.memory_space<vmem>> -> memref<1x64xi32, #tpu.memory_space<vmem>>
      %dma_start3A_52 = tpu.memref_squeeze %dma_start3A_51 : memref<1x64xi32, #tpu.memory_space<vmem>> -> memref<64xi32, #tpu.memory_space<vmem>>
      %dma_start3A_53 = arith.constant 0 : i32
      %dma_start3A_54 = arith.constant 0 : i32
      %dma_start3A_55 = tpu.memref_slice %arg2[%arg0, %dma_start3A_53, %dma_start3A_54] : memref<2x10240x128xf32, #tpu.memory_space<hbm>> -> memref<1x10240x128xf32, #tpu.memory_space<hbm>>
      %dma_start3A_56 = tpu.memref_squeeze %dma_start3A_55 : memref<1x10240x128xf32, #tpu.memory_space<hbm>> -> memref<10240x128xf32, #tpu.memory_space<hbm>>
      %dma_start3A_57 = arith.constant 0 : i32
      %dma_start3A_58 = arith.constant 0 : i32
      %dma_start3A_59 = tpu.memref_slice %dma_start3A_56[%dma_start3A_57, %dma_start3A_58] : memref<10240x128xf32, #tpu.memory_space<hbm>> -> memref<10240x128xf32, #tpu.memory_space<hbm>>
      tpu.enqueue_indirect_dma source(%dma_start3A_59 : memref<10240x128xf32, #tpu.memory_space<hbm>>) target(%arg9 : memref<64x128xf32, #tpu.memory_space<vmem>>) offsets(%dma_start3A_52 : memref<64xi32, #tpu.memory_space<vmem>>) semaphore(%arg14 : memref<!tpu.dma_semaphore, #tpu.memory_space<semaphore_mem>>)
      %dma_start3A_60 = arith.constant 2 : i32
      %dma_start3A_61 = arith.constant 0 : i32
      %dma_start3A_62 = tpu.memref_slice %arg6[%dma_start3A_60, %dma_start3A_61] : memref<32x64xi32, #tpu.memory_space<vmem>> -> memref<1x64xi32, #tpu.memory_space<vmem>>
      %dma_start3A_63 = tpu.memref_squeeze %dma_start3A_62 : memref<1x64xi32, #tpu.memory_space<vmem>> -> memref<64xi32, #tpu.memory_space<vmem>>
      %dma_start3A_64 = arith.constant 0 : i32
      %dma_start3A_65 = arith.constant 0 : i32
      %dma_start3A_66 = tpu.memref_slice %arg2[%arg0, %dma_start3A_64, %dma_start3A_65] : memref<2x10240x128xf32, #tpu.memory_space<hbm>> -> memref<1x10240x128xf32, #tpu.memory_space<hbm>>
      %dma_start3A_67 = tpu.memref_squeeze %dma_start3A_66 : memref<1x10240x128xf32, #tpu.memory_space<hbm>> -> memref<10240x128xf32, #tpu.memory_space<hbm>>
      %dma_start3A_68 = arith.constant 0 : i32
      %dma_start3A_69 = arith.constant 0 : i32
      %dma_start3A_70 = tpu.memref_slice %dma_start3A_67[%dma_start3A_68, %dma_start3A_69] : memref<10240x128xf32, #tpu.memory_space<hbm>> -> memref<10240x128xf32, #tpu.memory_space<hbm>>
      tpu.enqueue_indirect_dma source(%dma_start3A_70 : memref<10240x128xf32, #tpu.memory_space<hbm>>) target(%arg10 : memref<64x128xf32, #tpu.memory_space<vmem>>) offsets(%dma_start3A_63 : memref<64xi32, #tpu.memory_space<vmem>>) semaphore(%arg15 : memref<!tpu.dma_semaphore, #tpu.memory_space<semaphore_mem>>)
      %dma_start3A_71 = arith.constant 3 : i32
      %dma_start3A_72 = arith.constant 0 : i32
      %dma_start3A_73 = tpu.memref_slice %arg6[%dma_start3A_71, %dma_start3A_72] : memref<32x64xi32, #tpu.memory_space<vmem>> -> memref<1x64xi32, #tpu.memory_space<vmem>>
      %dma_start3A_74 = tpu.memref_squeeze %dma_start3A_73 : memref<1x64xi32, #tpu.memory_space<vmem>> -> memref<64xi32, #tpu.memory_space<vmem>>
      %dma_start3A_75 = arith.constant 0 : i32
      %dma_start3A_76 = arith.constant 0 : i32
      %dma_start3A_77 = tpu.memref_slice %arg2[%arg0, %dma_start3A_75, %dma_start3A_76] : memref<2x10240x128xf32, #tpu.memory_space<hbm>> -> memref<1x10240x128xf32, #tpu.memory_space<hbm>>
      %dma_start3A_78 = tpu.memref_squeeze %dma_start3A_77 : memref<1x10240x128xf32, #tpu.memory_space<hbm>> -> memref<10240x128xf32, #tpu.memory_space<hbm>>
      %dma_start3A_79 = arith.constant 0 : i32
      %dma_start3A_80 = arith.constant 0 : i32
      %dma_start3A_81 = tpu.memref_slice %dma_start3A_78[%dma_start3A_79, %dma_start3A_80] : memref<10240x128xf32, #tpu.memory_space<hbm>> -> memref<10240x128xf32, #tpu.memory_space<hbm>>
      tpu.enqueue_indirect_dma source(%dma_start3A_81 : memref<10240x128xf32, #tpu.memory_space<hbm>>) target(%arg11 : memref<64x128xf32, #tpu.memory_space<vmem>>) offsets(%dma_start3A_74 : memref<64xi32, #tpu.memory_space<vmem>>) semaphore(%arg16 : memref<!tpu.dma_semaphore, #tpu.memory_space<semaphore_mem>>)
      %scan3A_82 = arith.constant 0 : i32
      %scan3A_83 = arith.constant 8 : i32
      %scan3A_84 = arith.addi %scan3A_82, %scan3A_83 : i32
      %scan3A_85 = arith.constant 1 : i32
      scf.for %scan3A_130 = %scan3A_82 to %scan3A_84 step %scan3A_85  : i32 {
        %mul3A_131 = arith.constant 4 : i32
        %mul3A_132 = arith.muli %scan3A_130, %mul3A_131 : i32
        %add3A_133 = arith.constant 0 : i32
        %add3A_134 = arith.addi %add3A_133, %mul3A_132 : i32
        %add3A_135 = arith.constant 0 : i32
        %add3A_136 = arith.addi %add3A_134, %add3A_135 : i32
        %dma_wait3A_137 = arith.constant 0 : i32
        %dma_wait3A_138 = tpu.memref_slice %arg6[%add3A_136, %dma_wait3A_137] : memref<32x64xi32, #tpu.memory_space<vmem>> -> memref<1x64xi32, #tpu.memory_space<vmem>>
        %dma_wait3A_139 = tpu.memref_squeeze %dma_wait3A_138 : memref<1x64xi32, #tpu.memory_space<vmem>> -> memref<64xi32, #tpu.memory_space<vmem>>
        %dma_wait3A_140 = arith.constant 0 : i32
        %dma_wait3A_141 = arith.constant 0 : i32
        %dma_wait3A_142 = tpu.memref_slice %arg2[%arg0, %dma_wait3A_140, %dma_wait3A_141] : memref<2x10240x128xf32, #tpu.memory_space<hbm>> -> memref<1x10240x128xf32, #tpu.memory_space<hbm>>
        %dma_wait3A_143 = tpu.memref_squeeze %dma_wait3A_142 : memref<1x10240x128xf32, #tpu.memory_space<hbm>> -> memref<10240x128xf32, #tpu.memory_space<hbm>>
        %dma_wait3A_144 = arith.constant 0 : i32
        %dma_wait3A_145 = arith.constant 0 : i32
        %dma_wait3A_146 = tpu.memref_slice %dma_wait3A_143[%dma_wait3A_144, %dma_wait3A_145] : memref<10240x128xf32, #tpu.memory_space<hbm>> -> memref<10240x128xf32, #tpu.memory_space<hbm>>
        tpu.wait_indirect_dma semaphore(%arg13 : memref<!tpu.dma_semaphore, #tpu.memory_space<semaphore_mem>>) src(%dma_wait3A_146 : memref<10240x128xf32, #tpu.memory_space<hbm>>) dst(%arg8 : memref<64x128xf32, #tpu.memory_space<vmem>>)
        %add3A_147 = arith.constant 0 : i32
        %add3A_148 = arith.addi %add3A_134, %add3A_147 : i32
        "tpu.region"() ({
          %run_scoped3A = tpu.sem_alloc : memref<!tpu.dma_semaphore, #tpu.memory_space<semaphore_mem>>
          %dma_start3A_254 = arith.constant 0 : i32
          %dma_start3A_255 = tpu.memref_slice %arg7[%add3A_148, %dma_start3A_254] : memref<32x64xi32, #tpu.memory_space<vmem>> -> memref<1x64xi32, #tpu.memory_space<vmem>>
          %dma_start3A_256 = tpu.memref_squeeze %dma_start3A_255 : memref<1x64xi32, #tpu.memory_space<vmem>> -> memref<64xi32, #tpu.memory_space<vmem>>
          %dma_start3A_257 = arith.constant 0 : i32
          %dma_start3A_258 = arith.constant 0 : i32
          %dma_start3A_259 = tpu.memref_slice %arg12[%dma_start3A_257, %dma_start3A_258] : memref<10240x128xf32, #tpu.memory_space<vmem_shared>> -> memref<10240x128xf32, #tpu.memory_space<vmem_shared>>
          tpu.enqueue_indirect_dma source(%arg8 : memref<64x128xf32, #tpu.memory_space<vmem>>) target(%dma_start3A_259 : memref<10240x128xf32, #tpu.memory_space<vmem_shared>>) offsets(%dma_start3A_256 : memref<64xi32, #tpu.memory_space<vmem>>) semaphore(%run_scoped3A : memref<!tpu.dma_semaphore, #tpu.memory_space<semaphore_mem>>) {add = true}
          %dma_wait3A_260 = arith.constant 0 : i32
          %dma_wait3A_261 = tpu.memref_slice %arg7[%add3A_148, %dma_wait3A_260] : memref<32x64xi32, #tpu.memory_space<vmem>> -> memref<1x64xi32, #tpu.memory_space<vmem>>
          %dma_wait3A_262 = tpu.memref_squeeze %dma_wait3A_261 : memref<1x64xi32, #tpu.memory_space<vmem>> -> memref<64xi32, #tpu.memory_space<vmem>>
          %dma_wait3A_263 = arith.constant 0 : i32
          %dma_wait3A_264 = arith.constant 0 : i32
          %dma_wait3A_265 = tpu.memref_slice %arg12[%dma_wait3A_263, %dma_wait3A_264] : memref<10240x128xf32, #tpu.memory_space<vmem_shared>> -> memref<10240x128xf32, #tpu.memory_space<vmem_shared>>
          tpu.wait_indirect_dma semaphore(%run_scoped3A : memref<!tpu.dma_semaphore, #tpu.memory_space<semaphore_mem>>) src(%arg8 : memref<64x128xf32, #tpu.memory_space<vmem>>) dst(%dma_wait3A_265 : memref<10240x128xf32, #tpu.memory_space<vmem_shared>>)
          tpu.yield
        }) : () -> ()
        %add3A_149 = arith.constant 4 : i32
        %add3A_150 = arith.addi %add3A_134, %add3A_149 : i32
        %add3A_151 = arith.constant 0 : i32
        %add3A_152 = arith.addi %add3A_150, %add3A_151 : i32
        %min3A = arith.constant 31 : i32
        %min3A_153 = arith.minsi %add3A_152, %min3A : i32
        %dma_start3A_154 = arith.constant 0 : i32
        %dma_start3A_155 = tpu.memref_slice %arg6[%min3A_153, %dma_start3A_154] : memref<32x64xi32, #tpu.memory_space<vmem>> -> memref<1x64xi32, #tpu.memory_space<vmem>>
        %dma_start3A_156 = tpu.memref_squeeze %dma_start3A_155 : memref<1x64xi32, #tpu.memory_space<vmem>> -> memref<64xi32, #tpu.memory_space<vmem>>
        %dma_start3A_157 = arith.constant 0 : i32
        %dma_start3A_158 = arith.constant 0 : i32
        %dma_start3A_159 = tpu.memref_slice %arg2[%arg0, %dma_start3A_157, %dma_start3A_158] : memref<2x10240x128xf32, #tpu.memory_space<hbm>> -> memref<1x10240x128xf32, #tpu.memory_space<hbm>>
        %dma_start3A_160 = tpu.memref_squeeze %dma_start3A_159 : memref<1x10240x128xf32, #tpu.memory_space<hbm>> -> memref<10240x128xf32, #tpu.memory_space<hbm>>
        %dma_start3A_161 = arith.constant 0 : i32
        %dma_start3A_162 = arith.constant 0 : i32
        %dma_start3A_163 = tpu.memref_slice %dma_start3A_160[%dma_start3A_161, %dma_start3A_162] : memref<10240x128xf32, #tpu.memory_space<hbm>> -> memref<10240x128xf32, #tpu.memory_space<hbm>>
        tpu.enqueue_indirect_dma source(%dma_start3A_163 : memref<10240x128xf32, #tpu.memory_space<hbm>>) target(%arg8 : memref<64x128xf32, #tpu.memory_space<vmem>>) offsets(%dma_start3A_156 : memref<64xi32, #tpu.memory_space<vmem>>) semaphore(%arg13 : memref<!tpu.dma_semaphore, #tpu.memory_space<semaphore_mem>>)
        %add3A_164 = arith.constant 1 : i32
        %add3A_165 = arith.addi %add3A_134, %add3A_164 : i32
        %dma_wait3A_166 = arith.constant 0 : i32
        %dma_wait3A_167 = tpu.memref_slice %arg6[%add3A_165, %dma_wait3A_166] : memref<32x64xi32, #tpu.memory_space<vmem>> -> memref<1x64xi32, #tpu.memory_space<vmem>>
        %dma_wait3A_168 = tpu.memref_squeeze %dma_wait3A_167 : memref<1x64xi32, #tpu.memory_space<vmem>> -> memref<64xi32, #tpu.memory_space<vmem>>
        %dma_wait3A_169 = arith.constant 0 : i32
        %dma_wait3A_170 = arith.constant 0 : i32
        %dma_wait3A_171 = tpu.memref_slice %arg2[%arg0, %dma_wait3A_169, %dma_wait3A_170] : memref<2x10240x128xf32, #tpu.memory_space<hbm>> -> memref<1x10240x128xf32, #tpu.memory_space<hbm>>
        %dma_wait3A_172 = tpu.memref_squeeze %dma_wait3A_171 : memref<1x10240x128xf32, #tpu.memory_space<hbm>> -> memref<10240x128xf32, #tpu.memory_space<hbm>>
        %dma_wait3A_173 = arith.constant 0 : i32
        %dma_wait3A_174 = arith.constant 0 : i32
        %dma_wait3A_175 = tpu.memref_slice %dma_wait3A_172[%dma_wait3A_173, %dma_wait3A_174] : memref<10240x128xf32, #tpu.memory_space<hbm>> -> memref<10240x128xf32, #tpu.memory_space<hbm>>
        tpu.wait_indirect_dma semaphore(%arg14 : memref<!tpu.dma_semaphore, #tpu.memory_space<semaphore_mem>>) src(%dma_wait3A_175 : memref<10240x128xf32, #tpu.memory_space<hbm>>) dst(%arg9 : memref<64x128xf32, #tpu.memory_space<vmem>>)
        %add3A_176 = arith.constant 1 : i32
        %add3A_177 = arith.addi %add3A_134, %add3A_176 : i32
        "tpu.region"() ({
          %run_scoped3A = tpu.sem_alloc : memref<!tpu.dma_semaphore, #tpu.memory_space<semaphore_mem>>
          %dma_start3A_254 = arith.constant 0 : i32
          %dma_start3A_255 = tpu.memref_slice %arg7[%add3A_177, %dma_start3A_254] : memref<32x64xi32, #tpu.memory_space<vmem>> -> memref<1x64xi32, #tpu.memory_space<vmem>>
          %dma_start3A_256 = tpu.memref_squeeze %dma_start3A_255 : memref<1x64xi32, #tpu.memory_space<vmem>> -> memref<64xi32, #tpu.memory_space<vmem>>
          %dma_start3A_257 = arith.constant 0 : i32
          %dma_start3A_258 = arith.constant 0 : i32
          %dma_start3A_259 = tpu.memref_slice %arg12[%dma_start3A_257, %dma_start3A_258] : memref<10240x128xf32, #tpu.memory_space<vmem_shared>> -> memref<10240x128xf32, #tpu.memory_space<vmem_shared>>
          tpu.enqueue_indirect_dma source(%arg9 : memref<64x128xf32, #tpu.memory_space<vmem>>) target(%dma_start3A_259 : memref<10240x128xf32, #tpu.memory_space<vmem_shared>>) offsets(%dma_start3A_256 : memref<64xi32, #tpu.memory_space<vmem>>) semaphore(%run_scoped3A : memref<!tpu.dma_semaphore, #tpu.memory_space<semaphore_mem>>) {add = true}
          %dma_wait3A_260 = arith.constant 0 : i32
          %dma_wait3A_261 = tpu.memref_slice %arg7[%add3A_177, %dma_wait3A_260] : memref<32x64xi32, #tpu.memory_space<vmem>> -> memref<1x64xi32, #tpu.memory_space<vmem>>
          %dma_wait3A_262 = tpu.memref_squeeze %dma_wait3A_261 : memref<1x64xi32, #tpu.memory_space<vmem>> -> memref<64xi32, #tpu.memory_space<vmem>>
          %dma_wait3A_263 = arith.constant 0 : i32
          %dma_wait3A_264 = arith.constant 0 : i32
          %dma_wait3A_265 = tpu.memref_slice %arg12[%dma_wait3A_263, %dma_wait3A_264] : memref<10240x128xf32, #tpu.memory_space<vmem_shared>> -> memref<10240x128xf32, #tpu.memory_space<vmem_shared>>
          tpu.wait_indirect_dma semaphore(%run_scoped3A : memref<!tpu.dma_semaphore, #tpu.memory_space<semaphore_mem>>) src(%arg9 : memref<64x128xf32, #tpu.memory_space<vmem>>) dst(%dma_wait3A_265 : memref<10240x128xf32, #tpu.memory_space<vmem_shared>>)
          tpu.yield
        }) : () -> ()
        %add3A_178 = arith.constant 4 : i32
        %add3A_179 = arith.addi %add3A_134, %add3A_178 : i32
        %add3A_180 = arith.constant 1 : i32
        %add3A_181 = arith.addi %add3A_179, %add3A_180 : i32
        %min3A_182 = arith.constant 31 : i32
        %min3A_183 = arith.minsi %add3A_181, %min3A_182 : i32
        %dma_start3A_184 = arith.constant 0 : i32
        %dma_start3A_185 = tpu.memref_slice %arg6[%min3A_183, %dma_start3A_184] : memref<32x64xi32, #tpu.memory_space<vmem>> -> memref<1x64xi32, #tpu.memory_space<vmem>>
        %dma_start3A_186 = tpu.memref_squeeze %dma_start3A_185 : memref<1x64xi32, #tpu.memory_space<vmem>> -> memref<64xi32, #tpu.memory_space<vmem>>
        %dma_start3A_187 = arith.constant 0 : i32
        %dma_start3A_188 = arith.constant 0 : i32
        %dma_start3A_189 = tpu.memref_slice %arg2[%arg0, %dma_start3A_187, %dma_start3A_188] : memref<2x10240x128xf32, #tpu.memory_space<hbm>> -> memref<1x10240x128xf32, #tpu.memory_space<hbm>>
        %dma_start3A_190 = tpu.memref_squeeze %dma_start3A_189 : memref<1x10240x128xf32, #tpu.memory_space<hbm>> -> memref<10240x128xf32, #tpu.memory_space<hbm>>
        %dma_start3A_191 = arith.constant 0 : i32
        %dma_start3A_192 = arith.constant 0 : i32
        %dma_start3A_193 = tpu.memref_slice %dma_start3A_190[%dma_start3A_191, %dma_start3A_192] : memref<10240x128xf32, #tpu.memory_space<hbm>> -> memref<10240x128xf32, #tpu.memory_space<hbm>>
        tpu.enqueue_indirect_dma source(%dma_start3A_193 : memref<10240x128xf32, #tpu.memory_space<hbm>>) target(%arg9 : memref<64x128xf32, #tpu.memory_space<vmem>>) offsets(%dma_start3A_186 : memref<64xi32, #tpu.memory_space<vmem>>) semaphore(%arg14 : memref<!tpu.dma_semaphore, #tpu.memory_space<semaphore_mem>>)
        %add3A_194 = arith.constant 2 : i32
        %add3A_195 = arith.addi %add3A_134, %add3A_194 : i32
        %dma_wait3A_196 = arith.constant 0 : i32
        %dma_wait3A_197 = tpu.memref_slice %arg6[%add3A_195, %dma_wait3A_196] : memref<32x64xi32, #tpu.memory_space<vmem>> -> memref<1x64xi32, #tpu.memory_space<vmem>>
        %dma_wait3A_198 = tpu.memref_squeeze %dma_wait3A_197 : memref<1x64xi32, #tpu.memory_space<vmem>> -> memref<64xi32, #tpu.memory_space<vmem>>
        %dma_wait3A_199 = arith.constant 0 : i32
        %dma_wait3A_200 = arith.constant 0 : i32
        %dma_wait3A_201 = tpu.memref_slice %arg2[%arg0, %dma_wait3A_199, %dma_wait3A_200] : memref<2x10240x128xf32, #tpu.memory_space<hbm>> -> memref<1x10240x128xf32, #tpu.memory_space<hbm>>
        %dma_wait3A_202 = tpu.memref_squeeze %dma_wait3A_201 : memref<1x10240x128xf32, #tpu.memory_space<hbm>> -> memref<10240x128xf32, #tpu.memory_space<hbm>>
        %dma_wait3A_203 = arith.constant 0 : i32
        %dma_wait3A_204 = arith.constant 0 : i32
        %dma_wait3A_205 = tpu.memref_slice %dma_wait3A_202[%dma_wait3A_203, %dma_wait3A_204] : memref<10240x128xf32, #tpu.memory_space<hbm>> -> memref<10240x128xf32, #tpu.memory_space<hbm>>
        tpu.wait_indirect_dma semaphore(%arg15 : memref<!tpu.dma_semaphore, #tpu.memory_space<semaphore_mem>>) src(%dma_wait3A_205 : memref<10240x128xf32, #tpu.memory_space<hbm>>) dst(%arg10 : memref<64x128xf32, #tpu.memory_space<vmem>>)
        %add3A_206 = arith.constant 2 : i32
        %add3A_207 = arith.addi %add3A_134, %add3A_206 : i32
        "tpu.region"() ({
          %run_scoped3A = tpu.sem_alloc : memref<!tpu.dma_semaphore, #tpu.memory_space<semaphore_mem>>
          %dma_start3A_254 = arith.constant 0 : i32
          %dma_start3A_255 = tpu.memref_slice %arg7[%add3A_207, %dma_start3A_254] : memref<32x64xi32, #tpu.memory_space<vmem>> -> memref<1x64xi32, #tpu.memory_space<vmem>>
          %dma_start3A_256 = tpu.memref_squeeze %dma_start3A_255 : memref<1x64xi32, #tpu.memory_space<vmem>> -> memref<64xi32, #tpu.memory_space<vmem>>
          %dma_start3A_257 = arith.constant 0 : i32
          %dma_start3A_258 = arith.constant 0 : i32
          %dma_start3A_259 = tpu.memref_slice %arg12[%dma_start3A_257, %dma_start3A_258] : memref<10240x128xf32, #tpu.memory_space<vmem_shared>> -> memref<10240x128xf32, #tpu.memory_space<vmem_shared>>
          tpu.enqueue_indirect_dma source(%arg10 : memref<64x128xf32, #tpu.memory_space<vmem>>) target(%dma_start3A_259 : memref<10240x128xf32, #tpu.memory_space<vmem_shared>>) offsets(%dma_start3A_256 : memref<64xi32, #tpu.memory_space<vmem>>) semaphore(%run_scoped3A : memref<!tpu.dma_semaphore, #tpu.memory_space<semaphore_mem>>) {add = true}
          %dma_wait3A_260 = arith.constant 0 : i32
          %dma_wait3A_261 = tpu.memref_slice %arg7[%add3A_207, %dma_wait3A_260] : memref<32x64xi32, #tpu.memory_space<vmem>> -> memref<1x64xi32, #tpu.memory_space<vmem>>
          %dma_wait3A_262 = tpu.memref_squeeze %dma_wait3A_261 : memref<1x64xi32, #tpu.memory_space<vmem>> -> memref<64xi32, #tpu.memory_space<vmem>>
          %dma_wait3A_263 = arith.constant 0 : i32
          %dma_wait3A_264 = arith.constant 0 : i32
          %dma_wait3A_265 = tpu.memref_slice %arg12[%dma_wait3A_263, %dma_wait3A_264] : memref<10240x128xf32, #tpu.memory_space<vmem_shared>> -> memref<10240x128xf32, #tpu.memory_space<vmem_shared>>
          tpu.wait_indirect_dma semaphore(%run_scoped3A : memref<!tpu.dma_semaphore, #tpu.memory_space<semaphore_mem>>) src(%arg10 : memref<64x128xf32, #tpu.memory_space<vmem>>) dst(%dma_wait3A_265 : memref<10240x128xf32, #tpu.memory_space<vmem_shared>>)
          tpu.yield
        }) : () -> ()
        %add3A_208 = arith.constant 4 : i32
        %add3A_209 = arith.addi %add3A_134, %add3A_208 : i32
        %add3A_210 = arith.constant 2 : i32
        %add3A_211 = arith.addi %add3A_209, %add3A_210 : i32
        %min3A_212 = arith.constant 31 : i32
        %min3A_213 = arith.minsi %add3A_211, %min3A_212 : i32
        %dma_start3A_214 = arith.constant 0 : i32
        %dma_start3A_215 = tpu.memref_slice %arg6[%min3A_213, %dma_start3A_214] : memref<32x64xi32, #tpu.memory_space<vmem>> -> memref<1x64xi32, #tpu.memory_space<vmem>>
        %dma_start3A_216 = tpu.memref_squeeze %dma_start3A_215 : memref<1x64xi32, #tpu.memory_space<vmem>> -> memref<64xi32, #tpu.memory_space<vmem>>
        %dma_start3A_217 = arith.constant 0 : i32
        %dma_start3A_218 = arith.constant 0 : i32
        %dma_start3A_219 = tpu.memref_slice %arg2[%arg0, %dma_start3A_217, %dma_start3A_218] : memref<2x10240x128xf32, #tpu.memory_space<hbm>> -> memref<1x10240x128xf32, #tpu.memory_space<hbm>>
        %dma_start3A_220 = tpu.memref_squeeze %dma_start3A_219 : memref<1x10240x128xf32, #tpu.memory_space<hbm>> -> memref<10240x128xf32, #tpu.memory_space<hbm>>
        %dma_start3A_221 = arith.constant 0 : i32
        %dma_start3A_222 = arith.constant 0 : i32
        %dma_start3A_223 = tpu.memref_slice %dma_start3A_220[%dma_start3A_221, %dma_start3A_222] : memref<10240x128xf32, #tpu.memory_space<hbm>> -> memref<10240x128xf32, #tpu.memory_space<hbm>>
        tpu.enqueue_indirect_dma source(%dma_start3A_223 : memref<10240x128xf32, #tpu.memory_space<hbm>>) target(%arg10 : memref<64x128xf32, #tpu.memory_space<vmem>>) offsets(%dma_start3A_216 : memref<64xi32, #tpu.memory_space<vmem>>) semaphore(%arg15 : memref<!tpu.dma_semaphore, #tpu.memory_space<semaphore_mem>>)
        %add3A_224 = arith.constant 3 : i32
        %add3A_225 = arith.addi %add3A_134, %add3A_224 : i32
        %dma_wait3A_226 = arith.constant 0 : i32
        %dma_wait3A_227 = tpu.memref_slice %arg6[%add3A_225, %dma_wait3A_226] : memref<32x64xi32, #tpu.memory_space<vmem>> -> memref<1x64xi32, #tpu.memory_space<vmem>>
        %dma_wait3A_228 = tpu.memref_squeeze %dma_wait3A_227 : memref<1x64xi32, #tpu.memory_space<vmem>> -> memref<64xi32, #tpu.memory_space<vmem>>
        %dma_wait3A_229 = arith.constant 0 : i32
        %dma_wait3A_230 = arith.constant 0 : i32
        %dma_wait3A_231 = tpu.memref_slice %arg2[%arg0, %dma_wait3A_229, %dma_wait3A_230] : memref<2x10240x128xf32, #tpu.memory_space<hbm>> -> memref<1x10240x128xf32, #tpu.memory_space<hbm>>
        %dma_wait3A_232 = tpu.memref_squeeze %dma_wait3A_231 : memref<1x10240x128xf32, #tpu.memory_space<hbm>> -> memref<10240x128xf32, #tpu.memory_space<hbm>>
        %dma_wait3A_233 = arith.constant 0 : i32
        %dma_wait3A_234 = arith.constant 0 : i32
        %dma_wait3A_235 = tpu.memref_slice %dma_wait3A_232[%dma_wait3A_233, %dma_wait3A_234] : memref<10240x128xf32, #tpu.memory_space<hbm>> -> memref<10240x128xf32, #tpu.memory_space<hbm>>
        tpu.wait_indirect_dma semaphore(%arg16 : memref<!tpu.dma_semaphore, #tpu.memory_space<semaphore_mem>>) src(%dma_wait3A_235 : memref<10240x128xf32, #tpu.memory_space<hbm>>) dst(%arg11 : memref<64x128xf32, #tpu.memory_space<vmem>>)
        %add3A_236 = arith.constant 3 : i32
        %add3A_237 = arith.addi %add3A_134, %add3A_236 : i32
        "tpu.region"() ({
          %run_scoped3A = tpu.sem_alloc : memref<!tpu.dma_semaphore, #tpu.memory_space<semaphore_mem>>
          %dma_start3A_254 = arith.constant 0 : i32
          %dma_start3A_255 = tpu.memref_slice %arg7[%add3A_237, %dma_start3A_254] : memref<32x64xi32, #tpu.memory_space<vmem>> -> memref<1x64xi32, #tpu.memory_space<vmem>>
          %dma_start3A_256 = tpu.memref_squeeze %dma_start3A_255 : memref<1x64xi32, #tpu.memory_space<vmem>> -> memref<64xi32, #tpu.memory_space<vmem>>
          %dma_start3A_257 = arith.constant 0 : i32
          %dma_start3A_258 = arith.constant 0 : i32
          %dma_start3A_259 = tpu.memref_slice %arg12[%dma_start3A_257, %dma_start3A_258] : memref<10240x128xf32, #tpu.memory_space<vmem_shared>> -> memref<10240x128xf32, #tpu.memory_space<vmem_shared>>
          tpu.enqueue_indirect_dma source(%arg11 : memref<64x128xf32, #tpu.memory_space<vmem>>) target(%dma_start3A_259 : memref<10240x128xf32, #tpu.memory_space<vmem_shared>>) offsets(%dma_start3A_256 : memref<64xi32, #tpu.memory_space<vmem>>) semaphore(%run_scoped3A : memref<!tpu.dma_semaphore, #tpu.memory_space<semaphore_mem>>) {add = true}
          %dma_wait3A_260 = arith.constant 0 : i32
          %dma_wait3A_261 = tpu.memref_slice %arg7[%add3A_237, %dma_wait3A_260] : memref<32x64xi32, #tpu.memory_space<vmem>> -> memref<1x64xi32, #tpu.memory_space<vmem>>
          %dma_wait3A_262 = tpu.memref_squeeze %dma_wait3A_261 : memref<1x64xi32, #tpu.memory_space<vmem>> -> memref<64xi32, #tpu.memory_space<vmem>>
          %dma_wait3A_263 = arith.constant 0 : i32
          %dma_wait3A_264 = arith.constant 0 : i32
          %dma_wait3A_265 = tpu.memref_slice %arg12[%dma_wait3A_263, %dma_wait3A_264] : memref<10240x128xf32, #tpu.memory_space<vmem_shared>> -> memref<10240x128xf32, #tpu.memory_space<vmem_shared>>
          tpu.wait_indirect_dma semaphore(%run_scoped3A : memref<!tpu.dma_semaphore, #tpu.memory_space<semaphore_mem>>) src(%arg11 : memref<64x128xf32, #tpu.memory_space<vmem>>) dst(%dma_wait3A_265 : memref<10240x128xf32, #tpu.memory_space<vmem_shared>>)
          tpu.yield
        }) : () -> ()
        %add3A_238 = arith.constant 4 : i32
        %add3A_239 = arith.addi %add3A_134, %add3A_238 : i32
        %add3A_240 = arith.constant 3 : i32
        %add3A_241 = arith.addi %add3A_239, %add3A_240 : i32
        %min3A_242 = arith.constant 31 : i32
        %min3A_243 = arith.minsi %add3A_241, %min3A_242 : i32
        %dma_start3A_244 = arith.constant 0 : i32
        %dma_start3A_245 = tpu.memref_slice %arg6[%min3A_243, %dma_start3A_244] : memref<32x64xi32, #tpu.memory_space<vmem>> -> memref<1x64xi32, #tpu.memory_space<vmem>>
        %dma_start3A_246 = tpu.memref_squeeze %dma_start3A_245 : memref<1x64xi32, #tpu.memory_space<vmem>> -> memref<64xi32, #tpu.memory_space<vmem>>
        %dma_start3A_247 = arith.constant 0 : i32
        %dma_start3A_248 = arith.constant 0 : i32
        %dma_start3A_249 = tpu.memref_slice %arg2[%arg0, %dma_start3A_247, %dma_start3A_248] : memref<2x10240x128xf32, #tpu.memory_space<hbm>> -> memref<1x10240x128xf32, #tpu.memory_space<hbm>>
        %dma_start3A_250 = tpu.memref_squeeze %dma_start3A_249 : memref<1x10240x128xf32, #tpu.memory_space<hbm>> -> memref<10240x128xf32, #tpu.memory_space<hbm>>
        %dma_start3A_251 = arith.constant 0 : i32
        %dma_start3A_252 = arith.constant 0 : i32
        %dma_start3A_253 = tpu.memref_slice %dma_start3A_250[%dma_start3A_251, %dma_start3A_252] : memref<10240x128xf32, #tpu.memory_space<hbm>> -> memref<10240x128xf32, #tpu.memory_space<hbm>>
        tpu.enqueue_indirect_dma source(%dma_start3A_253 : memref<10240x128xf32, #tpu.memory_space<hbm>>) target(%arg11 : memref<64x128xf32, #tpu.memory_space<vmem>>) offsets(%dma_start3A_246 : memref<64xi32, #tpu.memory_space<vmem>>) semaphore(%arg16 : memref<!tpu.dma_semaphore, #tpu.memory_space<semaphore_mem>>)
      }
      %scan3A_86 = arith.constant 8 : i32
      %dma_wait3A = arith.constant 31 : i32
      %dma_wait3A_87 = arith.constant 0 : i32
      %dma_wait3A_88 = tpu.memref_slice %arg6[%dma_wait3A, %dma_wait3A_87] : memref<32x64xi32, #tpu.memory_space<vmem>> -> memref<1x64xi32, #tpu.memory_space<vmem>>
      %dma_wait3A_89 = tpu.memref_squeeze %dma_wait3A_88 : memref<1x64xi32, #tpu.memory_space<vmem>> -> memref<64xi32, #tpu.memory_space<vmem>>
      %dma_wait3A_90 = arith.constant 0 : i32
      %dma_wait3A_91 = arith.constant 0 : i32
      %dma_wait3A_92 = tpu.memref_slice %arg2[%arg0, %dma_wait3A_90, %dma_wait3A_91] : memref<2x10240x128xf32, #tpu.memory_space<hbm>> -> memref<1x10240x128xf32, #tpu.memory_space<hbm>>
      %dma_wait3A_93 = tpu.memref_squeeze %dma_wait3A_92 : memref<1x10240x128xf32, #tpu.memory_space<hbm>> -> memref<10240x128xf32, #tpu.memory_space<hbm>>
      %dma_wait3A_94 = arith.constant 0 : i32
      %dma_wait3A_95 = arith.constant 0 : i32
      %dma_wait3A_96 = tpu.memref_slice %dma_wait3A_93[%dma_wait3A_94, %dma_wait3A_95] : memref<10240x128xf32, #tpu.memory_space<hbm>> -> memref<10240x128xf32, #tpu.memory_space<hbm>>
      tpu.wait_indirect_dma semaphore(%arg13 : memref<!tpu.dma_semaphore, #tpu.memory_space<semaphore_mem>>) src(%dma_wait3A_96 : memref<10240x128xf32, #tpu.memory_space<hbm>>) dst(%arg8 : memref<64x128xf32, #tpu.memory_space<vmem>>)
      %dma_wait3A_97 = arith.constant 31 : i32
      %dma_wait3A_98 = arith.constant 0 : i32
      %dma_wait3A_99 = tpu.memref_slice %arg6[%dma_wait3A_97, %dma_wait3A_98] : memref<32x64xi32, #tpu.memory_space<vmem>> -> memref<1x64xi32, #tpu.memory_space<vmem>>
      %dma_wait3A_100 = tpu.memref_squeeze %dma_wait3A_99 : memref<1x64xi32, #tpu.memory_space<vmem>> -> memref<64xi32, #tpu.memory_space<vmem>>
      %dma_wait3A_101 = arith.constant 0 : i32
      %dma_wait3A_102 = arith.constant 0 : i32
      %dma_wait3A_103 = tpu.memref_slice %arg2[%arg0, %dma_wait3A_101, %dma_wait3A_102] : memref<2x10240x128xf32, #tpu.memory_space<hbm>> -> memref<1x10240x128xf32, #tpu.memory_space<hbm>>
      %dma_wait3A_104 = tpu.memref_squeeze %dma_wait3A_103 : memref<1x10240x128xf32, #tpu.memory_space<hbm>> -> memref<10240x128xf32, #tpu.memory_space<hbm>>
      %dma_wait3A_105 = arith.constant 0 : i32
      %dma_wait3A_106 = arith.constant 0 : i32
      %dma_wait3A_107 = tpu.memref_slice %dma_wait3A_104[%dma_wait3A_105, %dma_wait3A_106] : memref<10240x128xf32, #tpu.memory_space<hbm>> -> memref<10240x128xf32, #tpu.memory_space<hbm>>
      tpu.wait_indirect_dma semaphore(%arg14 : memref<!tpu.dma_semaphore, #tpu.memory_space<semaphore_mem>>) src(%dma_wait3A_107 : memref<10240x128xf32, #tpu.memory_space<hbm>>) dst(%arg9 : memref<64x128xf32, #tpu.memory_space<vmem>>)
      %dma_wait3A_108 = arith.constant 31 : i32
      %dma_wait3A_109 = arith.constant 0 : i32
      %dma_wait3A_110 = tpu.memref_slice %arg6[%dma_wait3A_108, %dma_wait3A_109] : memref<32x64xi32, #tpu.memory_space<vmem>> -> memref<1x64xi32, #tpu.memory_space<vmem>>
      %dma_wait3A_111 = tpu.memref_squeeze %dma_wait3A_110 : memref<1x64xi32, #tpu.memory_space<vmem>> -> memref<64xi32, #tpu.memory_space<vmem>>
      %dma_wait3A_112 = arith.constant 0 : i32
      %dma_wait3A_113 = arith.constant 0 : i32
      %dma_wait3A_114 = tpu.memref_slice %arg2[%arg0, %dma_wait3A_112, %dma_wait3A_113] : memref<2x10240x128xf32, #tpu.memory_space<hbm>> -> memref<1x10240x128xf32, #tpu.memory_space<hbm>>
      %dma_wait3A_115 = tpu.memref_squeeze %dma_wait3A_114 : memref<1x10240x128xf32, #tpu.memory_space<hbm>> -> memref<10240x128xf32, #tpu.memory_space<hbm>>
      %dma_wait3A_116 = arith.constant 0 : i32
      %dma_wait3A_117 = arith.constant 0 : i32
      %dma_wait3A_118 = tpu.memref_slice %dma_wait3A_115[%dma_wait3A_116, %dma_wait3A_117] : memref<10240x128xf32, #tpu.memory_space<hbm>> -> memref<10240x128xf32, #tpu.memory_space<hbm>>
      tpu.wait_indirect_dma semaphore(%arg15 : memref<!tpu.dma_semaphore, #tpu.memory_space<semaphore_mem>>) src(%dma_wait3A_118 : memref<10240x128xf32, #tpu.memory_space<hbm>>) dst(%arg10 : memref<64x128xf32, #tpu.memory_space<vmem>>)
      %dma_wait3A_119 = arith.constant 31 : i32
      %dma_wait3A_120 = arith.constant 0 : i32
      %dma_wait3A_121 = tpu.memref_slice %arg6[%dma_wait3A_119, %dma_wait3A_120] : memref<32x64xi32, #tpu.memory_space<vmem>> -> memref<1x64xi32, #tpu.memory_space<vmem>>
      %dma_wait3A_122 = tpu.memref_squeeze %dma_wait3A_121 : memref<1x64xi32, #tpu.memory_space<vmem>> -> memref<64xi32, #tpu.memory_space<vmem>>
      %dma_wait3A_123 = arith.constant 0 : i32
      %dma_wait3A_124 = arith.constant 0 : i32
      %dma_wait3A_125 = tpu.memref_slice %arg2[%arg0, %dma_wait3A_123, %dma_wait3A_124] : memref<2x10240x128xf32, #tpu.memory_space<hbm>> -> memref<1x10240x128xf32, #tpu.memory_space<hbm>>
      %dma_wait3A_126 = tpu.memref_squeeze %dma_wait3A_125 : memref<1x10240x128xf32, #tpu.memory_space<hbm>> -> memref<10240x128xf32, #tpu.memory_space<hbm>>
      %dma_wait3A_127 = arith.constant 0 : i32
      %dma_wait3A_128 = arith.constant 0 : i32
      %dma_wait3A_129 = tpu.memref_slice %dma_wait3A_126[%dma_wait3A_127, %dma_wait3A_128] : memref<10240x128xf32, #tpu.memory_space<hbm>> -> memref<10240x128xf32, #tpu.memory_space<hbm>>
      tpu.wait_indirect_dma semaphore(%arg16 : memref<!tpu.dma_semaphore, #tpu.memory_space<semaphore_mem>>) src(%dma_wait3A_129 : memref<10240x128xf32, #tpu.memory_space<hbm>>) dst(%arg11 : memref<64x128xf32, #tpu.memory_space<vmem>>)
    }
    %scan3A_28 = arith.constant 5 : i32
    %barrier3A_29 = arith.constant 0 : index
    tpu.barrier barrier_id(%barrier3A_29)
    "tpu.region"() ({
      %run_scoped3A = tpu.sem_alloc : memref<!tpu.dma_semaphore, #tpu.memory_space<semaphore_mem>>
      %dma_start3A = arith.constant 0 : i32
      %dma_start3A_30 = tpu.memref_slice %arg5[%arg0, %mul3A_0, %dma_start3A] : memref<2x10240x128xf32, #tpu.memory_space<hbm>> -> memref<1x640x128xf32, #tpu.memory_space<hbm>>
      %dma_start3A_31 = tpu.memref_squeeze %dma_start3A_30 : memref<1x640x128xf32, #tpu.memory_space<hbm>> -> memref<640x128xf32, #tpu.memory_space<hbm>>
      %dma_start3A_32 = arith.constant 0 : i32
      %dma_start3A_33 = tpu.memref_slice %arg12[%mul3A_0, %dma_start3A_32] : memref<10240x128xf32, #tpu.memory_space<vmem_shared>> -> memref<640x128xf32, #tpu.memory_space<vmem_shared>>
      tpu.enqueue_dma source(%dma_start3A_33 : memref<640x128xf32, #tpu.memory_space<vmem_shared>>) target(%dma_start3A_31 : memref<640x128xf32, #tpu.memory_space<hbm>>) target_semaphore(%run_scoped3A : memref<!tpu.dma_semaphore, #tpu.memory_space<semaphore_mem>>)
      %dma_wait3A = arith.constant 0 : i32
      %dma_wait3A_34 = tpu.memref_slice %arg5[%arg0, %mul3A_0, %dma_wait3A] : memref<2x10240x128xf32, #tpu.memory_space<hbm>> -> memref<1x640x128xf32, #tpu.memory_space<hbm>>
      %dma_wait3A_35 = tpu.memref_squeeze %dma_wait3A_34 : memref<1x640x128xf32, #tpu.memory_space<hbm>> -> memref<640x128xf32, #tpu.memory_space<hbm>>
      %dma_wait3A_36 = arith.constant 0 : i32
      %dma_wait3A_37 = tpu.memref_slice %arg12[%mul3A_0, %dma_wait3A_36] : memref<10240x128xf32, #tpu.memory_space<vmem_shared>> -> memref<640x128xf32, #tpu.memory_space<vmem_shared>>
      tpu.wait_dma2 semaphore(%run_scoped3A : memref<!tpu.dma_semaphore, #tpu.memory_space<semaphore_mem>>) src(%dma_wait3A_37 : memref<640x128xf32, #tpu.memory_space<vmem_shared>>) dst(%dma_wait3A_35 : memref<640x128xf32, #tpu.memory_space<hbm>>)
      tpu.yield
    }) : () -> ()
    return
  }
}

#map = affine_map<(d0, d1) -> (0, 0, 0)>
#map1 = affine_map<(d0, d1) -> (0, 0)>
module attributes {stable_mosaic.version = 14 : i64} {
  func.func @_deg_kernel(%arg0: i32, %arg1: i32, %arg2: memref<16x160x64xi32, #tpu.memory_space<hbm>>, %arg3: memref<2x10240xf32, #tpu.memory_space<hbm>>, %arg4: memref<80x64xi32, #tpu.memory_space<vmem>>, %arg5: memref<128xf32, #tpu.memory_space<vmem>>, %arg6: memref<128xf32, #tpu.memory_space<vmem>>, %arg7: memref<10240xf32, #tpu.memory_space<vmem_shared>>) attributes {dimension_semantics = [#tpu.dimension_semantics<core_parallel>, #tpu.dimension_semantics<subcore_parallel>], iteration_bounds = array<i64: 2, 16>, scalar_prefetch = 0 : i64, scratch_operands = 4 : i64, tpu.core_type = #tpu.core_type<sc_vector_subcore>, window_params = [{transform_indices = #map}, {transform_indices = #map1}]} {
    %broadcast_in_dim3A = arith.constant 1.000000e+00 : f32
    %broadcast_in_dim3A_0 = vector.broadcast %broadcast_in_dim3A : f32 to vector<16xf32>
    %swap3A = arith.constant 0 : index
    %swap3A_1 = tpu.vector_load %arg5[%swap3A] {strides = array<i32>} : memref<128xf32, #tpu.memory_space<vmem>>, vector<16xf32>,
    %swap3A_2 = vector.shape_cast %swap3A_1 : vector<16xf32> to vector<16xf32>
    %swap3A_3 = vector.shape_cast %broadcast_in_dim3A_0 : vector<16xf32> to vector<16xf32>
    tpu.vector_store %arg5[%swap3A], %swap3A_3 {strides = array<i32>} : memref<128xf32, #tpu.memory_space<vmem>>, vector<16xf32>,
    %broadcast_in_dim3A_4 = arith.constant 0.000000e+00 : f32
    %broadcast_in_dim3A_5 = vector.broadcast %broadcast_in_dim3A_4 : f32 to vector<16xf32>
    %swap3A_6 = arith.constant 0 : index
    %swap3A_7 = tpu.vector_load %arg6[%swap3A_6] {strides = array<i32>} : memref<128xf32, #tpu.memory_space<vmem>>, vector<16xf32>,
    %swap3A_8 = vector.shape_cast %swap3A_7 : vector<16xf32> to vector<16xf32>
    %swap3A_9 = vector.shape_cast %broadcast_in_dim3A_5 : vector<16xf32> to vector<16xf32>
    tpu.vector_store %arg6[%swap3A_6], %swap3A_9 {strides = array<i32>} : memref<128xf32, #tpu.memory_space<vmem>>, vector<16xf32>,
    %broadcast_in_dim3A_10 = arith.constant 1.000000e+00 : f32
    %broadcast_in_dim3A_11 = vector.broadcast %broadcast_in_dim3A_10 : f32 to vector<16xf32>
    %swap3A_12 = arith.constant 16 : index
    %swap3A_13 = tpu.vector_load %arg5[%swap3A_12] {strides = array<i32>} : memref<128xf32, #tpu.memory_space<vmem>>, vector<16xf32>,
    %swap3A_14 = vector.shape_cast %swap3A_13 : vector<16xf32> to vector<16xf32>
    %swap3A_15 = vector.shape_cast %broadcast_in_dim3A_11 : vector<16xf32> to vector<16xf32>
    tpu.vector_store %arg5[%swap3A_12], %swap3A_15 {strides = array<i32>} : memref<128xf32, #tpu.memory_space<vmem>>, vector<16xf32>,
    %broadcast_in_dim3A_16 = arith.constant 0.000000e+00 : f32
    %broadcast_in_dim3A_17 = vector.broadcast %broadcast_in_dim3A_16 : f32 to vector<16xf32>
    %swap3A_18 = arith.constant 16 : index
    %swap3A_19 = tpu.vector_load %arg6[%swap3A_18] {strides = array<i32>} : memref<128xf32, #tpu.memory_space<vmem>>, vector<16xf32>,
    %swap3A_20 = vector.shape_cast %swap3A_19 : vector<16xf32> to vector<16xf32>
    %swap3A_21 = vector.shape_cast %broadcast_in_dim3A_17 : vector<16xf32> to vector<16xf32>
    tpu.vector_store %arg6[%swap3A_18], %swap3A_21 {strides = array<i32>} : memref<128xf32, #tpu.memory_space<vmem>>, vector<16xf32>,
    %broadcast_in_dim3A_22 = arith.constant 1.000000e+00 : f32
    %broadcast_in_dim3A_23 = vector.broadcast %broadcast_in_dim3A_22 : f32 to vector<16xf32>
    %swap3A_24 = arith.constant 32 : index
    %swap3A_25 = tpu.vector_load %arg5[%swap3A_24] {strides = array<i32>} : memref<128xf32, #tpu.memory_space<vmem>>, vector<16xf32>,
    %swap3A_26 = vector.shape_cast %swap3A_25 : vector<16xf32> to vector<16xf32>
    %swap3A_27 = vector.shape_cast %broadcast_in_dim3A_23 : vector<16xf32> to vector<16xf32>
    tpu.vector_store %arg5[%swap3A_24], %swap3A_27 {strides = array<i32>} : memref<128xf32, #tpu.memory_space<vmem>>, vector<16xf32>,
    %broadcast_in_dim3A_28 = arith.constant 0.000000e+00 : f32
    %broadcast_in_dim3A_29 = vector.broadcast %broadcast_in_dim3A_28 : f32 to vector<16xf32>
    %swap3A_30 = arith.constant 32 : index
    %swap3A_31 = tpu.vector_load %arg6[%swap3A_30] {strides = array<i32>} : memref<128xf32, #tpu.memory_space<vmem>>, vector<16xf32>,
    %swap3A_32 = vector.shape_cast %swap3A_31 : vector<16xf32> to vector<16xf32>
    %swap3A_33 = vector.shape_cast %broadcast_in_dim3A_29 : vector<16xf32> to vector<16xf32>
    tpu.vector_store %arg6[%swap3A_30], %swap3A_33 {strides = array<i32>} : memref<128xf32, #tpu.memory_space<vmem>>, vector<16xf32>,
    %broadcast_in_dim3A_34 = arith.constant 1.000000e+00 : f32
    %broadcast_in_dim3A_35 = vector.broadcast %broadcast_in_dim3A_34 : f32 to vector<16xf32>
    %swap3A_36 = arith.constant 48 : index
    %swap3A_37 = tpu.vector_load %arg5[%swap3A_36] {strides = array<i32>} : memref<128xf32, #tpu.memory_space<vmem>>, vector<16xf32>,
    %swap3A_38 = vector.shape_cast %swap3A_37 : vector<16xf32> to vector<16xf32>
    %swap3A_39 = vector.shape_cast %broadcast_in_dim3A_35 : vector<16xf32> to vector<16xf32>
    tpu.vector_store %arg5[%swap3A_36], %swap3A_39 {strides = array<i32>} : memref<128xf32, #tpu.memory_space<vmem>>, vector<16xf32>,
    %broadcast_in_dim3A_40 = arith.constant 0.000000e+00 : f32
    %broadcast_in_dim3A_41 = vector.broadcast %broadcast_in_dim3A_40 : f32 to vector<16xf32>
    %swap3A_42 = arith.constant 48 : index
    %swap3A_43 = tpu.vector_load %arg6[%swap3A_42] {strides = array<i32>} : memref<128xf32, #tpu.memory_space<vmem>>, vector<16xf32>,
    %swap3A_44 = vector.shape_cast %swap3A_43 : vector<16xf32> to vector<16xf32>
    %swap3A_45 = vector.shape_cast %broadcast_in_dim3A_41 : vector<16xf32> to vector<16xf32>
    tpu.vector_store %arg6[%swap3A_42], %swap3A_45 {strides = array<i32>} : memref<128xf32, #tpu.memory_space<vmem>>, vector<16xf32>,
    %broadcast_in_dim3A_46 = arith.constant 1.000000e+00 : f32
    %broadcast_in_dim3A_47 = vector.broadcast %broadcast_in_dim3A_46 : f32 to vector<16xf32>
    %swap3A_48 = arith.constant 64 : index
    %swap3A_49 = tpu.vector_load %arg5[%swap3A_48] {strides = array<i32>} : memref<128xf32, #tpu.memory_space<vmem>>, vector<16xf32>,
    %swap3A_50 = vector.shape_cast %swap3A_49 : vector<16xf32> to vector<16xf32>
    %swap3A_51 = vector.shape_cast %broadcast_in_dim3A_47 : vector<16xf32> to vector<16xf32>
    tpu.vector_store %arg5[%swap3A_48], %swap3A_51 {strides = array<i32>} : memref<128xf32, #tpu.memory_space<vmem>>, vector<16xf32>,
    %broadcast_in_dim3A_52 = arith.constant 0.000000e+00 : f32
    %broadcast_in_dim3A_53 = vector.broadcast %broadcast_in_dim3A_52 : f32 to vector<16xf32>
    %swap3A_54 = arith.constant 64 : index
    %swap3A_55 = tpu.vector_load %arg6[%swap3A_54] {strides = array<i32>} : memref<128xf32, #tpu.memory_space<vmem>>, vector<16xf32>,
    %swap3A_56 = vector.shape_cast %swap3A_55 : vector<16xf32> to vector<16xf32>
    %swap3A_57 = vector.shape_cast %broadcast_in_dim3A_53 : vector<16xf32> to vector<16xf32>
    tpu.vector_store %arg6[%swap3A_54], %swap3A_57 {strides = array<i32>} : memref<128xf32, #tpu.memory_space<vmem>>, vector<16xf32>,
    %broadcast_in_dim3A_58 = arith.constant 1.000000e+00 : f32
    %broadcast_in_dim3A_59 = vector.broadcast %broadcast_in_dim3A_58 : f32 to vector<16xf32>
    %swap3A_60 = arith.constant 80 : index
    %swap3A_61 = tpu.vector_load %arg5[%swap3A_60] {strides = array<i32>} : memref<128xf32, #tpu.memory_space<vmem>>, vector<16xf32>,
    %swap3A_62 = vector.shape_cast %swap3A_61 : vector<16xf32> to vector<16xf32>
    %swap3A_63 = vector.shape_cast %broadcast_in_dim3A_59 : vector<16xf32> to vector<16xf32>
    tpu.vector_store %arg5[%swap3A_60], %swap3A_63 {strides = array<i32>} : memref<128xf32, #tpu.memory_space<vmem>>, vector<16xf32>,
    %broadcast_in_dim3A_64 = arith.constant 0.000000e+00 : f32
    %broadcast_in_dim3A_65 = vector.broadcast %broadcast_in_dim3A_64 : f32 to vector<16xf32>
    %swap3A_66 = arith.constant 80 : index
    %swap3A_67 = tpu.vector_load %arg6[%swap3A_66] {strides = array<i32>} : memref<128xf32, #tpu.memory_space<vmem>>, vector<16xf32>,
    %swap3A_68 = vector.shape_cast %swap3A_67 : vector<16xf32> to vector<16xf32>
    %swap3A_69 = vector.shape_cast %broadcast_in_dim3A_65 : vector<16xf32> to vector<16xf32>
    tpu.vector_store %arg6[%swap3A_66], %swap3A_69 {strides = array<i32>} : memref<128xf32, #tpu.memory_space<vmem>>, vector<16xf32>,
    %broadcast_in_dim3A_70 = arith.constant 1.000000e+00 : f32
    %broadcast_in_dim3A_71 = vector.broadcast %broadcast_in_dim3A_70 : f32 to vector<16xf32>
    %swap3A_72 = arith.constant 96 : index
    %swap3A_73 = tpu.vector_load %arg5[%swap3A_72] {strides = array<i32>} : memref<128xf32, #tpu.memory_space<vmem>>, vector<16xf32>,
    %swap3A_74 = vector.shape_cast %swap3A_73 : vector<16xf32> to vector<16xf32>
    %swap3A_75 = vector.shape_cast %broadcast_in_dim3A_71 : vector<16xf32> to vector<16xf32>
    tpu.vector_store %arg5[%swap3A_72], %swap3A_75 {strides = array<i32>} : memref<128xf32, #tpu.memory_space<vmem>>, vector<16xf32>,
    %broadcast_in_dim3A_76 = arith.constant 0.000000e+00 : f32
    %broadcast_in_dim3A_77 = vector.broadcast %broadcast_in_dim3A_76 : f32 to vector<16xf32>
    %swap3A_78 = arith.constant 96 : index
    %swap3A_79 = tpu.vector_load %arg6[%swap3A_78] {strides = array<i32>} : memref<128xf32, #tpu.memory_space<vmem>>, vector<16xf32>,
    %swap3A_80 = vector.shape_cast %swap3A_79 : vector<16xf32> to vector<16xf32>
    %swap3A_81 = vector.shape_cast %broadcast_in_dim3A_77 : vector<16xf32> to vector<16xf32>
    tpu.vector_store %arg6[%swap3A_78], %swap3A_81 {strides = array<i32>} : memref<128xf32, #tpu.memory_space<vmem>>, vector<16xf32>,
    %broadcast_in_dim3A_82 = arith.constant 1.000000e+00 : f32
    %broadcast_in_dim3A_83 = vector.broadcast %broadcast_in_dim3A_82 : f32 to vector<16xf32>
    %swap3A_84 = arith.constant 112 : index
    %swap3A_85 = tpu.vector_load %arg5[%swap3A_84] {strides = array<i32>} : memref<128xf32, #tpu.memory_space<vmem>>, vector<16xf32>,
    %swap3A_86 = vector.shape_cast %swap3A_85 : vector<16xf32> to vector<16xf32>
    %swap3A_87 = vector.shape_cast %broadcast_in_dim3A_83 : vector<16xf32> to vector<16xf32>
    tpu.vector_store %arg5[%swap3A_84], %swap3A_87 {strides = array<i32>} : memref<128xf32, #tpu.memory_space<vmem>>, vector<16xf32>,
    %broadcast_in_dim3A_88 = arith.constant 0.000000e+00 : f32
    %broadcast_in_dim3A_89 = vector.broadcast %broadcast_in_dim3A_88 : f32 to vector<16xf32>
    %swap3A_90 = arith.constant 112 : index
    %swap3A_91 = tpu.vector_load %arg6[%swap3A_90] {strides = array<i32>} : memref<128xf32, #tpu.memory_space<vmem>>, vector<16xf32>,
    %swap3A_92 = vector.shape_cast %swap3A_91 : vector<16xf32> to vector<16xf32>
    %swap3A_93 = vector.shape_cast %broadcast_in_dim3A_89 : vector<16xf32> to vector<16xf32>
    tpu.vector_store %arg6[%swap3A_90], %swap3A_93 {strides = array<i32>} : memref<128xf32, #tpu.memory_space<vmem>>, vector<16xf32>,
    %mul3A = arith.constant 640 : i32
    %mul3A_94 = arith.muli %arg1, %mul3A : i32
    %add3A = arith.constant 0 : i32
    %add3A_95 = arith.addi %mul3A_94, %add3A : i32
    "tpu.region"() ({
      %run_scoped3A = tpu.sem_alloc : memref<!tpu.dma_semaphore, #tpu.memory_space<semaphore_mem>>
      %dma_start3A = tpu.memref_slice %arg7[%add3A_95] : memref<10240xf32, #tpu.memory_space<vmem_shared>> -> memref<128xf32, #tpu.memory_space<vmem_shared>>
      %dma_start3A_111 = tpu.memref_slice %arg7[%add3A_95] : memref<10240xf32, #tpu.memory_space<vmem_shared>> -> memref<128xf32, #tpu.memory_space<vmem_shared>>
      tpu.enqueue_dma source(%arg6 : memref<128xf32, #tpu.memory_space<vmem>>) target(%dma_start3A_111 : memref<128xf32, #tpu.memory_space<vmem_shared>>) target_semaphore(%run_scoped3A : memref<!tpu.dma_semaphore, #tpu.memory_space<semaphore_mem>>)
      %dma_wait3A = tpu.memref_slice %arg7[%add3A_95] : memref<10240xf32, #tpu.memory_space<vmem_shared>> -> memref<128xf32, #tpu.memory_space<vmem_shared>>
      %dma_wait3A_112 = tpu.memref_slice %arg7[%add3A_95] : memref<10240xf32, #tpu.memory_space<vmem_shared>> -> memref<128xf32, #tpu.memory_space<vmem_shared>>
      tpu.wait_dma2 semaphore(%run_scoped3A : memref<!tpu.dma_semaphore, #tpu.memory_space<semaphore_mem>>) src(%arg6 : memref<128xf32, #tpu.memory_space<vmem>>) dst(%dma_wait3A_112 : memref<128xf32, #tpu.memory_space<vmem_shared>>)
      tpu.yield
    }) : () -> ()
    %add3A_96 = arith.constant 128 : i32
    %add3A_97 = arith.addi %mul3A_94, %add3A_96 : i32
    "tpu.region"() ({
      %run_scoped3A = tpu.sem_alloc : memref<!tpu.dma_semaphore, #tpu.memory_space<semaphore_mem>>
      %dma_start3A = tpu.memref_slice %arg7[%add3A_97] : memref<10240xf32, #tpu.memory_space<vmem_shared>> -> memref<128xf32, #tpu.memory_space<vmem_shared>>
      %dma_start3A_111 = tpu.memref_slice %arg7[%add3A_97] : memref<10240xf32, #tpu.memory_space<vmem_shared>> -> memref<128xf32, #tpu.memory_space<vmem_shared>>
      tpu.enqueue_dma source(%arg6 : memref<128xf32, #tpu.memory_space<vmem>>) target(%dma_start3A_111 : memref<128xf32, #tpu.memory_space<vmem_shared>>) target_semaphore(%run_scoped3A : memref<!tpu.dma_semaphore, #tpu.memory_space<semaphore_mem>>)
      %dma_wait3A = tpu.memref_slice %arg7[%add3A_97] : memref<10240xf32, #tpu.memory_space<vmem_shared>> -> memref<128xf32, #tpu.memory_space<vmem_shared>>
      %dma_wait3A_112 = tpu.memref_slice %arg7[%add3A_97] : memref<10240xf32, #tpu.memory_space<vmem_shared>> -> memref<128xf32, #tpu.memory_space<vmem_shared>>
      tpu.wait_dma2 semaphore(%run_scoped3A : memref<!tpu.dma_semaphore, #tpu.memory_space<semaphore_mem>>) src(%arg6 : memref<128xf32, #tpu.memory_space<vmem>>) dst(%dma_wait3A_112 : memref<128xf32, #tpu.memory_space<vmem_shared>>)
      tpu.yield
    }) : () -> ()
    %add3A_98 = arith.constant 256 : i32
    %add3A_99 = arith.addi %mul3A_94, %add3A_98 : i32
    "tpu.region"() ({
      %run_scoped3A = tpu.sem_alloc : memref<!tpu.dma_semaphore, #tpu.memory_space<semaphore_mem>>
      %dma_start3A = tpu.memref_slice %arg7[%add3A_99] : memref<10240xf32, #tpu.memory_space<vmem_shared>> -> memref<128xf32, #tpu.memory_space<vmem_shared>>
      %dma_start3A_111 = tpu.memref_slice %arg7[%add3A_99] : memref<10240xf32, #tpu.memory_space<vmem_shared>> -> memref<128xf32, #tpu.memory_space<vmem_shared>>
      tpu.enqueue_dma source(%arg6 : memref<128xf32, #tpu.memory_space<vmem>>) target(%dma_start3A_111 : memref<128xf32, #tpu.memory_space<vmem_shared>>) target_semaphore(%run_scoped3A : memref<!tpu.dma_semaphore, #tpu.memory_space<semaphore_mem>>)
      %dma_wait3A = tpu.memref_slice %arg7[%add3A_99] : memref<10240xf32, #tpu.memory_space<vmem_shared>> -> memref<128xf32, #tpu.memory_space<vmem_shared>>
      %dma_wait3A_112 = tpu.memref_slice %arg7[%add3A_99] : memref<10240xf32, #tpu.memory_space<vmem_shared>> -> memref<128xf32, #tpu.memory_space<vmem_shared>>
      tpu.wait_dma2 semaphore(%run_scoped3A : memref<!tpu.dma_semaphore, #tpu.memory_space<semaphore_mem>>) src(%arg6 : memref<128xf32, #tpu.memory_space<vmem>>) dst(%dma_wait3A_112 : memref<128xf32, #tpu.memory_space<vmem_shared>>)
      tpu.yield
    }) : () -> ()
    %add3A_100 = arith.constant 384 : i32
    %add3A_101 = arith.addi %mul3A_94, %add3A_100 : i32
    "tpu.region"() ({
      %run_scoped3A = tpu.sem_alloc : memref<!tpu.dma_semaphore, #tpu.memory_space<semaphore_mem>>
      %dma_start3A = tpu.memref_slice %arg7[%add3A_101] : memref<10240xf32, #tpu.memory_space<vmem_shared>> -> memref<128xf32, #tpu.memory_space<vmem_shared>>
      %dma_start3A_111 = tpu.memref_slice %arg7[%add3A_101] : memref<10240xf32, #tpu.memory_space<vmem_shared>> -> memref<128xf32, #tpu.memory_space<vmem_shared>>
      tpu.enqueue_dma source(%arg6 : memref<128xf32, #tpu.memory_space<vmem>>) target(%dma_start3A_111 : memref<128xf32, #tpu.memory_space<vmem_shared>>) target_semaphore(%run_scoped3A : memref<!tpu.dma_semaphore, #tpu.memory_space<semaphore_mem>>)
      %dma_wait3A = tpu.memref_slice %arg7[%add3A_101] : memref<10240xf32, #tpu.memory_space<vmem_shared>> -> memref<128xf32, #tpu.memory_space<vmem_shared>>
      %dma_wait3A_112 = tpu.memref_slice %arg7[%add3A_101] : memref<10240xf32, #tpu.memory_space<vmem_shared>> -> memref<128xf32, #tpu.memory_space<vmem_shared>>
      tpu.wait_dma2 semaphore(%run_scoped3A : memref<!tpu.dma_semaphore, #tpu.memory_space<semaphore_mem>>) src(%arg6 : memref<128xf32, #tpu.memory_space<vmem>>) dst(%dma_wait3A_112 : memref<128xf32, #tpu.memory_space<vmem_shared>>)
      tpu.yield
    }) : () -> ()
    %add3A_102 = arith.constant 512 : i32
    %add3A_103 = arith.addi %mul3A_94, %add3A_102 : i32
    "tpu.region"() ({
      %run_scoped3A = tpu.sem_alloc : memref<!tpu.dma_semaphore, #tpu.memory_space<semaphore_mem>>
      %dma_start3A = tpu.memref_slice %arg7[%add3A_103] : memref<10240xf32, #tpu.memory_space<vmem_shared>> -> memref<128xf32, #tpu.memory_space<vmem_shared>>
      %dma_start3A_111 = tpu.memref_slice %arg7[%add3A_103] : memref<10240xf32, #tpu.memory_space<vmem_shared>> -> memref<128xf32, #tpu.memory_space<vmem_shared>>
      tpu.enqueue_dma source(%arg6 : memref<128xf32, #tpu.memory_space<vmem>>) target(%dma_start3A_111 : memref<128xf32, #tpu.memory_space<vmem_shared>>) target_semaphore(%run_scoped3A : memref<!tpu.dma_semaphore, #tpu.memory_space<semaphore_mem>>)
      %dma_wait3A = tpu.memref_slice %arg7[%add3A_103] : memref<10240xf32, #tpu.memory_space<vmem_shared>> -> memref<128xf32, #tpu.memory_space<vmem_shared>>
      %dma_wait3A_112 = tpu.memref_slice %arg7[%add3A_103] : memref<10240xf32, #tpu.memory_space<vmem_shared>> -> memref<128xf32, #tpu.memory_space<vmem_shared>>
      tpu.wait_dma2 semaphore(%run_scoped3A : memref<!tpu.dma_semaphore, #tpu.memory_space<semaphore_mem>>) src(%arg6 : memref<128xf32, #tpu.memory_space<vmem>>) dst(%dma_wait3A_112 : memref<128xf32, #tpu.memory_space<vmem_shared>>)
      tpu.yield
    }) : () -> ()
    %barrier3A = arith.constant 0 : index
    tpu.barrier barrier_id(%barrier3A)
    %mul3A_104 = arith.constant 80 : i32
    %mul3A_105 = arith.muli %arg0, %mul3A_104 : i32
    "tpu.region"() ({
      %run_scoped3A = tpu.sem_alloc : memref<!tpu.dma_semaphore, #tpu.memory_space<semaphore_mem>>
      %dma_start3A = arith.constant 0 : i32
      %dma_start3A_111 = tpu.memref_slice %arg2[%arg1, %mul3A_105, %dma_start3A] : memref<16x160x64xi32, #tpu.memory_space<hbm>> -> memref<1x80x64xi32, #tpu.memory_space<hbm>>
      %dma_start3A_112 = tpu.memref_squeeze %dma_start3A_111 : memref<1x80x64xi32, #tpu.memory_space<hbm>> -> memref<80x64xi32, #tpu.memory_space<hbm>>
      %dma_start3A_113 = arith.constant 0 : i32
      %dma_start3A_114 = tpu.memref_slice %arg2[%arg1, %mul3A_105, %dma_start3A_113] : memref<16x160x64xi32, #tpu.memory_space<hbm>> -> memref<1x80x64xi32, #tpu.memory_space<hbm>>
      %dma_start3A_115 = tpu.memref_squeeze %dma_start3A_114 : memref<1x80x64xi32, #tpu.memory_space<hbm>> -> memref<80x64xi32, #tpu.memory_space<hbm>>
      tpu.enqueue_dma source(%dma_start3A_115 : memref<80x64xi32, #tpu.memory_space<hbm>>) target(%arg4 : memref<80x64xi32, #tpu.memory_space<vmem>>) target_semaphore(%run_scoped3A : memref<!tpu.dma_semaphore, #tpu.memory_space<semaphore_mem>>)
      %dma_wait3A = arith.constant 0 : i32
      %dma_wait3A_116 = tpu.memref_slice %arg2[%arg1, %mul3A_105, %dma_wait3A] : memref<16x160x64xi32, #tpu.memory_space<hbm>> -> memref<1x80x64xi32, #tpu.memory_space<hbm>>
      %dma_wait3A_117 = tpu.memref_squeeze %dma_wait3A_116 : memref<1x80x64xi32, #tpu.memory_space<hbm>> -> memref<80x64xi32, #tpu.memory_space<hbm>>
      %dma_wait3A_118 = arith.constant 0 : i32
      %dma_wait3A_119 = tpu.memref_slice %arg2[%arg1, %mul3A_105, %dma_wait3A_118] : memref<16x160x64xi32, #tpu.memory_space<hbm>> -> memref<1x80x64xi32, #tpu.memory_space<hbm>>
      %dma_wait3A_120 = tpu.memref_squeeze %dma_wait3A_119 : memref<1x80x64xi32, #tpu.memory_space<hbm>> -> memref<80x64xi32, #tpu.memory_space<hbm>>
      tpu.wait_dma2 semaphore(%run_scoped3A : memref<!tpu.dma_semaphore, #tpu.memory_space<semaphore_mem>>) src(%dma_wait3A_120 : memref<80x64xi32, #tpu.memory_space<hbm>>) dst(%arg4 : memref<80x64xi32, #tpu.memory_space<vmem>>)
      tpu.yield
    }) : () -> ()
    %scan3A = arith.constant 0 : i32
    %scan3A_106 = arith.constant 80 : i32
    %scan3A_107 = arith.addi %scan3A, %scan3A_106 : i32
    %scan3A_108 = arith.constant 1 : i32
    scf.for %scan3A_111 = %scan3A to %scan3A_107 step %scan3A_108  : i32 {
      %mul3A_112 = arith.constant 1 : i32
      %mul3A_113 = arith.muli %scan3A_111, %mul3A_112 : i32
      %add3A_114 = arith.constant 0 : i32
      %add3A_115 = arith.addi %add3A_114, %mul3A_113 : i32
      "tpu.region"() ({
        %run_scoped3A = tpu.sem_alloc : memref<!tpu.dma_semaphore, #tpu.memory_space<semaphore_mem>>
        %dma_start3A = arith.constant 0 : i32
        %dma_start3A_116 = tpu.memref_slice %arg5[%dma_start3A] : memref<128xf32, #tpu.memory_space<vmem>> -> memref<64xf32, #tpu.memory_space<vmem>>
        %dma_start3A_117 = arith.constant 0 : i32
        %dma_start3A_118 = tpu.memref_slice %arg4[%add3A_115, %dma_start3A_117] : memref<80x64xi32, #tpu.memory_space<vmem>> -> memref<1x64xi32, #tpu.memory_space<vmem>>
        %dma_start3A_119 = tpu.memref_squeeze %dma_start3A_118 : memref<1x64xi32, #tpu.memory_space<vmem>> -> memref<64xi32, #tpu.memory_space<vmem>>
        %dma_start3A_120 = arith.constant 0 : i32
        %dma_start3A_121 = tpu.memref_slice %arg7[%dma_start3A_120] : memref<10240xf32, #tpu.memory_space<vmem_shared>> -> memref<10240xf32, #tpu.memory_space<vmem_shared>>
        tpu.enqueue_indirect_dma source(%dma_start3A_116 : memref<64xf32, #tpu.memory_space<vmem>>) target(%dma_start3A_121 : memref<10240xf32, #tpu.memory_space<vmem_shared>>) offsets(%dma_start3A_119 : memref<64xi32, #tpu.memory_space<vmem>>) semaphore(%run_scoped3A : memref<!tpu.dma_semaphore, #tpu.memory_space<semaphore_mem>>) {add = true}
        %dma_wait3A = arith.constant 0 : i32
        %dma_wait3A_122 = tpu.memref_slice %arg5[%dma_wait3A] : memref<128xf32, #tpu.memory_space<vmem>> -> memref<64xf32, #tpu.memory_space<vmem>>
        %dma_wait3A_123 = arith.constant 0 : i32
        %dma_wait3A_124 = tpu.memref_slice %arg4[%add3A_115, %dma_wait3A_123] : memref<80x64xi32, #tpu.memory_space<vmem>> -> memref<1x64xi32, #tpu.memory_space<vmem>>
        %dma_wait3A_125 = tpu.memref_squeeze %dma_wait3A_124 : memref<1x64xi32, #tpu.memory_space<vmem>> -> memref<64xi32, #tpu.memory_space<vmem>>
        %dma_wait3A_126 = arith.constant 0 : i32
        %dma_wait3A_127 = tpu.memref_slice %arg7[%dma_wait3A_126] : memref<10240xf32, #tpu.memory_space<vmem_shared>> -> memref<10240xf32, #tpu.memory_space<vmem_shared>>
        tpu.wait_indirect_dma semaphore(%run_scoped3A : memref<!tpu.dma_semaphore, #tpu.memory_space<semaphore_mem>>) src(%dma_wait3A_122 : memref<64xf32, #tpu.memory_space<vmem>>) dst(%dma_wait3A_127 : memref<10240xf32, #tpu.memory_space<vmem_shared>>)
        tpu.yield
      }) : () -> ()
    }
    %scan3A_109 = arith.constant 80 : i32
    %barrier3A_110 = arith.constant 0 : index
    tpu.barrier barrier_id(%barrier3A_110)
    "tpu.region"() ({
      %run_scoped3A = tpu.sem_alloc : memref<!tpu.dma_semaphore, #tpu.memory_space<semaphore_mem>>
      %dma_start3A = tpu.memref_slice %arg3[%arg0, %mul3A_94] : memref<2x10240xf32, #tpu.memory_space<hbm>> -> memref<1x640xf32, #tpu.memory_space<hbm>>
      %dma_start3A_111 = tpu.memref_squeeze %dma_start3A : memref<1x640xf32, #tpu.memory_space<hbm>> -> memref<640xf32, #tpu.memory_space<hbm>>
      %dma_start3A_112 = tpu.memref_slice %arg7[%mul3A_94] : memref<10240xf32, #tpu.memory_space<vmem_shared>> -> memref<640xf32, #tpu.memory_space<vmem_shared>>
      tpu.enqueue_dma source(%dma_start3A_112 : memref<640xf32, #tpu.memory_space<vmem_shared>>) target(%dma_start3A_111 : memref<640xf32, #tpu.memory_space<hbm>>) target_semaphore(%run_scoped3A : memref<!tpu.dma_semaphore, #tpu.memory_space<semaphore_mem>>)
      %dma_wait3A = tpu.memref_slice %arg3[%arg0, %mul3A_94] : memref<2x10240xf32, #tpu.memory_space<hbm>> -> memref<1x640xf32, #tpu.memory_space<hbm>>
      %dma_wait3A_113 = tpu.memref_squeeze %dma_wait3A : memref<1x640xf32, #tpu.memory_space<hbm>> -> memref<640xf32, #tpu.memory_space<hbm>>
      %dma_wait3A_114 = tpu.memref_slice %arg7[%mul3A_94] : memref<10240xf32, #tpu.memory_space<vmem_shared>> -> memref<640xf32, #tpu.memory_space<vmem_shared>>
      tpu.wait_dma2 semaphore(%run_scoped3A : memref<!tpu.dma_semaphore, #tpu.memory_space<semaphore_mem>>) src(%dma_wait3A_114 : memref<640xf32, #tpu.memory_space<vmem_shared>>) dst(%dma_wait3A_113 : memref<640xf32, #tpu.memory_space<hbm>>)
      tpu.yield
    }) : () -> ()
    return
  }
}

#map = affine_map<(d0, d1) -> (0, 0, 0)>
module attributes {stable_mosaic.version = 14 : i64} {
  func.func @_conv_kernel(%arg0: i32, %arg1: i32, %arg2: memref<2x10240x128xf32, #tpu.memory_space<hbm>>, %arg3: memref<16x160x64xi32, #tpu.memory_space<hbm>>, %arg4: memref<16x160x64xi32, #tpu.memory_space<hbm>>, %arg5: memref<2x10240x128xf32, #tpu.memory_space<hbm>>, %arg6: memref<32x64xi32, #tpu.memory_space<vmem>>, %arg7: memref<32x64xi32, #tpu.memory_space<vmem>>, %arg8: memref<64x128xf32, #tpu.memory_space<vmem>>, %arg9: memref<64x128xf32, #tpu.memory_space<vmem>>, %arg10: memref<64x128xf32, #tpu.memory_space<vmem>>, %arg11: memref<64x128xf32, #tpu.memory_space<vmem>>, %arg12: memref<10240x128xf32, #tpu.memory_space<vmem_shared>>, %arg13: memref<!tpu.dma_semaphore, #tpu.memory_space<semaphore_mem>>, %arg14: memref<!tpu.dma_semaphore, #tpu.memory_space<semaphore_mem>>, %arg15: memref<!tpu.dma_semaphore, #tpu.memory_space<semaphore_mem>>, %arg16: memref<!tpu.dma_semaphore, #tpu.memory_space<semaphore_mem>>) attributes {dimension_semantics = [#tpu.dimension_semantics<core_parallel>, #tpu.dimension_semantics<subcore_parallel>], iteration_bounds = array<i64: 2, 16>, scalar_prefetch = 0 : i64, scratch_operands = 11 : i64, tpu.core_type = #tpu.core_type<sc_vector_subcore>, window_params = [{transform_indices = #map}, {transform_indices = #map}, {transform_indices = #map}, {transform_indices = #map}]} {
    %mul3A = arith.constant 640 : i32
    %mul3A_0 = arith.muli %arg1, %mul3A : i32
    %scan3A = arith.constant 0 : i32
    %scan3A_1 = arith.constant 64 : i32
    %scan3A_2 = arith.addi %scan3A, %scan3A_1 : i32
    %scan3A_3 = arith.constant 1 : i32
    scf.for %scan3A_30 = %scan3A to %scan3A_2 step %scan3A_3  : i32 {
      %mul3A_31 = arith.constant 1 : i32
      %mul3A_32 = arith.muli %scan3A_30, %mul3A_31 : i32
      %add3A_33 = arith.constant 0 : i32
      %add3A_34 = arith.addi %add3A_33, %mul3A_32 : i32
      %broadcast_in_dim3A = arith.constant 0.000000e+00 : f32
      %broadcast_in_dim3A_35 = vector.broadcast %broadcast_in_dim3A : f32 to vector<16xf32>
      %swap3A = arith.index_cast %add3A_34 : i32 to index
      %swap3A_36 = arith.constant 0 : index
      %swap3A_37 = tpu.vector_load %arg8[%swap3A, %swap3A_36] {strides = array<i32>} : memref<64x128xf32, #tpu.memory_space<vmem>>, vector<1x16xf32>,
      %swap3A_38 = vector.shape_cast %swap3A_37 : vector<1x16xf32> to vector<16xf32>
      %swap3A_39 = vector.shape_cast %broadcast_in_dim3A_35 : vector<16xf32> to vector<1x16xf32>
      tpu.vector_store %arg8[%swap3A, %swap3A_36], %swap3A_39 {strides = array<i32>} : memref<64x128xf32, #tpu.memory_space<vmem>>, vector<1x16xf32>,
      %broadcast_in_dim3A_40 = arith.constant 0.000000e+00 : f32
      %broadcast_in_dim3A_41 = vector.broadcast %broadcast_in_dim3A_40 : f32 to vector<16xf32>
      %swap3A_42 = arith.index_cast %add3A_34 : i32 to index
      %swap3A_43 = arith.constant 16 : index
      %swap3A_44 = tpu.vector_load %arg8[%swap3A_42, %swap3A_43] {strides = array<i32>} : memref<64x128xf32, #tpu.memory_space<vmem>>, vector<1x16xf32>,
      %swap3A_45 = vector.shape_cast %swap3A_44 : vector<1x16xf32> to vector<16xf32>
      %swap3A_46 = vector.shape_cast %broadcast_in_dim3A_41 : vector<16xf32> to vector<1x16xf32>
      tpu.vector_store %arg8[%swap3A_42, %swap3A_43], %swap3A_46 {strides = array<i32>} : memref<64x128xf32, #tpu.memory_space<vmem>>, vector<1x16xf32>,
      %broadcast_in_dim3A_47 = arith.constant 0.000000e+00 : f32
      %broadcast_in_dim3A_48 = vector.broadcast %broadcast_in_dim3A_47 : f32 to vector<16xf32>
      %swap3A_49 = arith.index_cast %add3A_34 : i32 to index
      %swap3A_50 = arith.constant 32 : index
      %swap3A_51 = tpu.vector_load %arg8[%swap3A_49, %swap3A_50] {strides = array<i32>} : memref<64x128xf32, #tpu.memory_space<vmem>>, vector<1x16xf32>,
      %swap3A_52 = vector.shape_cast %swap3A_51 : vector<1x16xf32> to vector<16xf32>
      %swap3A_53 = vector.shape_cast %broadcast_in_dim3A_48 : vector<16xf32> to vector<1x16xf32>
      tpu.vector_store %arg8[%swap3A_49, %swap3A_50], %swap3A_53 {strides = array<i32>} : memref<64x128xf32, #tpu.memory_space<vmem>>, vector<1x16xf32>,
      %broadcast_in_dim3A_54 = arith.constant 0.000000e+00 : f32
      %broadcast_in_dim3A_55 = vector.broadcast %broadcast_in_dim3A_54 : f32 to vector<16xf32>
      %swap3A_56 = arith.index_cast %add3A_34 : i32 to index
      %swap3A_57 = arith.constant 48 : index
      %swap3A_58 = tpu.vector_load %arg8[%swap3A_56, %swap3A_57] {strides = array<i32>} : memref<64x128xf32, #tpu.memory_space<vmem>>, vector<1x16xf32>,
      %swap3A_59 = vector.shape_cast %swap3A_58 : vector<1x16xf32> to vector<16xf32>
      %swap3A_60 = vector.shape_cast %broadcast_in_dim3A_55 : vector<16xf32> to vector<1x16xf32>
      tpu.vector_store %arg8[%swap3A_56, %swap3A_57], %swap3A_60 {strides = array<i32>} : memref<64x128xf32, #tpu.memory_space<vmem>>, vector<1x16xf32>,
      %broadcast_in_dim3A_61 = arith.constant 0.000000e+00 : f32
      %broadcast_in_dim3A_62 = vector.broadcast %broadcast_in_dim3A_61 : f32 to vector<16xf32>
      %swap3A_63 = arith.index_cast %add3A_34 : i32 to index
      %swap3A_64 = arith.constant 64 : index
      %swap3A_65 = tpu.vector_load %arg8[%swap3A_63, %swap3A_64] {strides = array<i32>} : memref<64x128xf32, #tpu.memory_space<vmem>>, vector<1x16xf32>,
      %swap3A_66 = vector.shape_cast %swap3A_65 : vector<1x16xf32> to vector<16xf32>
      %swap3A_67 = vector.shape_cast %broadcast_in_dim3A_62 : vector<16xf32> to vector<1x16xf32>
      tpu.vector_store %arg8[%swap3A_63, %swap3A_64], %swap3A_67 {strides = array<i32>} : memref<64x128xf32, #tpu.memory_space<vmem>>, vector<1x16xf32>,
      %broadcast_in_dim3A_68 = arith.constant 0.000000e+00 : f32
      %broadcast_in_dim3A_69 = vector.broadcast %broadcast_in_dim3A_68 : f32 to vector<16xf32>
      %swap3A_70 = arith.index_cast %add3A_34 : i32 to index
      %swap3A_71 = arith.constant 80 : index
      %swap3A_72 = tpu.vector_load %arg8[%swap3A_70, %swap3A_71] {strides = array<i32>} : memref<64x128xf32, #tpu.memory_space<vmem>>, vector<1x16xf32>,
      %swap3A_73 = vector.shape_cast %swap3A_72 : vector<1x16xf32> to vector<16xf32>
      %swap3A_74 = vector.shape_cast %broadcast_in_dim3A_69 : vector<16xf32> to vector<1x16xf32>
      tpu.vector_store %arg8[%swap3A_70, %swap3A_71], %swap3A_74 {strides = array<i32>} : memref<64x128xf32, #tpu.memory_space<vmem>>, vector<1x16xf32>,
      %broadcast_in_dim3A_75 = arith.constant 0.000000e+00 : f32
      %broadcast_in_dim3A_76 = vector.broadcast %broadcast_in_dim3A_75 : f32 to vector<16xf32>
      %swap3A_77 = arith.index_cast %add3A_34 : i32 to index
      %swap3A_78 = arith.constant 96 : index
      %swap3A_79 = tpu.vector_load %arg8[%swap3A_77, %swap3A_78] {strides = array<i32>} : memref<64x128xf32, #tpu.memory_space<vmem>>, vector<1x16xf32>,
      %swap3A_80 = vector.shape_cast %swap3A_79 : vector<1x16xf32> to vector<16xf32>
      %swap3A_81 = vector.shape_cast %broadcast_in_dim3A_76 : vector<16xf32> to vector<1x16xf32>
      tpu.vector_store %arg8[%swap3A_77, %swap3A_78], %swap3A_81 {strides = array<i32>} : memref<64x128xf32, #tpu.memory_space<vmem>>, vector<1x16xf32>,
      %broadcast_in_dim3A_82 = arith.constant 0.000000e+00 : f32
      %broadcast_in_dim3A_83 = vector.broadcast %broadcast_in_dim3A_82 : f32 to vector<16xf32>
      %swap3A_84 = arith.index_cast %add3A_34 : i32 to index
      %swap3A_85 = arith.constant 112 : index
      %swap3A_86 = tpu.vector_load %arg8[%swap3A_84, %swap3A_85] {strides = array<i32>} : memref<64x128xf32, #tpu.memory_space<vmem>>, vector<1x16xf32>,
      %swap3A_87 = vector.shape_cast %swap3A_86 : vector<1x16xf32> to vector<16xf32>
      %swap3A_88 = vector.shape_cast %broadcast_in_dim3A_83 : vector<16xf32> to vector<1x16xf32>
      tpu.vector_store %arg8[%swap3A_84, %swap3A_85], %swap3A_88 {strides = array<i32>} : memref<64x128xf32, #tpu.memory_space<vmem>>, vector<1x16xf32>,
    }
    %scan3A_4 = arith.constant 64 : i32
    %add3A = arith.constant 0 : i32
    %add3A_5 = arith.addi %mul3A_0, %add3A : i32
    "tpu.region"() ({
      %run_scoped3A = tpu.sem_alloc : memref<!tpu.dma_semaphore, #tpu.memory_space<semaphore_mem>>
      %dma_start3A = arith.constant 0 : i32
      %dma_start3A_30 = tpu.memref_slice %arg12[%add3A_5, %dma_start3A] : memref<10240x128xf32, #tpu.memory_space<vmem_shared>> -> memref<64x128xf32, #tpu.memory_space<vmem_shared>>
      %dma_start3A_31 = arith.constant 0 : i32
      %dma_start3A_32 = tpu.memref_slice %arg12[%add3A_5, %dma_start3A_31] : memref<10240x128xf32, #tpu.memory_space<vmem_shared>> -> memref<64x128xf32, #tpu.memory_space<vmem_shared>>
      tpu.enqueue_dma source(%arg8 : memref<64x128xf32, #tpu.memory_space<vmem>>) target(%dma_start3A_32 : memref<64x128xf32, #tpu.memory_space<vmem_shared>>) target_semaphore(%run_scoped3A : memref<!tpu.dma_semaphore, #tpu.memory_space<semaphore_mem>>)
      %dma_wait3A = arith.constant 0 : i32
      %dma_wait3A_33 = tpu.memref_slice %arg12[%add3A_5, %dma_wait3A] : memref<10240x128xf32, #tpu.memory_space<vmem_shared>> -> memref<64x128xf32, #tpu.memory_space<vmem_shared>>
      %dma_wait3A_34 = arith.constant 0 : i32
      %dma_wait3A_35 = tpu.memref_slice %arg12[%add3A_5, %dma_wait3A_34] : memref<10240x128xf32, #tpu.memory_space<vmem_shared>> -> memref<64x128xf32, #tpu.memory_space<vmem_shared>>
      tpu.wait_dma2 semaphore(%run_scoped3A : memref<!tpu.dma_semaphore, #tpu.memory_space<semaphore_mem>>) src(%arg8 : memref<64x128xf32, #tpu.memory_space<vmem>>) dst(%dma_wait3A_35 : memref<64x128xf32, #tpu.memory_space<vmem_shared>>)
      tpu.yield
    }) : () -> ()
    %add3A_6 = arith.constant 64 : i32
    %add3A_7 = arith.addi %mul3A_0, %add3A_6 : i32
    "tpu.region"() ({
      %run_scoped3A = tpu.sem_alloc : memref<!tpu.dma_semaphore, #tpu.memory_space<semaphore_mem>>
      %dma_start3A = arith.constant 0 : i32
      %dma_start3A_30 = tpu.memref_slice %arg12[%add3A_7, %dma_start3A] : memref<10240x128xf32, #tpu.memory_space<vmem_shared>> -> memref<64x128xf32, #tpu.memory_space<vmem_shared>>
      %dma_start3A_31 = arith.constant 0 : i32
      %dma_start3A_32 = tpu.memref_slice %arg12[%add3A_7, %dma_start3A_31] : memref<10240x128xf32, #tpu.memory_space<vmem_shared>> -> memref<64x128xf32, #tpu.memory_space<vmem_shared>>
      tpu.enqueue_dma source(%arg8 : memref<64x128xf32, #tpu.memory_space<vmem>>) target(%dma_start3A_32 : memref<64x128xf32, #tpu.memory_space<vmem_shared>>) target_semaphore(%run_scoped3A : memref<!tpu.dma_semaphore, #tpu.memory_space<semaphore_mem>>)
      %dma_wait3A = arith.constant 0 : i32
      %dma_wait3A_33 = tpu.memref_slice %arg12[%add3A_7, %dma_wait3A] : memref<10240x128xf32, #tpu.memory_space<vmem_shared>> -> memref<64x128xf32, #tpu.memory_space<vmem_shared>>
      %dma_wait3A_34 = arith.constant 0 : i32
      %dma_wait3A_35 = tpu.memref_slice %arg12[%add3A_7, %dma_wait3A_34] : memref<10240x128xf32, #tpu.memory_space<vmem_shared>> -> memref<64x128xf32, #tpu.memory_space<vmem_shared>>
      tpu.wait_dma2 semaphore(%run_scoped3A : memref<!tpu.dma_semaphore, #tpu.memory_space<semaphore_mem>>) src(%arg8 : memref<64x128xf32, #tpu.memory_space<vmem>>) dst(%dma_wait3A_35 : memref<64x128xf32, #tpu.memory_space<vmem_shared>>)
      tpu.yield
    }) : () -> ()
    %add3A_8 = arith.constant 128 : i32
    %add3A_9 = arith.addi %mul3A_0, %add3A_8 : i32
    "tpu.region"() ({
      %run_scoped3A = tpu.sem_alloc : memref<!tpu.dma_semaphore, #tpu.memory_space<semaphore_mem>>
      %dma_start3A = arith.constant 0 : i32
      %dma_start3A_30 = tpu.memref_slice %arg12[%add3A_9, %dma_start3A] : memref<10240x128xf32, #tpu.memory_space<vmem_shared>> -> memref<64x128xf32, #tpu.memory_space<vmem_shared>>
      %dma_start3A_31 = arith.constant 0 : i32
      %dma_start3A_32 = tpu.memref_slice %arg12[%add3A_9, %dma_start3A_31] : memref<10240x128xf32, #tpu.memory_space<vmem_shared>> -> memref<64x128xf32, #tpu.memory_space<vmem_shared>>
      tpu.enqueue_dma source(%arg8 : memref<64x128xf32, #tpu.memory_space<vmem>>) target(%dma_start3A_32 : memref<64x128xf32, #tpu.memory_space<vmem_shared>>) target_semaphore(%run_scoped3A : memref<!tpu.dma_semaphore, #tpu.memory_space<semaphore_mem>>)
      %dma_wait3A = arith.constant 0 : i32
      %dma_wait3A_33 = tpu.memref_slice %arg12[%add3A_9, %dma_wait3A] : memref<10240x128xf32, #tpu.memory_space<vmem_shared>> -> memref<64x128xf32, #tpu.memory_space<vmem_shared>>
      %dma_wait3A_34 = arith.constant 0 : i32
      %dma_wait3A_35 = tpu.memref_slice %arg12[%add3A_9, %dma_wait3A_34] : memref<10240x128xf32, #tpu.memory_space<vmem_shared>> -> memref<64x128xf32, #tpu.memory_space<vmem_shared>>
      tpu.wait_dma2 semaphore(%run_scoped3A : memref<!tpu.dma_semaphore, #tpu.memory_space<semaphore_mem>>) src(%arg8 : memref<64x128xf32, #tpu.memory_space<vmem>>) dst(%dma_wait3A_35 : memref<64x128xf32, #tpu.memory_space<vmem_shared>>)
      tpu.yield
    }) : () -> ()
    %add3A_10 = arith.constant 192 : i32
    %add3A_11 = arith.addi %mul3A_0, %add3A_10 : i32
    "tpu.region"() ({
      %run_scoped3A = tpu.sem_alloc : memref<!tpu.dma_semaphore, #tpu.memory_space<semaphore_mem>>
      %dma_start3A = arith.constant 0 : i32
      %dma_start3A_30 = tpu.memref_slice %arg12[%add3A_11, %dma_start3A] : memref<10240x128xf32, #tpu.memory_space<vmem_shared>> -> memref<64x128xf32, #tpu.memory_space<vmem_shared>>
      %dma_start3A_31 = arith.constant 0 : i32
      %dma_start3A_32 = tpu.memref_slice %arg12[%add3A_11, %dma_start3A_31] : memref<10240x128xf32, #tpu.memory_space<vmem_shared>> -> memref<64x128xf32, #tpu.memory_space<vmem_shared>>
      tpu.enqueue_dma source(%arg8 : memref<64x128xf32, #tpu.memory_space<vmem>>) target(%dma_start3A_32 : memref<64x128xf32, #tpu.memory_space<vmem_shared>>) target_semaphore(%run_scoped3A : memref<!tpu.dma_semaphore, #tpu.memory_space<semaphore_mem>>)
      %dma_wait3A = arith.constant 0 : i32
      %dma_wait3A_33 = tpu.memref_slice %arg12[%add3A_11, %dma_wait3A] : memref<10240x128xf32, #tpu.memory_space<vmem_shared>> -> memref<64x128xf32, #tpu.memory_space<vmem_shared>>
      %dma_wait3A_34 = arith.constant 0 : i32
      %dma_wait3A_35 = tpu.memref_slice %arg12[%add3A_11, %dma_wait3A_34] : memref<10240x128xf32, #tpu.memory_space<vmem_shared>> -> memref<64x128xf32, #tpu.memory_space<vmem_shared>>
      tpu.wait_dma2 semaphore(%run_scoped3A : memref<!tpu.dma_semaphore, #tpu.memory_space<semaphore_mem>>) src(%arg8 : memref<64x128xf32, #tpu.memory_space<vmem>>) dst(%dma_wait3A_35 : memref<64x128xf32, #tpu.memory_space<vmem_shared>>)
      tpu.yield
    }) : () -> ()
    %add3A_12 = arith.constant 256 : i32
    %add3A_13 = arith.addi %mul3A_0, %add3A_12 : i32
    "tpu.region"() ({
      %run_scoped3A = tpu.sem_alloc : memref<!tpu.dma_semaphore, #tpu.memory_space<semaphore_mem>>
      %dma_start3A = arith.constant 0 : i32
      %dma_start3A_30 = tpu.memref_slice %arg12[%add3A_13, %dma_start3A] : memref<10240x128xf32, #tpu.memory_space<vmem_shared>> -> memref<64x128xf32, #tpu.memory_space<vmem_shared>>
      %dma_start3A_31 = arith.constant 0 : i32
      %dma_start3A_32 = tpu.memref_slice %arg12[%add3A_13, %dma_start3A_31] : memref<10240x128xf32, #tpu.memory_space<vmem_shared>> -> memref<64x128xf32, #tpu.memory_space<vmem_shared>>
      tpu.enqueue_dma source(%arg8 : memref<64x128xf32, #tpu.memory_space<vmem>>) target(%dma_start3A_32 : memref<64x128xf32, #tpu.memory_space<vmem_shared>>) target_semaphore(%run_scoped3A : memref<!tpu.dma_semaphore, #tpu.memory_space<semaphore_mem>>)
      %dma_wait3A = arith.constant 0 : i32
      %dma_wait3A_33 = tpu.memref_slice %arg12[%add3A_13, %dma_wait3A] : memref<10240x128xf32, #tpu.memory_space<vmem_shared>> -> memref<64x128xf32, #tpu.memory_space<vmem_shared>>
      %dma_wait3A_34 = arith.constant 0 : i32
      %dma_wait3A_35 = tpu.memref_slice %arg12[%add3A_13, %dma_wait3A_34] : memref<10240x128xf32, #tpu.memory_space<vmem_shared>> -> memref<64x128xf32, #tpu.memory_space<vmem_shared>>
      tpu.wait_dma2 semaphore(%run_scoped3A : memref<!tpu.dma_semaphore, #tpu.memory_space<semaphore_mem>>) src(%arg8 : memref<64x128xf32, #tpu.memory_space<vmem>>) dst(%dma_wait3A_35 : memref<64x128xf32, #tpu.memory_space<vmem_shared>>)
      tpu.yield
    }) : () -> ()
    %add3A_14 = arith.constant 320 : i32
    %add3A_15 = arith.addi %mul3A_0, %add3A_14 : i32
    "tpu.region"() ({
      %run_scoped3A = tpu.sem_alloc : memref<!tpu.dma_semaphore, #tpu.memory_space<semaphore_mem>>
      %dma_start3A = arith.constant 0 : i32
      %dma_start3A_30 = tpu.memref_slice %arg12[%add3A_15, %dma_start3A] : memref<10240x128xf32, #tpu.memory_space<vmem_shared>> -> memref<64x128xf32, #tpu.memory_space<vmem_shared>>
      %dma_start3A_31 = arith.constant 0 : i32
      %dma_start3A_32 = tpu.memref_slice %arg12[%add3A_15, %dma_start3A_31] : memref<10240x128xf32, #tpu.memory_space<vmem_shared>> -> memref<64x128xf32, #tpu.memory_space<vmem_shared>>
      tpu.enqueue_dma source(%arg8 : memref<64x128xf32, #tpu.memory_space<vmem>>) target(%dma_start3A_32 : memref<64x128xf32, #tpu.memory_space<vmem_shared>>) target_semaphore(%run_scoped3A : memref<!tpu.dma_semaphore, #tpu.memory_space<semaphore_mem>>)
      %dma_wait3A = arith.constant 0 : i32
      %dma_wait3A_33 = tpu.memref_slice %arg12[%add3A_15, %dma_wait3A] : memref<10240x128xf32, #tpu.memory_space<vmem_shared>> -> memref<64x128xf32, #tpu.memory_space<vmem_shared>>
      %dma_wait3A_34 = arith.constant 0 : i32
      %dma_wait3A_35 = tpu.memref_slice %arg12[%add3A_15, %dma_wait3A_34] : memref<10240x128xf32, #tpu.memory_space<vmem_shared>> -> memref<64x128xf32, #tpu.memory_space<vmem_shared>>
      tpu.wait_dma2 semaphore(%run_scoped3A : memref<!tpu.dma_semaphore, #tpu.memory_space<semaphore_mem>>) src(%arg8 : memref<64x128xf32, #tpu.memory_space<vmem>>) dst(%dma_wait3A_35 : memref<64x128xf32, #tpu.memory_space<vmem_shared>>)
      tpu.yield
    }) : () -> ()
    %add3A_16 = arith.constant 384 : i32
    %add3A_17 = arith.addi %mul3A_0, %add3A_16 : i32
    "tpu.region"() ({
      %run_scoped3A = tpu.sem_alloc : memref<!tpu.dma_semaphore, #tpu.memory_space<semaphore_mem>>
      %dma_start3A = arith.constant 0 : i32
      %dma_start3A_30 = tpu.memref_slice %arg12[%add3A_17, %dma_start3A] : memref<10240x128xf32, #tpu.memory_space<vmem_shared>> -> memref<64x128xf32, #tpu.memory_space<vmem_shared>>
      %dma_start3A_31 = arith.constant 0 : i32
      %dma_start3A_32 = tpu.memref_slice %arg12[%add3A_17, %dma_start3A_31] : memref<10240x128xf32, #tpu.memory_space<vmem_shared>> -> memref<64x128xf32, #tpu.memory_space<vmem_shared>>
      tpu.enqueue_dma source(%arg8 : memref<64x128xf32, #tpu.memory_space<vmem>>) target(%dma_start3A_32 : memref<64x128xf32, #tpu.memory_space<vmem_shared>>) target_semaphore(%run_scoped3A : memref<!tpu.dma_semaphore, #tpu.memory_space<semaphore_mem>>)
      %dma_wait3A = arith.constant 0 : i32
      %dma_wait3A_33 = tpu.memref_slice %arg12[%add3A_17, %dma_wait3A] : memref<10240x128xf32, #tpu.memory_space<vmem_shared>> -> memref<64x128xf32, #tpu.memory_space<vmem_shared>>
      %dma_wait3A_34 = arith.constant 0 : i32
      %dma_wait3A_35 = tpu.memref_slice %arg12[%add3A_17, %dma_wait3A_34] : memref<10240x128xf32, #tpu.memory_space<vmem_shared>> -> memref<64x128xf32, #tpu.memory_space<vmem_shared>>
      tpu.wait_dma2 semaphore(%run_scoped3A : memref<!tpu.dma_semaphore, #tpu.memory_space<semaphore_mem>>) src(%arg8 : memref<64x128xf32, #tpu.memory_space<vmem>>) dst(%dma_wait3A_35 : memref<64x128xf32, #tpu.memory_space<vmem_shared>>)
      tpu.yield
    }) : () -> ()
    %add3A_18 = arith.constant 448 : i32
    %add3A_19 = arith.addi %mul3A_0, %add3A_18 : i32
    "tpu.region"() ({
      %run_scoped3A = tpu.sem_alloc : memref<!tpu.dma_semaphore, #tpu.memory_space<semaphore_mem>>
      %dma_start3A = arith.constant 0 : i32
      %dma_start3A_30 = tpu.memref_slice %arg12[%add3A_19, %dma_start3A] : memref<10240x128xf32, #tpu.memory_space<vmem_shared>> -> memref<64x128xf32, #tpu.memory_space<vmem_shared>>
      %dma_start3A_31 = arith.constant 0 : i32
      %dma_start3A_32 = tpu.memref_slice %arg12[%add3A_19, %dma_start3A_31] : memref<10240x128xf32, #tpu.memory_space<vmem_shared>> -> memref<64x128xf32, #tpu.memory_space<vmem_shared>>
      tpu.enqueue_dma source(%arg8 : memref<64x128xf32, #tpu.memory_space<vmem>>) target(%dma_start3A_32 : memref<64x128xf32, #tpu.memory_space<vmem_shared>>) target_semaphore(%run_scoped3A : memref<!tpu.dma_semaphore, #tpu.memory_space<semaphore_mem>>)
      %dma_wait3A = arith.constant 0 : i32
      %dma_wait3A_33 = tpu.memref_slice %arg12[%add3A_19, %dma_wait3A] : memref<10240x128xf32, #tpu.memory_space<vmem_shared>> -> memref<64x128xf32, #tpu.memory_space<vmem_shared>>
      %dma_wait3A_34 = arith.constant 0 : i32
      %dma_wait3A_35 = tpu.memref_slice %arg12[%add3A_19, %dma_wait3A_34] : memref<10240x128xf32, #tpu.memory_space<vmem_shared>> -> memref<64x128xf32, #tpu.memory_space<vmem_shared>>
      tpu.wait_dma2 semaphore(%run_scoped3A : memref<!tpu.dma_semaphore, #tpu.memory_space<semaphore_mem>>) src(%arg8 : memref<64x128xf32, #tpu.memory_space<vmem>>) dst(%dma_wait3A_35 : memref<64x128xf32, #tpu.memory_space<vmem_shared>>)
      tpu.yield
    }) : () -> ()
    %add3A_20 = arith.constant 512 : i32
    %add3A_21 = arith.addi %mul3A_0, %add3A_20 : i32
    "tpu.region"() ({
      %run_scoped3A = tpu.sem_alloc : memref<!tpu.dma_semaphore, #tpu.memory_space<semaphore_mem>>
      %dma_start3A = arith.constant 0 : i32
      %dma_start3A_30 = tpu.memref_slice %arg12[%add3A_21, %dma_start3A] : memref<10240x128xf32, #tpu.memory_space<vmem_shared>> -> memref<64x128xf32, #tpu.memory_space<vmem_shared>>
      %dma_start3A_31 = arith.constant 0 : i32
      %dma_start3A_32 = tpu.memref_slice %arg12[%add3A_21, %dma_start3A_31] : memref<10240x128xf32, #tpu.memory_space<vmem_shared>> -> memref<64x128xf32, #tpu.memory_space<vmem_shared>>
      tpu.enqueue_dma source(%arg8 : memref<64x128xf32, #tpu.memory_space<vmem>>) target(%dma_start3A_32 : memref<64x128xf32, #tpu.memory_space<vmem_shared>>) target_semaphore(%run_scoped3A : memref<!tpu.dma_semaphore, #tpu.memory_space<semaphore_mem>>)
      %dma_wait3A = arith.constant 0 : i32
      %dma_wait3A_33 = tpu.memref_slice %arg12[%add3A_21, %dma_wait3A] : memref<10240x128xf32, #tpu.memory_space<vmem_shared>> -> memref<64x128xf32, #tpu.memory_space<vmem_shared>>
      %dma_wait3A_34 = arith.constant 0 : i32
      %dma_wait3A_35 = tpu.memref_slice %arg12[%add3A_21, %dma_wait3A_34] : memref<10240x128xf32, #tpu.memory_space<vmem_shared>> -> memref<64x128xf32, #tpu.memory_space<vmem_shared>>
      tpu.wait_dma2 semaphore(%run_scoped3A : memref<!tpu.dma_semaphore, #tpu.memory_space<semaphore_mem>>) src(%arg8 : memref<64x128xf32, #tpu.memory_space<vmem>>) dst(%dma_wait3A_35 : memref<64x128xf32, #tpu.memory_space<vmem_shared>>)
      tpu.yield
    }) : () -> ()
    %add3A_22 = arith.constant 576 : i32
    %add3A_23 = arith.addi %mul3A_0, %add3A_22 : i32
    "tpu.region"() ({
      %run_scoped3A = tpu.sem_alloc : memref<!tpu.dma_semaphore, #tpu.memory_space<semaphore_mem>>
      %dma_start3A = arith.constant 0 : i32
      %dma_start3A_30 = tpu.memref_slice %arg12[%add3A_23, %dma_start3A] : memref<10240x128xf32, #tpu.memory_space<vmem_shared>> -> memref<64x128xf32, #tpu.memory_space<vmem_shared>>
      %dma_start3A_31 = arith.constant 0 : i32
      %dma_start3A_32 = tpu.memref_slice %arg12[%add3A_23, %dma_start3A_31] : memref<10240x128xf32, #tpu.memory_space<vmem_shared>> -> memref<64x128xf32, #tpu.memory_space<vmem_shared>>
      tpu.enqueue_dma source(%arg8 : memref<64x128xf32, #tpu.memory_space<vmem>>) target(%dma_start3A_32 : memref<64x128xf32, #tpu.memory_space<vmem_shared>>) target_semaphore(%run_scoped3A : memref<!tpu.dma_semaphore, #tpu.memory_space<semaphore_mem>>)
      %dma_wait3A = arith.constant 0 : i32
      %dma_wait3A_33 = tpu.memref_slice %arg12[%add3A_23, %dma_wait3A] : memref<10240x128xf32, #tpu.memory_space<vmem_shared>> -> memref<64x128xf32, #tpu.memory_space<vmem_shared>>
      %dma_wait3A_34 = arith.constant 0 : i32
      %dma_wait3A_35 = tpu.memref_slice %arg12[%add3A_23, %dma_wait3A_34] : memref<10240x128xf32, #tpu.memory_space<vmem_shared>> -> memref<64x128xf32, #tpu.memory_space<vmem_shared>>
      tpu.wait_dma2 semaphore(%run_scoped3A : memref<!tpu.dma_semaphore, #tpu.memory_space<semaphore_mem>>) src(%arg8 : memref<64x128xf32, #tpu.memory_space<vmem>>) dst(%dma_wait3A_35 : memref<64x128xf32, #tpu.memory_space<vmem_shared>>)
      tpu.yield
    }) : () -> ()
    %barrier3A = arith.constant 0 : index
    tpu.barrier barrier_id(%barrier3A)
    %scan3A_24 = arith.constant 0 : i32
    %scan3A_25 = arith.constant 5 : i32
    %scan3A_26 = arith.addi %scan3A_24, %scan3A_25 : i32
    %scan3A_27 = arith.constant 1 : i32
    scf.for %scan3A_30 = %scan3A_24 to %scan3A_26 step %scan3A_27  : i32 {
      %mul3A_31 = arith.constant 1 : i32
      %mul3A_32 = arith.muli %scan3A_30, %mul3A_31 : i32
      %add3A_33 = arith.constant 0 : i32
      %add3A_34 = arith.addi %add3A_33, %mul3A_32 : i32
      %mul3A_35 = arith.constant 32 : i32
      %mul3A_36 = arith.muli %add3A_34, %mul3A_35 : i32
      "tpu.region"() ({
        %run_scoped3A = tpu.sem_alloc : memref<!tpu.dma_semaphore, #tpu.memory_space<semaphore_mem>>
        %dma_start3A_130 = arith.constant 0 : i32
        %dma_start3A_131 = tpu.memref_slice %arg3[%arg1, %mul3A_36, %dma_start3A_130] : memref<16x160x64xi32, #tpu.memory_space<hbm>> -> memref<1x32x64xi32, #tpu.memory_space<hbm>>
        %dma_start3A_132 = tpu.memref_squeeze %dma_start3A_131 : memref<1x32x64xi32, #tpu.memory_space<hbm>> -> memref<32x64xi32, #tpu.memory_space<hbm>>
        %dma_start3A_133 = arith.constant 0 : i32
        %dma_start3A_134 = tpu.memref_slice %arg3[%arg1, %mul3A_36, %dma_start3A_133] : memref<16x160x64xi32, #tpu.memory_space<hbm>> -> memref<1x32x64xi32, #tpu.memory_space<hbm>>
        %dma_start3A_135 = tpu.memref_squeeze %dma_start3A_134 : memref<1x32x64xi32, #tpu.memory_space<hbm>> -> memref<32x64xi32, #tpu.memory_space<hbm>>
        tpu.enqueue_dma source(%dma_start3A_135 : memref<32x64xi32, #tpu.memory_space<hbm>>) target(%arg6 : memref<32x64xi32, #tpu.memory_space<vmem>>) target_semaphore(%run_scoped3A : memref<!tpu.dma_semaphore, #tpu.memory_space<semaphore_mem>>)
        %dma_wait3A_136 = arith.constant 0 : i32
        %dma_wait3A_137 = tpu.memref_slice %arg3[%arg1, %mul3A_36, %dma_wait3A_136] : memref<16x160x64xi32, #tpu.memory_space<hbm>> -> memref<1x32x64xi32, #tpu.memory_space<hbm>>
        %dma_wait3A_138 = tpu.memref_squeeze %dma_wait3A_137 : memref<1x32x64xi32, #tpu.memory_space<hbm>> -> memref<32x64xi32, #tpu.memory_space<hbm>>
        %dma_wait3A_139 = arith.constant 0 : i32
        %dma_wait3A_140 = tpu.memref_slice %arg3[%arg1, %mul3A_36, %dma_wait3A_139] : memref<16x160x64xi32, #tpu.memory_space<hbm>> -> memref<1x32x64xi32, #tpu.memory_space<hbm>>
        %dma_wait3A_141 = tpu.memref_squeeze %dma_wait3A_140 : memref<1x32x64xi32, #tpu.memory_space<hbm>> -> memref<32x64xi32, #tpu.memory_space<hbm>>
        tpu.wait_dma2 semaphore(%run_scoped3A : memref<!tpu.dma_semaphore, #tpu.memory_space<semaphore_mem>>) src(%dma_wait3A_141 : memref<32x64xi32, #tpu.memory_space<hbm>>) dst(%arg6 : memref<32x64xi32, #tpu.memory_space<vmem>>)
        tpu.yield
      }) : () -> ()
      %mul3A_37 = arith.constant 32 : i32
      %mul3A_38 = arith.muli %add3A_34, %mul3A_37 : i32
      "tpu.region"() ({
        %run_scoped3A = tpu.sem_alloc : memref<!tpu.dma_semaphore, #tpu.memory_space<semaphore_mem>>
        %dma_start3A_130 = arith.constant 0 : i32
        %dma_start3A_131 = tpu.memref_slice %arg4[%arg1, %mul3A_38, %dma_start3A_130] : memref<16x160x64xi32, #tpu.memory_space<hbm>> -> memref<1x32x64xi32, #tpu.memory_space<hbm>>
        %dma_start3A_132 = tpu.memref_squeeze %dma_start3A_131 : memref<1x32x64xi32, #tpu.memory_space<hbm>> -> memref<32x64xi32, #tpu.memory_space<hbm>>
        %dma_start3A_133 = arith.constant 0 : i32
        %dma_start3A_134 = tpu.memref_slice %arg4[%arg1, %mul3A_38, %dma_start3A_133] : memref<16x160x64xi32, #tpu.memory_space<hbm>> -> memref<1x32x64xi32, #tpu.memory_space<hbm>>
        %dma_start3A_135 = tpu.memref_squeeze %dma_start3A_134 : memref<1x32x64xi32, #tpu.memory_space<hbm>> -> memref<32x64xi32, #tpu.memory_space<hbm>>
        tpu.enqueue_dma source(%dma_start3A_135 : memref<32x64xi32, #tpu.memory_space<hbm>>) target(%arg7 : memref<32x64xi32, #tpu.memory_space<vmem>>) target_semaphore(%run_scoped3A : memref<!tpu.dma_semaphore, #tpu.memory_space<semaphore_mem>>)
        %dma_wait3A_136 = arith.constant 0 : i32
        %dma_wait3A_137 = tpu.memref_slice %arg4[%arg1, %mul3A_38, %dma_wait3A_136] : memref<16x160x64xi32, #tpu.memory_space<hbm>> -> memref<1x32x64xi32, #tpu.memory_space<hbm>>
        %dma_wait3A_138 = tpu.memref_squeeze %dma_wait3A_137 : memref<1x32x64xi32, #tpu.memory_space<hbm>> -> memref<32x64xi32, #tpu.memory_space<hbm>>
        %dma_wait3A_139 = arith.constant 0 : i32
        %dma_wait3A_140 = tpu.memref_slice %arg4[%arg1, %mul3A_38, %dma_wait3A_139] : memref<16x160x64xi32, #tpu.memory_space<hbm>> -> memref<1x32x64xi32, #tpu.memory_space<hbm>>
        %dma_wait3A_141 = tpu.memref_squeeze %dma_wait3A_140 : memref<1x32x64xi32, #tpu.memory_space<hbm>> -> memref<32x64xi32, #tpu.memory_space<hbm>>
        tpu.wait_dma2 semaphore(%run_scoped3A : memref<!tpu.dma_semaphore, #tpu.memory_space<semaphore_mem>>) src(%dma_wait3A_141 : memref<32x64xi32, #tpu.memory_space<hbm>>) dst(%arg7 : memref<32x64xi32, #tpu.memory_space<vmem>>)
        tpu.yield
      }) : () -> ()
      %dma_start3A = arith.constant 0 : i32
      %dma_start3A_39 = arith.constant 0 : i32
      %dma_start3A_40 = tpu.memref_slice %arg6[%dma_start3A, %dma_start3A_39] : memref<32x64xi32, #tpu.memory_space<vmem>> -> memref<1x64xi32, #tpu.memory_space<vmem>>
      %dma_start3A_41 = tpu.memref_squeeze %dma_start3A_40 : memref<1x64xi32, #tpu.memory_space<vmem>> -> memref<64xi32, #tpu.memory_space<vmem>>
      %dma_start3A_42 = arith.constant 0 : i32
      %dma_start3A_43 = arith.constant 0 : i32
      %dma_start3A_44 = tpu.memref_slice %arg2[%arg0, %dma_start3A_42, %dma_start3A_43] : memref<2x10240x128xf32, #tpu.memory_space<hbm>> -> memref<1x10240x128xf32, #tpu.memory_space<hbm>>
      %dma_start3A_45 = tpu.memref_squeeze %dma_start3A_44 : memref<1x10240x128xf32, #tpu.memory_space<hbm>> -> memref<10240x128xf32, #tpu.memory_space<hbm>>
      %dma_start3A_46 = arith.constant 0 : i32
      %dma_start3A_47 = arith.constant 0 : i32
      %dma_start3A_48 = tpu.memref_slice %dma_start3A_45[%dma_start3A_46, %dma_start3A_47] : memref<10240x128xf32, #tpu.memory_space<hbm>> -> memref<10240x128xf32, #tpu.memory_space<hbm>>
      tpu.enqueue_indirect_dma source(%dma_start3A_48 : memref<10240x128xf32, #tpu.memory_space<hbm>>) target(%arg8 : memref<64x128xf32, #tpu.memory_space<vmem>>) offsets(%dma_start3A_41 : memref<64xi32, #tpu.memory_space<vmem>>) semaphore(%arg13 : memref<!tpu.dma_semaphore, #tpu.memory_space<semaphore_mem>>)
      %dma_start3A_49 = arith.constant 1 : i32
      %dma_start3A_50 = arith.constant 0 : i32
      %dma_start3A_51 = tpu.memref_slice %arg6[%dma_start3A_49, %dma_start3A_50] : memref<32x64xi32, #tpu.memory_space<vmem>> -> memref<1x64xi32, #tpu.memory_space<vmem>>
      %dma_start3A_52 = tpu.memref_squeeze %dma_start3A_51 : memref<1x64xi32, #tpu.memory_space<vmem>> -> memref<64xi32, #tpu.memory_space<vmem>>
      %dma_start3A_53 = arith.constant 0 : i32
      %dma_start3A_54 = arith.constant 0 : i32
      %dma_start3A_55 = tpu.memref_slice %arg2[%arg0, %dma_start3A_53, %dma_start3A_54] : memref<2x10240x128xf32, #tpu.memory_space<hbm>> -> memref<1x10240x128xf32, #tpu.memory_space<hbm>>
      %dma_start3A_56 = tpu.memref_squeeze %dma_start3A_55 : memref<1x10240x128xf32, #tpu.memory_space<hbm>> -> memref<10240x128xf32, #tpu.memory_space<hbm>>
      %dma_start3A_57 = arith.constant 0 : i32
      %dma_start3A_58 = arith.constant 0 : i32
      %dma_start3A_59 = tpu.memref_slice %dma_start3A_56[%dma_start3A_57, %dma_start3A_58] : memref<10240x128xf32, #tpu.memory_space<hbm>> -> memref<10240x128xf32, #tpu.memory_space<hbm>>
      tpu.enqueue_indirect_dma source(%dma_start3A_59 : memref<10240x128xf32, #tpu.memory_space<hbm>>) target(%arg9 : memref<64x128xf32, #tpu.memory_space<vmem>>) offsets(%dma_start3A_52 : memref<64xi32, #tpu.memory_space<vmem>>) semaphore(%arg14 : memref<!tpu.dma_semaphore, #tpu.memory_space<semaphore_mem>>)
      %dma_start3A_60 = arith.constant 2 : i32
      %dma_start3A_61 = arith.constant 0 : i32
      %dma_start3A_62 = tpu.memref_slice %arg6[%dma_start3A_60, %dma_start3A_61] : memref<32x64xi32, #tpu.memory_space<vmem>> -> memref<1x64xi32, #tpu.memory_space<vmem>>
      %dma_start3A_63 = tpu.memref_squeeze %dma_start3A_62 : memref<1x64xi32, #tpu.memory_space<vmem>> -> memref<64xi32, #tpu.memory_space<vmem>>
      %dma_start3A_64 = arith.constant 0 : i32
      %dma_start3A_65 = arith.constant 0 : i32
      %dma_start3A_66 = tpu.memref_slice %arg2[%arg0, %dma_start3A_64, %dma_start3A_65] : memref<2x10240x128xf32, #tpu.memory_space<hbm>> -> memref<1x10240x128xf32, #tpu.memory_space<hbm>>
      %dma_start3A_67 = tpu.memref_squeeze %dma_start3A_66 : memref<1x10240x128xf32, #tpu.memory_space<hbm>> -> memref<10240x128xf32, #tpu.memory_space<hbm>>
      %dma_start3A_68 = arith.constant 0 : i32
      %dma_start3A_69 = arith.constant 0 : i32
      %dma_start3A_70 = tpu.memref_slice %dma_start3A_67[%dma_start3A_68, %dma_start3A_69] : memref<10240x128xf32, #tpu.memory_space<hbm>> -> memref<10240x128xf32, #tpu.memory_space<hbm>>
      tpu.enqueue_indirect_dma source(%dma_start3A_70 : memref<10240x128xf32, #tpu.memory_space<hbm>>) target(%arg10 : memref<64x128xf32, #tpu.memory_space<vmem>>) offsets(%dma_start3A_63 : memref<64xi32, #tpu.memory_space<vmem>>) semaphore(%arg15 : memref<!tpu.dma_semaphore, #tpu.memory_space<semaphore_mem>>)
      %dma_start3A_71 = arith.constant 3 : i32
      %dma_start3A_72 = arith.constant 0 : i32
      %dma_start3A_73 = tpu.memref_slice %arg6[%dma_start3A_71, %dma_start3A_72] : memref<32x64xi32, #tpu.memory_space<vmem>> -> memref<1x64xi32, #tpu.memory_space<vmem>>
      %dma_start3A_74 = tpu.memref_squeeze %dma_start3A_73 : memref<1x64xi32, #tpu.memory_space<vmem>> -> memref<64xi32, #tpu.memory_space<vmem>>
      %dma_start3A_75 = arith.constant 0 : i32
      %dma_start3A_76 = arith.constant 0 : i32
      %dma_start3A_77 = tpu.memref_slice %arg2[%arg0, %dma_start3A_75, %dma_start3A_76] : memref<2x10240x128xf32, #tpu.memory_space<hbm>> -> memref<1x10240x128xf32, #tpu.memory_space<hbm>>
      %dma_start3A_78 = tpu.memref_squeeze %dma_start3A_77 : memref<1x10240x128xf32, #tpu.memory_space<hbm>> -> memref<10240x128xf32, #tpu.memory_space<hbm>>
      %dma_start3A_79 = arith.constant 0 : i32
      %dma_start3A_80 = arith.constant 0 : i32
      %dma_start3A_81 = tpu.memref_slice %dma_start3A_78[%dma_start3A_79, %dma_start3A_80] : memref<10240x128xf32, #tpu.memory_space<hbm>> -> memref<10240x128xf32, #tpu.memory_space<hbm>>
      tpu.enqueue_indirect_dma source(%dma_start3A_81 : memref<10240x128xf32, #tpu.memory_space<hbm>>) target(%arg11 : memref<64x128xf32, #tpu.memory_space<vmem>>) offsets(%dma_start3A_74 : memref<64xi32, #tpu.memory_space<vmem>>) semaphore(%arg16 : memref<!tpu.dma_semaphore, #tpu.memory_space<semaphore_mem>>)
      %scan3A_82 = arith.constant 0 : i32
      %scan3A_83 = arith.constant 8 : i32
      %scan3A_84 = arith.addi %scan3A_82, %scan3A_83 : i32
      %scan3A_85 = arith.constant 1 : i32
      scf.for %scan3A_130 = %scan3A_82 to %scan3A_84 step %scan3A_85  : i32 {
        %mul3A_131 = arith.constant 4 : i32
        %mul3A_132 = arith.muli %scan3A_130, %mul3A_131 : i32
        %add3A_133 = arith.constant 0 : i32
        %add3A_134 = arith.addi %add3A_133, %mul3A_132 : i32
        %add3A_135 = arith.constant 0 : i32
        %add3A_136 = arith.addi %add3A_134, %add3A_135 : i32
        %dma_wait3A_137 = arith.constant 0 : i32
        %dma_wait3A_138 = tpu.memref_slice %arg6[%add3A_136, %dma_wait3A_137] : memref<32x64xi32, #tpu.memory_space<vmem>> -> memref<1x64xi32, #tpu.memory_space<vmem>>
        %dma_wait3A_139 = tpu.memref_squeeze %dma_wait3A_138 : memref<1x64xi32, #tpu.memory_space<vmem>> -> memref<64xi32, #tpu.memory_space<vmem>>
        %dma_wait3A_140 = arith.constant 0 : i32
        %dma_wait3A_141 = arith.constant 0 : i32
        %dma_wait3A_142 = tpu.memref_slice %arg2[%arg0, %dma_wait3A_140, %dma_wait3A_141] : memref<2x10240x128xf32, #tpu.memory_space<hbm>> -> memref<1x10240x128xf32, #tpu.memory_space<hbm>>
        %dma_wait3A_143 = tpu.memref_squeeze %dma_wait3A_142 : memref<1x10240x128xf32, #tpu.memory_space<hbm>> -> memref<10240x128xf32, #tpu.memory_space<hbm>>
        %dma_wait3A_144 = arith.constant 0 : i32
        %dma_wait3A_145 = arith.constant 0 : i32
        %dma_wait3A_146 = tpu.memref_slice %dma_wait3A_143[%dma_wait3A_144, %dma_wait3A_145] : memref<10240x128xf32, #tpu.memory_space<hbm>> -> memref<10240x128xf32, #tpu.memory_space<hbm>>
        tpu.wait_indirect_dma semaphore(%arg13 : memref<!tpu.dma_semaphore, #tpu.memory_space<semaphore_mem>>) src(%dma_wait3A_146 : memref<10240x128xf32, #tpu.memory_space<hbm>>) dst(%arg8 : memref<64x128xf32, #tpu.memory_space<vmem>>)
        %add3A_147 = arith.constant 0 : i32
        %add3A_148 = arith.addi %add3A_134, %add3A_147 : i32
        "tpu.region"() ({
          %run_scoped3A = tpu.sem_alloc : memref<!tpu.dma_semaphore, #tpu.memory_space<semaphore_mem>>
          %dma_start3A_254 = arith.constant 0 : i32
          %dma_start3A_255 = tpu.memref_slice %arg7[%add3A_148, %dma_start3A_254] : memref<32x64xi32, #tpu.memory_space<vmem>> -> memref<1x64xi32, #tpu.memory_space<vmem>>
          %dma_start3A_256 = tpu.memref_squeeze %dma_start3A_255 : memref<1x64xi32, #tpu.memory_space<vmem>> -> memref<64xi32, #tpu.memory_space<vmem>>
          %dma_start3A_257 = arith.constant 0 : i32
          %dma_start3A_258 = arith.constant 0 : i32
          %dma_start3A_259 = tpu.memref_slice %arg12[%dma_start3A_257, %dma_start3A_258] : memref<10240x128xf32, #tpu.memory_space<vmem_shared>> -> memref<10240x128xf32, #tpu.memory_space<vmem_shared>>
          tpu.enqueue_indirect_dma source(%arg8 : memref<64x128xf32, #tpu.memory_space<vmem>>) target(%dma_start3A_259 : memref<10240x128xf32, #tpu.memory_space<vmem_shared>>) offsets(%dma_start3A_256 : memref<64xi32, #tpu.memory_space<vmem>>) semaphore(%run_scoped3A : memref<!tpu.dma_semaphore, #tpu.memory_space<semaphore_mem>>) {add = true}
          %dma_wait3A_260 = arith.constant 0 : i32
          %dma_wait3A_261 = tpu.memref_slice %arg7[%add3A_148, %dma_wait3A_260] : memref<32x64xi32, #tpu.memory_space<vmem>> -> memref<1x64xi32, #tpu.memory_space<vmem>>
          %dma_wait3A_262 = tpu.memref_squeeze %dma_wait3A_261 : memref<1x64xi32, #tpu.memory_space<vmem>> -> memref<64xi32, #tpu.memory_space<vmem>>
          %dma_wait3A_263 = arith.constant 0 : i32
          %dma_wait3A_264 = arith.constant 0 : i32
          %dma_wait3A_265 = tpu.memref_slice %arg12[%dma_wait3A_263, %dma_wait3A_264] : memref<10240x128xf32, #tpu.memory_space<vmem_shared>> -> memref<10240x128xf32, #tpu.memory_space<vmem_shared>>
          tpu.wait_indirect_dma semaphore(%run_scoped3A : memref<!tpu.dma_semaphore, #tpu.memory_space<semaphore_mem>>) src(%arg8 : memref<64x128xf32, #tpu.memory_space<vmem>>) dst(%dma_wait3A_265 : memref<10240x128xf32, #tpu.memory_space<vmem_shared>>)
          tpu.yield
        }) : () -> ()
        %add3A_149 = arith.constant 4 : i32
        %add3A_150 = arith.addi %add3A_134, %add3A_149 : i32
        %add3A_151 = arith.constant 0 : i32
        %add3A_152 = arith.addi %add3A_150, %add3A_151 : i32
        %min3A = arith.constant 31 : i32
        %min3A_153 = arith.minsi %add3A_152, %min3A : i32
        %dma_start3A_154 = arith.constant 0 : i32
        %dma_start3A_155 = tpu.memref_slice %arg6[%min3A_153, %dma_start3A_154] : memref<32x64xi32, #tpu.memory_space<vmem>> -> memref<1x64xi32, #tpu.memory_space<vmem>>
        %dma_start3A_156 = tpu.memref_squeeze %dma_start3A_155 : memref<1x64xi32, #tpu.memory_space<vmem>> -> memref<64xi32, #tpu.memory_space<vmem>>
        %dma_start3A_157 = arith.constant 0 : i32
        %dma_start3A_158 = arith.constant 0 : i32
        %dma_start3A_159 = tpu.memref_slice %arg2[%arg0, %dma_start3A_157, %dma_start3A_158] : memref<2x10240x128xf32, #tpu.memory_space<hbm>> -> memref<1x10240x128xf32, #tpu.memory_space<hbm>>
        %dma_start3A_160 = tpu.memref_squeeze %dma_start3A_159 : memref<1x10240x128xf32, #tpu.memory_space<hbm>> -> memref<10240x128xf32, #tpu.memory_space<hbm>>
        %dma_start3A_161 = arith.constant 0 : i32
        %dma_start3A_162 = arith.constant 0 : i32
        %dma_start3A_163 = tpu.memref_slice %dma_start3A_160[%dma_start3A_161, %dma_start3A_162] : memref<10240x128xf32, #tpu.memory_space<hbm>> -> memref<10240x128xf32, #tpu.memory_space<hbm>>
        tpu.enqueue_indirect_dma source(%dma_start3A_163 : memref<10240x128xf32, #tpu.memory_space<hbm>>) target(%arg8 : memref<64x128xf32, #tpu.memory_space<vmem>>) offsets(%dma_start3A_156 : memref<64xi32, #tpu.memory_space<vmem>>) semaphore(%arg13 : memref<!tpu.dma_semaphore, #tpu.memory_space<semaphore_mem>>)
        %add3A_164 = arith.constant 1 : i32
        %add3A_165 = arith.addi %add3A_134, %add3A_164 : i32
        %dma_wait3A_166 = arith.constant 0 : i32
        %dma_wait3A_167 = tpu.memref_slice %arg6[%add3A_165, %dma_wait3A_166] : memref<32x64xi32, #tpu.memory_space<vmem>> -> memref<1x64xi32, #tpu.memory_space<vmem>>
        %dma_wait3A_168 = tpu.memref_squeeze %dma_wait3A_167 : memref<1x64xi32, #tpu.memory_space<vmem>> -> memref<64xi32, #tpu.memory_space<vmem>>
        %dma_wait3A_169 = arith.constant 0 : i32
        %dma_wait3A_170 = arith.constant 0 : i32
        %dma_wait3A_171 = tpu.memref_slice %arg2[%arg0, %dma_wait3A_169, %dma_wait3A_170] : memref<2x10240x128xf32, #tpu.memory_space<hbm>> -> memref<1x10240x128xf32, #tpu.memory_space<hbm>>
        %dma_wait3A_172 = tpu.memref_squeeze %dma_wait3A_171 : memref<1x10240x128xf32, #tpu.memory_space<hbm>> -> memref<10240x128xf32, #tpu.memory_space<hbm>>
        %dma_wait3A_173 = arith.constant 0 : i32
        %dma_wait3A_174 = arith.constant 0 : i32
        %dma_wait3A_175 = tpu.memref_slice %dma_wait3A_172[%dma_wait3A_173, %dma_wait3A_174] : memref<10240x128xf32, #tpu.memory_space<hbm>> -> memref<10240x128xf32, #tpu.memory_space<hbm>>
        tpu.wait_indirect_dma semaphore(%arg14 : memref<!tpu.dma_semaphore, #tpu.memory_space<semaphore_mem>>) src(%dma_wait3A_175 : memref<10240x128xf32, #tpu.memory_space<hbm>>) dst(%arg9 : memref<64x128xf32, #tpu.memory_space<vmem>>)
        %add3A_176 = arith.constant 1 : i32
        %add3A_177 = arith.addi %add3A_134, %add3A_176 : i32
        "tpu.region"() ({
          %run_scoped3A = tpu.sem_alloc : memref<!tpu.dma_semaphore, #tpu.memory_space<semaphore_mem>>
          %dma_start3A_254 = arith.constant 0 : i32
          %dma_start3A_255 = tpu.memref_slice %arg7[%add3A_177, %dma_start3A_254] : memref<32x64xi32, #tpu.memory_space<vmem>> -> memref<1x64xi32, #tpu.memory_space<vmem>>
          %dma_start3A_256 = tpu.memref_squeeze %dma_start3A_255 : memref<1x64xi32, #tpu.memory_space<vmem>> -> memref<64xi32, #tpu.memory_space<vmem>>
          %dma_start3A_257 = arith.constant 0 : i32
          %dma_start3A_258 = arith.constant 0 : i32
          %dma_start3A_259 = tpu.memref_slice %arg12[%dma_start3A_257, %dma_start3A_258] : memref<10240x128xf32, #tpu.memory_space<vmem_shared>> -> memref<10240x128xf32, #tpu.memory_space<vmem_shared>>
          tpu.enqueue_indirect_dma source(%arg9 : memref<64x128xf32, #tpu.memory_space<vmem>>) target(%dma_start3A_259 : memref<10240x128xf32, #tpu.memory_space<vmem_shared>>) offsets(%dma_start3A_256 : memref<64xi32, #tpu.memory_space<vmem>>) semaphore(%run_scoped3A : memref<!tpu.dma_semaphore, #tpu.memory_space<semaphore_mem>>) {add = true}
          %dma_wait3A_260 = arith.constant 0 : i32
          %dma_wait3A_261 = tpu.memref_slice %arg7[%add3A_177, %dma_wait3A_260] : memref<32x64xi32, #tpu.memory_space<vmem>> -> memref<1x64xi32, #tpu.memory_space<vmem>>
          %dma_wait3A_262 = tpu.memref_squeeze %dma_wait3A_261 : memref<1x64xi32, #tpu.memory_space<vmem>> -> memref<64xi32, #tpu.memory_space<vmem>>
          %dma_wait3A_263 = arith.constant 0 : i32
          %dma_wait3A_264 = arith.constant 0 : i32
          %dma_wait3A_265 = tpu.memref_slice %arg12[%dma_wait3A_263, %dma_wait3A_264] : memref<10240x128xf32, #tpu.memory_space<vmem_shared>> -> memref<10240x128xf32, #tpu.memory_space<vmem_shared>>
          tpu.wait_indirect_dma semaphore(%run_scoped3A : memref<!tpu.dma_semaphore, #tpu.memory_space<semaphore_mem>>) src(%arg9 : memref<64x128xf32, #tpu.memory_space<vmem>>) dst(%dma_wait3A_265 : memref<10240x128xf32, #tpu.memory_space<vmem_shared>>)
          tpu.yield
        }) : () -> ()
        %add3A_178 = arith.constant 4 : i32
        %add3A_179 = arith.addi %add3A_134, %add3A_178 : i32
        %add3A_180 = arith.constant 1 : i32
        %add3A_181 = arith.addi %add3A_179, %add3A_180 : i32
        %min3A_182 = arith.constant 31 : i32
        %min3A_183 = arith.minsi %add3A_181, %min3A_182 : i32
        %dma_start3A_184 = arith.constant 0 : i32
        %dma_start3A_185 = tpu.memref_slice %arg6[%min3A_183, %dma_start3A_184] : memref<32x64xi32, #tpu.memory_space<vmem>> -> memref<1x64xi32, #tpu.memory_space<vmem>>
        %dma_start3A_186 = tpu.memref_squeeze %dma_start3A_185 : memref<1x64xi32, #tpu.memory_space<vmem>> -> memref<64xi32, #tpu.memory_space<vmem>>
        %dma_start3A_187 = arith.constant 0 : i32
        %dma_start3A_188 = arith.constant 0 : i32
        %dma_start3A_189 = tpu.memref_slice %arg2[%arg0, %dma_start3A_187, %dma_start3A_188] : memref<2x10240x128xf32, #tpu.memory_space<hbm>> -> memref<1x10240x128xf32, #tpu.memory_space<hbm>>
        %dma_start3A_190 = tpu.memref_squeeze %dma_start3A_189 : memref<1x10240x128xf32, #tpu.memory_space<hbm>> -> memref<10240x128xf32, #tpu.memory_space<hbm>>
        %dma_start3A_191 = arith.constant 0 : i32
        %dma_start3A_192 = arith.constant 0 : i32
        %dma_start3A_193 = tpu.memref_slice %dma_start3A_190[%dma_start3A_191, %dma_start3A_192] : memref<10240x128xf32, #tpu.memory_space<hbm>> -> memref<10240x128xf32, #tpu.memory_space<hbm>>
        tpu.enqueue_indirect_dma source(%dma_start3A_193 : memref<10240x128xf32, #tpu.memory_space<hbm>>) target(%arg9 : memref<64x128xf32, #tpu.memory_space<vmem>>) offsets(%dma_start3A_186 : memref<64xi32, #tpu.memory_space<vmem>>) semaphore(%arg14 : memref<!tpu.dma_semaphore, #tpu.memory_space<semaphore_mem>>)
        %add3A_194 = arith.constant 2 : i32
        %add3A_195 = arith.addi %add3A_134, %add3A_194 : i32
        %dma_wait3A_196 = arith.constant 0 : i32
        %dma_wait3A_197 = tpu.memref_slice %arg6[%add3A_195, %dma_wait3A_196] : memref<32x64xi32, #tpu.memory_space<vmem>> -> memref<1x64xi32, #tpu.memory_space<vmem>>
        %dma_wait3A_198 = tpu.memref_squeeze %dma_wait3A_197 : memref<1x64xi32, #tpu.memory_space<vmem>> -> memref<64xi32, #tpu.memory_space<vmem>>
        %dma_wait3A_199 = arith.constant 0 : i32
        %dma_wait3A_200 = arith.constant 0 : i32
        %dma_wait3A_201 = tpu.memref_slice %arg2[%arg0, %dma_wait3A_199, %dma_wait3A_200] : memref<2x10240x128xf32, #tpu.memory_space<hbm>> -> memref<1x10240x128xf32, #tpu.memory_space<hbm>>
        %dma_wait3A_202 = tpu.memref_squeeze %dma_wait3A_201 : memref<1x10240x128xf32, #tpu.memory_space<hbm>> -> memref<10240x128xf32, #tpu.memory_space<hbm>>
        %dma_wait3A_203 = arith.constant 0 : i32
        %dma_wait3A_204 = arith.constant 0 : i32
        %dma_wait3A_205 = tpu.memref_slice %dma_wait3A_202[%dma_wait3A_203, %dma_wait3A_204] : memref<10240x128xf32, #tpu.memory_space<hbm>> -> memref<10240x128xf32, #tpu.memory_space<hbm>>
        tpu.wait_indirect_dma semaphore(%arg15 : memref<!tpu.dma_semaphore, #tpu.memory_space<semaphore_mem>>) src(%dma_wait3A_205 : memref<10240x128xf32, #tpu.memory_space<hbm>>) dst(%arg10 : memref<64x128xf32, #tpu.memory_space<vmem>>)
        %add3A_206 = arith.constant 2 : i32
        %add3A_207 = arith.addi %add3A_134, %add3A_206 : i32
        "tpu.region"() ({
          %run_scoped3A = tpu.sem_alloc : memref<!tpu.dma_semaphore, #tpu.memory_space<semaphore_mem>>
          %dma_start3A_254 = arith.constant 0 : i32
          %dma_start3A_255 = tpu.memref_slice %arg7[%add3A_207, %dma_start3A_254] : memref<32x64xi32, #tpu.memory_space<vmem>> -> memref<1x64xi32, #tpu.memory_space<vmem>>
          %dma_start3A_256 = tpu.memref_squeeze %dma_start3A_255 : memref<1x64xi32, #tpu.memory_space<vmem>> -> memref<64xi32, #tpu.memory_space<vmem>>
          %dma_start3A_257 = arith.constant 0 : i32
          %dma_start3A_258 = arith.constant 0 : i32
          %dma_start3A_259 = tpu.memref_slice %arg12[%dma_start3A_257, %dma_start3A_258] : memref<10240x128xf32, #tpu.memory_space<vmem_shared>> -> memref<10240x128xf32, #tpu.memory_space<vmem_shared>>
          tpu.enqueue_indirect_dma source(%arg10 : memref<64x128xf32, #tpu.memory_space<vmem>>) target(%dma_start3A_259 : memref<10240x128xf32, #tpu.memory_space<vmem_shared>>) offsets(%dma_start3A_256 : memref<64xi32, #tpu.memory_space<vmem>>) semaphore(%run_scoped3A : memref<!tpu.dma_semaphore, #tpu.memory_space<semaphore_mem>>) {add = true}
          %dma_wait3A_260 = arith.constant 0 : i32
          %dma_wait3A_261 = tpu.memref_slice %arg7[%add3A_207, %dma_wait3A_260] : memref<32x64xi32, #tpu.memory_space<vmem>> -> memref<1x64xi32, #tpu.memory_space<vmem>>
          %dma_wait3A_262 = tpu.memref_squeeze %dma_wait3A_261 : memref<1x64xi32, #tpu.memory_space<vmem>> -> memref<64xi32, #tpu.memory_space<vmem>>
          %dma_wait3A_263 = arith.constant 0 : i32
          %dma_wait3A_264 = arith.constant 0 : i32
          %dma_wait3A_265 = tpu.memref_slice %arg12[%dma_wait3A_263, %dma_wait3A_264] : memref<10240x128xf32, #tpu.memory_space<vmem_shared>> -> memref<10240x128xf32, #tpu.memory_space<vmem_shared>>
          tpu.wait_indirect_dma semaphore(%run_scoped3A : memref<!tpu.dma_semaphore, #tpu.memory_space<semaphore_mem>>) src(%arg10 : memref<64x128xf32, #tpu.memory_space<vmem>>) dst(%dma_wait3A_265 : memref<10240x128xf32, #tpu.memory_space<vmem_shared>>)
          tpu.yield
        }) : () -> ()
        %add3A_208 = arith.constant 4 : i32
        %add3A_209 = arith.addi %add3A_134, %add3A_208 : i32
        %add3A_210 = arith.constant 2 : i32
        %add3A_211 = arith.addi %add3A_209, %add3A_210 : i32
        %min3A_212 = arith.constant 31 : i32
        %min3A_213 = arith.minsi %add3A_211, %min3A_212 : i32
        %dma_start3A_214 = arith.constant 0 : i32
        %dma_start3A_215 = tpu.memref_slice %arg6[%min3A_213, %dma_start3A_214] : memref<32x64xi32, #tpu.memory_space<vmem>> -> memref<1x64xi32, #tpu.memory_space<vmem>>
        %dma_start3A_216 = tpu.memref_squeeze %dma_start3A_215 : memref<1x64xi32, #tpu.memory_space<vmem>> -> memref<64xi32, #tpu.memory_space<vmem>>
        %dma_start3A_217 = arith.constant 0 : i32
        %dma_start3A_218 = arith.constant 0 : i32
        %dma_start3A_219 = tpu.memref_slice %arg2[%arg0, %dma_start3A_217, %dma_start3A_218] : memref<2x10240x128xf32, #tpu.memory_space<hbm>> -> memref<1x10240x128xf32, #tpu.memory_space<hbm>>
        %dma_start3A_220 = tpu.memref_squeeze %dma_start3A_219 : memref<1x10240x128xf32, #tpu.memory_space<hbm>> -> memref<10240x128xf32, #tpu.memory_space<hbm>>
        %dma_start3A_221 = arith.constant 0 : i32
        %dma_start3A_222 = arith.constant 0 : i32
        %dma_start3A_223 = tpu.memref_slice %dma_start3A_220[%dma_start3A_221, %dma_start3A_222] : memref<10240x128xf32, #tpu.memory_space<hbm>> -> memref<10240x128xf32, #tpu.memory_space<hbm>>
        tpu.enqueue_indirect_dma source(%dma_start3A_223 : memref<10240x128xf32, #tpu.memory_space<hbm>>) target(%arg10 : memref<64x128xf32, #tpu.memory_space<vmem>>) offsets(%dma_start3A_216 : memref<64xi32, #tpu.memory_space<vmem>>) semaphore(%arg15 : memref<!tpu.dma_semaphore, #tpu.memory_space<semaphore_mem>>)
        %add3A_224 = arith.constant 3 : i32
        %add3A_225 = arith.addi %add3A_134, %add3A_224 : i32
        %dma_wait3A_226 = arith.constant 0 : i32
        %dma_wait3A_227 = tpu.memref_slice %arg6[%add3A_225, %dma_wait3A_226] : memref<32x64xi32, #tpu.memory_space<vmem>> -> memref<1x64xi32, #tpu.memory_space<vmem>>
        %dma_wait3A_228 = tpu.memref_squeeze %dma_wait3A_227 : memref<1x64xi32, #tpu.memory_space<vmem>> -> memref<64xi32, #tpu.memory_space<vmem>>
        %dma_wait3A_229 = arith.constant 0 : i32
        %dma_wait3A_230 = arith.constant 0 : i32
        %dma_wait3A_231 = tpu.memref_slice %arg2[%arg0, %dma_wait3A_229, %dma_wait3A_230] : memref<2x10240x128xf32, #tpu.memory_space<hbm>> -> memref<1x10240x128xf32, #tpu.memory_space<hbm>>
        %dma_wait3A_232 = tpu.memref_squeeze %dma_wait3A_231 : memref<1x10240x128xf32, #tpu.memory_space<hbm>> -> memref<10240x128xf32, #tpu.memory_space<hbm>>
        %dma_wait3A_233 = arith.constant 0 : i32
        %dma_wait3A_234 = arith.constant 0 : i32
        %dma_wait3A_235 = tpu.memref_slice %dma_wait3A_232[%dma_wait3A_233, %dma_wait3A_234] : memref<10240x128xf32, #tpu.memory_space<hbm>> -> memref<10240x128xf32, #tpu.memory_space<hbm>>
        tpu.wait_indirect_dma semaphore(%arg16 : memref<!tpu.dma_semaphore, #tpu.memory_space<semaphore_mem>>) src(%dma_wait3A_235 : memref<10240x128xf32, #tpu.memory_space<hbm>>) dst(%arg11 : memref<64x128xf32, #tpu.memory_space<vmem>>)
        %add3A_236 = arith.constant 3 : i32
        %add3A_237 = arith.addi %add3A_134, %add3A_236 : i32
        "tpu.region"() ({
          %run_scoped3A = tpu.sem_alloc : memref<!tpu.dma_semaphore, #tpu.memory_space<semaphore_mem>>
          %dma_start3A_254 = arith.constant 0 : i32
          %dma_start3A_255 = tpu.memref_slice %arg7[%add3A_237, %dma_start3A_254] : memref<32x64xi32, #tpu.memory_space<vmem>> -> memref<1x64xi32, #tpu.memory_space<vmem>>
          %dma_start3A_256 = tpu.memref_squeeze %dma_start3A_255 : memref<1x64xi32, #tpu.memory_space<vmem>> -> memref<64xi32, #tpu.memory_space<vmem>>
          %dma_start3A_257 = arith.constant 0 : i32
          %dma_start3A_258 = arith.constant 0 : i32
          %dma_start3A_259 = tpu.memref_slice %arg12[%dma_start3A_257, %dma_start3A_258] : memref<10240x128xf32, #tpu.memory_space<vmem_shared>> -> memref<10240x128xf32, #tpu.memory_space<vmem_shared>>
          tpu.enqueue_indirect_dma source(%arg11 : memref<64x128xf32, #tpu.memory_space<vmem>>) target(%dma_start3A_259 : memref<10240x128xf32, #tpu.memory_space<vmem_shared>>) offsets(%dma_start3A_256 : memref<64xi32, #tpu.memory_space<vmem>>) semaphore(%run_scoped3A : memref<!tpu.dma_semaphore, #tpu.memory_space<semaphore_mem>>) {add = true}
          %dma_wait3A_260 = arith.constant 0 : i32
          %dma_wait3A_261 = tpu.memref_slice %arg7[%add3A_237, %dma_wait3A_260] : memref<32x64xi32, #tpu.memory_space<vmem>> -> memref<1x64xi32, #tpu.memory_space<vmem>>
          %dma_wait3A_262 = tpu.memref_squeeze %dma_wait3A_261 : memref<1x64xi32, #tpu.memory_space<vmem>> -> memref<64xi32, #tpu.memory_space<vmem>>
          %dma_wait3A_263 = arith.constant 0 : i32
          %dma_wait3A_264 = arith.constant 0 : i32
          %dma_wait3A_265 = tpu.memref_slice %arg12[%dma_wait3A_263, %dma_wait3A_264] : memref<10240x128xf32, #tpu.memory_space<vmem_shared>> -> memref<10240x128xf32, #tpu.memory_space<vmem_shared>>
          tpu.wait_indirect_dma semaphore(%run_scoped3A : memref<!tpu.dma_semaphore, #tpu.memory_space<semaphore_mem>>) src(%arg11 : memref<64x128xf32, #tpu.memory_space<vmem>>) dst(%dma_wait3A_265 : memref<10240x128xf32, #tpu.memory_space<vmem_shared>>)
          tpu.yield
        }) : () -> ()
        %add3A_238 = arith.constant 4 : i32
        %add3A_239 = arith.addi %add3A_134, %add3A_238 : i32
        %add3A_240 = arith.constant 3 : i32
        %add3A_241 = arith.addi %add3A_239, %add3A_240 : i32
        %min3A_242 = arith.constant 31 : i32
        %min3A_243 = arith.minsi %add3A_241, %min3A_242 : i32
        %dma_start3A_244 = arith.constant 0 : i32
        %dma_start3A_245 = tpu.memref_slice %arg6[%min3A_243, %dma_start3A_244] : memref<32x64xi32, #tpu.memory_space<vmem>> -> memref<1x64xi32, #tpu.memory_space<vmem>>
        %dma_start3A_246 = tpu.memref_squeeze %dma_start3A_245 : memref<1x64xi32, #tpu.memory_space<vmem>> -> memref<64xi32, #tpu.memory_space<vmem>>
        %dma_start3A_247 = arith.constant 0 : i32
        %dma_start3A_248 = arith.constant 0 : i32
        %dma_start3A_249 = tpu.memref_slice %arg2[%arg0, %dma_start3A_247, %dma_start3A_248] : memref<2x10240x128xf32, #tpu.memory_space<hbm>> -> memref<1x10240x128xf32, #tpu.memory_space<hbm>>
        %dma_start3A_250 = tpu.memref_squeeze %dma_start3A_249 : memref<1x10240x128xf32, #tpu.memory_space<hbm>> -> memref<10240x128xf32, #tpu.memory_space<hbm>>
        %dma_start3A_251 = arith.constant 0 : i32
        %dma_start3A_252 = arith.constant 0 : i32
        %dma_start3A_253 = tpu.memref_slice %dma_start3A_250[%dma_start3A_251, %dma_start3A_252] : memref<10240x128xf32, #tpu.memory_space<hbm>> -> memref<10240x128xf32, #tpu.memory_space<hbm>>
        tpu.enqueue_indirect_dma source(%dma_start3A_253 : memref<10240x128xf32, #tpu.memory_space<hbm>>) target(%arg11 : memref<64x128xf32, #tpu.memory_space<vmem>>) offsets(%dma_start3A_246 : memref<64xi32, #tpu.memory_space<vmem>>) semaphore(%arg16 : memref<!tpu.dma_semaphore, #tpu.memory_space<semaphore_mem>>)
      }
      %scan3A_86 = arith.constant 8 : i32
      %dma_wait3A = arith.constant 31 : i32
      %dma_wait3A_87 = arith.constant 0 : i32
      %dma_wait3A_88 = tpu.memref_slice %arg6[%dma_wait3A, %dma_wait3A_87] : memref<32x64xi32, #tpu.memory_space<vmem>> -> memref<1x64xi32, #tpu.memory_space<vmem>>
      %dma_wait3A_89 = tpu.memref_squeeze %dma_wait3A_88 : memref<1x64xi32, #tpu.memory_space<vmem>> -> memref<64xi32, #tpu.memory_space<vmem>>
      %dma_wait3A_90 = arith.constant 0 : i32
      %dma_wait3A_91 = arith.constant 0 : i32
      %dma_wait3A_92 = tpu.memref_slice %arg2[%arg0, %dma_wait3A_90, %dma_wait3A_91] : memref<2x10240x128xf32, #tpu.memory_space<hbm>> -> memref<1x10240x128xf32, #tpu.memory_space<hbm>>
      %dma_wait3A_93 = tpu.memref_squeeze %dma_wait3A_92 : memref<1x10240x128xf32, #tpu.memory_space<hbm>> -> memref<10240x128xf32, #tpu.memory_space<hbm>>
      %dma_wait3A_94 = arith.constant 0 : i32
      %dma_wait3A_95 = arith.constant 0 : i32
      %dma_wait3A_96 = tpu.memref_slice %dma_wait3A_93[%dma_wait3A_94, %dma_wait3A_95] : memref<10240x128xf32, #tpu.memory_space<hbm>> -> memref<10240x128xf32, #tpu.memory_space<hbm>>
      tpu.wait_indirect_dma semaphore(%arg13 : memref<!tpu.dma_semaphore, #tpu.memory_space<semaphore_mem>>) src(%dma_wait3A_96 : memref<10240x128xf32, #tpu.memory_space<hbm>>) dst(%arg8 : memref<64x128xf32, #tpu.memory_space<vmem>>)
      %dma_wait3A_97 = arith.constant 31 : i32
      %dma_wait3A_98 = arith.constant 0 : i32
      %dma_wait3A_99 = tpu.memref_slice %arg6[%dma_wait3A_97, %dma_wait3A_98] : memref<32x64xi32, #tpu.memory_space<vmem>> -> memref<1x64xi32, #tpu.memory_space<vmem>>
      %dma_wait3A_100 = tpu.memref_squeeze %dma_wait3A_99 : memref<1x64xi32, #tpu.memory_space<vmem>> -> memref<64xi32, #tpu.memory_space<vmem>>
      %dma_wait3A_101 = arith.constant 0 : i32
      %dma_wait3A_102 = arith.constant 0 : i32
      %dma_wait3A_103 = tpu.memref_slice %arg2[%arg0, %dma_wait3A_101, %dma_wait3A_102] : memref<2x10240x128xf32, #tpu.memory_space<hbm>> -> memref<1x10240x128xf32, #tpu.memory_space<hbm>>
      %dma_wait3A_104 = tpu.memref_squeeze %dma_wait3A_103 : memref<1x10240x128xf32, #tpu.memory_space<hbm>> -> memref<10240x128xf32, #tpu.memory_space<hbm>>
      %dma_wait3A_105 = arith.constant 0 : i32
      %dma_wait3A_106 = arith.constant 0 : i32
      %dma_wait3A_107 = tpu.memref_slice %dma_wait3A_104[%dma_wait3A_105, %dma_wait3A_106] : memref<10240x128xf32, #tpu.memory_space<hbm>> -> memref<10240x128xf32, #tpu.memory_space<hbm>>
      tpu.wait_indirect_dma semaphore(%arg14 : memref<!tpu.dma_semaphore, #tpu.memory_space<semaphore_mem>>) src(%dma_wait3A_107 : memref<10240x128xf32, #tpu.memory_space<hbm>>) dst(%arg9 : memref<64x128xf32, #tpu.memory_space<vmem>>)
      %dma_wait3A_108 = arith.constant 31 : i32
      %dma_wait3A_109 = arith.constant 0 : i32
      %dma_wait3A_110 = tpu.memref_slice %arg6[%dma_wait3A_108, %dma_wait3A_109] : memref<32x64xi32, #tpu.memory_space<vmem>> -> memref<1x64xi32, #tpu.memory_space<vmem>>
      %dma_wait3A_111 = tpu.memref_squeeze %dma_wait3A_110 : memref<1x64xi32, #tpu.memory_space<vmem>> -> memref<64xi32, #tpu.memory_space<vmem>>
      %dma_wait3A_112 = arith.constant 0 : i32
      %dma_wait3A_113 = arith.constant 0 : i32
      %dma_wait3A_114 = tpu.memref_slice %arg2[%arg0, %dma_wait3A_112, %dma_wait3A_113] : memref<2x10240x128xf32, #tpu.memory_space<hbm>> -> memref<1x10240x128xf32, #tpu.memory_space<hbm>>
      %dma_wait3A_115 = tpu.memref_squeeze %dma_wait3A_114 : memref<1x10240x128xf32, #tpu.memory_space<hbm>> -> memref<10240x128xf32, #tpu.memory_space<hbm>>
      %dma_wait3A_116 = arith.constant 0 : i32
      %dma_wait3A_117 = arith.constant 0 : i32
      %dma_wait3A_118 = tpu.memref_slice %dma_wait3A_115[%dma_wait3A_116, %dma_wait3A_117] : memref<10240x128xf32, #tpu.memory_space<hbm>> -> memref<10240x128xf32, #tpu.memory_space<hbm>>
      tpu.wait_indirect_dma semaphore(%arg15 : memref<!tpu.dma_semaphore, #tpu.memory_space<semaphore_mem>>) src(%dma_wait3A_118 : memref<10240x128xf32, #tpu.memory_space<hbm>>) dst(%arg10 : memref<64x128xf32, #tpu.memory_space<vmem>>)
      %dma_wait3A_119 = arith.constant 31 : i32
      %dma_wait3A_120 = arith.constant 0 : i32
      %dma_wait3A_121 = tpu.memref_slice %arg6[%dma_wait3A_119, %dma_wait3A_120] : memref<32x64xi32, #tpu.memory_space<vmem>> -> memref<1x64xi32, #tpu.memory_space<vmem>>
      %dma_wait3A_122 = tpu.memref_squeeze %dma_wait3A_121 : memref<1x64xi32, #tpu.memory_space<vmem>> -> memref<64xi32, #tpu.memory_space<vmem>>
      %dma_wait3A_123 = arith.constant 0 : i32
      %dma_wait3A_124 = arith.constant 0 : i32
      %dma_wait3A_125 = tpu.memref_slice %arg2[%arg0, %dma_wait3A_123, %dma_wait3A_124] : memref<2x10240x128xf32, #tpu.memory_space<hbm>> -> memref<1x10240x128xf32, #tpu.memory_space<hbm>>
      %dma_wait3A_126 = tpu.memref_squeeze %dma_wait3A_125 : memref<1x10240x128xf32, #tpu.memory_space<hbm>> -> memref<10240x128xf32, #tpu.memory_space<hbm>>
      %dma_wait3A_127 = arith.constant 0 : i32
      %dma_wait3A_128 = arith.constant 0 : i32
      %dma_wait3A_129 = tpu.memref_slice %dma_wait3A_126[%dma_wait3A_127, %dma_wait3A_128] : memref<10240x128xf32, #tpu.memory_space<hbm>> -> memref<10240x128xf32, #tpu.memory_space<hbm>>
      tpu.wait_indirect_dma semaphore(%arg16 : memref<!tpu.dma_semaphore, #tpu.memory_space<semaphore_mem>>) src(%dma_wait3A_129 : memref<10240x128xf32, #tpu.memory_space<hbm>>) dst(%arg11 : memref<64x128xf32, #tpu.memory_space<vmem>>)
    }
    %scan3A_28 = arith.constant 5 : i32
    %barrier3A_29 = arith.constant 0 : index
    tpu.barrier barrier_id(%barrier3A_29)
    "tpu.region"() ({
      %run_scoped3A = tpu.sem_alloc : memref<!tpu.dma_semaphore, #tpu.memory_space<semaphore_mem>>
      %dma_start3A = arith.constant 0 : i32
      %dma_start3A_30 = tpu.memref_slice %arg5[%arg0, %mul3A_0, %dma_start3A] : memref<2x10240x128xf32, #tpu.memory_space<hbm>> -> memref<1x640x128xf32, #tpu.memory_space<hbm>>
      %dma_start3A_31 = tpu.memref_squeeze %dma_start3A_30 : memref<1x640x128xf32, #tpu.memory_space<hbm>> -> memref<640x128xf32, #tpu.memory_space<hbm>>
      %dma_start3A_32 = arith.constant 0 : i32
      %dma_start3A_33 = tpu.memref_slice %arg12[%mul3A_0, %dma_start3A_32] : memref<10240x128xf32, #tpu.memory_space<vmem_shared>> -> memref<640x128xf32, #tpu.memory_space<vmem_shared>>
      tpu.enqueue_dma source(%dma_start3A_33 : memref<640x128xf32, #tpu.memory_space<vmem_shared>>) target(%dma_start3A_31 : memref<640x128xf32, #tpu.memory_space<hbm>>) target_semaphore(%run_scoped3A : memref<!tpu.dma_semaphore, #tpu.memory_space<semaphore_mem>>)
      %dma_wait3A = arith.constant 0 : i32
      %dma_wait3A_34 = tpu.memref_slice %arg5[%arg0, %mul3A_0, %dma_wait3A] : memref<2x10240x128xf32, #tpu.memory_space<hbm>> -> memref<1x640x128xf32, #tpu.memory_space<hbm>>
      %dma_wait3A_35 = tpu.memref_squeeze %dma_wait3A_34 : memref<1x640x128xf32, #tpu.memory_space<hbm>> -> memref<640x128xf32, #tpu.memory_space<hbm>>
      %dma_wait3A_36 = arith.constant 0 : i32
      %dma_wait3A_37 = tpu.memref_slice %arg12[%mul3A_0, %dma_wait3A_36] : memref<10240x128xf32, #tpu.memory_space<vmem_shared>> -> memref<640x128xf32, #tpu.memory_space<vmem_shared>>
      tpu.wait_dma2 semaphore(%run_scoped3A : memref<!tpu.dma_semaphore, #tpu.memory_space<semaphore_mem>>) src(%dma_wait3A_37 : memref<640x128xf32, #tpu.memory_space<vmem_shared>>) dst(%dma_wait3A_35 : memref<640x128xf32, #tpu.memory_space<hbm>>)
      tpu.yield
    }) : () -> ()
    return
  }
}

module attributes {stable_mosaic.version = 14 : i64} {
  func.func @_pre_body(%arg0: i32, %arg1: memref<2048x256xf32, #tpu.memory_space<vmem>>, %arg2: memref<256x256xf32, #tpu.memory_space<vmem>>, %arg3: memref<2x10240xf32, #tpu.memory_space<vmem>>, %arg4: memref<2x2048x128xf32, #tpu.memory_space<vmem>>, %arg5: memref<2048x128xf32, #tpu.memory_space<vmem>>) attributes {dimension_semantics = [#tpu.dimension_semantics<arbitrary>], iteration_bounds = array<i64: 5>, scalar_prefetch = 0 : i64, scratch_operands = 0 : i64, tpu.core_type = #tpu.core_type<tc>, window_params = [{transform_indices = @transform_0, window_bounds = array<i64: 2048, 256>}, {pipeline_mode = #tpu.pipeline_mode<synchronous>, transform_indices = @transform_1, window_bounds = array<i64: 256, 256>}, {pipeline_mode = #tpu.pipeline_mode<synchronous>, transform_indices = @transform_2, window_bounds = array<i64: 2, 10240>}, {transform_indices = @transform_3, window_bounds = array<i64: 2, 2048, 128>}, {transform_indices = @transform_4, window_bounds = array<i64: 2048, 128>}]} {
    %get3A = arith.constant 0 : index
    %get3A_0 = arith.constant 0 : index
    %get3A_1 = vector.load %arg1[%get3A, %get3A_0] : memref<2048x256xf32, #tpu.memory_space<vmem>>, vector<2048x256xf32>
    %get3A_2 = arith.constant 0 : index
    %get3A_3 = arith.constant 0 : index
    %get3A_4 = vector.load %arg2[%get3A_2, %get3A_3] : memref<256x256xf32, #tpu.memory_space<vmem>>, vector<256x256xf32>
    %dot_general3A = arith.constant dense<0.000000e+00> : vector<2048x256xf32>
    %dot_general3A_5 = tpu.matmul %get3A_1, %get3A_4, %dot_general3A {dimension_numbers = #tpu.dot_dimension_numbers<[1], [0], [0], [1], [0, 0, 1, 1], [], []>, transpose_lhs_hint = false} : vector<2048x256xf32>, vector<256x256xf32>, vector<2048x256xf32> -> vector<2048x256xf32>
    %mul3A = arith.constant 2048 : i32
    %mul3A_6 = arith.muli %arg0, %mul3A : i32
    %get3A_7 = arith.constant 0 : index
    %get3A_8 = arith.index_cast %mul3A_6 : i32 to index
    %get3A_9 = vector.load %arg3[%get3A_7, %get3A_8] : memref<2x10240xf32, #tpu.memory_space<vmem>>, vector<2x2048xf32>
    %slice3A = vector.extract_strided_slice %get3A_9 {offsets = [0, 0], sizes = [1, 2048], strides = [1, 1]} : vector<2x2048xf32> to vector<1x2048xf32>
    %slice3A_10 = vector.extract_strided_slice %get3A_9 {offsets = [1, 0], sizes = [1, 2048], strides = [1, 1]} : vector<2x2048xf32> to vector<1x2048xf32>
    %add3A = arith.addf %slice3A, %slice3A_10 : vector<1x2048xf32>
    %add3A_11 = arith.constant 1.000000e+00 : f32
    %add3A_12 = vector.broadcast %add3A_11 : f32 to vector<1x2048xf32>
    %add3A_13 = arith.addf %add3A, %add3A_12 : vector<1x2048xf32>
    %rsqrt3A = math.rsqrt %add3A_13 : vector<1x2048xf32>
    %iota3A = tpu.iota {dimensions = array<i32: 0>} : vector<2048x2048xi32>
    %iota3A_14 = tpu.iota {dimensions = array<i32: 1>} : vector<2048x2048xi32>
    %eq3A = arith.cmpi eq, %iota3A, %iota3A_14 : vector<2048x2048xi32>
    %convert_element_type3A = arith.extui %eq3A : vector<2048x2048xi1> to vector<2048x2048xi32>
    %convert_element_type3A_15 = arith.sitofp %convert_element_type3A : vector<2048x2048xi32> to vector<2048x2048xf32>
    %dot_general3A_16 = arith.constant dense<0.000000e+00> : vector<2048x1xf32>
    %dot_general3A_17 = tpu.matmul %convert_element_type3A_15, %rsqrt3A, %dot_general3A_16 {dimension_numbers = #tpu.dot_dimension_numbers<[1], [1], [0], [0], [0, 0, 1, 0], [], []>, transpose_lhs_hint = false} : vector<2048x2048xf32>, vector<1x2048xf32>, vector<2048x1xf32> -> vector<2048x1xf32>
    %mul3A_18 = vector.broadcast %dot_general3A_17 : vector<2048x1xf32> to vector<2048x256xf32>
    %mul3A_19 = arith.mulf %dot_general3A_5, %mul3A_18 : vector<2048x256xf32>
    %slice3A_20 = vector.extract_strided_slice %mul3A_19 {offsets = [0, 0], sizes = [2048, 128], strides = [1, 1]} : vector<2048x256xf32> to vector<2048x128xf32>
    %swap3A = arith.constant 0 : index
    %swap3A_21 = arith.constant 0 : index
    %swap3A_22 = arith.constant 0 : index
    %swap3A_23 = vector.load %arg4[%swap3A, %swap3A_21, %swap3A_22] : memref<2x2048x128xf32, #tpu.memory_space<vmem>>, vector<1x2048x128xf32>
    %swap3A_24 = vector.shape_cast %swap3A_23 : vector<1x2048x128xf32> to vector<2048x128xf32>
    %swap3A_25 = vector.shape_cast %slice3A_20 : vector<2048x128xf32> to vector<1x2048x128xf32>
    tpu.vector_store %arg4[%swap3A, %swap3A_21, %swap3A_22], %swap3A_25 {strides = array<i32>} : memref<2x2048x128xf32, #tpu.memory_space<vmem>>, vector<1x2048x128xf32>,
    %slice3A_26 = vector.extract_strided_slice %mul3A_19 {offsets = [0, 128], sizes = [2048, 128], strides = [1, 1]} : vector<2048x256xf32> to vector<2048x128xf32>
    %swap3A_27 = arith.constant 1 : index
    %swap3A_28 = arith.constant 0 : index
    %swap3A_29 = arith.constant 0 : index
    %swap3A_30 = vector.load %arg4[%swap3A_27, %swap3A_28, %swap3A_29] : memref<2x2048x128xf32, #tpu.memory_space<vmem>>, vector<1x2048x128xf32>
    %swap3A_31 = vector.shape_cast %swap3A_30 : vector<1x2048x128xf32> to vector<2048x128xf32>
    %swap3A_32 = vector.shape_cast %slice3A_26 : vector<2048x128xf32> to vector<1x2048x128xf32>
    tpu.vector_store %arg4[%swap3A_27, %swap3A_28, %swap3A_29], %swap3A_32 {strides = array<i32>} : memref<2x2048x128xf32, #tpu.memory_space<vmem>>, vector<1x2048x128xf32>,
    %broadcast_in_dim3A = vector.shape_cast %dot_general3A_17 : vector<2048x1xf32> to vector<2048x1xf32>
    %broadcast_in_dim3A_33 = vector.broadcast %broadcast_in_dim3A : vector<2048x1xf32> to vector<2048x128xf32>
    %swap3A_34 = arith.constant 0 : index
    %swap3A_35 = arith.constant 0 : index
    %swap3A_36 = vector.load %arg5[%swap3A_34, %swap3A_35] : memref<2048x128xf32, #tpu.memory_space<vmem>>, vector<2048x128xf32>
    tpu.vector_store %arg5[%swap3A_34, %swap3A_35], %broadcast_in_dim3A_33 {strides = array<i32>} : memref<2048x128xf32, #tpu.memory_space<vmem>>, vector<2048x128xf32>,
    return
  }
  func.func @transform_0(%arg0: i32) -> (i32, i32) {
    %c0_i32 = arith.constant 0 : i32
    %c0_i32_0 = arith.constant 0 : i32
    return %arg0, %c0_i32 : i32, i32
  }
  func.func @transform_1(%arg0: i32) -> (i32, i32) {
    %c0_i32 = arith.constant 0 : i32
    %c0_i32_0 = arith.constant 0 : i32
    %c0_i32_1 = arith.constant 0 : i32
    return %c0_i32, %c0_i32_0 : i32, i32
  }
  func.func @transform_2(%arg0: i32) -> (i32, i32) {
    %c0_i32 = arith.constant 0 : i32
    %c0_i32_0 = arith.constant 0 : i32
    %c0_i32_1 = arith.constant 0 : i32
    return %c0_i32, %c0_i32_0 : i32, i32
  }
  func.func @transform_3(%arg0: i32) -> (i32, i32, i32) {
    %c0_i32 = arith.constant 0 : i32
    %c0_i32_0 = arith.constant 0 : i32
    %c0_i32_1 = arith.constant 0 : i32
    return %c0_i32, %arg0, %c0_i32_0 : i32, i32, i32
  }
  func.func @transform_4(%arg0: i32) -> (i32, i32) {
    %c0_i32 = arith.constant 0 : i32
    %c0_i32_0 = arith.constant 0 : i32
    return %arg0, %c0_i32 : i32, i32
  }
}

module attributes {stable_mosaic.version = 14 : i64} {
  func.func @_mid_body(%arg0: i32, %arg1: memref<2x2048x128xf32, #tpu.memory_space<vmem>>, %arg2: memref<2x2048x128xf32, #tpu.memory_space<vmem>>, %arg3: memref<2048x128xf32, #tpu.memory_space<vmem>>, %arg4: memref<1x256xf32, #tpu.memory_space<vmem>>, %arg5: memref<256x256xf32, #tpu.memory_space<vmem>>, %arg6: memref<2x2048x128xf32, #tpu.memory_space<vmem>>, %arg7: memref<2048x256xf32, #tpu.memory_space<vmem>>) attributes {dimension_semantics = [#tpu.dimension_semantics<arbitrary>], iteration_bounds = array<i64: 5>, scalar_prefetch = 0 : i64, scratch_operands = 0 : i64, tpu.core_type = #tpu.core_type<tc>, window_params = [{transform_indices = @transform_0, window_bounds = array<i64: 2, 2048, 128>}, {transform_indices = @transform_1, window_bounds = array<i64: 2, 2048, 128>}, {transform_indices = @transform_2, window_bounds = array<i64: 2048, 128>}, {pipeline_mode = #tpu.pipeline_mode<synchronous>, transform_indices = @transform_3, window_bounds = array<i64: 1, 256>}, {pipeline_mode = #tpu.pipeline_mode<synchronous>, transform_indices = @transform_4, window_bounds = array<i64: 256, 256>}, {transform_indices = @transform_5, window_bounds = array<i64: 2, 2048, 128>}, {transform_indices = @transform_6, window_bounds = array<i64: 2048, 256>}]} {
    %get3A = arith.constant 0 : index
    %get3A_0 = arith.constant 0 : index
    %get3A_1 = vector.load %arg3[%get3A, %get3A_0] : memref<2048x128xf32, #tpu.memory_space<vmem>>, vector<2048x128xf32>
    %get3A_2 = arith.constant 0 : index
    %get3A_3 = arith.constant 0 : index
    %get3A_4 = arith.constant 0 : index
    %get3A_5 = vector.load %arg1[%get3A_2, %get3A_3, %get3A_4] : memref<2x2048x128xf32, #tpu.memory_space<vmem>>, vector<1x2048x128xf32>
    %get3A_6 = vector.shape_cast %get3A_5 : vector<1x2048x128xf32> to vector<2048x128xf32>
    %get3A_7 = arith.constant 0 : index
    %get3A_8 = arith.constant 0 : index
    %get3A_9 = arith.constant 0 : index
    %get3A_10 = vector.load %arg2[%get3A_7, %get3A_8, %get3A_9] : memref<2x2048x128xf32, #tpu.memory_space<vmem>>, vector<1x2048x128xf32>
    %get3A_11 = vector.shape_cast %get3A_10 : vector<1x2048x128xf32> to vector<2048x128xf32>
    %add3A = arith.addf %get3A_6, %get3A_11 : vector<2048x128xf32>
    %mul3A = arith.mulf %add3A, %get3A_1 : vector<2048x128xf32>
    %get3A_12 = arith.constant 1 : index
    %get3A_13 = arith.constant 0 : index
    %get3A_14 = arith.constant 0 : index
    %get3A_15 = vector.load %arg1[%get3A_12, %get3A_13, %get3A_14] : memref<2x2048x128xf32, #tpu.memory_space<vmem>>, vector<1x2048x128xf32>
    %get3A_16 = vector.shape_cast %get3A_15 : vector<1x2048x128xf32> to vector<2048x128xf32>
    %get3A_17 = arith.constant 1 : index
    %get3A_18 = arith.constant 0 : index
    %get3A_19 = arith.constant 0 : index
    %get3A_20 = vector.load %arg2[%get3A_17, %get3A_18, %get3A_19] : memref<2x2048x128xf32, #tpu.memory_space<vmem>>, vector<1x2048x128xf32>
    %get3A_21 = vector.shape_cast %get3A_20 : vector<1x2048x128xf32> to vector<2048x128xf32>
    %add3A_22 = arith.addf %get3A_16, %get3A_21 : vector<2048x128xf32>
    %mul3A_23 = arith.mulf %add3A_22, %get3A_1 : vector<2048x128xf32>
    %concatenate3A = tpu.concatenate %mul3A, %mul3A_23 in 1 : vector<2048x128xf32>, vector<2048x128xf32> -> vector<2048x256xf32>
    %get3A_24 = arith.constant 0 : index
    %get3A_25 = arith.constant 0 : index
    %get3A_26 = vector.load %arg4[%get3A_24, %get3A_25] : memref<1x256xf32, #tpu.memory_space<vmem>>, vector<1x256xf32>
    %add3A_27 = vector.broadcast %get3A_26 : vector<1x256xf32> to vector<2048x256xf32>
    %add3A_28 = arith.addf %concatenate3A, %add3A_27 : vector<2048x256xf32>
    %max3A = arith.constant 0.000000e+00 : f32
    %max3A_29 = vector.broadcast %max3A : f32 to vector<2048x256xf32>
    %max3A_30 = arith.maximumf %add3A_28, %max3A_29 : vector<2048x256xf32>
    %swap3A = arith.constant 0 : index
    %swap3A_31 = arith.constant 0 : index
    %swap3A_32 = vector.load %arg7[%swap3A, %swap3A_31] : memref<2048x256xf32, #tpu.memory_space<vmem>>, vector<2048x256xf32>
    tpu.vector_store %arg7[%swap3A, %swap3A_31], %max3A_30 {strides = array<i32>} : memref<2048x256xf32, #tpu.memory_space<vmem>>, vector<2048x256xf32>,
    %get3A_33 = arith.constant 0 : index
    %get3A_34 = arith.constant 0 : index
    %get3A_35 = vector.load %arg5[%get3A_33, %get3A_34] : memref<256x256xf32, #tpu.memory_space<vmem>>, vector<256x256xf32>
    %dot_general3A = arith.constant dense<0.000000e+00> : vector<2048x256xf32>
    %dot_general3A_36 = tpu.matmul %max3A_30, %get3A_35, %dot_general3A {dimension_numbers = #tpu.dot_dimension_numbers<[1], [0], [0], [1], [0, 0, 1, 1], [], []>, transpose_lhs_hint = false} : vector<2048x256xf32>, vector<256x256xf32>, vector<2048x256xf32> -> vector<2048x256xf32>
    %slice3A = vector.extract_strided_slice %dot_general3A_36 {offsets = [0, 0], sizes = [2048, 128], strides = [1, 1]} : vector<2048x256xf32> to vector<2048x128xf32>
    %mul3A_37 = arith.mulf %slice3A, %get3A_1 : vector<2048x128xf32>
    %swap3A_38 = arith.constant 0 : index
    %swap3A_39 = arith.constant 0 : index
    %swap3A_40 = arith.constant 0 : index
    %swap3A_41 = vector.load %arg6[%swap3A_38, %swap3A_39, %swap3A_40] : memref<2x2048x128xf32, #tpu.memory_space<vmem>>, vector<1x2048x128xf32>
    %swap3A_42 = vector.shape_cast %swap3A_41 : vector<1x2048x128xf32> to vector<2048x128xf32>
    %swap3A_43 = vector.shape_cast %mul3A_37 : vector<2048x128xf32> to vector<1x2048x128xf32>
    tpu.vector_store %arg6[%swap3A_38, %swap3A_39, %swap3A_40], %swap3A_43 {strides = array<i32>} : memref<2x2048x128xf32, #tpu.memory_space<vmem>>, vector<1x2048x128xf32>,
    %slice3A_44 = vector.extract_strided_slice %dot_general3A_36 {offsets = [0, 128], sizes = [2048, 128], strides = [1, 1]} : vector<2048x256xf32> to vector<2048x128xf32>
    %mul3A_45 = arith.mulf %slice3A_44, %get3A_1 : vector<2048x128xf32>
    %swap3A_46 = arith.constant 1 : index
    %swap3A_47 = arith.constant 0 : index
    %swap3A_48 = arith.constant 0 : index
    %swap3A_49 = vector.load %arg6[%swap3A_46, %swap3A_47, %swap3A_48] : memref<2x2048x128xf32, #tpu.memory_space<vmem>>, vector<1x2048x128xf32>
    %swap3A_50 = vector.shape_cast %swap3A_49 : vector<1x2048x128xf32> to vector<2048x128xf32>
    %swap3A_51 = vector.shape_cast %mul3A_45 : vector<2048x128xf32> to vector<1x2048x128xf32>
    tpu.vector_store %arg6[%swap3A_46, %swap3A_47, %swap3A_48], %swap3A_51 {strides = array<i32>} : memref<2x2048x128xf32, #tpu.memory_space<vmem>>, vector<1x2048x128xf32>,
    return
  }
  func.func @transform_0(%arg0: i32) -> (i32, i32, i32) {
    %c0_i32 = arith.constant 0 : i32
    %c0_i32_0 = arith.constant 0 : i32
    %c0_i32_1 = arith.constant 0 : i32
    return %c0_i32, %arg0, %c0_i32_0 : i32, i32, i32
  }
  func.func @transform_1(%arg0: i32) -> (i32, i32, i32) {
    %c0_i32 = arith.constant 0 : i32
    %c0_i32_0 = arith.constant 0 : i32
    %c0_i32_1 = arith.constant 0 : i32
    return %c0_i32, %arg0, %c0_i32_0 : i32, i32, i32
  }
  func.func @transform_2(%arg0: i32) -> (i32, i32) {
    %c0_i32 = arith.constant 0 : i32
    %c0_i32_0 = arith.constant 0 : i32
    return %arg0, %c0_i32 : i32, i32
  }
  func.func @transform_3(%arg0: i32) -> (i32, i32) {
    %c0_i32 = arith.constant 0 : i32
    %c0_i32_0 = arith.constant 0 : i32
    %c0_i32_1 = arith.constant 0 : i32
    return %c0_i32, %c0_i32_0 : i32, i32
  }
  func.func @transform_4(%arg0: i32) -> (i32, i32) {
    %c0_i32 = arith.constant 0 : i32
    %c0_i32_0 = arith.constant 0 : i32
    %c0_i32_1 = arith.constant 0 : i32
    return %c0_i32, %c0_i32_0 : i32, i32
  }
  func.func @transform_5(%arg0: i32) -> (i32, i32, i32) {
    %c0_i32 = arith.constant 0 : i32
    %c0_i32_0 = arith.constant 0 : i32
    %c0_i32_1 = arith.constant 0 : i32
    return %c0_i32, %arg0, %c0_i32_0 : i32, i32, i32
  }
  func.func @transform_6(%arg0: i32) -> (i32, i32) {
    %c0_i32 = arith.constant 0 : i32
    %c0_i32_0 = arith.constant 0 : i32
    return %arg0, %c0_i32 : i32, i32
  }
}

module attributes {stable_mosaic.version = 14 : i64} {
  func.func @_mid_body(%arg0: i32, %arg1: memref<2x2048x128xf32, #tpu.memory_space<vmem>>, %arg2: memref<2x2048x128xf32, #tpu.memory_space<vmem>>, %arg3: memref<2048x128xf32, #tpu.memory_space<vmem>>, %arg4: memref<1x256xf32, #tpu.memory_space<vmem>>, %arg5: memref<256x256xf32, #tpu.memory_space<vmem>>, %arg6: memref<2048x256xf32, #tpu.memory_space<vmem>>, %arg7: memref<2x2048x128xf32, #tpu.memory_space<vmem>>, %arg8: memref<2048x256xf32, #tpu.memory_space<vmem>>) attributes {dimension_semantics = [#tpu.dimension_semantics<arbitrary>], iteration_bounds = array<i64: 5>, scalar_prefetch = 0 : i64, scratch_operands = 0 : i64, tpu.core_type = #tpu.core_type<tc>, window_params = [{transform_indices = @transform_0, window_bounds = array<i64: 2, 2048, 128>}, {transform_indices = @transform_1, window_bounds = array<i64: 2, 2048, 128>}, {transform_indices = @transform_2, window_bounds = array<i64: 2048, 128>}, {pipeline_mode = #tpu.pipeline_mode<synchronous>, transform_indices = @transform_3, window_bounds = array<i64: 1, 256>}, {pipeline_mode = #tpu.pipeline_mode<synchronous>, transform_indices = @transform_4, window_bounds = array<i64: 256, 256>}, {transform_indices = @transform_5, window_bounds = array<i64: 2048, 256>}, {transform_indices = @transform_6, window_bounds = array<i64: 2, 2048, 128>}, {transform_indices = @transform_7, window_bounds = array<i64: 2048, 256>}]} {
    %get3A = arith.constant 0 : index
    %get3A_0 = arith.constant 0 : index
    %get3A_1 = vector.load %arg3[%get3A, %get3A_0] : memref<2048x128xf32, #tpu.memory_space<vmem>>, vector<2048x128xf32>
    %get3A_2 = arith.constant 0 : index
    %get3A_3 = arith.constant 0 : index
    %get3A_4 = arith.constant 0 : index
    %get3A_5 = vector.load %arg1[%get3A_2, %get3A_3, %get3A_4] : memref<2x2048x128xf32, #tpu.memory_space<vmem>>, vector<1x2048x128xf32>
    %get3A_6 = vector.shape_cast %get3A_5 : vector<1x2048x128xf32> to vector<2048x128xf32>
    %get3A_7 = arith.constant 0 : index
    %get3A_8 = arith.constant 0 : index
    %get3A_9 = arith.constant 0 : index
    %get3A_10 = vector.load %arg2[%get3A_7, %get3A_8, %get3A_9] : memref<2x2048x128xf32, #tpu.memory_space<vmem>>, vector<1x2048x128xf32>
    %get3A_11 = vector.shape_cast %get3A_10 : vector<1x2048x128xf32> to vector<2048x128xf32>
    %add3A = arith.addf %get3A_6, %get3A_11 : vector<2048x128xf32>
    %mul3A = arith.mulf %add3A, %get3A_1 : vector<2048x128xf32>
    %get3A_12 = arith.constant 1 : index
    %get3A_13 = arith.constant 0 : index
    %get3A_14 = arith.constant 0 : index
    %get3A_15 = vector.load %arg1[%get3A_12, %get3A_13, %get3A_14] : memref<2x2048x128xf32, #tpu.memory_space<vmem>>, vector<1x2048x128xf32>
    %get3A_16 = vector.shape_cast %get3A_15 : vector<1x2048x128xf32> to vector<2048x128xf32>
    %get3A_17 = arith.constant 1 : index
    %get3A_18 = arith.constant 0 : index
    %get3A_19 = arith.constant 0 : index
    %get3A_20 = vector.load %arg2[%get3A_17, %get3A_18, %get3A_19] : memref<2x2048x128xf32, #tpu.memory_space<vmem>>, vector<1x2048x128xf32>
    %get3A_21 = vector.shape_cast %get3A_20 : vector<1x2048x128xf32> to vector<2048x128xf32>
    %add3A_22 = arith.addf %get3A_16, %get3A_21 : vector<2048x128xf32>
    %mul3A_23 = arith.mulf %add3A_22, %get3A_1 : vector<2048x128xf32>
    %concatenate3A = tpu.concatenate %mul3A, %mul3A_23 in 1 : vector<2048x128xf32>, vector<2048x128xf32> -> vector<2048x256xf32>
    %get3A_24 = arith.constant 0 : index
    %get3A_25 = arith.constant 0 : index
    %get3A_26 = vector.load %arg4[%get3A_24, %get3A_25] : memref<1x256xf32, #tpu.memory_space<vmem>>, vector<1x256xf32>
    %add3A_27 = vector.broadcast %get3A_26 : vector<1x256xf32> to vector<2048x256xf32>
    %add3A_28 = arith.addf %concatenate3A, %add3A_27 : vector<2048x256xf32>
    %get3A_29 = arith.constant 0 : index
    %get3A_30 = arith.constant 0 : index
    %get3A_31 = vector.load %arg6[%get3A_29, %get3A_30] : memref<2048x256xf32, #tpu.memory_space<vmem>>, vector<2048x256xf32>
    %add3A_32 = arith.addf %add3A_28, %get3A_31 : vector<2048x256xf32>
    %max3A = arith.constant 0.000000e+00 : f32
    %max3A_33 = vector.broadcast %max3A : f32 to vector<2048x256xf32>
    %max3A_34 = arith.maximumf %add3A_32, %max3A_33 : vector<2048x256xf32>
    %swap3A = arith.constant 0 : index
    %swap3A_35 = arith.constant 0 : index
    %swap3A_36 = vector.load %arg8[%swap3A, %swap3A_35] : memref<2048x256xf32, #tpu.memory_space<vmem>>, vector<2048x256xf32>
    tpu.vector_store %arg8[%swap3A, %swap3A_35], %max3A_34 {strides = array<i32>} : memref<2048x256xf32, #tpu.memory_space<vmem>>, vector<2048x256xf32>,
    %get3A_37 = arith.constant 0 : index
    %get3A_38 = arith.constant 0 : index
    %get3A_39 = vector.load %arg5[%get3A_37, %get3A_38] : memref<256x256xf32, #tpu.memory_space<vmem>>, vector<256x256xf32>
    %dot_general3A = arith.constant dense<0.000000e+00> : vector<2048x256xf32>
    %dot_general3A_40 = tpu.matmul %max3A_34, %get3A_39, %dot_general3A {dimension_numbers = #tpu.dot_dimension_numbers<[1], [0], [0], [1], [0, 0, 1, 1], [], []>, transpose_lhs_hint = false} : vector<2048x256xf32>, vector<256x256xf32>, vector<2048x256xf32> -> vector<2048x256xf32>
    %slice3A = vector.extract_strided_slice %dot_general3A_40 {offsets = [0, 0], sizes = [2048, 128], strides = [1, 1]} : vector<2048x256xf32> to vector<2048x128xf32>
    %mul3A_41 = arith.mulf %slice3A, %get3A_1 : vector<2048x128xf32>
    %swap3A_42 = arith.constant 0 : index
    %swap3A_43 = arith.constant 0 : index
    %swap3A_44 = arith.constant 0 : index
    %swap3A_45 = vector.load %arg7[%swap3A_42, %swap3A_43, %swap3A_44] : memref<2x2048x128xf32, #tpu.memory_space<vmem>>, vector<1x2048x128xf32>
    %swap3A_46 = vector.shape_cast %swap3A_45 : vector<1x2048x128xf32> to vector<2048x128xf32>
    %swap3A_47 = vector.shape_cast %mul3A_41 : vector<2048x128xf32> to vector<1x2048x128xf32>
    tpu.vector_store %arg7[%swap3A_42, %swap3A_43, %swap3A_44], %swap3A_47 {strides = array<i32>} : memref<2x2048x128xf32, #tpu.memory_space<vmem>>, vector<1x2048x128xf32>,
    %slice3A_48 = vector.extract_strided_slice %dot_general3A_40 {offsets = [0, 128], sizes = [2048, 128], strides = [1, 1]} : vector<2048x256xf32> to vector<2048x128xf32>
    %mul3A_49 = arith.mulf %slice3A_48, %get3A_1 : vector<2048x128xf32>
    %swap3A_50 = arith.constant 1 : index
    %swap3A_51 = arith.constant 0 : index
    %swap3A_52 = arith.constant 0 : index
    %swap3A_53 = vector.load %arg7[%swap3A_50, %swap3A_51, %swap3A_52] : memref<2x2048x128xf32, #tpu.memory_space<vmem>>, vector<1x2048x128xf32>
    %swap3A_54 = vector.shape_cast %swap3A_53 : vector<1x2048x128xf32> to vector<2048x128xf32>
    %swap3A_55 = vector.shape_cast %mul3A_49 : vector<2048x128xf32> to vector<1x2048x128xf32>
    tpu.vector_store %arg7[%swap3A_50, %swap3A_51, %swap3A_52], %swap3A_55 {strides = array<i32>} : memref<2x2048x128xf32, #tpu.memory_space<vmem>>, vector<1x2048x128xf32>,
    return
  }
  func.func @transform_0(%arg0: i32) -> (i32, i32, i32) {
    %c0_i32 = arith.constant 0 : i32
    %c0_i32_0 = arith.constant 0 : i32
    %c0_i32_1 = arith.constant 0 : i32
    return %c0_i32, %arg0, %c0_i32_0 : i32, i32, i32
  }
  func.func @transform_1(%arg0: i32) -> (i32, i32, i32) {
    %c0_i32 = arith.constant 0 : i32
    %c0_i32_0 = arith.constant 0 : i32
    %c0_i32_1 = arith.constant 0 : i32
    return %c0_i32, %arg0, %c0_i32_0 : i32, i32, i32
  }
  func.func @transform_2(%arg0: i32) -> (i32, i32) {
    %c0_i32 = arith.constant 0 : i32
    %c0_i32_0 = arith.constant 0 : i32
    return %arg0, %c0_i32 : i32, i32
  }
  func.func @transform_3(%arg0: i32) -> (i32, i32) {
    %c0_i32 = arith.constant 0 : i32
    %c0_i32_0 = arith.constant 0 : i32
    %c0_i32_1 = arith.constant 0 : i32
    return %c0_i32, %c0_i32_0 : i32, i32
  }
  func.func @transform_4(%arg0: i32) -> (i32, i32) {
    %c0_i32 = arith.constant 0 : i32
    %c0_i32_0 = arith.constant 0 : i32
    %c0_i32_1 = arith.constant 0 : i32
    return %c0_i32, %c0_i32_0 : i32, i32
  }
  func.func @transform_5(%arg0: i32) -> (i32, i32) {
    %c0_i32 = arith.constant 0 : i32
    %c0_i32_0 = arith.constant 0 : i32
    return %arg0, %c0_i32 : i32, i32
  }
  func.func @transform_6(%arg0: i32) -> (i32, i32, i32) {
    %c0_i32 = arith.constant 0 : i32
    %c0_i32_0 = arith.constant 0 : i32
    %c0_i32_1 = arith.constant 0 : i32
    return %c0_i32, %arg0, %c0_i32_0 : i32, i32, i32
  }
  func.func @transform_7(%arg0: i32) -> (i32, i32) {
    %c0_i32 = arith.constant 0 : i32
    %c0_i32_0 = arith.constant 0 : i32
    return %arg0, %c0_i32 : i32, i32
  }
}

module attributes {stable_mosaic.version = 14 : i64} {
  func.func @_final_body(%arg0: i32, %arg1: memref<2x2048x128xf32, #tpu.memory_space<vmem>>, %arg2: memref<2x2048x128xf32, #tpu.memory_space<vmem>>, %arg3: memref<2048x128xf32, #tpu.memory_space<vmem>>, %arg4: memref<1x256xf32, #tpu.memory_space<vmem>>, %arg5: memref<2048x256xf32, #tpu.memory_space<vmem>>, %arg6: memref<256x256xf32, #tpu.memory_space<vmem>>, %arg7: memref<1x256xf32, #tpu.memory_space<vmem>>, %arg8: memref<256x256xf32, #tpu.memory_space<vmem>>, %arg9: memref<1x256xf32, #tpu.memory_space<vmem>>, %arg10: memref<256x128xf32, #tpu.memory_space<vmem>>, %arg11: memref<1x128xf32, #tpu.memory_space<vmem>>, %arg12: memref<2048x128xf32, #tpu.memory_space<vmem>>) attributes {dimension_semantics = [#tpu.dimension_semantics<arbitrary>], iteration_bounds = array<i64: 5>, scalar_prefetch = 0 : i64, scratch_operands = 0 : i64, tpu.core_type = #tpu.core_type<tc>, window_params = [{transform_indices = @transform_0, window_bounds = array<i64: 2, 2048, 128>}, {transform_indices = @transform_1, window_bounds = array<i64: 2, 2048, 128>}, {transform_indices = @transform_2, window_bounds = array<i64: 2048, 128>}, {pipeline_mode = #tpu.pipeline_mode<synchronous>, transform_indices = @transform_3, window_bounds = array<i64: 1, 256>}, {transform_indices = @transform_4, window_bounds = array<i64: 2048, 256>}, {pipeline_mode = #tpu.pipeline_mode<synchronous>, transform_indices = @transform_5, window_bounds = array<i64: 256, 256>}, {pipeline_mode = #tpu.pipeline_mode<synchronous>, transform_indices = @transform_6, window_bounds = array<i64: 1, 256>}, {pipeline_mode = #tpu.pipeline_mode<synchronous>, transform_indices = @transform_7, window_bounds = array<i64: 256, 256>}, {pipeline_mode = #tpu.pipeline_mode<synchronous>, transform_indices = @transform_8, window_bounds = array<i64: 1, 256>}, {pipeline_mode = #tpu.pipeline_mode<synchronous>, transform_indices = @transform_9, window_bounds = array<i64: 256, 128>}, {pipeline_mode = #tpu.pipeline_mode<synchronous>, transform_indices = @transform_10, window_bounds = array<i64: 1, 128>}, {transform_indices = @transform_11, window_bounds = array<i64: 2048, 128>}]} {
    %get3A = arith.constant 0 : index
    %get3A_0 = arith.constant 0 : index
    %get3A_1 = vector.load %arg3[%get3A, %get3A_0] : memref<2048x128xf32, #tpu.memory_space<vmem>>, vector<2048x128xf32>
    %get3A_2 = arith.constant 0 : index
    %get3A_3 = arith.constant 0 : index
    %get3A_4 = arith.constant 0 : index
    %get3A_5 = vector.load %arg1[%get3A_2, %get3A_3, %get3A_4] : memref<2x2048x128xf32, #tpu.memory_space<vmem>>, vector<1x2048x128xf32>
    %get3A_6 = vector.shape_cast %get3A_5 : vector<1x2048x128xf32> to vector<2048x128xf32>
    %get3A_7 = arith.constant 0 : index
    %get3A_8 = arith.constant 0 : index
    %get3A_9 = arith.constant 0 : index
    %get3A_10 = vector.load %arg2[%get3A_7, %get3A_8, %get3A_9] : memref<2x2048x128xf32, #tpu.memory_space<vmem>>, vector<1x2048x128xf32>
    %get3A_11 = vector.shape_cast %get3A_10 : vector<1x2048x128xf32> to vector<2048x128xf32>
    %add3A = arith.addf %get3A_6, %get3A_11 : vector<2048x128xf32>
    %mul3A = arith.mulf %add3A, %get3A_1 : vector<2048x128xf32>
    %get3A_12 = arith.constant 1 : index
    %get3A_13 = arith.constant 0 : index
    %get3A_14 = arith.constant 0 : index
    %get3A_15 = vector.load %arg1[%get3A_12, %get3A_13, %get3A_14] : memref<2x2048x128xf32, #tpu.memory_space<vmem>>, vector<1x2048x128xf32>
    %get3A_16 = vector.shape_cast %get3A_15 : vector<1x2048x128xf32> to vector<2048x128xf32>
    %get3A_17 = arith.constant 1 : index
    %get3A_18 = arith.constant 0 : index
    %get3A_19 = arith.constant 0 : index
    %get3A_20 = vector.load %arg2[%get3A_17, %get3A_18, %get3A_19] : memref<2x2048x128xf32, #tpu.memory_space<vmem>>, vector<1x2048x128xf32>
    %get3A_21 = vector.shape_cast %get3A_20 : vector<1x2048x128xf32> to vector<2048x128xf32>
    %add3A_22 = arith.addf %get3A_16, %get3A_21 : vector<2048x128xf32>
    %mul3A_23 = arith.mulf %add3A_22, %get3A_1 : vector<2048x128xf32>
    %concatenate3A = tpu.concatenate %mul3A, %mul3A_23 in 1 : vector<2048x128xf32>, vector<2048x128xf32> -> vector<2048x256xf32>
    %get3A_24 = arith.constant 0 : index
    %get3A_25 = arith.constant 0 : index
    %get3A_26 = vector.load %arg4[%get3A_24, %get3A_25] : memref<1x256xf32, #tpu.memory_space<vmem>>, vector<1x256xf32>
    %add3A_27 = vector.broadcast %get3A_26 : vector<1x256xf32> to vector<2048x256xf32>
    %add3A_28 = arith.addf %concatenate3A, %add3A_27 : vector<2048x256xf32>
    %get3A_29 = arith.constant 0 : index
    %get3A_30 = arith.constant 0 : index
    %get3A_31 = vector.load %arg5[%get3A_29, %get3A_30] : memref<2048x256xf32, #tpu.memory_space<vmem>>, vector<2048x256xf32>
    %add3A_32 = arith.addf %add3A_28, %get3A_31 : vector<2048x256xf32>
    %max3A = arith.constant 0.000000e+00 : f32
    %max3A_33 = vector.broadcast %max3A : f32 to vector<2048x256xf32>
    %max3A_34 = arith.maximumf %add3A_32, %max3A_33 : vector<2048x256xf32>
    %get3A_35 = arith.constant 0 : index
    %get3A_36 = arith.constant 0 : index
    %get3A_37 = vector.load %arg6[%get3A_35, %get3A_36] : memref<256x256xf32, #tpu.memory_space<vmem>>, vector<256x256xf32>
    %dot_general3A = arith.constant dense<0.000000e+00> : vector<2048x256xf32>
    %dot_general3A_38 = tpu.matmul %max3A_34, %get3A_37, %dot_general3A {dimension_numbers = #tpu.dot_dimension_numbers<[1], [0], [0], [1], [0, 0, 1, 1], [], []>, transpose_lhs_hint = false} : vector<2048x256xf32>, vector<256x256xf32>, vector<2048x256xf32> -> vector<2048x256xf32>
    %get3A_39 = arith.constant 0 : index
    %get3A_40 = arith.constant 0 : index
    %get3A_41 = vector.load %arg7[%get3A_39, %get3A_40] : memref<1x256xf32, #tpu.memory_space<vmem>>, vector<1x256xf32>
    %add3A_42 = vector.broadcast %get3A_41 : vector<1x256xf32> to vector<2048x256xf32>
    %add3A_43 = arith.addf %dot_general3A_38, %add3A_42 : vector<2048x256xf32>
    %max3A_44 = arith.constant 0.000000e+00 : f32
    %max3A_45 = vector.broadcast %max3A_44 : f32 to vector<2048x256xf32>
    %max3A_46 = arith.maximumf %add3A_43, %max3A_45 : vector<2048x256xf32>
    %get3A_47 = arith.constant 0 : index
    %get3A_48 = arith.constant 0 : index
    %get3A_49 = vector.load %arg8[%get3A_47, %get3A_48] : memref<256x256xf32, #tpu.memory_space<vmem>>, vector<256x256xf32>
    %dot_general3A_50 = arith.constant dense<0.000000e+00> : vector<2048x256xf32>
    %dot_general3A_51 = tpu.matmul %max3A_46, %get3A_49, %dot_general3A_50 {dimension_numbers = #tpu.dot_dimension_numbers<[1], [0], [0], [1], [0, 0, 1, 1], [], []>, transpose_lhs_hint = false} : vector<2048x256xf32>, vector<256x256xf32>, vector<2048x256xf32> -> vector<2048x256xf32>
    %get3A_52 = arith.constant 0 : index
    %get3A_53 = arith.constant 0 : index
    %get3A_54 = vector.load %arg9[%get3A_52, %get3A_53] : memref<1x256xf32, #tpu.memory_space<vmem>>, vector<1x256xf32>
    %add3A_55 = vector.broadcast %get3A_54 : vector<1x256xf32> to vector<2048x256xf32>
    %add3A_56 = arith.addf %dot_general3A_51, %add3A_55 : vector<2048x256xf32>
    %max3A_57 = arith.constant 0.000000e+00 : f32
    %max3A_58 = vector.broadcast %max3A_57 : f32 to vector<2048x256xf32>
    %max3A_59 = arith.maximumf %add3A_56, %max3A_58 : vector<2048x256xf32>
    %get3A_60 = arith.constant 0 : index
    %get3A_61 = arith.constant 0 : index
    %get3A_62 = vector.load %arg10[%get3A_60, %get3A_61] : memref<256x128xf32, #tpu.memory_space<vmem>>, vector<256x128xf32>
    %dot_general3A_63 = arith.constant dense<0.000000e+00> : vector<2048x128xf32>
    %dot_general3A_64 = tpu.matmul %max3A_59, %get3A_62, %dot_general3A_63 {dimension_numbers = #tpu.dot_dimension_numbers<[1], [0], [0], [1], [0, 0, 1, 1], [], []>, transpose_lhs_hint = false} : vector<2048x256xf32>, vector<256x128xf32>, vector<2048x128xf32> -> vector<2048x128xf32>
    %get3A_65 = arith.constant 0 : index
    %get3A_66 = arith.constant 0 : index
    %get3A_67 = vector.load %arg11[%get3A_65, %get3A_66] : memref<1x128xf32, #tpu.memory_space<vmem>>, vector<1x128xf32>
    %add3A_68 = vector.broadcast %get3A_67 : vector<1x128xf32> to vector<2048x128xf32>
    %add3A_69 = arith.addf %dot_general3A_64, %add3A_68 : vector<2048x128xf32>
    %iota3A = tpu.iota {dimensions = array<i32: 1>} : vector<2048x128xi32>
    %lt3A = arith.constant 7 : i32
    %lt3A_70 = vector.broadcast %lt3A : i32 to vector<2048x128xi32>
    %lt3A_71 = arith.cmpi slt, %iota3A, %lt3A_70 : vector<2048x128xi32>
    %jit3A = arith.constant -1.000000e+30 : f32
    %broadcast_in_dim3A = vector.broadcast %jit3A : f32 to vector<2048x128xf32>
    %select_n3A = arith.select %lt3A_71, %add3A_69, %broadcast_in_dim3A : vector<2048x128xi1>, vector<2048x128xf32>
    %reduce_max3A = arith.constant dense<0xFF800000> : vector<2048xf32>
    %reduce_max3A_72 = vector.multi_reduction <maximumf>, %select_n3A, %reduce_max3A [1] : vector<2048x128xf32> to vector<2048xf32>
    %broadcast_in_dim3A_73 = vector.shape_cast %reduce_max3A_72 : vector<2048xf32> to vector<2048x1xf32>
    %sub3A = vector.broadcast %broadcast_in_dim3A_73 : vector<2048x1xf32> to vector<2048x128xf32>
    %sub3A_74 = arith.subf %select_n3A, %sub3A : vector<2048x128xf32>
    %exp3A = math.exp %sub3A_74 : vector<2048x128xf32>
    %reduce_sum3A = arith.constant dense<0.000000e+00> : vector<2048xf32>
    %reduce_sum3A_75 = vector.multi_reduction <add>, %exp3A, %reduce_sum3A [1] : vector<2048x128xf32> to vector<2048xf32>
    %broadcast_in_dim3A_76 = vector.shape_cast %reduce_sum3A_75 : vector<2048xf32> to vector<2048x1xf32>
    %sub3A_77 = vector.broadcast %broadcast_in_dim3A_73 : vector<2048x1xf32> to vector<2048x128xf32>
    %sub3A_78 = arith.subf %add3A_69, %sub3A_77 : vector<2048x128xf32>
    %log3A = math.log %broadcast_in_dim3A_76 : vector<2048x1xf32>
    %sub3A_79 = vector.broadcast %log3A : vector<2048x1xf32> to vector<2048x128xf32>
    %sub3A_80 = arith.subf %sub3A_78, %sub3A_79 : vector<2048x128xf32>
    %swap3A = arith.constant 0 : index
    %swap3A_81 = arith.constant 0 : index
    %swap3A_82 = vector.load %arg12[%swap3A, %swap3A_81] : memref<2048x128xf32, #tpu.memory_space<vmem>>, vector<2048x128xf32>
    tpu.vector_store %arg12[%swap3A, %swap3A_81], %sub3A_80 {strides = array<i32>} : memref<2048x128xf32, #tpu.memory_space<vmem>>, vector<2048x128xf32>,
    return
  }
  func.func @transform_0(%arg0: i32) -> (i32, i32, i32) {
    %c0_i32 = arith.constant 0 : i32
    %c0_i32_0 = arith.constant 0 : i32
    %c0_i32_1 = arith.constant 0 : i32
    return %c0_i32, %arg0, %c0_i32_0 : i32, i32, i32
  }
  func.func @transform_1(%arg0: i32) -> (i32, i32, i32) {
    %c0_i32 = arith.constant 0 : i32
    %c0_i32_0 = arith.constant 0 : i32
    %c0_i32_1 = arith.constant 0 : i32
    return %c0_i32, %arg0, %c0_i32_0 : i32, i32, i32
  }
  func.func @transform_2(%arg0: i32) -> (i32, i32) {
    %c0_i32 = arith.constant 0 : i32
    %c0_i32_0 = arith.constant 0 : i32
    return %arg0, %c0_i32 : i32, i32
  }
  func.func @transform_3(%arg0: i32) -> (i32, i32) {
    %c0_i32 = arith.constant 0 : i32
    %c0_i32_0 = arith.constant 0 : i32
    %c0_i32_1 = arith.constant 0 : i32
    return %c0_i32, %c0_i32_0 : i32, i32
  }
  func.func @transform_4(%arg0: i32) -> (i32, i32) {
    %c0_i32 = arith.constant 0 : i32
    %c0_i32_0 = arith.constant 0 : i32
    return %arg0, %c0_i32 : i32, i32
  }
  func.func @transform_5(%arg0: i32) -> (i32, i32) {
    %c0_i32 = arith.constant 0 : i32
    %c0_i32_0 = arith.constant 0 : i32
    %c0_i32_1 = arith.constant 0 : i32
    return %c0_i32, %c0_i32_0 : i32, i32
  }
  func.func @transform_6(%arg0: i32) -> (i32, i32) {
    %c0_i32 = arith.constant 0 : i32
    %c0_i32_0 = arith.constant 0 : i32
    %c0_i32_1 = arith.constant 0 : i32
    return %c0_i32, %c0_i32_0 : i32, i32
  }
  func.func @transform_7(%arg0: i32) -> (i32, i32) {
    %c0_i32 = arith.constant 0 : i32
    %c0_i32_0 = arith.constant 0 : i32
    %c0_i32_1 = arith.constant 0 : i32
    return %c0_i32, %c0_i32_0 : i32, i32
  }
  func.func @transform_8(%arg0: i32) -> (i32, i32) {
    %c0_i32 = arith.constant 0 : i32
    %c0_i32_0 = arith.constant 0 : i32
    %c0_i32_1 = arith.constant 0 : i32
    return %c0_i32, %c0_i32_0 : i32, i32
  }
  func.func @transform_9(%arg0: i32) -> (i32, i32) {
    %c0_i32 = arith.constant 0 : i32
    %c0_i32_0 = arith.constant 0 : i32
    %c0_i32_1 = arith.constant 0 : i32
    return %c0_i32, %c0_i32_0 : i32, i32
  }
  func.func @transform_10(%arg0: i32) -> (i32, i32) {
    %c0_i32 = arith.constant 0 : i32
    %c0_i32_0 = arith.constant 0 : i32
    %c0_i32_1 = arith.constant 0 : i32
    return %c0_i32, %c0_i32_0 : i32, i32
  }
  func.func @transform_11(%arg0: i32) -> (i32, i32) {
    %c0_i32 = arith.constant 0 : i32
    %c0_i32_0 = arith.constant 0 : i32
    return %arg0, %c0_i32 : i32, i32
  }
}

</mosaic_0001>

<sc_bundles>
// kernel: kernel.10.cloned.1.call-start
scs
__scs_entry_jumppad:
0x0: {  	(pc) =	sbr.rel $0x88, $3  }
0x1: {  	(tag) =	ssettag $0x0;
	lr =	simm.s32 $0x1  }
0x2: {  	[smem:$0x3F93] =	sst lr;
	_ =	strace $0xD0000000  }
0x3: {  	_ = 	snop  }
0x4: {  	_ = 	snop  }
0x5: {  	_ = 	snop  }
0x6: {  	_ = 	snop  }
0x7: {  	_ = 	snop  }
__scs_overlays_trampoline_lowered:
0x8: {  	[smem:$0x3FA2] =	sst s0  }
0x9: {  	[smem:$0x3FA3] =	sst s1  }
0xa: {  	[smem:$0x3FA4] =	sst s2  }
0xb: {  	[smem:$0x3FA5] =	sst s3  }
0xc: {  	[smem:$0x3FA6] =	sst s4  }
0xd: {  	[smem:$0x3FA7] =	sst s5  }
0xe: {  	[smem:$0x3FA8] =	sst s6  }
0xf: {  	[smem:$0x3FA9] =	sst s7  }
0x10: {  	[smem:$0x3FAA] =	sst s8  }
0x11: {  	[smem:$0x3FAB] =	sst s9;
	s0 =	simm.s32 @!p0 $0x0  }
0x12: {  	s1 =	sld [smem:$0x3F91];
	s0 =	simm.s32 @p0 $0x1  }
0x13: {  	[smem:$0x3FAC] =	sst s0;
	s0 =	simm.s32 @!p1 $0x0  }
0x14: {  	s2 =	sld [smem:$0x3F90];
	s0 =	simm.s32 @p1 $0x1  }
0x15: {  	[smem:$0x3FAD] =	sst s0;
	s0 =	simm.s32 @!p2 $0x0  }
0x16: {  	s3 =	sld [smem:$0x3FDB];
	s0 =	simm.s32 @p2 $0x1  }
0x17: {  	s4 =	simm.s32 $0x1BF5;
	[smem:$0x3FAF] =	sst s0  }
0x18: {  	s0 =	sld [smem:$0x3F92];
	_ =	swait.ge [sflag:s4], $0x0  }
0x19: {  	s7 =	sld [smem:$0x3F93]  }
0x1a: {  	s8 =	sadd.s32 $0xFFFFE003, lr  }
0x1b: {  	s9 =	sadd.s32 $0xFFFFFEF7, lr;
	s5 =	simm.s32 $0xFFFFFFFF;
	p2 =	slt.u32 s8, $0xFFFFF086  }
0x1c: {  	p1 =	slt.u32 s9, $0xF7A;
	s5 =	simm.s32 @!p2 $0x0  }
0x1d: {  	s5 =	simm.s32 @p1 $0x1;
	p0 =	seq.s32 s7, s2  }
0x1e: {  	s7 =	smul.u32 @!p0 $0xF7A, s2;
	p2 =	seq.s32 @!p0 s5, $0x0  }
0x1f: {  	s9 =	smul.u32 $0xF7A, s1;
	s8 =	simm.s32 @!p0 $0x1BF5;
	p2 =	por !p2, p0  }
0x20: {  	[sflag:s8] =	ssyncset.s32 @!p0 $0xFFFFF086;
	s6 =	sadd.s32 @!p0 s3, s7;
	s7 =	simm.s32 @!p0 $0x108  }
0x21: {  	s3 =	sadd.s32 s3, s9;
	s6 =	sadd.s32 @!p0 $0x88, s6;
	s7 =	simm.s32 @p2 $0x1082  }
0x22: {  	[simem:s7], [sflag:s8] =	dma.local @!p0 [hbm:s6], $0xF7A  }
0x23: {  	s9 =	sor.u32 $0xD0000000, s2;
	s6 =	simm.s32 $0x108;
	_ =	swait.ge @!p0 [sflag:s8], $0x0  }
0x24: {  	s3 =	sadd.s32 $0x88, s3;
	s6 =	simm.s32 @!p1 $0x1082;
	[sflag:s4] =	ssyncset.s32 $0xFFFFF086  }
0x25: {  	[simem:s6], [sflag:s4] =	dma.local [hbm:s3], $0xF7A  }
0x26: {  	[smem:$0x3F93] =	sst s1;
	(tag) =	ssettag s2;
	_ =	strace s9  }
0x27: {  	s1 =	sld [smem:$0x3FA3]  }
0x28: {  	s2 =	sld [smem:$0x3FA4]  }
0x29: {  	s4 =	sld [smem:$0x3FA6]  }
0x2a: {  	p0 =	seq.s32 s5, $0x0;
	s5 =	sld [smem:$0x3FA7]  }
0x2b: {  	s6 =	sld [smem:$0x3FA8]  }
0x2c: {  	s7 =	sld [smem:$0x3FA9]  }
0x2d: {  	s3 =	simm.s32 $0x108;
	s8 =	sld [smem:$0x3FAA]  }
0x2e: {  	s3 =	simm.s32 @!p0 $0x1082;
	s9 =	sld [smem:$0x3FAB]  }
0x2f: {  	lr =	sadd.s32 s0, s3;
	s0 =	sld [smem:$0x3FA2]  }
0x30: {  	s3 =	sld [smem:$0x3FA5]  }
0x31: {  	[smem:$0x3FAE] =	sst s10  }
0x32: {  	s10 =	sld [smem:$0x3FAC];
	_ =	sdelay $0x3  }
0x33: {  	p0 =	seq.s32 s10, $0x1;
	s10 =	sld [smem:$0x3FAE];
	_ =	sdelay $0x3  }
0x34: {  	[smem:$0x3FAE] =	sst s10  }
0x35: {  	s10 =	sld [smem:$0x3FAD];
	_ =	sdelay $0x3  }
0x36: {  	p1 =	seq.s32 s10, $0x1;
	s10 =	sld [smem:$0x3FAE];
	_ =	sdelay $0x3  }
0x37: {  	[smem:$0x3FAE] =	sst s10  }
0x38: {  	s10 =	sld [smem:$0x3FAF]  }
0x39: {  	_ = 	snop;
	(pc) =	sbr.ind lr, $3  }
0x3a: {  	_ = 	snop  }
0x3b: {  	_ = 	snop  }
0x3c: {  	p2 =	seq.s32 s10, $0x1;
	s10 =	sld [smem:$0x3FAE]  }
0x3d: {  	_ =	shalt  }
0x3e: {  	_ =	shalt  }
0x3f: {  	_ =	shalt  }
0x40: {  	_ =	shalt  }
0x41: {  	_ =	shalt  }
0x42: {  	_ =	shalt  }
0x43: {  	_ =	shalt  }
0x44: {  	_ =	shalt  }
0x45: {  	_ =	shalt  }
0x46: {  	_ =	shalt  }
0x47: {  	_ =	shalt  }
0x48: {  	_ =	shalt  }
0x49: {  	_ =	shalt  }
0x4a: {  	_ =	shalt  }
0x4b: {  	_ =	shalt  }
0x4c: {  	_ =	shalt  }
0x4d: {  	_ =	shalt  }
0x4e: {  	_ =	shalt  }
0x4f: {  	_ =	shalt  }
0x50: {  	_ =	shalt  }
0x51: {  	_ =	shalt  }
0x52: {  	_ =	shalt  }
0x53: {  	_ =	shalt  }
0x54: {  	_ =	shalt  }
0x55: {  	_ =	shalt  }
0x56: {  	_ =	shalt  }
0x57: {  	_ =	shalt  }
0x58: {  	_ =	shalt  }
0x59: {  	_ =	shalt  }
0x5a: {  	_ =	shalt  }
0x5b: {  	_ =	shalt  }
0x5c: {  	_ =	shalt  }
0x5d: {  	_ =	shalt  }
0x5e: {  	_ =	shalt  }
0x5f: {  	_ =	shalt  }
0x60: {  	_ =	shalt  }
0x61: {  	_ =	shalt  }
0x62: {  	_ =	shalt  }
0x63: {  	_ =	shalt  }
0x64: {  	_ =	shalt  }
0x65: {  	_ =	shalt  }
0x66: {  	_ =	shalt  }
0x67: {  	_ =	shalt  }
0x68: {  	_ =	shalt  }
0x69: {  	_ =	shalt  }
0x6a: {  	_ =	shalt  }
0x6b: {  	_ =	shalt  }
0x6c: {  	_ =	shalt  }
0x6d: {  	_ =	shalt  }
0x6e: {  	_ =	shalt  }
0x6f: {  	_ =	shalt  }
0x70: {  	_ =	shalt  }
0x71: {  	_ =	shalt  }
0x72: {  	_ =	shalt  }
0x73: {  	_ =	shalt  }
0x74: {  	_ =	shalt  }
0x75: {  	_ =	shalt  }
0x76: {  	_ =	shalt  }
0x77: {  	_ =	shalt  }
0x78: {  	_ =	shalt  }
0x79: {  	_ =	shalt  }
0x7a: {  	_ =	shalt  }
0x7b: {  	_ =	shalt  }
0x7c: {  	_ =	shalt  }
0x7d: {  	_ =	shalt  }
0x7e: {  	_ =	shalt  }
0x7f: {  	_ =	shalt  }
0x80: {  	_ =	shalt  }
0x81: {  	_ =	shalt  }
0x82: {  	_ =	shalt  }
0x83: {  	_ =	shalt  }
0x84: {  	_ =	shalt  }
0x85: {  	_ =	shalt  }
0x86: {  	_ =	shalt  }
0x87: {  	_ =	shalt  }
.Lfunc_end0:
.L_simem_size_0:
called_computation_lowered:
.L_overlay_start_0:
0x88: {  	s2 =	sld [smem:$0x3FD9]  }
0x89: {  	s3 =	sld [smem:$0x3FFE];
	_ =	sdelay $0x1  }
0x8a: {  	s1 =	srdreg.scid  }
0x8b: {  	s0 =	sand.u32 $0x1, s1  }
0x8c: {  	s17 =	sshll.u32 s0, $0xA;
	s2 =	sadd.s32 s3, s2  }
0x8d: {  	s2 =	sadd.s32 s2, s17  }
0x8e: {  	[smem:$0x3FBA] =	sst s2  }
0x8f: {  	_ = 	snop  }
0x90: {  	s2 =	sld [smem:$0x3FD0];
	(tm) =	ssettm $0x1  }
0x91: {  	s18 =	sld [smem:$0x3FFB];
	_ =	sdelay $0x3  }
0x92: {  	_ =	strace s18  }
0x93: {  	s3 =	sld [smem:$0x3FFC];
	_ =	sdelay $0x3  }
0x94: {  	_ =	strace s3  }
0x95: {  	s3 =	sld [smem:$0x3FFD];
	_ =	sdelay $0x3  }
0x96: {  	_ =	strace s3  }
0x97: {  	_ =	strace $0x8FFFFFFF  }
0x98: {  	s19 =	sld [smem:$0x3FDB];
	_ =	sdelay $0x1  }
0x99: {  	s4 =	simm.s32 $_scs_section_size  }
0x9a: {  	s5 =	simm.s32 $_size__tile_overlayer_lowered;
	s6 =	simm.s32 $_tile_overlayer_lowered  }
0x9b: {  	s22 =	simm.s32 $0x1BFF;
	s21 =	sshll.u32 s6, $0x1;
	s3 =	sadd.s32 s4, s19  }
0x9c: {  	s7 =	simm.s32 $0x0;
	s20 =	sshll.u32 s5, $0x1;
	s5 =	sadd.s32 s21, s3  }
0x9d: {  	[timem:s7], [sflag:s22] =	dma.local [hbm:s5], s20  }
0x9e: {  	_ =	swait.ge [sflag:s22], s20  }
0x9f: {  	s4 =	ssub.s32 $0x0, s20;
	[sflag:s22] =	ssyncset.done $0x0  }
0xa0: {  	[sflag:s22] =	ssyncadd.s32 s4;
	_ =	sdelay $0x1  }
0xa1: {  	s23 =	simm.s32 $0x1B8B  }
0xa2: {  	_ =	swait.ge [sflag:s23], $0x1  }
0xa3: {  	[sflag:s23] =	ssyncset.done $0x0  }
0xa4: {  	s25 =	simm.s32 $0x1B8E;
	s24 =	sld [smem:$0x3FFE];
	[sflag:s23] =	ssyncadd.s32 $0xFFFFFFFF  }
0xa5: {  	s26 =	simm.s32 $execute0_lowered;
	[smem:$0x3FD2] =	sst s25  }
0xa6: {  	s5 =	sshll.u32 s26, $0x1;
	_ =	strace $0x80000046;
	[dreg:$0x1] =	wrdreg $0xFFFFFFFF  }
0xa7: {  	s28 =	simm.s32 $_size_execute0_lowered;
	s3 =	sadd.s32 s3, s5;
	[dreg:$0x0] =	wrdreg $0x0  }
0xa8: {  	s5 =	sshll.u32 s28, $0x1;
	[dreg:$0x2] =	wrdreg s3  }
0xa9: {  	[dreg:$0x3] =	wrdreg s5  }
0xaa: {  	[dreg:$0x4] =	wrdreg $0xC0  }
0xab: {  	_ =	task [dreg:s7], $0x5FFFF  }
0xac: {  	[dreg:$0x1] =	wrdreg $0xFFFFFFFF  }
0xad: {  	[dreg:$0x0] =	wrdreg $0x60  }
0xae: {  	[dreg:$0x2] =	wrdreg s24  }
0xaf: {  	[dreg:$0x3] =	wrdreg s2  }
0xb0: {  	[dreg:$0x4] =	wrdreg $0x29000  }
0xb1: {  	[dreg:$0x5] =	wrdreg $0x9  }
0xb2: {  	_ =	task.clear_ibuf [dreg:s7], $0x6FFFF;
	_ =	strace $0x90000046  }
0xb3: {  	s29 =	simm.s32 $0x9;
	_ =	strace $0x80000048  }
0xb4: {  	_ =	swait.ge [sflag:s29], $0x1  }
0xb5: {  	[sflag:s29] =	ssyncadd.s32 $0xFFFFFFFF  }
0xb6: {  	_ =	strace $0x90000048  }
0xb7: {  	_ =	sfence  }
0xb8: {  	s30 =	sld [smem:$0x0];
	_ =	sdelay $0x2  }
0xb9: {  	s31 =	sshll.u32 s1, $0xD;
	s1 =	sshrl.u32 s1, $0x2  }
0xba: {  	s3 =	sand.u32 $0x4000, s31;
	s1 =	sadd.s32 s1, s30  }
0xbb: {  	s0 =	sor.u32 s3, s0;
	s1 =	sshll.u32 s1, $0x11  }
0xbc: {  	s0 =	sor.u32 s1, s0  }
0xbd: {  	s0 =	sadd.s32 $0x8F2B, s0  }
0xbe: {  	[sflag:s0] =	ssyncadd.remote.s32 $0x1  }
0xbf: {  	_ =	sfence.sel $0xFFFF  }
0xc0: {  	[dreg:$0x0] =	wrdreg $0xFFFFFFFF;
	(pc) =	sbr.abs _section_cstart, $3  }
0xc1: {  	[dreg:$0x1] =	wrdreg $0xFFFFFFFF  }
0xc2: {  	_ =	task.clear_ibuf [dreg:s7], $0x2FFFF;
	_ =	strace $0x9FFFFFFF  }
0xc3: {  	(tm) =	ssettm $0x7FFFFFFF  }
tec
execute0_lowered:
.L_overlay_start_1:
0x0: {  	(tag) =	ssettag $0x1  }
0x1: {  	s4 =	rddreg [dreg:$0x0]  }
0x2: {  	s1 =	srdreg.scid;
	s10 =	rddreg [dreg:$0x1]  }
0x3: {  	s0 =	stileid.u32;
	s2 =	rddreg [dreg:$0x2];
	s3 =	simm.s32 $0x0  }
0x4: {  	s13 =	simm.s32 $0x1;
	s14 =	simm.s32 $0x40;
	s15 =	simm.s32 $0x2800  }
0x5: {  	s18 =	simm.s32 $0x20;
	s19 =	simm.s32 $0x10;
	s5 =	smul.u32 $0x5000, s0  }
0x6: {  	s6 =	sand.u32 $0x1, s1;
	s1 =	rddreg [dreg:$0x3];
	s28 =	smul.u32 $0xA00, s0  }
0x7: {  	s20 =	simm.s32 $0x0;
	[smem:$0x7FF] =	sst s3;
	s8 =	smul.u32 $0x500, s0  }
0x8: {  	s16 =	sshll.u32 s0, $0x6;
	s7 =	smul.u32 $0x2800, s6;
	_ =	strace $0x80000047  }
0x9: {  	s29 =	ssub.s32 $0x2, s6;
	s12 =	sshll.u32 s6, $0x7;
	s16 =	sor.u32 $0x1C01, s16  }
0xa: {  	s30 =	sshrl.u32 s28, $0x2;
	s31 =	sshrl.u32 s29, $0x1;
	s12 =	sor.u32 s12, s8  }
0xb: {  	s5 =	sadd.s32 s7, s5;
	s11 =	ssub.s32 s29, s31;
	s12 =	sshrl.u32 s12, $0x3  }
0xc: {  	s5 =	sshrl.u32 s5, $0x3;
	s10 =	sadd.s32 s10, s12;
	s11 =	smax.u32 s11, $0x1  }
0xd: {  	s12 =	simm.s32 $0x2880;
	s9 =	sadd.s32 s5, s4;
	s4 =	sadd.s32 s30, s2  }
0xe: {  	s5 =	sadd.s32 $0x80, s4;
	s6 =	sadd.s32 $0x100, s4;
	s7 =	sadd.s32 $0x180, s4  }
0xf: {  	v0 =	vimm.f32 $1.000000000e+00;
	v1 =	vimm.f32 $0.0e+00;
	s8 =	sadd.s32 $0x200, s4;
	s9 =	sadd.s32 $0x3200, s9;
	s17 =	sshrl.u32 s4, $0x3  }
.LBB2_1:
0x10: {  	[tilespmem:$0x2800] =	vst v0  }
0x11: {  	[tilespmem:$0x2880] =	vst v1  }
0x12: {  	[tilespmem:$0x2810] =	vst v0  }
0x13: {  	[tilespmem:$0x2890] =	vst v1  }
0x14: {  	[tilespmem:$0x2820] =	vst v0  }
0x15: {  	[tilespmem:$0x28A0] =	vst v1  }
0x16: {  	[tilespmem:$0x2830] =	vst v0  }
0x17: {  	[tilespmem:$0x28B0] =	vst v1  }
0x18: {  	[tilespmem:$0x2840] =	vst v0  }
0x19: {  	[tilespmem:$0x28C0] =	vst v1  }
0x1a: {  	[tilespmem:$0x2850] =	vst v0  }
0x1b: {  	[tilespmem:$0x28D0] =	vst v1  }
0x1c: {  	[tilespmem:$0x2860] =	vst v0  }
0x1d: {  	[tilespmem:$0x28E0] =	vst v1  }
0x1e: {  	[tilespmem:$0x2870] =	vst v0  }
0x1f: {  	[tilespmem:$0x28F0] =	vst v1  }
0x20: {  	[spmem:s4] =	stream.linear.scatter [tilespmem:s12], [sflag:$0x1], $0x80, $0x38;
	[tilespmem:$0x2B80] =	vst v63  }
0x21: {  	_ =	swait.ge [sflag:s13], $0x80  }
0x22: {  	[sflag:s13] =	ssyncset.done $0x0  }
0x23: {  	[sflag:s13] =	ssyncadd.s32 $0xFFFFFF80  }
0x24: {  	[spmem:s5] =	stream.linear.scatter [tilespmem:s12], [sflag:$0x1], $0x80, $0x38;
	[tilespmem:$0x2B80] =	vst v63  }
0x25: {  	_ =	swait.ge [sflag:s13], $0x80  }
0x26: {  	[sflag:s13] =	ssyncset.done $0x0  }
0x27: {  	[sflag:s13] =	ssyncadd.s32 $0xFFFFFF80  }
0x28: {  	[spmem:s6] =	stream.linear.scatter [tilespmem:s12], [sflag:$0x1], $0x80, $0x38;
	[tilespmem:$0x2B80] =	vst v63  }
0x29: {  	_ =	swait.ge [sflag:s13], $0x80  }
0x2a: {  	[sflag:s13] =	ssyncset.done $0x0  }
0x2b: {  	[sflag:s13] =	ssyncadd.s32 $0xFFFFFF80  }
0x2c: {  	[spmem:s7] =	stream.linear.scatter [tilespmem:s12], [sflag:$0x1], $0x80, $0x38;
	[tilespmem:$0x2B80] =	vst v63  }
0x2d: {  	_ =	swait.ge [sflag:s13], $0x80  }
0x2e: {  	[sflag:s13] =	ssyncset.done $0x0  }
0x2f: {  	[sflag:s13] =	ssyncadd.s32 $0xFFFFFF80  }
0x30: {  	[spmem:s8] =	stream.linear.scatter [tilespmem:s12], [sflag:$0x1], $0x80, $0x38;
	[tilespmem:$0x2B80] =	vst v63  }
0x31: {  	_ =	swait.ge [sflag:s13], $0x80  }
0x32: {  	[sflag:s13] =	ssyncset.done $0x0  }
0x33: {  	[sflag:s13] =	ssyncadd.s32 $0xFFFFFF80  }
0x34: {  	[bflag:$0x0] =	sbarrier.arrive $0xFFFF  }
0x35: {  	[tilespmem:s3], [sflag:$0x1] =	stream.linear.gather [hbm4b:s9+s3], $0x2800, $0x38;
	[tilespmem:$0x2B80] =	vst v63  }
0x36: {  	_ =	swait.ge [sflag:s13], $0x2800  }
0x37: {  	[sflag:s13] =	ssyncset.done $0x0  }
0x38: {  	s21 =	simm.s32 $0x0;
	[sflag:s13] =	ssyncadd.s32 $0xFFFFD800  }
0x39: {  	[spmem:s2] =	stream.indirect.scatter.add.f32 [tilespmem:s15], [sflag:$0x1], $0x1, s21, s14, $0xb8;
	[tilespmem:$0x2B80] =	vst v63  }
0x3a: {  	_ =	swait.ge [sflag:s13], $0x40  }
0x3b: {  	s21 =	simm.s32 $0x200;
	[sflag:s13] =	ssyncset.done $0x0  }
.LBB2_2:
0x3c: {  	s22 =	sshra.s32 s21, $0x2;
	[sflag:s13] =	ssyncadd.s32 $0xFFFFFFC0;
	p0 =	sne.s32 s21, $0x9E00  }
0x3d: {  	[spmem:s2] =	stream.indirect.scatter.add.f32 [tilespmem:s15], [sflag:$0x1], $0x1, s22, s14, $0xb8;
	[tilespmem:$0x2B80] =	vst v63  }
.Ltmp0:
0x3e: {  	_ = 	snop;
	(pc) =	sbr.rel @p0 .LBB2_2-.Ltmp0, $4  }
0x3f: {  	_ = 	snop  }
0x40: {  	s21 =	sadd.s32 $0x200, s21  }
0x41: {  	_ =	swait.ge [sflag:s13], $0x40  }
0x42: {  	[sflag:s13] =	ssyncset.done $0x0  }
0x43: {  	s20 =	sadd.s32 $0x1, s20  }
0x44: {  	[sflag:s13] =	ssyncadd.s32 $0xFFFFFFC0;
	p0 =	sne.s32 s20, s11  }
.Ltmp1:
0x45: {  	[bflag:$0x0] =	sbarrier.arrive $0xFFFF;
	(pc) =	sbr.rel @p0 .LBB2_1-.Ltmp1, $4  }
0x46: {  	[hbm:s10@s18], [sflag:s16] =	dma.strided [spmem:s17@s19], $0x50, s13, $0x10   }
0x47: {  	_ =	swait.ge [sflag:s13], $0x50  }
0x48: {  	[sflag:s13] =	ssyncset.done $0x0  }
0x49: {  	[sflag:s13] =	ssyncadd.s32 $0xFFFFFFB0  }
0x4a: {  	_ =	sfence.sel $0x180000  }
0x4b: {  	[bflag:$0x0] =	sbarrier.arrive $0xFFFF  }
0x4c: {  	p0 =	sne.s32 s0, $0x0;
	_ =	strace $0x90000047  }
0x4d: {  	s0 =	sadd.s32 @!p0 $0x100000, s1;
	[bflag:$0x2] =	sbarrier.arrive $0xFFFF  }
0x4e: {  	[sflag:s0] =	ssyncadd.tile.s32 @!p0 $0x1;
	_ =	shalt  }
.Lfunc_end2:
_tile_overlayer_lowered:
.L_overlay_start_2:
0x4f: {  	(tag) =	ssettag $0x2  }
0x50: {  	s0 =	rddreg [dreg:$0x0];
	s2 =	stileid.u32  }
0x51: {  	s1 =	rddreg [dreg:$0x1];
	p0 =	sne.s32 s2, $0x0  }
0x52: {  	s3 =	rddreg [dreg:$0x2];
	[bflag:$0x3] =	sbarrier.arrive $0xFFFF;
	s2 =	simm.s32 @!p0 $0x1C01  }
0x53: {  	[timem:s3], [sflag:s2] =	dma.local @!p0 [hbm:s0], s1  }
0x54: {  	s0 =	simm.s32 @!p0 $0x1  }
0x55: {  	_ =	swait.ge @!p0 [sflag:s0], s1  }
0x56: {  	s1 =	ssub.s32 @!p0 $0x0, s1;
	[sflag:s0] =	ssyncset.done @!p0 $0x0  }
0x57: {  	[sflag:s0] =	ssyncadd.s32 @!p0 s1  }
0x58: {  	[bflag:$0x3] =	sbarrier.arrive $0xFFFF  }
0x59: {  	_ =	shalt  }

// kernel: kernel.13.cloned.1.call-start
scs
__scs_entry_jumppad:
0x0: {  	(pc) =	sbr.rel $0x88, $3  }
0x1: {  	(tag) =	ssettag $0x0;
	lr =	simm.s32 $0x1  }
0x2: {  	[smem:$0x3F93] =	sst lr;
	_ =	strace $0xD0000000  }
0x3: {  	_ = 	snop  }
0x4: {  	_ = 	snop  }
0x5: {  	_ = 	snop  }
0x6: {  	_ = 	snop  }
0x7: {  	_ = 	snop  }
__scs_overlays_trampoline_lowered:
0x8: {  	[smem:$0x3FA2] =	sst s0  }
0x9: {  	[smem:$0x3FA3] =	sst s1  }
0xa: {  	[smem:$0x3FA4] =	sst s2  }
0xb: {  	[smem:$0x3FA5] =	sst s3  }
0xc: {  	[smem:$0x3FA6] =	sst s4  }
0xd: {  	[smem:$0x3FA7] =	sst s5  }
0xe: {  	[smem:$0x3FA8] =	sst s6  }
0xf: {  	[smem:$0x3FA9] =	sst s7  }
0x10: {  	[smem:$0x3FAA] =	sst s8  }
0x11: {  	[smem:$0x3FAB] =	sst s9;
	s0 =	simm.s32 @!p0 $0x0  }
0x12: {  	s1 =	sld [smem:$0x3F91];
	s0 =	simm.s32 @p0 $0x1  }
0x13: {  	[smem:$0x3FAC] =	sst s0;
	s0 =	simm.s32 @!p1 $0x0  }
0x14: {  	s2 =	sld [smem:$0x3F90];
	s0 =	simm.s32 @p1 $0x1  }
0x15: {  	[smem:$0x3FAD] =	sst s0;
	s0 =	simm.s32 @!p2 $0x0  }
0x16: {  	s3 =	sld [smem:$0x3FDB];
	s0 =	simm.s32 @p2 $0x1  }
0x17: {  	s4 =	simm.s32 $0x1BF5;
	[smem:$0x3FAF] =	sst s0  }
0x18: {  	s0 =	sld [smem:$0x3F92];
	_ =	swait.ge [sflag:s4], $0x0  }
0x19: {  	s7 =	sld [smem:$0x3F93]  }
0x1a: {  	s8 =	sadd.s32 $0xFFFFE003, lr  }
0x1b: {  	s9 =	sadd.s32 $0xFFFFFEF7, lr;
	s5 =	simm.s32 $0xFFFFFFFF;
	p2 =	slt.u32 s8, $0xFFFFF086  }
0x1c: {  	p1 =	slt.u32 s9, $0xF7A;
	s5 =	simm.s32 @!p2 $0x0  }
0x1d: {  	s5 =	simm.s32 @p1 $0x1;
	p0 =	seq.s32 s7, s2  }
0x1e: {  	s7 =	smul.u32 @!p0 $0xF7A, s2;
	p2 =	seq.s32 @!p0 s5, $0x0  }
0x1f: {  	s9 =	smul.u32 $0xF7A, s1;
	s8 =	simm.s32 @!p0 $0x1BF5;
	p2 =	por !p2, p0  }
0x20: {  	[sflag:s8] =	ssyncset.s32 @!p0 $0xFFFFF086;
	s6 =	sadd.s32 @!p0 s3, s7;
	s7 =	simm.s32 @!p0 $0x108  }
0x21: {  	s3 =	sadd.s32 s3, s9;
	s6 =	sadd.s32 @!p0 $0x88, s6;
	s7 =	simm.s32 @p2 $0x1082  }
0x22: {  	[simem:s7], [sflag:s8] =	dma.local @!p0 [hbm:s6], $0xF7A  }
0x23: {  	s9 =	sor.u32 $0xD0000000, s2;
	s6 =	simm.s32 $0x108;
	_ =	swait.ge @!p0 [sflag:s8], $0x0  }
0x24: {  	s3 =	sadd.s32 $0x88, s3;
	s6 =	simm.s32 @!p1 $0x1082;
	[sflag:s4] =	ssyncset.s32 $0xFFFFF086  }
0x25: {  	[simem:s6], [sflag:s4] =	dma.local [hbm:s3], $0xF7A  }
0x26: {  	[smem:$0x3F93] =	sst s1;
	(tag) =	ssettag s2;
	_ =	strace s9  }
0x27: {  	s1 =	sld [smem:$0x3FA3]  }
0x28: {  	s2 =	sld [smem:$0x3FA4]  }
0x29: {  	s4 =	sld [smem:$0x3FA6]  }
0x2a: {  	p0 =	seq.s32 s5, $0x0;
	s5 =	sld [smem:$0x3FA7]  }
0x2b: {  	s6 =	sld [smem:$0x3FA8]  }
0x2c: {  	s7 =	sld [smem:$0x3FA9]  }
0x2d: {  	s3 =	simm.s32 $0x108;
	s8 =	sld [smem:$0x3FAA]  }
0x2e: {  	s3 =	simm.s32 @!p0 $0x1082;
	s9 =	sld [smem:$0x3FAB]  }
0x2f: {  	lr =	sadd.s32 s0, s3;
	s0 =	sld [smem:$0x3FA2]  }
0x30: {  	s3 =	sld [smem:$0x3FA5]  }
0x31: {  	[smem:$0x3FAE] =	sst s10  }
0x32: {  	s10 =	sld [smem:$0x3FAC];
	_ =	sdelay $0x3  }
0x33: {  	p0 =	seq.s32 s10, $0x1;
	s10 =	sld [smem:$0x3FAE];
	_ =	sdelay $0x3  }
0x34: {  	[smem:$0x3FAE] =	sst s10  }
0x35: {  	s10 =	sld [smem:$0x3FAD];
	_ =	sdelay $0x3  }
0x36: {  	p1 =	seq.s32 s10, $0x1;
	s10 =	sld [smem:$0x3FAE];
	_ =	sdelay $0x3  }
0x37: {  	[smem:$0x3FAE] =	sst s10  }
0x38: {  	s10 =	sld [smem:$0x3FAF]  }
0x39: {  	_ = 	snop;
	(pc) =	sbr.ind lr, $3  }
0x3a: {  	_ = 	snop  }
0x3b: {  	_ = 	snop  }
0x3c: {  	p2 =	seq.s32 s10, $0x1;
	s10 =	sld [smem:$0x3FAE]  }
0x3d: {  	_ =	shalt  }
0x3e: {  	_ =	shalt  }
0x3f: {  	_ =	shalt  }
0x40: {  	_ =	shalt  }
0x41: {  	_ =	shalt  }
0x42: {  	_ =	shalt  }
0x43: {  	_ =	shalt  }
0x44: {  	_ =	shalt  }
0x45: {  	_ =	shalt  }
0x46: {  	_ =	shalt  }
0x47: {  	_ =	shalt  }
0x48: {  	_ =	shalt  }
0x49: {  	_ =	shalt  }
0x4a: {  	_ =	shalt  }
0x4b: {  	_ =	shalt  }
0x4c: {  	_ =	shalt  }
0x4d: {  	_ =	shalt  }
0x4e: {  	_ =	shalt  }
0x4f: {  	_ =	shalt  }
0x50: {  	_ =	shalt  }
0x51: {  	_ =	shalt  }
0x52: {  	_ =	shalt  }
0x53: {  	_ =	shalt  }
0x54: {  	_ =	shalt  }
0x55: {  	_ =	shalt  }
0x56: {  	_ =	shalt  }
0x57: {  	_ =	shalt  }
0x58: {  	_ =	shalt  }
0x59: {  	_ =	shalt  }
0x5a: {  	_ =	shalt  }
0x5b: {  	_ =	shalt  }
0x5c: {  	_ =	shalt  }
0x5d: {  	_ =	shalt  }
0x5e: {  	_ =	shalt  }
0x5f: {  	_ =	shalt  }
0x60: {  	_ =	shalt  }
0x61: {  	_ =	shalt  }
0x62: {  	_ =	shalt  }
0x63: {  	_ =	shalt  }
0x64: {  	_ =	shalt  }
0x65: {  	_ =	shalt  }
0x66: {  	_ =	shalt  }
0x67: {  	_ =	shalt  }
0x68: {  	_ =	shalt  }
0x69: {  	_ =	shalt  }
0x6a: {  	_ =	shalt  }
0x6b: {  	_ =	shalt  }
0x6c: {  	_ =	shalt  }
0x6d: {  	_ =	shalt  }
0x6e: {  	_ =	shalt  }
0x6f: {  	_ =	shalt  }
0x70: {  	_ =	shalt  }
0x71: {  	_ =	shalt  }
0x72: {  	_ =	shalt  }
0x73: {  	_ =	shalt  }
0x74: {  	_ =	shalt  }
0x75: {  	_ =	shalt  }
0x76: {  	_ =	shalt  }
0x77: {  	_ =	shalt  }
0x78: {  	_ =	shalt  }
0x79: {  	_ =	shalt  }
0x7a: {  	_ =	shalt  }
0x7b: {  	_ =	shalt  }
0x7c: {  	_ =	shalt  }
0x7d: {  	_ =	shalt  }
0x7e: {  	_ =	shalt  }
0x7f: {  	_ =	shalt  }
0x80: {  	_ =	shalt  }
0x81: {  	_ =	shalt  }
0x82: {  	_ =	shalt  }
0x83: {  	_ =	shalt  }
0x84: {  	_ =	shalt  }
0x85: {  	_ =	shalt  }
0x86: {  	_ =	shalt  }
0x87: {  	_ =	shalt  }
.Lfunc_end0:
.L_simem_size_0:
called_computation.1_lowered:
.L_overlay_start_0:
0x88: {  	s2 =	sld [smem:$0x3FD9]  }
0x89: {  	s3 =	sld [smem:$0x3FFE];
	_ =	sdelay $0x1  }
0x8a: {  	s1 =	srdreg.scid  }
0x8b: {  	s0 =	sand.u32 $0x1, s1  }
0x8c: {  	s16 =	sshll.u32 s0, $0xA;
	s2 =	sadd.s32 s3, s2  }
0x8d: {  	s2 =	sadd.s32 s2, s16  }
0x8e: {  	[smem:$0x3FBA] =	sst s2  }
0x8f: {  	_ = 	snop  }
0x90: {  	(tm) =	ssettm $0x1  }
0x91: {  	s17 =	sld [smem:$0x3FFB];
	_ =	sdelay $0x3  }
0x92: {  	_ =	strace s17  }
0x93: {  	s2 =	sld [smem:$0x3FFC];
	_ =	sdelay $0x3  }
0x94: {  	_ =	strace s2  }
0x95: {  	s2 =	sld [smem:$0x3FFD];
	_ =	sdelay $0x3  }
0x96: {  	_ =	strace s2  }
0x97: {  	_ =	strace $0x8FFFFFFF  }
0x98: {  	s18 =	sld [smem:$0x3FDB];
	_ =	sdelay $0x1  }
0x99: {  	s19 =	simm.s32 $_scs_section_size  }
0x9a: {  	s4 =	simm.s32 $_size__tile_overlayer_lowered;
	s5 =	simm.s32 $_tile_overlayer_lowered  }
0x9b: {  	s22 =	simm.s32 $0x1BFF;
	s21 =	sshll.u32 s5, $0x1;
	s2 =	sadd.s32 s19, s18  }
0x9c: {  	s6 =	simm.s32 $0x0;
	s20 =	sshll.u32 s4, $0x1;
	s4 =	sadd.s32 s21, s2  }
0x9d: {  	[timem:s6], [sflag:s22] =	dma.local [hbm:s4], s20  }
0x9e: {  	_ =	swait.ge [sflag:s22], s20  }
0x9f: {  	s3 =	ssub.s32 $0x0, s20;
	[sflag:s22] =	ssyncset.done $0x0  }
0xa0: {  	[sflag:s22] =	ssyncadd.s32 s3;
	_ =	sdelay $0x1  }
0xa1: {  	s23 =	simm.s32 $0x1B8B  }
0xa2: {  	_ =	swait.ge [sflag:s23], $0x1  }
0xa3: {  	[sflag:s23] =	ssyncset.done $0x0  }
0xa4: {  	s25 =	simm.s32 $0x1B8E;
	s24 =	sld [smem:$0x3FFE];
	[sflag:s23] =	ssyncadd.s32 $0xFFFFFFFF  }
0xa5: {  	s26 =	simm.s32 $execute0_lowered;
	[smem:$0x3FD2] =	sst s25  }
0xa6: {  	s4 =	sshll.u32 s26, $0x1;
	_ =	strace $0x80000049;
	[dreg:$0x1] =	wrdreg $0xFFFFFFFF  }
0xa7: {  	s28 =	simm.s32 $_size_execute0_lowered;
	s2 =	sadd.s32 s2, s4;
	[dreg:$0x0] =	wrdreg $0x0  }
0xa8: {  	s4 =	sshll.u32 s28, $0x1;
	[dreg:$0x2] =	wrdreg s2  }
0xa9: {  	[dreg:$0x3] =	wrdreg s4  }
0xaa: {  	[dreg:$0x4] =	wrdreg $0xC0  }
0xab: {  	_ =	task [dreg:s6], $0x5FFFF  }
0xac: {  	[dreg:$0x1] =	wrdreg $0xFFFFFFFF  }
0xad: {  	[dreg:$0x0] =	wrdreg $0x60  }
0xae: {  	[dreg:$0x2] =	wrdreg s24  }
0xaf: {  	[dreg:$0x3] =	wrdreg $0xA0000  }
0xb0: {  	[dreg:$0x4] =	wrdreg $0x9  }
0xb1: {  	_ =	task.clear_ibuf [dreg:s6], $0x5FFFF;
	_ =	strace $0x90000049  }
0xb2: {  	s29 =	simm.s32 $0x9;
	_ =	strace $0x8000004B  }
0xb3: {  	_ =	swait.ge [sflag:s29], $0x1  }
0xb4: {  	[sflag:s29] =	ssyncadd.s32 $0xFFFFFFFF  }
0xb5: {  	_ =	strace $0x9000004B  }
0xb6: {  	_ =	sfence  }
0xb7: {  	s30 =	sld [smem:$0x0];
	_ =	sdelay $0x2  }
0xb8: {  	s31 =	sshll.u32 s1, $0xD;
	s1 =	sshrl.u32 s1, $0x2  }
0xb9: {  	s3 =	sand.u32 $0x4000, s31;
	s1 =	sadd.s32 s1, s30  }
0xba: {  	s0 =	sor.u32 s3, s0;
	s1 =	sshll.u32 s1, $0x11  }
0xbb: {  	s0 =	sor.u32 s1, s0  }
0xbc: {  	s0 =	sadd.s32 $0x8F2B, s0  }
0xbd: {  	[sflag:s0] =	ssyncadd.remote.s32 $0x1  }
0xbe: {  	_ =	sfence.sel $0xFFFF  }
0xbf: {  	[dreg:$0x0] =	wrdreg $0xFFFFFFFF;
	(pc) =	sbr.abs _section_cstart, $3  }
0xc0: {  	[dreg:$0x1] =	wrdreg $0xFFFFFFFF  }
0xc1: {  	_ =	task.clear_ibuf [dreg:s6], $0x2FFFF;
	_ =	strace $0x9FFFFFFF  }
0xc2: {  	(tm) =	ssettm $0x7FFFFFFF  }
0xc3: {  	_ =	shalt  }
tec
execute0_lowered:
.L_overlay_start_1:
0x0: {  	(tag) =	ssettag $0x1  }
0x1: {  	s0 =	rddreg [dreg:$0x0]  }
0x2: {  	s1 =	rddreg [dreg:$0x1];
	s2 =	srdreg.scid  }
0x3: {  	s22 =	simm.s32 $0x0;
	s9 =	stileid.u32;
	s28 =	simm.s32 $0x6000  }
0x4: {  	s30 =	simm.s32 $0x8000;
	s31 =	simm.s32 $0x1;
	s10 =	simm.s32 $0x1C80  }
0x5: {  	s11 =	simm.s32 $0xE80;
	s12 =	simm.s32 $0x1D00;
	s13 =	simm.s32 $0xF00  }
0x6: {  	s14 =	simm.s32 $0x1D80;
	s2 =	sand.u32 $0x1, s2;
	s8 =	smul.u32 $0x50000, s9  }
0x7: {  	[smem:$0x7FF] =	sst s22;
	s7 =	smul.u32 $0x14000, s9;
	s4 =	sadd.s32 $0xD200, s0  }
0x8: {  	s5 =	sadd.s32 $0x3200, s0;
	s3 =	smul.u32 $0x28000, s2;
	s8 =	sshrl.u32 s8, $0x2  }
0x9: {  	s6 =	smul.u32 $0x140000, s2;
	_ =	strace $0x8000004A;
	s26 =	sadd.s32 s8, s1  }
0xa: {  	s2 =	ssub.s32 $0x2, s2;
	s16 =	sadd.s32 $0x2000, s26;
	[dreg:$0x4] =	wrdreg s26  }
0xb: {  	s15 =	sshrl.u32 s2, $0x1;
	s17 =	sadd.s32 $0x4000, s26;
	[dreg:$0x5] =	wrdreg s16  }
0xc: {  	s3 =	sadd.s32 s3, s0;
	s18 =	sadd.s32 $0x6000, s26;
	[dreg:$0x6] =	wrdreg s17  }
0xd: {  	s6 =	sadd.s32 s7, s6;
	s19 =	sadd.s32 $0x8000, s26;
	[dreg:$0x7] =	wrdreg s18  }
0xe: {  	s2 =	ssub.s32 s2, s15;
	s20 =	sadd.s32 $0xA000, s26;
	[dreg:$0x8] =	wrdreg s19  }
0xf: {  	s7 =	simm.s32 $0x4;
	s21 =	sadd.s32 $0xC000, s26;
	[dreg:$0x9] =	wrdreg s20  }
0x10: {  	s15 =	simm.s32 $0xF80;
	s23 =	sadd.s32 $0xE000, s26;
	[dreg:$0xa] =	wrdreg s21  }
0x11: {  	s6 =	sshrl.u32 s6, $0x3;
	s24 =	sadd.s32 $0x10000, s26;
	[dreg:$0xb] =	wrdreg s23  }
0x12: {  	s25 =	sadd.s32 $0x12000, s26;
	s29 =	smax.u32 s2, $0x1;
	[dreg:$0xc] =	wrdreg s24  }
0x13: {  	s2 =	simm.s32 $0x3;
	s0 =	sadd.s32 s6, s0;
	[dreg:$0xd] =	wrdreg s25  }
0x14: {  	s16 =	smul.u32 $0x5000, s9;
	s17 =	sadd.s32 $0x17200, s3;
	[dreg:$0xf] =	wrdreg s29  }
0x15: {  	s20 =	simm.s32 $0x2000;
	s21 =	simm.s32 $0x5;
	s23 =	simm.s32 $0x40  }
0x16: {  	s25 =	simm.s32 $0x4000;
	s9 =	simm.s32 $0xE00;
	s18 =	simm.s32 $0x1E00  }
0x17: {  	s19 =	simm.s32 $0x1E80;
	s6 =	simm.s32 $0x1F00;
	s0 =	sadd.s32 $0x67200, s0  }
0x18: {  	v0 =	vimm.f32 $0.0e+00;
	s3 =	simm.s32 $0x1F80;
	[dreg:$0xe] =	wrdreg s0;
	s0 =	simm.s32 $0x2  }
.LBB2_1:
0x19: {  	[dreg:$0x3] =	wrdreg s22;
	s22 =	simm.s32 $0x0;
	s24 =	simm.s32 $0x200  }
.LBB2_2:
0x1a: {  	p0 =	sne.s32 s24, $0x7E00;
	[tilespmem:s22+$0x2070] =	vst v0  }
0x1b: {  	[tilespmem:s22+$0x2000] =	vst v0  }
0x1c: {  	[tilespmem:s22+$0x2010] =	vst v0  }
.Ltmp0:
0x1d: {  	[tilespmem:s22+$0x2020] =	vst v0;
	(pc) =	sbr.rel @p0 .LBB2_2-.Ltmp0, $4  }
0x1e: {  	[tilespmem:s22+$0x2030] =	vst v0  }
0x1f: {  	[tilespmem:s22+$0x2040] =	vst v0  }
0x20: {  	[tilespmem:s22+$0x2050] =	vst v0  }
0x21: {  	[tilespmem:s22+$0x2060] =	vst v0;
	s22 =	sshra.s32 s24, $0x2;
	s24 =	sadd.s32 $0x200, s24  }
0x22: {  	[tilespmem:s22+$0x2070] =	vst v0  }
0x23: {  	[tilespmem:s22+$0x2000] =	vst v0  }
0x24: {  	[tilespmem:s22+$0x2010] =	vst v0  }
0x25: {  	[tilespmem:s22+$0x2020] =	vst v0  }
0x26: {  	[tilespmem:s22+$0x2030] =	vst v0  }
0x27: {  	[tilespmem:s22+$0x2040] =	vst v0  }
0x28: {  	[tilespmem:s22+$0x2050] =	vst v0  }
0x29: {  	[tilespmem:s22+$0x2060] =	vst v0  }
0x2a: {  	[spmem:s26] =	stream.linear.scatter [tilespmem:s20], [sflag:$0x5], $0x2000, $0x38;
	[tilespmem:$0x1E000] =	vst v63  }
0x2b: {  	_ =	swait.ge [sflag:s21], $0x2000  }
0x2c: {  	[sflag:s21] =	ssyncset.done $0x0  }
0x2d: {  	s8 =	rddreg [dreg:$0x5];
	[sflag:s21] =	ssyncadd.s32 $0xFFFFE000  }
0x2e: {  	[spmem:s8] =	stream.linear.scatter [tilespmem:s20], [sflag:$0x5], $0x2000, $0x38;
	[tilespmem:$0x1E000] =	vst v63  }
0x2f: {  	_ =	swait.ge [sflag:s21], $0x2000  }
0x30: {  	[sflag:s21] =	ssyncset.done $0x0  }
0x31: {  	s22 =	rddreg [dreg:$0x6];
	[sflag:s21] =	ssyncadd.s32 $0xFFFFE000  }
0x32: {  	[spmem:s22] =	stream.linear.scatter [tilespmem:s20], [sflag:$0x5], $0x2000, $0x38;
	[tilespmem:$0x1E000] =	vst v63  }
0x33: {  	_ =	swait.ge [sflag:s21], $0x2000  }
0x34: {  	[sflag:s21] =	ssyncset.done $0x0  }
0x35: {  	s24 =	rddreg [dreg:$0x7];
	[sflag:s21] =	ssyncadd.s32 $0xFFFFE000  }
0x36: {  	[spmem:s24] =	stream.linear.scatter [tilespmem:s20], [sflag:$0x5], $0x2000, $0x38;
	[tilespmem:$0x1E000] =	vst v63  }
0x37: {  	_ =	swait.ge [sflag:s21], $0x2000  }
0x38: {  	[sflag:s21] =	ssyncset.done $0x0  }
0x39: {  	s26 =	rddreg [dreg:$0x8];
	[sflag:s21] =	ssyncadd.s32 $0xFFFFE000  }
0x3a: {  	[spmem:s26] =	stream.linear.scatter [tilespmem:s20], [sflag:$0x5], $0x2000, $0x38;
	[tilespmem:$0x1E000] =	vst v63  }
0x3b: {  	_ =	swait.ge [sflag:s21], $0x2000  }
0x3c: {  	[sflag:s21] =	ssyncset.done $0x0  }
0x3d: {  	s29 =	rddreg [dreg:$0x9];
	[sflag:s21] =	ssyncadd.s32 $0xFFFFE000  }
0x3e: {  	[spmem:s29] =	stream.linear.scatter [tilespmem:s20], [sflag:$0x5], $0x2000, $0x38;
	[tilespmem:$0x1E000] =	vst v63  }
0x3f: {  	_ =	swait.ge [sflag:s21], $0x2000  }
0x40: {  	[sflag:s21] =	ssyncset.done $0x0  }
0x41: {  	s22 =	rddreg [dreg:$0xa];
	[sflag:s21] =	ssyncadd.s32 $0xFFFFE000  }
0x42: {  	[spmem:s22] =	stream.linear.scatter [tilespmem:s20], [sflag:$0x5], $0x2000, $0x38;
	[tilespmem:$0x1E000] =	vst v63  }
0x43: {  	_ =	swait.ge [sflag:s21], $0x2000  }
0x44: {  	[sflag:s21] =	ssyncset.done $0x0  }
0x45: {  	s24 =	rddreg [dreg:$0xb];
	[sflag:s21] =	ssyncadd.s32 $0xFFFFE000  }
0x46: {  	[spmem:s24] =	stream.linear.scatter [tilespmem:s20], [sflag:$0x5], $0x2000, $0x38;
	[tilespmem:$0x1E000] =	vst v63  }
0x47: {  	_ =	swait.ge [sflag:s21], $0x2000  }
0x48: {  	[sflag:s21] =	ssyncset.done $0x0  }
0x49: {  	s26 =	rddreg [dreg:$0xc];
	[sflag:s21] =	ssyncadd.s32 $0xFFFFE000  }
0x4a: {  	[spmem:s26] =	stream.linear.scatter [tilespmem:s20], [sflag:$0x5], $0x2000, $0x38;
	[tilespmem:$0x1E000] =	vst v63  }
0x4b: {  	_ =	swait.ge [sflag:s21], $0x2000  }
0x4c: {  	[sflag:s21] =	ssyncset.done $0x0  }
0x4d: {  	s29 =	rddreg [dreg:$0xd];
	[sflag:s21] =	ssyncadd.s32 $0xFFFFE000  }
0x4e: {  	[spmem:s29] =	stream.linear.scatter [tilespmem:s20], [sflag:$0x5], $0x2000, $0x38;
	[tilespmem:$0x1E000] =	vst v63  }
0x4f: {  	_ =	swait.ge [sflag:s21], $0x2000  }
0x50: {  	[sflag:s21] =	ssyncset.done $0x0  }
0x51: {  	[sflag:s21] =	ssyncadd.s32 $0xFFFFE000  }
0x52: {  	s22 =	simm.s32 $0x0;
	s24 =	simm.s32 $0x0;
	[bflag:$0x0] =	sbarrier.arrive $0xFFFF  }
.LBB2_4:
0x53: {  	s26 =	sshll.u32 s24, $0xC  }
0x54: {  	s26 =	sadd.s32 s16, s26  }
0x55: {  	s26 =	sshrl.u32 s26, $0x3  }
0x56: {  	s29 =	sadd.s32 s4, s26  }
0x57: {  	[tilespmem:s22], [sflag:$0x5] =	stream.linear.gather [hbm4b:s29+s22], $0x1000, $0x38;
	[tilespmem:$0x1E000] =	vst v63  }
0x58: {  	_ =	swait.ge [sflag:s21], $0x1000  }
0x59: {  	[sflag:s21] =	ssyncset.done $0x0  }
0x5a: {  	s8 =	simm.s32 $0x1000;
	s26 =	sadd.s32 s5, s26;
	[sflag:s21] =	ssyncadd.s32 $0xFFFFF000  }
0x5b: {  	[tilespmem:s8], [sflag:$0x5] =	stream.linear.gather [hbm4b:s26+s22], $0x1000, $0x38;
	[tilespmem:$0x1E000] =	vst v63  }
0x5c: {  	_ =	swait.ge [sflag:s21], $0x1000  }
0x5d: {  	[sflag:s21] =	ssyncset.done $0x0  }
0x5e: {  	[sflag:s21] =	ssyncadd.s32 $0xFFFFF000  }
0x5f: {  	[tilespmem:s20], [sflag:$0x1] =	stream.indirect.gather [hbm4b:s17+s23], $0x80, s22, s23, $0xb8;
	[tilespmem:$0x1E000] =	vst v63  }
0x60: {  	s26 =	simm.s32 $0x80  }
0x61: {  	[tilespmem:s25], [sflag:$0x2] =	stream.indirect.gather [hbm4b:s17+s23], $0x80, s26, s23, $0xb8;
	[tilespmem:$0x1E000] =	vst v63  }
0x62: {  	s26 =	simm.s32 $0x100  }
0x63: {  	[tilespmem:s28], [sflag:$0x3] =	stream.indirect.gather [hbm4b:s17+s23], $0x80, s26, s23, $0xb8;
	[tilespmem:$0x1E000] =	vst v63  }
0x64: {  	s26 =	simm.s32 $0x180  }
0x65: {  	[tilespmem:s30], [sflag:$0x4] =	stream.indirect.gather [hbm4b:s17+s23], $0x80, s26, s23, $0xb8;
	[tilespmem:$0x1E000] =	vst v63  }
0x66: {  	_ =	swait.ge [sflag:s31], $0x2000  }
0x67: {  	[sflag:s31] =	ssyncset.done $0x0  }
0x68: {  	s8 =	simm.s32 $0x1000;
	[sflag:s31] =	ssyncadd.s32 $0xFFFFE000  }
0x69: {  	[spmem:s1] =	stream.indirect.scatter.add.f32 [tilespmem:s20], [sflag:$0x5], $0x80, s8, s23, $0xb8;
	[tilespmem:$0x1E000] =	vst v63  }
0x6a: {  	_ =	swait.ge [sflag:s21], $0x2000  }
0x6b: {  	[sflag:s21] =	ssyncset.done $0x0  }
0x6c: {  	s8 =	simm.s32 $0x200;
	[sflag:s21] =	ssyncadd.s32 $0xFFFFE000  }
0x6d: {  	[tilespmem:s20], [sflag:$0x1] =	stream.indirect.gather [hbm4b:s17+s23], $0x80, s8, s23, $0xb8;
	[tilespmem:$0x1E000] =	vst v63  }
0x6e: {  	_ =	swait.ge [sflag:s0], $0x2000  }
0x6f: {  	[sflag:s0] =	ssyncset.done $0x0  }
0x70: {  	s8 =	simm.s32 $0x1080;
	[sflag:s0] =	ssyncadd.s32 $0xFFFFE000  }
0x71: {  	[spmem:s1] =	stream.indirect.scatter.add.f32 [tilespmem:s25], [sflag:$0x5], $0x80, s8, s23, $0xb8;
	[tilespmem:$0x1E000] =	vst v63  }
0x72: {  	_ =	swait.ge [sflag:s21], $0x2000  }
0x73: {  	[sflag:s21] =	ssyncset.done $0x0  }
0x74: {  	s8 =	simm.s32 $0x280;
	[sflag:s21] =	ssyncadd.s32 $0xFFFFE000  }
0x75: {  	[tilespmem:s25], [sflag:$0x2] =	stream.indirect.gather [hbm4b:s17+s23], $0x80, s8, s23, $0xb8;
	[tilespmem:$0x1E000] =	vst v63  }
0x76: {  	_ =	swait.ge [sflag:s2], $0x2000  }
0x77: {  	[sflag:s2] =	ssyncset.done $0x0  }
0x78: {  	s8 =	simm.s32 $0x1100;
	[sflag:s2] =	ssyncadd.s32 $0xFFFFE000  }
0x79: {  	[spmem:s1] =	stream.indirect.scatter.add.f32 [tilespmem:s28], [sflag:$0x5], $0x80, s8, s23, $0xb8;
	[tilespmem:$0x1E000] =	vst v63  }
0x7a: {  	_ =	swait.ge [sflag:s21], $0x2000  }
0x7b: {  	[sflag:s21] =	ssyncset.done $0x0  }
0x7c: {  	s8 =	simm.s32 $0x300;
	[sflag:s21] =	ssyncadd.s32 $0xFFFFE000  }
0x7d: {  	[tilespmem:s28], [sflag:$0x3] =	stream.indirect.gather [hbm4b:s17+s23], $0x80, s8, s23, $0xb8;
	[tilespmem:$0x1E000] =	vst v63  }
0x7e: {  	_ =	swait.ge [sflag:s7], $0x2000  }
0x7f: {  	[sflag:s7] =	ssyncset.done $0x0  }
0x80: {  	s8 =	simm.s32 $0x1180;
	[sflag:s7] =	ssyncadd.s32 $0xFFFFE000  }
0x81: {  	[spmem:s1] =	stream.indirect.scatter.add.f32 [tilespmem:s30], [sflag:$0x5], $0x80, s8, s23, $0xb8;
	[tilespmem:$0x1E000] =	vst v63  }
0x82: {  	_ =	swait.ge [sflag:s21], $0x2000  }
0x83: {  	[sflag:s21] =	ssyncset.done $0x0  }
0x84: {  	s29 =	simm.s32 $0x380;
	s26 =	simm.s32 $0x800;
	[sflag:s21] =	ssyncadd.s32 $0xFFFFE000  }
.LBB2_5:
0x85: {  	[tilespmem:s30], [sflag:$0x4] =	stream.indirect.gather [hbm4b:s17+s23], $0x80, s29, s23, $0xb8;
	[tilespmem:$0x1E000] =	vst v63  }
0x86: {  	s29 =	smov.u32 s26  }
0x87: {  	p0 =	sne.s32 s26, $0x2800;
	s26 =	sadd.s32 $0x800, s26;
	_ =	swait.ge [sflag:s31], $0x2000  }
0x88: {  	s29 =	sshra.s32 s29, $0x2;
	[sflag:s31] =	ssyncset.done $0x0  }
0x89: {  	s8 =	sadd.s32 $0x1000, s29;
	[sflag:s31] =	ssyncadd.s32 $0xFFFFE000  }
0x8a: {  	[spmem:s1] =	stream.indirect.scatter.add.f32 [tilespmem:s20], [sflag:$0x5], $0x80, s8, s23, $0xb8;
	[tilespmem:$0x1E000] =	vst v63  }
0x8b: {  	_ =	swait.ge [sflag:s21], $0x2000  }
0x8c: {  	[sflag:s21] =	ssyncset.done $0x0  }
0x8d: {  	s8 =	sadd.s32 $0x200, s29;
	[sflag:s21] =	ssyncadd.s32 $0xFFFFE000  }
0x8e: {  	[tilespmem:s20], [sflag:$0x1] =	stream.indirect.gather [hbm4b:s17+s23], $0x80, s8, s23, $0xb8;
	[tilespmem:$0x1E000] =	vst v63  }
0x8f: {  	_ =	swait.ge [sflag:s0], $0x2000  }
0x90: {  	[sflag:s0] =	ssyncset.done $0x0  }
0x91: {  	s8 =	sadd.s32 $0x1080, s29;
	[sflag:s0] =	ssyncadd.s32 $0xFFFFE000  }
0x92: {  	[spmem:s1] =	stream.indirect.scatter.add.f32 [tilespmem:s25], [sflag:$0x5], $0x80, s8, s23, $0xb8;
	[tilespmem:$0x1E000] =	vst v63  }
0x93: {  	_ =	swait.ge [sflag:s21], $0x2000  }
0x94: {  	[sflag:s21] =	ssyncset.done $0x0  }
0x95: {  	s8 =	sadd.s32 $0x280, s29;
	[sflag:s21] =	ssyncadd.s32 $0xFFFFE000  }
0x96: {  	[tilespmem:s25], [sflag:$0x2] =	stream.indirect.gather [hbm4b:s17+s23], $0x80, s8, s23, $0xb8;
	[tilespmem:$0x1E000] =	vst v63  }
0x97: {  	_ =	swait.ge [sflag:s2], $0x2000  }
0x98: {  	[sflag:s2] =	ssyncset.done $0x0  }
0x99: {  	s8 =	sadd.s32 $0x1100, s29;
	[sflag:s2] =	ssyncadd.s32 $0xFFFFE000  }
0x9a: {  	[spmem:s1] =	stream.indirect.scatter.add.f32 [tilespmem:s28], [sflag:$0x5], $0x80, s8, s23, $0xb8;
	[tilespmem:$0x1E000] =	vst v63  }
0x9b: {  	_ =	swait.ge [sflag:s21], $0x2000  }
0x9c: {  	[sflag:s21] =	ssyncset.done $0x0  }
0x9d: {  	s8 =	sadd.s32 $0x300, s29;
	[sflag:s21] =	ssyncadd.s32 $0xFFFFE000  }
0x9e: {  	[tilespmem:s28], [sflag:$0x3] =	stream.indirect.gather [hbm4b:s17+s23], $0x80, s8, s23, $0xb8;
	[tilespmem:$0x1E000] =	vst v63  }
0x9f: {  	_ =	swait.ge [sflag:s7], $0x2000  }
0xa0: {  	[sflag:s7] =	ssyncset.done $0x0  }
.Ltmp1:
0xa1: {  	s8 =	sadd.s32 $0x1180, s29;
	[sflag:s7] =	ssyncadd.s32 $0xFFFFE000;
	(pc) =	sbr.rel @p0 .LBB2_5-.Ltmp1, $4  }
0xa2: {  	[spmem:s1] =	stream.indirect.scatter.add.f32 [tilespmem:s30], [sflag:$0x5], $0x80, s8, s23, $0xb8;
	[tilespmem:$0x1E000] =	vst v63  }
0xa3: {  	_ =	swait.ge [sflag:s21], $0x2000  }
0xa4: {  	[sflag:s21] =	ssyncset.done $0x0  }
0xa5: {  	s29 =	sadd.s32 $0x380, s29;
	[sflag:s21] =	ssyncadd.s32 $0xFFFFE000  }
0xa6: {  	[tilespmem:s30], [sflag:$0x4] =	stream.indirect.gather [hbm4b:s17+s23], $0x80, s29, s23, $0xb8;
	[tilespmem:$0x1E000] =	vst v63  }
0xa7: {  	_ =	swait.ge [sflag:s31], $0x2000  }
0xa8: {  	[sflag:s31] =	ssyncset.done $0x0  }
0xa9: {  	s8 =	simm.s32 $0x1C00;
	[sflag:s31] =	ssyncadd.s32 $0xFFFFE000  }
0xaa: {  	[spmem:s1] =	stream.indirect.scatter.add.f32 [tilespmem:s20], [sflag:$0x5], $0x80, s8, s23, $0xb8;
	[tilespmem:$0x1E000] =	vst v63  }
0xab: {  	_ =	swait.ge [sflag:s21], $0x2000  }
0xac: {  	[sflag:s21] =	ssyncset.done $0x0  }
0xad: {  	[sflag:s21] =	ssyncadd.s32 $0xFFFFE000  }
0xae: {  	[tilespmem:s20], [sflag:$0x1] =	stream.indirect.gather [hbm4b:s17+s23], $0x80, s9, s23, $0xb8;
	[tilespmem:$0x1E000] =	vst v63  }
0xaf: {  	_ =	swait.ge [sflag:s0], $0x2000  }
0xb0: {  	[sflag:s0] =	ssyncset.done $0x0  }
0xb1: {  	[sflag:s0] =	ssyncadd.s32 $0xFFFFE000  }
0xb2: {  	[spmem:s1] =	stream.indirect.scatter.add.f32 [tilespmem:s25], [sflag:$0x5], $0x80, s10, s23, $0xb8;
	[tilespmem:$0x1E000] =	vst v63  }
0xb3: {  	_ =	swait.ge [sflag:s21], $0x2000  }
0xb4: {  	[sflag:s21] =	ssyncset.done $0x0  }
0xb5: {  	[sflag:s21] =	ssyncadd.s32 $0xFFFFE000  }
0xb6: {  	[tilespmem:s25], [sflag:$0x2] =	stream.indirect.gather [hbm4b:s17+s23], $0x80, s11, s23, $0xb8;
	[tilespmem:$0x1E000] =	vst v63  }
0xb7: {  	_ =	swait.ge [sflag:s2], $0x2000  }
0xb8: {  	[sflag:s2] =	ssyncset.done $0x0  }
0xb9: {  	[sflag:s2] =	ssyncadd.s32 $0xFFFFE000  }
0xba: {  	[spmem:s1] =	stream.indirect.scatter.add.f32 [tilespmem:s28], [sflag:$0x5], $0x80, s12, s23, $0xb8;
	[tilespmem:$0x1E000] =	vst v63  }
0xbb: {  	_ =	swait.ge [sflag:s21], $0x2000  }
0xbc: {  	[sflag:s21] =	ssyncset.done $0x0  }
0xbd: {  	[sflag:s21] =	ssyncadd.s32 $0xFFFFE000  }
0xbe: {  	[tilespmem:s28], [sflag:$0x3] =	stream.indirect.gather [hbm4b:s17+s23], $0x80, s13, s23, $0xb8;
	[tilespmem:$0x1E000] =	vst v63  }
0xbf: {  	_ =	swait.ge [sflag:s7], $0x2000  }
0xc0: {  	[sflag:s7] =	ssyncset.done $0x0  }
0xc1: {  	[sflag:s7] =	ssyncadd.s32 $0xFFFFE000  }
0xc2: {  	[spmem:s1] =	stream.indirect.scatter.add.f32 [tilespmem:s30], [sflag:$0x5], $0x80, s14, s23, $0xb8;
	[tilespmem:$0x1E000] =	vst v63  }
0xc3: {  	_ =	swait.ge [sflag:s21], $0x2000  }
0xc4: {  	[sflag:s21] =	ssyncset.done $0x0  }
0xc5: {  	[sflag:s21] =	ssyncadd.s32 $0xFFFFE000  }
0xc6: {  	[tilespmem:s30], [sflag:$0x4] =	stream.indirect.gather [hbm4b:s17+s23], $0x80, s15, s23, $0xb8;
	[tilespmem:$0x1E000] =	vst v63  }
0xc7: {  	_ =	swait.ge [sflag:s31], $0x2000  }
0xc8: {  	[sflag:s31] =	ssyncset.done $0x0  }
0xc9: {  	[sflag:s31] =	ssyncadd.s32 $0xFFFFE000  }
0xca: {  	[spmem:s1] =	stream.indirect.scatter.add.f32 [tilespmem:s20], [sflag:$0x5], $0x80, s18, s23, $0xb8;
	[tilespmem:$0x1E000] =	vst v63  }
0xcb: {  	_ =	swait.ge [sflag:s21], $0x2000  }
0xcc: {  	[sflag:s21] =	ssyncset.done $0x0  }
0xcd: {  	[sflag:s21] =	ssyncadd.s32 $0xFFFFE000  }
0xce: {  	[tilespmem:s20], [sflag:$0x1] =	stream.indirect.gather [hbm4b:s17+s23], $0x80, s15, s23, $0xb8;
	[tilespmem:$0x1E000] =	vst v63  }
0xcf: {  	_ =	swait.ge [sflag:s0], $0x2000  }
0xd0: {  	[sflag:s0] =	ssyncset.done $0x0  }
0xd1: {  	[sflag:s0] =	ssyncadd.s32 $0xFFFFE000  }
0xd2: {  	[spmem:s1] =	stream.indirect.scatter.add.f32 [tilespmem:s25], [sflag:$0x5], $0x80, s19, s23, $0xb8;
	[tilespmem:$0x1E000] =	vst v63  }
0xd3: {  	_ =	swait.ge [sflag:s21], $0x2000  }
0xd4: {  	[sflag:s21] =	ssyncset.done $0x0  }
0xd5: {  	[sflag:s21] =	ssyncadd.s32 $0xFFFFE000  }
0xd6: {  	[tilespmem:s25], [sflag:$0x2] =	stream.indirect.gather [hbm4b:s17+s23], $0x80, s15, s23, $0xb8;
	[tilespmem:$0x1E000] =	vst v63  }
0xd7: {  	_ =	swait.ge [sflag:s2], $0x2000  }
0xd8: {  	[sflag:s2] =	ssyncset.done $0x0  }
0xd9: {  	[sflag:s2] =	ssyncadd.s32 $0xFFFFE000  }
0xda: {  	[spmem:s1] =	stream.indirect.scatter.add.f32 [tilespmem:s28], [sflag:$0x5], $0x80, s6, s23, $0xb8;
	[tilespmem:$0x1E000] =	vst v63  }
0xdb: {  	_ =	swait.ge [sflag:s21], $0x2000  }
0xdc: {  	[sflag:s21] =	ssyncset.done $0x0  }
0xdd: {  	[sflag:s21] =	ssyncadd.s32 $0xFFFFE000  }
0xde: {  	[tilespmem:s28], [sflag:$0x3] =	stream.indirect.gather [hbm4b:s17+s23], $0x80, s15, s23, $0xb8;
	[tilespmem:$0x1E000] =	vst v63  }
0xdf: {  	_ =	swait.ge [sflag:s7], $0x2000  }
0xe0: {  	[sflag:s7] =	ssyncset.done $0x0  }
0xe1: {  	[sflag:s7] =	ssyncadd.s32 $0xFFFFE000  }
0xe2: {  	[spmem:s1] =	stream.indirect.scatter.add.f32 [tilespmem:s30], [sflag:$0x5], $0x80, s3, s23, $0xb8;
	[tilespmem:$0x1E000] =	vst v63  }
0xe3: {  	_ =	swait.ge [sflag:s21], $0x2000  }
0xe4: {  	[sflag:s21] =	ssyncset.done $0x0  }
0xe5: {  	[sflag:s21] =	ssyncadd.s32 $0xFFFFE000  }
0xe6: {  	[tilespmem:s30], [sflag:$0x4] =	stream.indirect.gather [hbm4b:s17+s23], $0x80, s15, s23, $0xb8;
	[tilespmem:$0x1E000] =	vst v63  }
0xe7: {  	_ =	swait.ge [sflag:s31], $0x2000  }
0xe8: {  	[sflag:s31] =	ssyncset.done $0x0  }
0xe9: {  	[sflag:s31] =	ssyncadd.s32 $0xFFFFE000  }
0xea: {  	_ =	swait.ge [sflag:s0], $0x2000  }
0xeb: {  	[sflag:s0] =	ssyncset.done $0x0  }
0xec: {  	s24 =	sadd.s32 $0x1, s24;
	[sflag:s0] =	ssyncadd.s32 $0xFFFFE000  }
0xed: {  	p0 =	sne.s32 s24, $0x5;
	_ =	swait.ge [sflag:s2], $0x2000  }
.Ltmp2:
0xee: {  	[sflag:s2] =	ssyncset.done $0x0;
	(pc) =	sbr.rel @p0 .LBB2_4-.Ltmp2, $4  }
0xef: {  	[sflag:s2] =	ssyncadd.s32 $0xFFFFE000  }
0xf0: {  	_ =	swait.ge [sflag:s7], $0x2000  }
0xf1: {  	[sflag:s7] =	ssyncset.done $0x0  }
0xf2: {  	[sflag:s7] =	ssyncadd.s32 $0xFFFFE000  }
0xf3: {  	s8 =	stileid.u32;
	[bflag:$0x0] =	sbarrier.arrive $0xFFFF  }
0xf4: {  	s8 =	sshll.u32 s8, $0x6;
	s26 =	rddreg [dreg:$0x4]  }
0xf5: {  	s24 =	rddreg [dreg:$0xe];
	s8 =	sor.u32 $0x1C05, s8;
	s22 =	sshrl.u32 s26, $0x3  }
0xf6: {  	[hbm:s24], [sflag:s8] =	dma.local [spmem:s22], $0x2800  }
0xf7: {  	_ =	swait.ge [sflag:s21], $0x2800  }
0xf8: {  	s24 =	rddreg [dreg:$0x3]  }
0xf9: {  	s29 =	rddreg [dreg:$0xf];
	s22 =	sadd.s32 $0x1, s24  }
0xfa: {  	p0 =	sne.s32 s22, s29  }
.Ltmp3:
0xfb: {  	_ = 	snop;
	(pc) =	sbr.rel @p0 .LBB2_1-.Ltmp3, $3  }
0xfc: {  	_ =	sdelay $0x1  }
0xfd: {  	[sflag:s21] =	ssyncset.done $0x0  }
0xfe: {  	[sflag:s21] =	ssyncadd.s32 $0xFFFFD800  }
0xff: {  	_ =	sfence.sel $0x180000  }
0x100: {  	[bflag:$0x0] =	sbarrier.arrive $0xFFFF  }
0x101: {  	_ =	strace $0x9000004A  }
0x102: {  	s0 =	stileid.u32;
	[bflag:$0x2] =	sbarrier.arrive $0xFFFF  }
0x103: {  	p0 =	sne.s32 s0, $0x0;
	s0 =	rddreg [dreg:$0x2]  }
0x104: {  	s0 =	sadd.s32 @!p0 $0x100000, s0  }
0x105: {  	[sflag:s0] =	ssyncadd.tile.s32 @!p0 $0x1;
	_ =	shalt  }
.Lfunc_end2:
_tile_overlayer_lowered:
.L_overlay_start_2:
0x106: {  	(tag) =	ssettag $0x2  }
0x107: {  	s0 =	rddreg [dreg:$0x0];
	s2 =	stileid.u32  }
0x108: {  	s1 =	rddreg [dreg:$0x1];
	p0 =	sne.s32 s2, $0x0  }
0x109: {  	s3 =	rddreg [dreg:$0x2];
	[bflag:$0x3] =	sbarrier.arrive $0xFFFF;
	s2 =	simm.s32 @!p0 $0x1C05  }
0x10a: {  	[timem:s3], [sflag:s2] =	dma.local @!p0 [hbm:s0], s1  }
0x10b: {  	s0 =	simm.s32 @!p0 $0x5  }
0x10c: {  	_ =	swait.ge @!p0 [sflag:s0], s1  }
0x10d: {  	s1 =	ssub.s32 @!p0 $0x0, s1;
	[sflag:s0] =	ssyncset.done @!p0 $0x0  }
0x10e: {  	[sflag:s0] =	ssyncadd.s32 @!p0 s1  }
0x10f: {  	[bflag:$0x3] =	sbarrier.arrive $0xFFFF  }
0x110: {  	_ =	shalt  }

// kernel: kernel.16.cloned.1.call-start
scs
__scs_entry_jumppad:
0x0: {  	(pc) =	sbr.rel $0x88, $3  }
0x1: {  	(tag) =	ssettag $0x0;
	lr =	simm.s32 $0x1  }
0x2: {  	[smem:$0x3F93] =	sst lr;
	_ =	strace $0xD0000000  }
0x3: {  	_ = 	snop  }
0x4: {  	_ = 	snop  }
0x5: {  	_ = 	snop  }
0x6: {  	_ = 	snop  }
0x7: {  	_ = 	snop  }
__scs_overlays_trampoline_lowered:
0x8: {  	[smem:$0x3FA2] =	sst s0  }
0x9: {  	[smem:$0x3FA3] =	sst s1  }
0xa: {  	[smem:$0x3FA4] =	sst s2  }
0xb: {  	[smem:$0x3FA5] =	sst s3  }
0xc: {  	[smem:$0x3FA6] =	sst s4  }
0xd: {  	[smem:$0x3FA7] =	sst s5  }
0xe: {  	[smem:$0x3FA8] =	sst s6  }
0xf: {  	[smem:$0x3FA9] =	sst s7  }
0x10: {  	[smem:$0x3FAA] =	sst s8  }
0x11: {  	[smem:$0x3FAB] =	sst s9;
	s0 =	simm.s32 @!p0 $0x0  }
0x12: {  	s1 =	sld [smem:$0x3F91];
	s0 =	simm.s32 @p0 $0x1  }
0x13: {  	[smem:$0x3FAC] =	sst s0;
	s0 =	simm.s32 @!p1 $0x0  }
0x14: {  	s2 =	sld [smem:$0x3F90];
	s0 =	simm.s32 @p1 $0x1  }
0x15: {  	[smem:$0x3FAD] =	sst s0;
	s0 =	simm.s32 @!p2 $0x0  }
0x16: {  	s3 =	sld [smem:$0x3FDB];
	s0 =	simm.s32 @p2 $0x1  }
0x17: {  	s4 =	simm.s32 $0x1BF5;
	[smem:$0x3FAF] =	sst s0  }
0x18: {  	s0 =	sld [smem:$0x3F92];
	_ =	swait.ge [sflag:s4], $0x0  }
0x19: {  	s7 =	sld [smem:$0x3F93]  }
0x1a: {  	s8 =	sadd.s32 $0xFFFFE003, lr  }
0x1b: {  	s9 =	sadd.s32 $0xFFFFFEF7, lr;
	s5 =	simm.s32 $0xFFFFFFFF;
	p2 =	slt.u32 s8, $0xFFFFF086  }
0x1c: {  	p1 =	slt.u32 s9, $0xF7A;
	s5 =	simm.s32 @!p2 $0x0  }
0x1d: {  	s5 =	simm.s32 @p1 $0x1;
	p0 =	seq.s32 s7, s2  }
0x1e: {  	s7 =	smul.u32 @!p0 $0xF7A, s2;
	p2 =	seq.s32 @!p0 s5, $0x0  }
0x1f: {  	s9 =	smul.u32 $0xF7A, s1;
	s8 =	simm.s32 @!p0 $0x1BF5;
	p2 =	por !p2, p0  }
0x20: {  	[sflag:s8] =	ssyncset.s32 @!p0 $0xFFFFF086;
	s6 =	sadd.s32 @!p0 s3, s7;
	s7 =	simm.s32 @!p0 $0x108  }
0x21: {  	s3 =	sadd.s32 s3, s9;
	s6 =	sadd.s32 @!p0 $0x88, s6;
	s7 =	simm.s32 @p2 $0x1082  }
0x22: {  	[simem:s7], [sflag:s8] =	dma.local @!p0 [hbm:s6], $0xF7A  }
0x23: {  	s9 =	sor.u32 $0xD0000000, s2;
	s6 =	simm.s32 $0x108;
	_ =	swait.ge @!p0 [sflag:s8], $0x0  }
0x24: {  	s3 =	sadd.s32 $0x88, s3;
	s6 =	simm.s32 @!p1 $0x1082;
	[sflag:s4] =	ssyncset.s32 $0xFFFFF086  }
0x25: {  	[simem:s6], [sflag:s4] =	dma.local [hbm:s3], $0xF7A  }
0x26: {  	[smem:$0x3F93] =	sst s1;
	(tag) =	ssettag s2;
	_ =	strace s9  }
0x27: {  	s1 =	sld [smem:$0x3FA3]  }
0x28: {  	s2 =	sld [smem:$0x3FA4]  }
0x29: {  	s4 =	sld [smem:$0x3FA6]  }
0x2a: {  	p0 =	seq.s32 s5, $0x0;
	s5 =	sld [smem:$0x3FA7]  }
0x2b: {  	s6 =	sld [smem:$0x3FA8]  }
0x2c: {  	s7 =	sld [smem:$0x3FA9]  }
0x2d: {  	s3 =	simm.s32 $0x108;
	s8 =	sld [smem:$0x3FAA]  }
0x2e: {  	s3 =	simm.s32 @!p0 $0x1082;
	s9 =	sld [smem:$0x3FAB]  }
0x2f: {  	lr =	sadd.s32 s0, s3;
	s0 =	sld [smem:$0x3FA2]  }
0x30: {  	s3 =	sld [smem:$0x3FA5]  }
0x31: {  	[smem:$0x3FAE] =	sst s10  }
0x32: {  	s10 =	sld [smem:$0x3FAC];
	_ =	sdelay $0x3  }
0x33: {  	p0 =	seq.s32 s10, $0x1;
	s10 =	sld [smem:$0x3FAE];
	_ =	sdelay $0x3  }
0x34: {  	[smem:$0x3FAE] =	sst s10  }
0x35: {  	s10 =	sld [smem:$0x3FAD];
	_ =	sdelay $0x3  }
0x36: {  	p1 =	seq.s32 s10, $0x1;
	s10 =	sld [smem:$0x3FAE];
	_ =	sdelay $0x3  }
0x37: {  	[smem:$0x3FAE] =	sst s10  }
0x38: {  	s10 =	sld [smem:$0x3FAF]  }
0x39: {  	_ = 	snop;
	(pc) =	sbr.ind lr, $3  }
0x3a: {  	_ = 	snop  }
0x3b: {  	_ = 	snop  }
0x3c: {  	p2 =	seq.s32 s10, $0x1;
	s10 =	sld [smem:$0x3FAE]  }
0x3d: {  	_ =	shalt  }
0x3e: {  	_ =	shalt  }
0x3f: {  	_ =	shalt  }
0x40: {  	_ =	shalt  }
0x41: {  	_ =	shalt  }
0x42: {  	_ =	shalt  }
0x43: {  	_ =	shalt  }
0x44: {  	_ =	shalt  }
0x45: {  	_ =	shalt  }
0x46: {  	_ =	shalt  }
0x47: {  	_ =	shalt  }
0x48: {  	_ =	shalt  }
0x49: {  	_ =	shalt  }
0x4a: {  	_ =	shalt  }
0x4b: {  	_ =	shalt  }
0x4c: {  	_ =	shalt  }
0x4d: {  	_ =	shalt  }
0x4e: {  	_ =	shalt  }
0x4f: {  	_ =	shalt  }
0x50: {  	_ =	shalt  }
0x51: {  	_ =	shalt  }
0x52: {  	_ =	shalt  }
0x53: {  	_ =	shalt  }
0x54: {  	_ =	shalt  }
0x55: {  	_ =	shalt  }
0x56: {  	_ =	shalt  }
0x57: {  	_ =	shalt  }
0x58: {  	_ =	shalt  }
0x59: {  	_ =	shalt  }
0x5a: {  	_ =	shalt  }
0x5b: {  	_ =	shalt  }
0x5c: {  	_ =	shalt  }
0x5d: {  	_ =	shalt  }
0x5e: {  	_ =	shalt  }
0x5f: {  	_ =	shalt  }
0x60: {  	_ =	shalt  }
0x61: {  	_ =	shalt  }
0x62: {  	_ =	shalt  }
0x63: {  	_ =	shalt  }
0x64: {  	_ =	shalt  }
0x65: {  	_ =	shalt  }
0x66: {  	_ =	shalt  }
0x67: {  	_ =	shalt  }
0x68: {  	_ =	shalt  }
0x69: {  	_ =	shalt  }
0x6a: {  	_ =	shalt  }
0x6b: {  	_ =	shalt  }
0x6c: {  	_ =	shalt  }
0x6d: {  	_ =	shalt  }
0x6e: {  	_ =	shalt  }
0x6f: {  	_ =	shalt  }
0x70: {  	_ =	shalt  }
0x71: {  	_ =	shalt  }
0x72: {  	_ =	shalt  }
0x73: {  	_ =	shalt  }
0x74: {  	_ =	shalt  }
0x75: {  	_ =	shalt  }
0x76: {  	_ =	shalt  }
0x77: {  	_ =	shalt  }
0x78: {  	_ =	shalt  }
0x79: {  	_ =	shalt  }
0x7a: {  	_ =	shalt  }
0x7b: {  	_ =	shalt  }
0x7c: {  	_ =	shalt  }
0x7d: {  	_ =	shalt  }
0x7e: {  	_ =	shalt  }
0x7f: {  	_ =	shalt  }
0x80: {  	_ =	shalt  }
0x81: {  	_ =	shalt  }
0x82: {  	_ =	shalt  }
0x83: {  	_ =	shalt  }
0x84: {  	_ =	shalt  }
0x85: {  	_ =	shalt  }
0x86: {  	_ =	shalt  }
0x87: {  	_ =	shalt  }
.Lfunc_end0:
.L_simem_size_0:
called_computation.2_lowered:
.L_overlay_start_0:
0x88: {  	s2 =	sld [smem:$0x3FD9]  }
0x89: {  	s3 =	sld [smem:$0x3FFE];
	_ =	sdelay $0x1  }
0x8a: {  	s1 =	srdreg.scid  }
0x8b: {  	s0 =	sand.u32 $0x1, s1  }
0x8c: {  	s16 =	sshll.u32 s0, $0xA;
	s2 =	sadd.s32 s3, s2  }
0x8d: {  	s2 =	sadd.s32 s2, s16  }
0x8e: {  	[smem:$0x3FBA] =	sst s2  }
0x8f: {  	_ = 	snop  }
0x90: {  	(tm) =	ssettm $0x1  }
0x91: {  	s17 =	sld [smem:$0x3FFB];
	_ =	sdelay $0x3  }
0x92: {  	_ =	strace s17  }
0x93: {  	s2 =	sld [smem:$0x3FFC];
	_ =	sdelay $0x3  }
0x94: {  	_ =	strace s2  }
0x95: {  	s2 =	sld [smem:$0x3FFD];
	_ =	sdelay $0x3  }
0x96: {  	_ =	strace s2  }
0x97: {  	_ =	strace $0x8FFFFFFF  }
0x98: {  	s18 =	sld [smem:$0x3FDB];
	_ =	sdelay $0x1  }
0x99: {  	s19 =	simm.s32 $_scs_section_size  }
0x9a: {  	s4 =	simm.s32 $_size__tile_overlayer_lowered;
	s5 =	simm.s32 $_tile_overlayer_lowered  }
0x9b: {  	s22 =	simm.s32 $0x1BFF;
	s21 =	sshll.u32 s5, $0x1;
	s2 =	sadd.s32 s19, s18  }
0x9c: {  	s6 =	simm.s32 $0x0;
	s20 =	sshll.u32 s4, $0x1;
	s4 =	sadd.s32 s21, s2  }
0x9d: {  	[timem:s6], [sflag:s22] =	dma.local [hbm:s4], s20  }
0x9e: {  	_ =	swait.ge [sflag:s22], s20  }
0x9f: {  	s3 =	ssub.s32 $0x0, s20;
	[sflag:s22] =	ssyncset.done $0x0  }
0xa0: {  	[sflag:s22] =	ssyncadd.s32 s3;
	_ =	sdelay $0x1  }
0xa1: {  	s23 =	simm.s32 $0x1B8B  }
0xa2: {  	_ =	swait.ge [sflag:s23], $0x1  }
0xa3: {  	[sflag:s23] =	ssyncset.done $0x0  }
0xa4: {  	s25 =	simm.s32 $0x1B8E;
	s24 =	sld [smem:$0x3FFE];
	[sflag:s23] =	ssyncadd.s32 $0xFFFFFFFF  }
0xa5: {  	s26 =	simm.s32 $execute0_lowered;
	[smem:$0x3FD2] =	sst s25  }
0xa6: {  	s4 =	sshll.u32 s26, $0x1;
	_ =	strace $0x8000004C;
	[dreg:$0x1] =	wrdreg $0xFFFFFFFF  }
0xa7: {  	s28 =	simm.s32 $_size_execute0_lowered;
	s2 =	sadd.s32 s2, s4;
	[dreg:$0x0] =	wrdreg $0x0  }
0xa8: {  	s4 =	sshll.u32 s28, $0x1;
	[dreg:$0x2] =	wrdreg s2  }
0xa9: {  	[dreg:$0x3] =	wrdreg s4  }
0xaa: {  	[dreg:$0x4] =	wrdreg $0xC0  }
0xab: {  	_ =	task [dreg:s6], $0x5FFFF  }
0xac: {  	[dreg:$0x1] =	wrdreg $0xFFFFFFFF  }
0xad: {  	[dreg:$0x0] =	wrdreg $0x60  }
0xae: {  	[dreg:$0x2] =	wrdreg s24  }
0xaf: {  	[dreg:$0x3] =	wrdreg $0xA0000  }
0xb0: {  	[dreg:$0x4] =	wrdreg $0x9  }
0xb1: {  	_ =	task.clear_ibuf [dreg:s6], $0x5FFFF;
	_ =	strace $0x9000004C  }
0xb2: {  	s29 =	simm.s32 $0x9;
	_ =	strace $0x8000004E  }
0xb3: {  	_ =	swait.ge [sflag:s29], $0x1  }
0xb4: {  	[sflag:s29] =	ssyncadd.s32 $0xFFFFFFFF  }
0xb5: {  	_ =	strace $0x9000004E  }
0xb6: {  	_ =	sfence  }
0xb7: {  	s30 =	sld [smem:$0x0];
	_ =	sdelay $0x2  }
0xb8: {  	s31 =	sshll.u32 s1, $0xD;
	s1 =	sshrl.u32 s1, $0x2  }
0xb9: {  	s3 =	sand.u32 $0x4000, s31;
	s1 =	sadd.s32 s1, s30  }
0xba: {  	s0 =	sor.u32 s3, s0;
	s1 =	sshll.u32 s1, $0x11  }
0xbb: {  	s0 =	sor.u32 s1, s0  }
0xbc: {  	s0 =	sadd.s32 $0x8F2B, s0  }
0xbd: {  	[sflag:s0] =	ssyncadd.remote.s32 $0x1  }
0xbe: {  	_ =	sfence.sel $0xFFFF  }
0xbf: {  	[dreg:$0x0] =	wrdreg $0xFFFFFFFF;
	(pc) =	sbr.abs _section_cstart, $3  }
0xc0: {  	[dreg:$0x1] =	wrdreg $0xFFFFFFFF  }
0xc1: {  	_ =	task.clear_ibuf [dreg:s6], $0x2FFFF;
	_ =	strace $0x9FFFFFFF  }
0xc2: {  	(tm) =	ssettm $0x7FFFFFFF  }
0xc3: {  	_ =	shalt  }
tec
execute0_lowered:
.L_overlay_start_1:
0x0: {  	(tag) =	ssettag $0x1  }
0x1: {  	s0 =	rddreg [dreg:$0x0]  }
0x2: {  	s1 =	rddreg [dreg:$0x1];
	s2 =	srdreg.scid  }
0x3: {  	s22 =	simm.s32 $0x0;
	s9 =	stileid.u32;
	s28 =	simm.s32 $0x6000  }
0x4: {  	s30 =	simm.s32 $0x8000;
	s31 =	simm.s32 $0x1;
	s10 =	simm.s32 $0x1C80  }
0x5: {  	s11 =	simm.s32 $0xE80;
	s12 =	simm.s32 $0x1D00;
	s13 =	simm.s32 $0xF00  }
0x6: {  	s14 =	simm.s32 $0x1D80;
	s2 =	sand.u32 $0x1, s2;
	s8 =	smul.u32 $0x50000, s9  }
0x7: {  	[smem:$0x7FF] =	sst s22;
	s7 =	smul.u32 $0x14000, s9;
	s4 =	sadd.s32 $0xD200, s0  }
0x8: {  	s5 =	sadd.s32 $0x3200, s0;
	s3 =	smul.u32 $0x28000, s2;
	s8 =	sshrl.u32 s8, $0x2  }
0x9: {  	s6 =	smul.u32 $0x140000, s2;
	_ =	strace $0x8000004D;
	s26 =	sadd.s32 s8, s1  }
0xa: {  	s2 =	ssub.s32 $0x2, s2;
	s16 =	sadd.s32 $0x2000, s26;
	[dreg:$0x4] =	wrdreg s26  }
0xb: {  	s15 =	sshrl.u32 s2, $0x1;
	s17 =	sadd.s32 $0x4000, s26;
	[dreg:$0x5] =	wrdreg s16  }
0xc: {  	s3 =	sadd.s32 s3, s0;
	s18 =	sadd.s32 $0x6000, s26;
	[dreg:$0x6] =	wrdreg s17  }
0xd: {  	s6 =	sadd.s32 s7, s6;
	s19 =	sadd.s32 $0x8000, s26;
	[dreg:$0x7] =	wrdreg s18  }
0xe: {  	s2 =	ssub.s32 s2, s15;
	s20 =	sadd.s32 $0xA000, s26;
	[dreg:$0x8] =	wrdreg s19  }
0xf: {  	s7 =	simm.s32 $0x4;
	s21 =	sadd.s32 $0xC000, s26;
	[dreg:$0x9] =	wrdreg s20  }
0x10: {  	s15 =	simm.s32 $0xF80;
	s23 =	sadd.s32 $0xE000, s26;
	[dreg:$0xa] =	wrdreg s21  }
0x11: {  	s6 =	sshrl.u32 s6, $0x3;
	s24 =	sadd.s32 $0x10000, s26;
	[dreg:$0xb] =	wrdreg s23  }
0x12: {  	s25 =	sadd.s32 $0x12000, s26;
	s29 =	smax.u32 s2, $0x1;
	[dreg:$0xc] =	wrdreg s24  }
0x13: {  	s2 =	simm.s32 $0x3;
	s0 =	sadd.s32 s6, s0;
	[dreg:$0xd] =	wrdreg s25  }
0x14: {  	s16 =	smul.u32 $0x5000, s9;
	s17 =	sadd.s32 $0x17200, s3;
	[dreg:$0xf] =	wrdreg s29  }
0x15: {  	s20 =	simm.s32 $0x2000;
	s21 =	simm.s32 $0x5;
	s23 =	simm.s32 $0x40  }
0x16: {  	s25 =	simm.s32 $0x4000;
	s9 =	simm.s32 $0xE00;
	s18 =	simm.s32 $0x1E00  }
0x17: {  	s19 =	simm.s32 $0x1E80;
	s6 =	simm.s32 $0x1F00;
	s0 =	sadd.s32 $0x67200, s0  }
0x18: {  	v0 =	vimm.f32 $0.0e+00;
	s3 =	simm.s32 $0x1F80;
	[dreg:$0xe] =	wrdreg s0;
	s0 =	simm.s32 $0x2  }
.LBB2_1:
0x19: {  	[dreg:$0x3] =	wrdreg s22;
	s22 =	simm.s32 $0x0;
	s24 =	simm.s32 $0x200  }
.LBB2_2:
0x1a: {  	p0 =	sne.s32 s24, $0x7E00;
	[tilespmem:s22+$0x2070] =	vst v0  }
0x1b: {  	[tilespmem:s22+$0x2000] =	vst v0  }
0x1c: {  	[tilespmem:s22+$0x2010] =	vst v0  }
.Ltmp0:
0x1d: {  	[tilespmem:s22+$0x2020] =	vst v0;
	(pc) =	sbr.rel @p0 .LBB2_2-.Ltmp0, $4  }
0x1e: {  	[tilespmem:s22+$0x2030] =	vst v0  }
0x1f: {  	[tilespmem:s22+$0x2040] =	vst v0  }
0x20: {  	[tilespmem:s22+$0x2050] =	vst v0  }
0x21: {  	[tilespmem:s22+$0x2060] =	vst v0;
	s22 =	sshra.s32 s24, $0x2;
	s24 =	sadd.s32 $0x200, s24  }
0x22: {  	[tilespmem:s22+$0x2070] =	vst v0  }
0x23: {  	[tilespmem:s22+$0x2000] =	vst v0  }
0x24: {  	[tilespmem:s22+$0x2010] =	vst v0  }
0x25: {  	[tilespmem:s22+$0x2020] =	vst v0  }
0x26: {  	[tilespmem:s22+$0x2030] =	vst v0  }
0x27: {  	[tilespmem:s22+$0x2040] =	vst v0  }
0x28: {  	[tilespmem:s22+$0x2050] =	vst v0  }
0x29: {  	[tilespmem:s22+$0x2060] =	vst v0  }
0x2a: {  	[spmem:s26] =	stream.linear.scatter [tilespmem:s20], [sflag:$0x5], $0x2000, $0x38;
	[tilespmem:$0x1E000] =	vst v63  }
0x2b: {  	_ =	swait.ge [sflag:s21], $0x2000  }
0x2c: {  	[sflag:s21] =	ssyncset.done $0x0  }
0x2d: {  	s8 =	rddreg [dreg:$0x5];
	[sflag:s21] =	ssyncadd.s32 $0xFFFFE000  }
0x2e: {  	[spmem:s8] =	stream.linear.scatter [tilespmem:s20], [sflag:$0x5], $0x2000, $0x38;
	[tilespmem:$0x1E000] =	vst v63  }
0x2f: {  	_ =	swait.ge [sflag:s21], $0x2000  }
0x30: {  	[sflag:s21] =	ssyncset.done $0x0  }
0x31: {  	s22 =	rddreg [dreg:$0x6];
	[sflag:s21] =	ssyncadd.s32 $0xFFFFE000  }
0x32: {  	[spmem:s22] =	stream.linear.scatter [tilespmem:s20], [sflag:$0x5], $0x2000, $0x38;
	[tilespmem:$0x1E000] =	vst v63  }
0x33: {  	_ =	swait.ge [sflag:s21], $0x2000  }
0x34: {  	[sflag:s21] =	ssyncset.done $0x0  }
0x35: {  	s24 =	rddreg [dreg:$0x7];
	[sflag:s21] =	ssyncadd.s32 $0xFFFFE000  }
0x36: {  	[spmem:s24] =	stream.linear.scatter [tilespmem:s20], [sflag:$0x5], $0x2000, $0x38;
	[tilespmem:$0x1E000] =	vst v63  }
0x37: {  	_ =	swait.ge [sflag:s21], $0x2000  }
0x38: {  	[sflag:s21] =	ssyncset.done $0x0  }
0x39: {  	s26 =	rddreg [dreg:$0x8];
	[sflag:s21] =	ssyncadd.s32 $0xFFFFE000  }
0x3a: {  	[spmem:s26] =	stream.linear.scatter [tilespmem:s20], [sflag:$0x5], $0x2000, $0x38;
	[tilespmem:$0x1E000] =	vst v63  }
0x3b: {  	_ =	swait.ge [sflag:s21], $0x2000  }
0x3c: {  	[sflag:s21] =	ssyncset.done $0x0  }
0x3d: {  	s29 =	rddreg [dreg:$0x9];
	[sflag:s21] =	ssyncadd.s32 $0xFFFFE000  }
0x3e: {  	[spmem:s29] =	stream.linear.scatter [tilespmem:s20], [sflag:$0x5], $0x2000, $0x38;
	[tilespmem:$0x1E000] =	vst v63  }
0x3f: {  	_ =	swait.ge [sflag:s21], $0x2000  }
0x40: {  	[sflag:s21] =	ssyncset.done $0x0  }
0x41: {  	s22 =	rddreg [dreg:$0xa];
	[sflag:s21] =	ssyncadd.s32 $0xFFFFE000  }
0x42: {  	[spmem:s22] =	stream.linear.scatter [tilespmem:s20], [sflag:$0x5], $0x2000, $0x38;
	[tilespmem:$0x1E000] =	vst v63  }
0x43: {  	_ =	swait.ge [sflag:s21], $0x2000  }
0x44: {  	[sflag:s21] =	ssyncset.done $0x0  }
0x45: {  	s24 =	rddreg [dreg:$0xb];
	[sflag:s21] =	ssyncadd.s32 $0xFFFFE000  }
0x46: {  	[spmem:s24] =	stream.linear.scatter [tilespmem:s20], [sflag:$0x5], $0x2000, $0x38;
	[tilespmem:$0x1E000] =	vst v63  }
0x47: {  	_ =	swait.ge [sflag:s21], $0x2000  }
0x48: {  	[sflag:s21] =	ssyncset.done $0x0  }
0x49: {  	s26 =	rddreg [dreg:$0xc];
	[sflag:s21] =	ssyncadd.s32 $0xFFFFE000  }
0x4a: {  	[spmem:s26] =	stream.linear.scatter [tilespmem:s20], [sflag:$0x5], $0x2000, $0x38;
	[tilespmem:$0x1E000] =	vst v63  }
0x4b: {  	_ =	swait.ge [sflag:s21], $0x2000  }
0x4c: {  	[sflag:s21] =	ssyncset.done $0x0  }
0x4d: {  	s29 =	rddreg [dreg:$0xd];
	[sflag:s21] =	ssyncadd.s32 $0xFFFFE000  }
0x4e: {  	[spmem:s29] =	stream.linear.scatter [tilespmem:s20], [sflag:$0x5], $0x2000, $0x38;
	[tilespmem:$0x1E000] =	vst v63  }
0x4f: {  	_ =	swait.ge [sflag:s21], $0x2000  }
0x50: {  	[sflag:s21] =	ssyncset.done $0x0  }
0x51: {  	[sflag:s21] =	ssyncadd.s32 $0xFFFFE000  }
0x52: {  	s22 =	simm.s32 $0x0;
	s24 =	simm.s32 $0x0;
	[bflag:$0x0] =	sbarrier.arrive $0xFFFF  }
.LBB2_4:
0x53: {  	s26 =	sshll.u32 s24, $0xC  }
0x54: {  	s26 =	sadd.s32 s16, s26  }
0x55: {  	s26 =	sshrl.u32 s26, $0x3  }
0x56: {  	s29 =	sadd.s32 s4, s26  }
0x57: {  	[tilespmem:s22], [sflag:$0x5] =	stream.linear.gather [hbm4b:s29+s22], $0x1000, $0x38;
	[tilespmem:$0x1E000] =	vst v63  }
0x58: {  	_ =	swait.ge [sflag:s21], $0x1000  }
0x59: {  	[sflag:s21] =	ssyncset.done $0x0  }
0x5a: {  	s8 =	simm.s32 $0x1000;
	s26 =	sadd.s32 s5, s26;
	[sflag:s21] =	ssyncadd.s32 $0xFFFFF000  }
0x5b: {  	[tilespmem:s8], [sflag:$0x5] =	stream.linear.gather [hbm4b:s26+s22], $0x1000, $0x38;
	[tilespmem:$0x1E000] =	vst v63  }
0x5c: {  	_ =	swait.ge [sflag:s21], $0x1000  }
0x5d: {  	[sflag:s21] =	ssyncset.done $0x0  }
0x5e: {  	[sflag:s21] =	ssyncadd.s32 $0xFFFFF000  }
0x5f: {  	[tilespmem:s20], [sflag:$0x1] =	stream.indirect.gather [hbm4b:s17+s23], $0x80, s22, s23, $0xb8;
	[tilespmem:$0x1E000] =	vst v63  }
0x60: {  	s26 =	simm.s32 $0x80  }
0x61: {  	[tilespmem:s25], [sflag:$0x2] =	stream.indirect.gather [hbm4b:s17+s23], $0x80, s26, s23, $0xb8;
	[tilespmem:$0x1E000] =	vst v63  }
0x62: {  	s26 =	simm.s32 $0x100  }
0x63: {  	[tilespmem:s28], [sflag:$0x3] =	stream.indirect.gather [hbm4b:s17+s23], $0x80, s26, s23, $0xb8;
	[tilespmem:$0x1E000] =	vst v63  }
0x64: {  	s26 =	simm.s32 $0x180  }
0x65: {  	[tilespmem:s30], [sflag:$0x4] =	stream.indirect.gather [hbm4b:s17+s23], $0x80, s26, s23, $0xb8;
	[tilespmem:$0x1E000] =	vst v63  }
0x66: {  	_ =	swait.ge [sflag:s31], $0x2000  }
0x67: {  	[sflag:s31] =	ssyncset.done $0x0  }
0x68: {  	s8 =	simm.s32 $0x1000;
	[sflag:s31] =	ssyncadd.s32 $0xFFFFE000  }
0x69: {  	[spmem:s1] =	stream.indirect.scatter.add.f32 [tilespmem:s20], [sflag:$0x5], $0x80, s8, s23, $0xb8;
	[tilespmem:$0x1E000] =	vst v63  }
0x6a: {  	_ =	swait.ge [sflag:s21], $0x2000  }
0x6b: {  	[sflag:s21] =	ssyncset.done $0x0  }
0x6c: {  	s8 =	simm.s32 $0x200;
	[sflag:s21] =	ssyncadd.s32 $0xFFFFE000  }
0x6d: {  	[tilespmem:s20], [sflag:$0x1] =	stream.indirect.gather [hbm4b:s17+s23], $0x80, s8, s23, $0xb8;
	[tilespmem:$0x1E000] =	vst v63  }
0x6e: {  	_ =	swait.ge [sflag:s0], $0x2000  }
0x6f: {  	[sflag:s0] =	ssyncset.done $0x0  }
0x70: {  	s8 =	simm.s32 $0x1080;
	[sflag:s0] =	ssyncadd.s32 $0xFFFFE000  }
0x71: {  	[spmem:s1] =	stream.indirect.scatter.add.f32 [tilespmem:s25], [sflag:$0x5], $0x80, s8, s23, $0xb8;
	[tilespmem:$0x1E000] =	vst v63  }
0x72: {  	_ =	swait.ge [sflag:s21], $0x2000  }
0x73: {  	[sflag:s21] =	ssyncset.done $0x0  }
0x74: {  	s8 =	simm.s32 $0x280;
	[sflag:s21] =	ssyncadd.s32 $0xFFFFE000  }
0x75: {  	[tilespmem:s25], [sflag:$0x2] =	stream.indirect.gather [hbm4b:s17+s23], $0x80, s8, s23, $0xb8;
	[tilespmem:$0x1E000] =	vst v63  }
0x76: {  	_ =	swait.ge [sflag:s2], $0x2000  }
0x77: {  	[sflag:s2] =	ssyncset.done $0x0  }
0x78: {  	s8 =	simm.s32 $0x1100;
	[sflag:s2] =	ssyncadd.s32 $0xFFFFE000  }
0x79: {  	[spmem:s1] =	stream.indirect.scatter.add.f32 [tilespmem:s28], [sflag:$0x5], $0x80, s8, s23, $0xb8;
	[tilespmem:$0x1E000] =	vst v63  }
0x7a: {  	_ =	swait.ge [sflag:s21], $0x2000  }
0x7b: {  	[sflag:s21] =	ssyncset.done $0x0  }
0x7c: {  	s8 =	simm.s32 $0x300;
	[sflag:s21] =	ssyncadd.s32 $0xFFFFE000  }
0x7d: {  	[tilespmem:s28], [sflag:$0x3] =	stream.indirect.gather [hbm4b:s17+s23], $0x80, s8, s23, $0xb8;
	[tilespmem:$0x1E000] =	vst v63  }
0x7e: {  	_ =	swait.ge [sflag:s7], $0x2000  }
0x7f: {  	[sflag:s7] =	ssyncset.done $0x0  }
0x80: {  	s8 =	simm.s32 $0x1180;
	[sflag:s7] =	ssyncadd.s32 $0xFFFFE000  }
0x81: {  	[spmem:s1] =	stream.indirect.scatter.add.f32 [tilespmem:s30], [sflag:$0x5], $0x80, s8, s23, $0xb8;
	[tilespmem:$0x1E000] =	vst v63  }
0x82: {  	_ =	swait.ge [sflag:s21], $0x2000  }
0x83: {  	[sflag:s21] =	ssyncset.done $0x0  }
0x84: {  	s29 =	simm.s32 $0x380;
	s26 =	simm.s32 $0x800;
	[sflag:s21] =	ssyncadd.s32 $0xFFFFE000  }
.LBB2_5:
0x85: {  	[tilespmem:s30], [sflag:$0x4] =	stream.indirect.gather [hbm4b:s17+s23], $0x80, s29, s23, $0xb8;
	[tilespmem:$0x1E000] =	vst v63  }
0x86: {  	s29 =	smov.u32 s26  }
0x87: {  	p0 =	sne.s32 s26, $0x2800;
	s26 =	sadd.s32 $0x800, s26;
	_ =	swait.ge [sflag:s31], $0x2000  }
0x88: {  	s29 =	sshra.s32 s29, $0x2;
	[sflag:s31] =	ssyncset.done $0x0  }
0x89: {  	s8 =	sadd.s32 $0x1000, s29;
	[sflag:s31] =	ssyncadd.s32 $0xFFFFE000  }
0x8a: {  	[spmem:s1] =	stream.indirect.scatter.add.f32 [tilespmem:s20], [sflag:$0x5], $0x80, s8, s23, $0xb8;
	[tilespmem:$0x1E000] =	vst v63  }
0x8b: {  	_ =	swait.ge [sflag:s21], $0x2000  }
0x8c: {  	[sflag:s21] =	ssyncset.done $0x0  }
0x8d: {  	s8 =	sadd.s32 $0x200, s29;
	[sflag:s21] =	ssyncadd.s32 $0xFFFFE000  }
0x8e: {  	[tilespmem:s20], [sflag:$0x1] =	stream.indirect.gather [hbm4b:s17+s23], $0x80, s8, s23, $0xb8;
	[tilespmem:$0x1E000] =	vst v63  }
0x8f: {  	_ =	swait.ge [sflag:s0], $0x2000  }
0x90: {  	[sflag:s0] =	ssyncset.done $0x0  }
0x91: {  	s8 =	sadd.s32 $0x1080, s29;
	[sflag:s0] =	ssyncadd.s32 $0xFFFFE000  }
0x92: {  	[spmem:s1] =	stream.indirect.scatter.add.f32 [tilespmem:s25], [sflag:$0x5], $0x80, s8, s23, $0xb8;
	[tilespmem:$0x1E000] =	vst v63  }
0x93: {  	_ =	swait.ge [sflag:s21], $0x2000  }
0x94: {  	[sflag:s21] =	ssyncset.done $0x0  }
0x95: {  	s8 =	sadd.s32 $0x280, s29;
	[sflag:s21] =	ssyncadd.s32 $0xFFFFE000  }
0x96: {  	[tilespmem:s25], [sflag:$0x2] =	stream.indirect.gather [hbm4b:s17+s23], $0x80, s8, s23, $0xb8;
	[tilespmem:$0x1E000] =	vst v63  }
0x97: {  	_ =	swait.ge [sflag:s2], $0x2000  }
0x98: {  	[sflag:s2] =	ssyncset.done $0x0  }
0x99: {  	s8 =	sadd.s32 $0x1100, s29;
	[sflag:s2] =	ssyncadd.s32 $0xFFFFE000  }
0x9a: {  	[spmem:s1] =	stream.indirect.scatter.add.f32 [tilespmem:s28], [sflag:$0x5], $0x80, s8, s23, $0xb8;
	[tilespmem:$0x1E000] =	vst v63  }
0x9b: {  	_ =	swait.ge [sflag:s21], $0x2000  }
0x9c: {  	[sflag:s21] =	ssyncset.done $0x0  }
0x9d: {  	s8 =	sadd.s32 $0x300, s29;
	[sflag:s21] =	ssyncadd.s32 $0xFFFFE000  }
0x9e: {  	[tilespmem:s28], [sflag:$0x3] =	stream.indirect.gather [hbm4b:s17+s23], $0x80, s8, s23, $0xb8;
	[tilespmem:$0x1E000] =	vst v63  }
0x9f: {  	_ =	swait.ge [sflag:s7], $0x2000  }
0xa0: {  	[sflag:s7] =	ssyncset.done $0x0  }
.Ltmp1:
0xa1: {  	s8 =	sadd.s32 $0x1180, s29;
	[sflag:s7] =	ssyncadd.s32 $0xFFFFE000;
	(pc) =	sbr.rel @p0 .LBB2_5-.Ltmp1, $4  }
0xa2: {  	[spmem:s1] =	stream.indirect.scatter.add.f32 [tilespmem:s30], [sflag:$0x5], $0x80, s8, s23, $0xb8;
	[tilespmem:$0x1E000] =	vst v63  }
0xa3: {  	_ =	swait.ge [sflag:s21], $0x2000  }
0xa4: {  	[sflag:s21] =	ssyncset.done $0x0  }
0xa5: {  	s29 =	sadd.s32 $0x380, s29;
	[sflag:s21] =	ssyncadd.s32 $0xFFFFE000  }
0xa6: {  	[tilespmem:s30], [sflag:$0x4] =	stream.indirect.gather [hbm4b:s17+s23], $0x80, s29, s23, $0xb8;
	[tilespmem:$0x1E000] =	vst v63  }
0xa7: {  	_ =	swait.ge [sflag:s31], $0x2000  }
0xa8: {  	[sflag:s31] =	ssyncset.done $0x0  }
0xa9: {  	s8 =	simm.s32 $0x1C00;
	[sflag:s31] =	ssyncadd.s32 $0xFFFFE000  }
0xaa: {  	[spmem:s1] =	stream.indirect.scatter.add.f32 [tilespmem:s20], [sflag:$0x5], $0x80, s8, s23, $0xb8;
	[tilespmem:$0x1E000] =	vst v63  }
0xab: {  	_ =	swait.ge [sflag:s21], $0x2000  }
0xac: {  	[sflag:s21] =	ssyncset.done $0x0  }
0xad: {  	[sflag:s21] =	ssyncadd.s32 $0xFFFFE000  }
0xae: {  	[tilespmem:s20], [sflag:$0x1] =	stream.indirect.gather [hbm4b:s17+s23], $0x80, s9, s23, $0xb8;
	[tilespmem:$0x1E000] =	vst v63  }
0xaf: {  	_ =	swait.ge [sflag:s0], $0x2000  }
0xb0: {  	[sflag:s0] =	ssyncset.done $0x0  }
0xb1: {  	[sflag:s0] =	ssyncadd.s32 $0xFFFFE000  }
0xb2: {  	[spmem:s1] =	stream.indirect.scatter.add.f32 [tilespmem:s25], [sflag:$0x5], $0x80, s10, s23, $0xb8;
	[tilespmem:$0x1E000] =	vst v63  }
0xb3: {  	_ =	swait.ge [sflag:s21], $0x2000  }
0xb4: {  	[sflag:s21] =	ssyncset.done $0x0  }
0xb5: {  	[sflag:s21] =	ssyncadd.s32 $0xFFFFE000  }
0xb6: {  	[tilespmem:s25], [sflag:$0x2] =	stream.indirect.gather [hbm4b:s17+s23], $0x80, s11, s23, $0xb8;
	[tilespmem:$0x1E000] =	vst v63  }
0xb7: {  	_ =	swait.ge [sflag:s2], $0x2000  }
0xb8: {  	[sflag:s2] =	ssyncset.done $0x0  }
0xb9: {  	[sflag:s2] =	ssyncadd.s32 $0xFFFFE000  }
0xba: {  	[spmem:s1] =	stream.indirect.scatter.add.f32 [tilespmem:s28], [sflag:$0x5], $0x80, s12, s23, $0xb8;
	[tilespmem:$0x1E000] =	vst v63  }
0xbb: {  	_ =	swait.ge [sflag:s21], $0x2000  }
0xbc: {  	[sflag:s21] =	ssyncset.done $0x0  }
0xbd: {  	[sflag:s21] =	ssyncadd.s32 $0xFFFFE000  }
0xbe: {  	[tilespmem:s28], [sflag:$0x3] =	stream.indirect.gather [hbm4b:s17+s23], $0x80, s13, s23, $0xb8;
	[tilespmem:$0x1E000] =	vst v63  }
0xbf: {  	_ =	swait.ge [sflag:s7], $0x2000  }
0xc0: {  	[sflag:s7] =	ssyncset.done $0x0  }
0xc1: {  	[sflag:s7] =	ssyncadd.s32 $0xFFFFE000  }
0xc2: {  	[spmem:s1] =	stream.indirect.scatter.add.f32 [tilespmem:s30], [sflag:$0x5], $0x80, s14, s23, $0xb8;
	[tilespmem:$0x1E000] =	vst v63  }
0xc3: {  	_ =	swait.ge [sflag:s21], $0x2000  }
0xc4: {  	[sflag:s21] =	ssyncset.done $0x0  }
0xc5: {  	[sflag:s21] =	ssyncadd.s32 $0xFFFFE000  }
0xc6: {  	[tilespmem:s30], [sflag:$0x4] =	stream.indirect.gather [hbm4b:s17+s23], $0x80, s15, s23, $0xb8;
	[tilespmem:$0x1E000] =	vst v63  }
0xc7: {  	_ =	swait.ge [sflag:s31], $0x2000  }
0xc8: {  	[sflag:s31] =	ssyncset.done $0x0  }
0xc9: {  	[sflag:s31] =	ssyncadd.s32 $0xFFFFE000  }
0xca: {  	[spmem:s1] =	stream.indirect.scatter.add.f32 [tilespmem:s20], [sflag:$0x5], $0x80, s18, s23, $0xb8;
	[tilespmem:$0x1E000] =	vst v63  }
0xcb: {  	_ =	swait.ge [sflag:s21], $0x2000  }
0xcc: {  	[sflag:s21] =	ssyncset.done $0x0  }
0xcd: {  	[sflag:s21] =	ssyncadd.s32 $0xFFFFE000  }
0xce: {  	[tilespmem:s20], [sflag:$0x1] =	stream.indirect.gather [hbm4b:s17+s23], $0x80, s15, s23, $0xb8;
	[tilespmem:$0x1E000] =	vst v63  }
0xcf: {  	_ =	swait.ge [sflag:s0], $0x2000  }
0xd0: {  	[sflag:s0] =	ssyncset.done $0x0  }
0xd1: {  	[sflag:s0] =	ssyncadd.s32 $0xFFFFE000  }
0xd2: {  	[spmem:s1] =	stream.indirect.scatter.add.f32 [tilespmem:s25], [sflag:$0x5], $0x80, s19, s23, $0xb8;
	[tilespmem:$0x1E000] =	vst v63  }
0xd3: {  	_ =	swait.ge [sflag:s21], $0x2000  }
0xd4: {  	[sflag:s21] =	ssyncset.done $0x0  }
0xd5: {  	[sflag:s21] =	ssyncadd.s32 $0xFFFFE000  }
0xd6: {  	[tilespmem:s25], [sflag:$0x2] =	stream.indirect.gather [hbm4b:s17+s23], $0x80, s15, s23, $0xb8;
	[tilespmem:$0x1E000] =	vst v63  }
0xd7: {  	_ =	swait.ge [sflag:s2], $0x2000  }
0xd8: {  	[sflag:s2] =	ssyncset.done $0x0  }
0xd9: {  	[sflag:s2] =	ssyncadd.s32 $0xFFFFE000  }
0xda: {  	[spmem:s1] =	stream.indirect.scatter.add.f32 [tilespmem:s28], [sflag:$0x5], $0x80, s6, s23, $0xb8;
	[tilespmem:$0x1E000] =	vst v63  }
0xdb: {  	_ =	swait.ge [sflag:s21], $0x2000  }
0xdc: {  	[sflag:s21] =	ssyncset.done $0x0  }
0xdd: {  	[sflag:s21] =	ssyncadd.s32 $0xFFFFE000  }
0xde: {  	[tilespmem:s28], [sflag:$0x3] =	stream.indirect.gather [hbm4b:s17+s23], $0x80, s15, s23, $0xb8;
	[tilespmem:$0x1E000] =	vst v63  }
0xdf: {  	_ =	swait.ge [sflag:s7], $0x2000  }
0xe0: {  	[sflag:s7] =	ssyncset.done $0x0  }
0xe1: {  	[sflag:s7] =	ssyncadd.s32 $0xFFFFE000  }
0xe2: {  	[spmem:s1] =	stream.indirect.scatter.add.f32 [tilespmem:s30], [sflag:$0x5], $0x80, s3, s23, $0xb8;
	[tilespmem:$0x1E000] =	vst v63  }
0xe3: {  	_ =	swait.ge [sflag:s21], $0x2000  }
0xe4: {  	[sflag:s21] =	ssyncset.done $0x0  }
0xe5: {  	[sflag:s21] =	ssyncadd.s32 $0xFFFFE000  }
0xe6: {  	[tilespmem:s30], [sflag:$0x4] =	stream.indirect.gather [hbm4b:s17+s23], $0x80, s15, s23, $0xb8;
	[tilespmem:$0x1E000] =	vst v63  }
0xe7: {  	_ =	swait.ge [sflag:s31], $0x2000  }
0xe8: {  	[sflag:s31] =	ssyncset.done $0x0  }
0xe9: {  	[sflag:s31] =	ssyncadd.s32 $0xFFFFE000  }
0xea: {  	_ =	swait.ge [sflag:s0], $0x2000  }
0xeb: {  	[sflag:s0] =	ssyncset.done $0x0  }
0xec: {  	s24 =	sadd.s32 $0x1, s24;
	[sflag:s0] =	ssyncadd.s32 $0xFFFFE000  }
0xed: {  	p0 =	sne.s32 s24, $0x5;
	_ =	swait.ge [sflag:s2], $0x2000  }
.Ltmp2:
0xee: {  	[sflag:s2] =	ssyncset.done $0x0;
	(pc) =	sbr.rel @p0 .LBB2_4-.Ltmp2, $4  }
0xef: {  	[sflag:s2] =	ssyncadd.s32 $0xFFFFE000  }
0xf0: {  	_ =	swait.ge [sflag:s7], $0x2000  }
0xf1: {  	[sflag:s7] =	ssyncset.done $0x0  }
0xf2: {  	[sflag:s7] =	ssyncadd.s32 $0xFFFFE000  }
0xf3: {  	s8 =	stileid.u32;
	[bflag:$0x0] =	sbarrier.arrive $0xFFFF  }
0xf4: {  	s8 =	sshll.u32 s8, $0x6;
	s26 =	rddreg [dreg:$0x4]  }
0xf5: {  	s24 =	rddreg [dreg:$0xe];
	s8 =	sor.u32 $0x1C05, s8;
	s22 =	sshrl.u32 s26, $0x3  }
0xf6: {  	[hbm:s24], [sflag:s8] =	dma.local [spmem:s22], $0x2800  }
0xf7: {  	_ =	swait.ge [sflag:s21], $0x2800  }
0xf8: {  	s24 =	rddreg [dreg:$0x3]  }
0xf9: {  	s29 =	rddreg [dreg:$0xf];
	s22 =	sadd.s32 $0x1, s24  }
0xfa: {  	p0 =	sne.s32 s22, s29  }
.Ltmp3:
0xfb: {  	_ = 	snop;
	(pc) =	sbr.rel @p0 .LBB2_1-.Ltmp3, $3  }
0xfc: {  	_ =	sdelay $0x1  }
0xfd: {  	[sflag:s21] =	ssyncset.done $0x0  }
0xfe: {  	[sflag:s21] =	ssyncadd.s32 $0xFFFFD800  }
0xff: {  	_ =	sfence.sel $0x180000  }
0x100: {  	[bflag:$0x0] =	sbarrier.arrive $0xFFFF  }
0x101: {  	_ =	strace $0x9000004D  }
0x102: {  	s0 =	stileid.u32;
	[bflag:$0x2] =	sbarrier.arrive $0xFFFF  }
0x103: {  	p0 =	sne.s32 s0, $0x0;
	s0 =	rddreg [dreg:$0x2]  }
0x104: {  	s0 =	sadd.s32 @!p0 $0x100000, s0  }
0x105: {  	[sflag:s0] =	ssyncadd.tile.s32 @!p0 $0x1;
	_ =	shalt  }
.Lfunc_end2:
_tile_overlayer_lowered:
.L_overlay_start_2:
0x106: {  	(tag) =	ssettag $0x2  }
0x107: {  	s0 =	rddreg [dreg:$0x0];
	s2 =	stileid.u32  }
0x108: {  	s1 =	rddreg [dreg:$0x1];
	p0 =	sne.s32 s2, $0x0  }
0x109: {  	s3 =	rddreg [dreg:$0x2];
	[bflag:$0x3] =	sbarrier.arrive $0xFFFF;
	s2 =	simm.s32 @!p0 $0x1C05  }
0x10a: {  	[timem:s3], [sflag:s2] =	dma.local @!p0 [hbm:s0], s1  }
0x10b: {  	s0 =	simm.s32 @!p0 $0x5  }
0x10c: {  	_ =	swait.ge @!p0 [sflag:s0], s1  }
0x10d: {  	s1 =	ssub.s32 @!p0 $0x0, s1;
	[sflag:s0] =	ssyncset.done @!p0 $0x0  }
0x10e: {  	[sflag:s0] =	ssyncadd.s32 @!p0 s1  }
0x10f: {  	[bflag:$0x3] =	sbarrier.arrive $0xFFFF  }
0x110: {  	_ =	shalt  }

// kernel: kernel.19.cloned.1.call-start
scs
__scs_entry_jumppad:
0x0: {  	(pc) =	sbr.rel $0x88, $3  }
0x1: {  	(tag) =	ssettag $0x0;
	lr =	simm.s32 $0x1  }
0x2: {  	[smem:$0x3F93] =	sst lr;
	_ =	strace $0xD0000000  }
0x3: {  	_ = 	snop  }
0x4: {  	_ = 	snop  }
0x5: {  	_ = 	snop  }
0x6: {  	_ = 	snop  }
0x7: {  	_ = 	snop  }
__scs_overlays_trampoline_lowered:
0x8: {  	[smem:$0x3FA2] =	sst s0  }
0x9: {  	[smem:$0x3FA3] =	sst s1  }
0xa: {  	[smem:$0x3FA4] =	sst s2  }
0xb: {  	[smem:$0x3FA5] =	sst s3  }
0xc: {  	[smem:$0x3FA6] =	sst s4  }
0xd: {  	[smem:$0x3FA7] =	sst s5  }
0xe: {  	[smem:$0x3FA8] =	sst s6  }
0xf: {  	[smem:$0x3FA9] =	sst s7  }
0x10: {  	[smem:$0x3FAA] =	sst s8  }
0x11: {  	[smem:$0x3FAB] =	sst s9;
	s0 =	simm.s32 @!p0 $0x0  }
0x12: {  	s1 =	sld [smem:$0x3F91];
	s0 =	simm.s32 @p0 $0x1  }
0x13: {  	[smem:$0x3FAC] =	sst s0;
	s0 =	simm.s32 @!p1 $0x0  }
0x14: {  	s2 =	sld [smem:$0x3F90];
	s0 =	simm.s32 @p1 $0x1  }
0x15: {  	[smem:$0x3FAD] =	sst s0;
	s0 =	simm.s32 @!p2 $0x0  }
0x16: {  	s3 =	sld [smem:$0x3FDB];
	s0 =	simm.s32 @p2 $0x1  }
0x17: {  	s4 =	simm.s32 $0x1BF5;
	[smem:$0x3FAF] =	sst s0  }
0x18: {  	s0 =	sld [smem:$0x3F92];
	_ =	swait.ge [sflag:s4], $0x0  }
0x19: {  	s7 =	sld [smem:$0x3F93]  }
0x1a: {  	s8 =	sadd.s32 $0xFFFFE003, lr  }
0x1b: {  	s9 =	sadd.s32 $0xFFFFFEF7, lr;
	s5 =	simm.s32 $0xFFFFFFFF;
	p2 =	slt.u32 s8, $0xFFFFF086  }
0x1c: {  	p1 =	slt.u32 s9, $0xF7A;
	s5 =	simm.s32 @!p2 $0x0  }
0x1d: {  	s5 =	simm.s32 @p1 $0x1;
	p0 =	seq.s32 s7, s2  }
0x1e: {  	s7 =	smul.u32 @!p0 $0xF7A, s2;
	p2 =	seq.s32 @!p0 s5, $0x0  }
0x1f: {  	s9 =	smul.u32 $0xF7A, s1;
	s8 =	simm.s32 @!p0 $0x1BF5;
	p2 =	por !p2, p0  }
0x20: {  	[sflag:s8] =	ssyncset.s32 @!p0 $0xFFFFF086;
	s6 =	sadd.s32 @!p0 s3, s7;
	s7 =	simm.s32 @!p0 $0x108  }
0x21: {  	s3 =	sadd.s32 s3, s9;
	s6 =	sadd.s32 @!p0 $0x88, s6;
	s7 =	simm.s32 @p2 $0x1082  }
0x22: {  	[simem:s7], [sflag:s8] =	dma.local @!p0 [hbm:s6], $0xF7A  }
0x23: {  	s9 =	sor.u32 $0xD0000000, s2;
	s6 =	simm.s32 $0x108;
	_ =	swait.ge @!p0 [sflag:s8], $0x0  }
0x24: {  	s3 =	sadd.s32 $0x88, s3;
	s6 =	simm.s32 @!p1 $0x1082;
	[sflag:s4] =	ssyncset.s32 $0xFFFFF086  }
0x25: {  	[simem:s6], [sflag:s4] =	dma.local [hbm:s3], $0xF7A  }
0x26: {  	[smem:$0x3F93] =	sst s1;
	(tag) =	ssettag s2;
	_ =	strace s9  }
0x27: {  	s1 =	sld [smem:$0x3FA3]  }
0x28: {  	s2 =	sld [smem:$0x3FA4]  }
0x29: {  	s4 =	sld [smem:$0x3FA6]  }
0x2a: {  	p0 =	seq.s32 s5, $0x0;
	s5 =	sld [smem:$0x3FA7]  }
0x2b: {  	s6 =	sld [smem:$0x3FA8]  }
0x2c: {  	s7 =	sld [smem:$0x3FA9]  }
0x2d: {  	s3 =	simm.s32 $0x108;
	s8 =	sld [smem:$0x3FAA]  }
0x2e: {  	s3 =	simm.s32 @!p0 $0x1082;
	s9 =	sld [smem:$0x3FAB]  }
0x2f: {  	lr =	sadd.s32 s0, s3;
	s0 =	sld [smem:$0x3FA2]  }
0x30: {  	s3 =	sld [smem:$0x3FA5]  }
0x31: {  	[smem:$0x3FAE] =	sst s10  }
0x32: {  	s10 =	sld [smem:$0x3FAC];
	_ =	sdelay $0x3  }
0x33: {  	p0 =	seq.s32 s10, $0x1;
	s10 =	sld [smem:$0x3FAE];
	_ =	sdelay $0x3  }
0x34: {  	[smem:$0x3FAE] =	sst s10  }
0x35: {  	s10 =	sld [smem:$0x3FAD];
	_ =	sdelay $0x3  }
0x36: {  	p1 =	seq.s32 s10, $0x1;
	s10 =	sld [smem:$0x3FAE];
	_ =	sdelay $0x3  }
0x37: {  	[smem:$0x3FAE] =	sst s10  }
0x38: {  	s10 =	sld [smem:$0x3FAF]  }
0x39: {  	_ = 	snop;
	(pc) =	sbr.ind lr, $3  }
0x3a: {  	_ = 	snop  }
0x3b: {  	_ = 	snop  }
0x3c: {  	p2 =	seq.s32 s10, $0x1;
	s10 =	sld [smem:$0x3FAE]  }
0x3d: {  	_ =	shalt  }
0x3e: {  	_ =	shalt  }
0x3f: {  	_ =	shalt  }
0x40: {  	_ =	shalt  }
0x41: {  	_ =	shalt  }
0x42: {  	_ =	shalt  }
0x43: {  	_ =	shalt  }
0x44: {  	_ =	shalt  }
0x45: {  	_ =	shalt  }
0x46: {  	_ =	shalt  }
0x47: {  	_ =	shalt  }
0x48: {  	_ =	shalt  }
0x49: {  	_ =	shalt  }
0x4a: {  	_ =	shalt  }
0x4b: {  	_ =	shalt  }
0x4c: {  	_ =	shalt  }
0x4d: {  	_ =	shalt  }
0x4e: {  	_ =	shalt  }
0x4f: {  	_ =	shalt  }
0x50: {  	_ =	shalt  }
0x51: {  	_ =	shalt  }
0x52: {  	_ =	shalt  }
0x53: {  	_ =	shalt  }
0x54: {  	_ =	shalt  }
0x55: {  	_ =	shalt  }
0x56: {  	_ =	shalt  }
0x57: {  	_ =	shalt  }
0x58: {  	_ =	shalt  }
0x59: {  	_ =	shalt  }
0x5a: {  	_ =	shalt  }
0x5b: {  	_ =	shalt  }
0x5c: {  	_ =	shalt  }
0x5d: {  	_ =	shalt  }
0x5e: {  	_ =	shalt  }
0x5f: {  	_ =	shalt  }
0x60: {  	_ =	shalt  }
0x61: {  	_ =	shalt  }
0x62: {  	_ =	shalt  }
0x63: {  	_ =	shalt  }
0x64: {  	_ =	shalt  }
0x65: {  	_ =	shalt  }
0x66: {  	_ =	shalt  }
0x67: {  	_ =	shalt  }
0x68: {  	_ =	shalt  }
0x69: {  	_ =	shalt  }
0x6a: {  	_ =	shalt  }
0x6b: {  	_ =	shalt  }
0x6c: {  	_ =	shalt  }
0x6d: {  	_ =	shalt  }
0x6e: {  	_ =	shalt  }
0x6f: {  	_ =	shalt  }
0x70: {  	_ =	shalt  }
0x71: {  	_ =	shalt  }
0x72: {  	_ =	shalt  }
0x73: {  	_ =	shalt  }
0x74: {  	_ =	shalt  }
0x75: {  	_ =	shalt  }
0x76: {  	_ =	shalt  }
0x77: {  	_ =	shalt  }
0x78: {  	_ =	shalt  }
0x79: {  	_ =	shalt  }
0x7a: {  	_ =	shalt  }
0x7b: {  	_ =	shalt  }
0x7c: {  	_ =	shalt  }
0x7d: {  	_ =	shalt  }
0x7e: {  	_ =	shalt  }
0x7f: {  	_ =	shalt  }
0x80: {  	_ =	shalt  }
0x81: {  	_ =	shalt  }
0x82: {  	_ =	shalt  }
0x83: {  	_ =	shalt  }
0x84: {  	_ =	shalt  }
0x85: {  	_ =	shalt  }
0x86: {  	_ =	shalt  }
0x87: {  	_ =	shalt  }
.Lfunc_end0:
.L_simem_size_0:
called_computation.3_lowered:
.L_overlay_start_0:
0x88: {  	s2 =	sld [smem:$0x3FD9]  }
0x89: {  	s3 =	sld [smem:$0x3FFE];
	_ =	sdelay $0x1  }
0x8a: {  	s1 =	srdreg.scid  }
0x8b: {  	s0 =	sand.u32 $0x1, s1  }
0x8c: {  	s16 =	sshll.u32 s0, $0xA;
	s2 =	sadd.s32 s3, s2  }
0x8d: {  	s2 =	sadd.s32 s2, s16  }
0x8e: {  	[smem:$0x3FBA] =	sst s2  }
0x8f: {  	_ = 	snop  }
0x90: {  	(tm) =	ssettm $0x1  }
0x91: {  	s17 =	sld [smem:$0x3FFB];
	_ =	sdelay $0x3  }
0x92: {  	_ =	strace s17  }
0x93: {  	s2 =	sld [smem:$0x3FFC];
	_ =	sdelay $0x3  }
0x94: {  	_ =	strace s2  }
0x95: {  	s2 =	sld [smem:$0x3FFD];
	_ =	sdelay $0x3  }
0x96: {  	_ =	strace s2  }
0x97: {  	_ =	strace $0x8FFFFFFF  }
0x98: {  	s18 =	sld [smem:$0x3FDB];
	_ =	sdelay $0x1  }
0x99: {  	s19 =	simm.s32 $_scs_section_size  }
0x9a: {  	s4 =	simm.s32 $_size__tile_overlayer_lowered;
	s5 =	simm.s32 $_tile_overlayer_lowered  }
0x9b: {  	s22 =	simm.s32 $0x1BFF;
	s21 =	sshll.u32 s5, $0x1;
	s2 =	sadd.s32 s19, s18  }
0x9c: {  	s6 =	simm.s32 $0x0;
	s20 =	sshll.u32 s4, $0x1;
	s4 =	sadd.s32 s21, s2  }
0x9d: {  	[timem:s6], [sflag:s22] =	dma.local [hbm:s4], s20  }
0x9e: {  	_ =	swait.ge [sflag:s22], s20  }
0x9f: {  	s3 =	ssub.s32 $0x0, s20;
	[sflag:s22] =	ssyncset.done $0x0  }
0xa0: {  	[sflag:s22] =	ssyncadd.s32 s3;
	_ =	sdelay $0x1  }
0xa1: {  	s23 =	simm.s32 $0x1B8B  }
0xa2: {  	_ =	swait.ge [sflag:s23], $0x1  }
0xa3: {  	[sflag:s23] =	ssyncset.done $0x0  }
0xa4: {  	s25 =	simm.s32 $0x1B8E;
	s24 =	sld [smem:$0x3FFE];
	[sflag:s23] =	ssyncadd.s32 $0xFFFFFFFF  }
0xa5: {  	s26 =	simm.s32 $execute0_lowered;
	[smem:$0x3FD2] =	sst s25  }
0xa6: {  	s4 =	sshll.u32 s26, $0x1;
	_ =	strace $0x8000004F;
	[dreg:$0x1] =	wrdreg $0xFFFFFFFF  }
0xa7: {  	s28 =	simm.s32 $_size_execute0_lowered;
	s2 =	sadd.s32 s2, s4;
	[dreg:$0x0] =	wrdreg $0x0  }
0xa8: {  	s4 =	sshll.u32 s28, $0x1;
	[dreg:$0x2] =	wrdreg s2  }
0xa9: {  	[dreg:$0x3] =	wrdreg s4  }
0xaa: {  	[dreg:$0x4] =	wrdreg $0xC0  }
0xab: {  	_ =	task [dreg:s6], $0x5FFFF  }
0xac: {  	[dreg:$0x1] =	wrdreg $0xFFFFFFFF  }
0xad: {  	[dreg:$0x0] =	wrdreg $0x60  }
0xae: {  	[dreg:$0x2] =	wrdreg s24  }
0xaf: {  	[dreg:$0x3] =	wrdreg $0xA0000  }
0xb0: {  	[dreg:$0x4] =	wrdreg $0x9  }
0xb1: {  	_ =	task.clear_ibuf [dreg:s6], $0x5FFFF;
	_ =	strace $0x9000004F  }
0xb2: {  	s29 =	simm.s32 $0x9;
	_ =	strace $0x80000051  }
0xb3: {  	_ =	swait.ge [sflag:s29], $0x1  }
0xb4: {  	[sflag:s29] =	ssyncadd.s32 $0xFFFFFFFF  }
0xb5: {  	_ =	strace $0x90000051  }
0xb6: {  	_ =	sfence  }
0xb7: {  	s30 =	sld [smem:$0x0];
	_ =	sdelay $0x2  }
0xb8: {  	s31 =	sshll.u32 s1, $0xD;
	s1 =	sshrl.u32 s1, $0x2  }
0xb9: {  	s3 =	sand.u32 $0x4000, s31;
	s1 =	sadd.s32 s1, s30  }
0xba: {  	s0 =	sor.u32 s3, s0;
	s1 =	sshll.u32 s1, $0x11  }
0xbb: {  	s0 =	sor.u32 s1, s0  }
0xbc: {  	s0 =	sadd.s32 $0x8F2B, s0  }
0xbd: {  	[sflag:s0] =	ssyncadd.remote.s32 $0x1  }
0xbe: {  	_ =	sfence.sel $0xFFFF  }
0xbf: {  	[dreg:$0x0] =	wrdreg $0xFFFFFFFF;
	(pc) =	sbr.abs _section_cstart, $3  }
0xc0: {  	[dreg:$0x1] =	wrdreg $0xFFFFFFFF  }
0xc1: {  	_ =	task.clear_ibuf [dreg:s6], $0x2FFFF;
	_ =	strace $0x9FFFFFFF  }
0xc2: {  	(tm) =	ssettm $0x7FFFFFFF  }
0xc3: {  	_ =	shalt  }
tec
execute0_lowered:
.L_overlay_start_1:
0x0: {  	(tag) =	ssettag $0x1  }
0x1: {  	s0 =	rddreg [dreg:$0x0]  }
0x2: {  	s1 =	rddreg [dreg:$0x1];
	s2 =	srdreg.scid  }
0x3: {  	s22 =	simm.s32 $0x0;
	s9 =	stileid.u32;
	s28 =	simm.s32 $0x6000  }
0x4: {  	s30 =	simm.s32 $0x8000;
	s31 =	simm.s32 $0x1;
	s10 =	simm.s32 $0x1C80  }
0x5: {  	s11 =	simm.s32 $0xE80;
	s12 =	simm.s32 $0x1D00;
	s13 =	simm.s32 $0xF00  }
0x6: {  	s14 =	simm.s32 $0x1D80;
	s2 =	sand.u32 $0x1, s2;
	s8 =	smul.u32 $0x50000, s9  }
0x7: {  	[smem:$0x7FF] =	sst s22;
	s7 =	smul.u32 $0x14000, s9;
	s4 =	sadd.s32 $0xD200, s0  }
0x8: {  	s5 =	sadd.s32 $0x3200, s0;
	s3 =	smul.u32 $0x28000, s2;
	s8 =	sshrl.u32 s8, $0x2  }
0x9: {  	s6 =	smul.u32 $0x140000, s2;
	_ =	strace $0x80000050;
	s26 =	sadd.s32 s8, s1  }
0xa: {  	s2 =	ssub.s32 $0x2, s2;
	s16 =	sadd.s32 $0x2000, s26;
	[dreg:$0x4] =	wrdreg s26  }
0xb: {  	s15 =	sshrl.u32 s2, $0x1;
	s17 =	sadd.s32 $0x4000, s26;
	[dreg:$0x5] =	wrdreg s16  }
0xc: {  	s3 =	sadd.s32 s3, s0;
	s18 =	sadd.s32 $0x6000, s26;
	[dreg:$0x6] =	wrdreg s17  }
0xd: {  	s6 =	sadd.s32 s7, s6;
	s19 =	sadd.s32 $0x8000, s26;
	[dreg:$0x7] =	wrdreg s18  }
0xe: {  	s2 =	ssub.s32 s2, s15;
	s20 =	sadd.s32 $0xA000, s26;
	[dreg:$0x8] =	wrdreg s19  }
0xf: {  	s7 =	simm.s32 $0x4;
	s21 =	sadd.s32 $0xC000, s26;
	[dreg:$0x9] =	wrdreg s20  }
0x10: {  	s15 =	simm.s32 $0xF80;
	s23 =	sadd.s32 $0xE000, s26;
	[dreg:$0xa] =	wrdreg s21  }
0x11: {  	s6 =	sshrl.u32 s6, $0x3;
	s24 =	sadd.s32 $0x10000, s26;
	[dreg:$0xb] =	wrdreg s23  }
0x12: {  	s25 =	sadd.s32 $0x12000, s26;
	s29 =	smax.u32 s2, $0x1;
	[dreg:$0xc] =	wrdreg s24  }
0x13: {  	s2 =	simm.s32 $0x3;
	s0 =	sadd.s32 s6, s0;
	[dreg:$0xd] =	wrdreg s25  }
0x14: {  	s16 =	smul.u32 $0x5000, s9;
	s17 =	sadd.s32 $0x17200, s3;
	[dreg:$0xf] =	wrdreg s29  }
0x15: {  	s20 =	simm.s32 $0x2000;
	s21 =	simm.s32 $0x5;
	s23 =	simm.s32 $0x40  }
0x16: {  	s25 =	simm.s32 $0x4000;
	s9 =	simm.s32 $0xE00;
	s18 =	simm.s32 $0x1E00  }
0x17: {  	s19 =	simm.s32 $0x1E80;
	s6 =	simm.s32 $0x1F00;
	s0 =	sadd.s32 $0x67200, s0  }
0x18: {  	v0 =	vimm.f32 $0.0e+00;
	s3 =	simm.s32 $0x1F80;
	[dreg:$0xe] =	wrdreg s0;
	s0 =	simm.s32 $0x2  }
.LBB2_1:
0x19: {  	[dreg:$0x3] =	wrdreg s22;
	s22 =	simm.s32 $0x0;
	s24 =	simm.s32 $0x200  }
.LBB2_2:
0x1a: {  	p0 =	sne.s32 s24, $0x7E00;
	[tilespmem:s22+$0x2070] =	vst v0  }
0x1b: {  	[tilespmem:s22+$0x2000] =	vst v0  }
0x1c: {  	[tilespmem:s22+$0x2010] =	vst v0  }
.Ltmp0:
0x1d: {  	[tilespmem:s22+$0x2020] =	vst v0;
	(pc) =	sbr.rel @p0 .LBB2_2-.Ltmp0, $4  }
0x1e: {  	[tilespmem:s22+$0x2030] =	vst v0  }
0x1f: {  	[tilespmem:s22+$0x2040] =	vst v0  }
0x20: {  	[tilespmem:s22+$0x2050] =	vst v0  }
0x21: {  	[tilespmem:s22+$0x2060] =	vst v0;
	s22 =	sshra.s32 s24, $0x2;
	s24 =	sadd.s32 $0x200, s24  }
0x22: {  	[tilespmem:s22+$0x2070] =	vst v0  }
0x23: {  	[tilespmem:s22+$0x2000] =	vst v0  }
0x24: {  	[tilespmem:s22+$0x2010] =	vst v0  }
0x25: {  	[tilespmem:s22+$0x2020] =	vst v0  }
0x26: {  	[tilespmem:s22+$0x2030] =	vst v0  }
0x27: {  	[tilespmem:s22+$0x2040] =	vst v0  }
0x28: {  	[tilespmem:s22+$0x2050] =	vst v0  }
0x29: {  	[tilespmem:s22+$0x2060] =	vst v0  }
0x2a: {  	[spmem:s26] =	stream.linear.scatter [tilespmem:s20], [sflag:$0x5], $0x2000, $0x38;
	[tilespmem:$0x1E000] =	vst v63  }
0x2b: {  	_ =	swait.ge [sflag:s21], $0x2000  }
0x2c: {  	[sflag:s21] =	ssyncset.done $0x0  }
0x2d: {  	s8 =	rddreg [dreg:$0x5];
	[sflag:s21] =	ssyncadd.s32 $0xFFFFE000  }
0x2e: {  	[spmem:s8] =	stream.linear.scatter [tilespmem:s20], [sflag:$0x5], $0x2000, $0x38;
	[tilespmem:$0x1E000] =	vst v63  }
0x2f: {  	_ =	swait.ge [sflag:s21], $0x2000  }
0x30: {  	[sflag:s21] =	ssyncset.done $0x0  }
0x31: {  	s22 =	rddreg [dreg:$0x6];
	[sflag:s21] =	ssyncadd.s32 $0xFFFFE000  }
0x32: {  	[spmem:s22] =	stream.linear.scatter [tilespmem:s20], [sflag:$0x5], $0x2000, $0x38;
	[tilespmem:$0x1E000] =	vst v63  }
0x33: {  	_ =	swait.ge [sflag:s21], $0x2000  }
0x34: {  	[sflag:s21] =	ssyncset.done $0x0  }
0x35: {  	s24 =	rddreg [dreg:$0x7];
	[sflag:s21] =	ssyncadd.s32 $0xFFFFE000  }
0x36: {  	[spmem:s24] =	stream.linear.scatter [tilespmem:s20], [sflag:$0x5], $0x2000, $0x38;
	[tilespmem:$0x1E000] =	vst v63  }
0x37: {  	_ =	swait.ge [sflag:s21], $0x2000  }
0x38: {  	[sflag:s21] =	ssyncset.done $0x0  }
0x39: {  	s26 =	rddreg [dreg:$0x8];
	[sflag:s21] =	ssyncadd.s32 $0xFFFFE000  }
0x3a: {  	[spmem:s26] =	stream.linear.scatter [tilespmem:s20], [sflag:$0x5], $0x2000, $0x38;
	[tilespmem:$0x1E000] =	vst v63  }
0x3b: {  	_ =	swait.ge [sflag:s21], $0x2000  }
0x3c: {  	[sflag:s21] =	ssyncset.done $0x0  }
0x3d: {  	s29 =	rddreg [dreg:$0x9];
	[sflag:s21] =	ssyncadd.s32 $0xFFFFE000  }
0x3e: {  	[spmem:s29] =	stream.linear.scatter [tilespmem:s20], [sflag:$0x5], $0x2000, $0x38;
	[tilespmem:$0x1E000] =	vst v63  }
0x3f: {  	_ =	swait.ge [sflag:s21], $0x2000  }
0x40: {  	[sflag:s21] =	ssyncset.done $0x0  }
0x41: {  	s22 =	rddreg [dreg:$0xa];
	[sflag:s21] =	ssyncadd.s32 $0xFFFFE000  }
0x42: {  	[spmem:s22] =	stream.linear.scatter [tilespmem:s20], [sflag:$0x5], $0x2000, $0x38;
	[tilespmem:$0x1E000] =	vst v63  }
0x43: {  	_ =	swait.ge [sflag:s21], $0x2000  }
0x44: {  	[sflag:s21] =	ssyncset.done $0x0  }
0x45: {  	s24 =	rddreg [dreg:$0xb];
	[sflag:s21] =	ssyncadd.s32 $0xFFFFE000  }
0x46: {  	[spmem:s24] =	stream.linear.scatter [tilespmem:s20], [sflag:$0x5], $0x2000, $0x38;
	[tilespmem:$0x1E000] =	vst v63  }
0x47: {  	_ =	swait.ge [sflag:s21], $0x2000  }
0x48: {  	[sflag:s21] =	ssyncset.done $0x0  }
0x49: {  	s26 =	rddreg [dreg:$0xc];
	[sflag:s21] =	ssyncadd.s32 $0xFFFFE000  }
0x4a: {  	[spmem:s26] =	stream.linear.scatter [tilespmem:s20], [sflag:$0x5], $0x2000, $0x38;
	[tilespmem:$0x1E000] =	vst v63  }
0x4b: {  	_ =	swait.ge [sflag:s21], $0x2000  }
0x4c: {  	[sflag:s21] =	ssyncset.done $0x0  }
0x4d: {  	s29 =	rddreg [dreg:$0xd];
	[sflag:s21] =	ssyncadd.s32 $0xFFFFE000  }
0x4e: {  	[spmem:s29] =	stream.linear.scatter [tilespmem:s20], [sflag:$0x5], $0x2000, $0x38;
	[tilespmem:$0x1E000] =	vst v63  }
0x4f: {  	_ =	swait.ge [sflag:s21], $0x2000  }
0x50: {  	[sflag:s21] =	ssyncset.done $0x0  }
0x51: {  	[sflag:s21] =	ssyncadd.s32 $0xFFFFE000  }
0x52: {  	s22 =	simm.s32 $0x0;
	s24 =	simm.s32 $0x0;
	[bflag:$0x0] =	sbarrier.arrive $0xFFFF  }
.LBB2_4:
0x53: {  	s26 =	sshll.u32 s24, $0xC  }
0x54: {  	s26 =	sadd.s32 s16, s26  }
0x55: {  	s26 =	sshrl.u32 s26, $0x3  }
0x56: {  	s29 =	sadd.s32 s4, s26  }
0x57: {  	[tilespmem:s22], [sflag:$0x5] =	stream.linear.gather [hbm4b:s29+s22], $0x1000, $0x38;
	[tilespmem:$0x1E000] =	vst v63  }
0x58: {  	_ =	swait.ge [sflag:s21], $0x1000  }
0x59: {  	[sflag:s21] =	ssyncset.done $0x0  }
0x5a: {  	s8 =	simm.s32 $0x1000;
	s26 =	sadd.s32 s5, s26;
	[sflag:s21] =	ssyncadd.s32 $0xFFFFF000  }
0x5b: {  	[tilespmem:s8], [sflag:$0x5] =	stream.linear.gather [hbm4b:s26+s22], $0x1000, $0x38;
	[tilespmem:$0x1E000] =	vst v63  }
0x5c: {  	_ =	swait.ge [sflag:s21], $0x1000  }
0x5d: {  	[sflag:s21] =	ssyncset.done $0x0  }
0x5e: {  	[sflag:s21] =	ssyncadd.s32 $0xFFFFF000  }
0x5f: {  	[tilespmem:s20], [sflag:$0x1] =	stream.indirect.gather [hbm4b:s17+s23], $0x80, s22, s23, $0xb8;
	[tilespmem:$0x1E000] =	vst v63  }
0x60: {  	s26 =	simm.s32 $0x80  }
0x61: {  	[tilespmem:s25], [sflag:$0x2] =	stream.indirect.gather [hbm4b:s17+s23], $0x80, s26, s23, $0xb8;
	[tilespmem:$0x1E000] =	vst v63  }
0x62: {  	s26 =	simm.s32 $0x100  }
0x63: {  	[tilespmem:s28], [sflag:$0x3] =	stream.indirect.gather [hbm4b:s17+s23], $0x80, s26, s23, $0xb8;
	[tilespmem:$0x1E000] =	vst v63  }
0x64: {  	s26 =	simm.s32 $0x180  }
0x65: {  	[tilespmem:s30], [sflag:$0x4] =	stream.indirect.gather [hbm4b:s17+s23], $0x80, s26, s23, $0xb8;
	[tilespmem:$0x1E000] =	vst v63  }
0x66: {  	_ =	swait.ge [sflag:s31], $0x2000  }
0x67: {  	[sflag:s31] =	ssyncset.done $0x0  }
0x68: {  	s8 =	simm.s32 $0x1000;
	[sflag:s31] =	ssyncadd.s32 $0xFFFFE000  }
0x69: {  	[spmem:s1] =	stream.indirect.scatter.add.f32 [tilespmem:s20], [sflag:$0x5], $0x80, s8, s23, $0xb8;
	[tilespmem:$0x1E000] =	vst v63  }
0x6a: {  	_ =	swait.ge [sflag:s21], $0x2000  }
0x6b: {  	[sflag:s21] =	ssyncset.done $0x0  }
0x6c: {  	s8 =	simm.s32 $0x200;
	[sflag:s21] =	ssyncadd.s32 $0xFFFFE000  }
0x6d: {  	[tilespmem:s20], [sflag:$0x1] =	stream.indirect.gather [hbm4b:s17+s23], $0x80, s8, s23, $0xb8;
	[tilespmem:$0x1E000] =	vst v63  }
0x6e: {  	_ =	swait.ge [sflag:s0], $0x2000  }
0x6f: {  	[sflag:s0] =	ssyncset.done $0x0  }
0x70: {  	s8 =	simm.s32 $0x1080;
	[sflag:s0] =	ssyncadd.s32 $0xFFFFE000  }
0x71: {  	[spmem:s1] =	stream.indirect.scatter.add.f32 [tilespmem:s25], [sflag:$0x5], $0x80, s8, s23, $0xb8;
	[tilespmem:$0x1E000] =	vst v63  }
0x72: {  	_ =	swait.ge [sflag:s21], $0x2000  }
0x73: {  	[sflag:s21] =	ssyncset.done $0x0  }
0x74: {  	s8 =	simm.s32 $0x280;
	[sflag:s21] =	ssyncadd.s32 $0xFFFFE000  }
0x75: {  	[tilespmem:s25], [sflag:$0x2] =	stream.indirect.gather [hbm4b:s17+s23], $0x80, s8, s23, $0xb8;
	[tilespmem:$0x1E000] =	vst v63  }
0x76: {  	_ =	swait.ge [sflag:s2], $0x2000  }
0x77: {  	[sflag:s2] =	ssyncset.done $0x0  }
0x78: {  	s8 =	simm.s32 $0x1100;
	[sflag:s2] =	ssyncadd.s32 $0xFFFFE000  }
0x79: {  	[spmem:s1] =	stream.indirect.scatter.add.f32 [tilespmem:s28], [sflag:$0x5], $0x80, s8, s23, $0xb8;
	[tilespmem:$0x1E000] =	vst v63  }
0x7a: {  	_ =	swait.ge [sflag:s21], $0x2000  }
0x7b: {  	[sflag:s21] =	ssyncset.done $0x0  }
0x7c: {  	s8 =	simm.s32 $0x300;
	[sflag:s21] =	ssyncadd.s32 $0xFFFFE000  }
0x7d: {  	[tilespmem:s28], [sflag:$0x3] =	stream.indirect.gather [hbm4b:s17+s23], $0x80, s8, s23, $0xb8;
	[tilespmem:$0x1E000] =	vst v63  }
0x7e: {  	_ =	swait.ge [sflag:s7], $0x2000  }
0x7f: {  	[sflag:s7] =	ssyncset.done $0x0  }
0x80: {  	s8 =	simm.s32 $0x1180;
	[sflag:s7] =	ssyncadd.s32 $0xFFFFE000  }
0x81: {  	[spmem:s1] =	stream.indirect.scatter.add.f32 [tilespmem:s30], [sflag:$0x5], $0x80, s8, s23, $0xb8;
	[tilespmem:$0x1E000] =	vst v63  }
0x82: {  	_ =	swait.ge [sflag:s21], $0x2000  }
0x83: {  	[sflag:s21] =	ssyncset.done $0x0  }
0x84: {  	s29 =	simm.s32 $0x380;
	s26 =	simm.s32 $0x800;
	[sflag:s21] =	ssyncadd.s32 $0xFFFFE000  }
.LBB2_5:
0x85: {  	[tilespmem:s30], [sflag:$0x4] =	stream.indirect.gather [hbm4b:s17+s23], $0x80, s29, s23, $0xb8;
	[tilespmem:$0x1E000] =	vst v63  }
0x86: {  	s29 =	smov.u32 s26  }
0x87: {  	p0 =	sne.s32 s26, $0x2800;
	s26 =	sadd.s32 $0x800, s26;
	_ =	swait.ge [sflag:s31], $0x2000  }
0x88: {  	s29 =	sshra.s32 s29, $0x2;
	[sflag:s31] =	ssyncset.done $0x0  }
0x89: {  	s8 =	sadd.s32 $0x1000, s29;
	[sflag:s31] =	ssyncadd.s32 $0xFFFFE000  }
0x8a: {  	[spmem:s1] =	stream.indirect.scatter.add.f32 [tilespmem:s20], [sflag:$0x5], $0x80, s8, s23, $0xb8;
	[tilespmem:$0x1E000] =	vst v63  }
0x8b: {  	_ =	swait.ge [sflag:s21], $0x2000  }
0x8c: {  	[sflag:s21] =	ssyncset.done $0x0  }
0x8d: {  	s8 =	sadd.s32 $0x200, s29;
	[sflag:s21] =	ssyncadd.s32 $0xFFFFE000  }
0x8e: {  	[tilespmem:s20], [sflag:$0x1] =	stream.indirect.gather [hbm4b:s17+s23], $0x80, s8, s23, $0xb8;
	[tilespmem:$0x1E000] =	vst v63  }
0x8f: {  	_ =	swait.ge [sflag:s0], $0x2000  }
0x90: {  	[sflag:s0] =	ssyncset.done $0x0  }
0x91: {  	s8 =	sadd.s32 $0x1080, s29;
	[sflag:s0] =	ssyncadd.s32 $0xFFFFE000  }
0x92: {  	[spmem:s1] =	stream.indirect.scatter.add.f32 [tilespmem:s25], [sflag:$0x5], $0x80, s8, s23, $0xb8;
	[tilespmem:$0x1E000] =	vst v63  }
0x93: {  	_ =	swait.ge [sflag:s21], $0x2000  }
0x94: {  	[sflag:s21] =	ssyncset.done $0x0  }
0x95: {  	s8 =	sadd.s32 $0x280, s29;
	[sflag:s21] =	ssyncadd.s32 $0xFFFFE000  }
0x96: {  	[tilespmem:s25], [sflag:$0x2] =	stream.indirect.gather [hbm4b:s17+s23], $0x80, s8, s23, $0xb8;
	[tilespmem:$0x1E000] =	vst v63  }
0x97: {  	_ =	swait.ge [sflag:s2], $0x2000  }
0x98: {  	[sflag:s2] =	ssyncset.done $0x0  }
0x99: {  	s8 =	sadd.s32 $0x1100, s29;
	[sflag:s2] =	ssyncadd.s32 $0xFFFFE000  }
0x9a: {  	[spmem:s1] =	stream.indirect.scatter.add.f32 [tilespmem:s28], [sflag:$0x5], $0x80, s8, s23, $0xb8;
	[tilespmem:$0x1E000] =	vst v63  }
0x9b: {  	_ =	swait.ge [sflag:s21], $0x2000  }
0x9c: {  	[sflag:s21] =	ssyncset.done $0x0  }
0x9d: {  	s8 =	sadd.s32 $0x300, s29;
	[sflag:s21] =	ssyncadd.s32 $0xFFFFE000  }
0x9e: {  	[tilespmem:s28], [sflag:$0x3] =	stream.indirect.gather [hbm4b:s17+s23], $0x80, s8, s23, $0xb8;
	[tilespmem:$0x1E000] =	vst v63  }
0x9f: {  	_ =	swait.ge [sflag:s7], $0x2000  }
0xa0: {  	[sflag:s7] =	ssyncset.done $0x0  }
.Ltmp1:
0xa1: {  	s8 =	sadd.s32 $0x1180, s29;
	[sflag:s7] =	ssyncadd.s32 $0xFFFFE000;
	(pc) =	sbr.rel @p0 .LBB2_5-.Ltmp1, $4  }
0xa2: {  	[spmem:s1] =	stream.indirect.scatter.add.f32 [tilespmem:s30], [sflag:$0x5], $0x80, s8, s23, $0xb8;
	[tilespmem:$0x1E000] =	vst v63  }
0xa3: {  	_ =	swait.ge [sflag:s21], $0x2000  }
0xa4: {  	[sflag:s21] =	ssyncset.done $0x0  }
0xa5: {  	s29 =	sadd.s32 $0x380, s29;
	[sflag:s21] =	ssyncadd.s32 $0xFFFFE000  }
0xa6: {  	[tilespmem:s30], [sflag:$0x4] =	stream.indirect.gather [hbm4b:s17+s23], $0x80, s29, s23, $0xb8;
	[tilespmem:$0x1E000] =	vst v63  }
0xa7: {  	_ =	swait.ge [sflag:s31], $0x2000  }
0xa8: {  	[sflag:s31] =	ssyncset.done $0x0  }
0xa9: {  	s8 =	simm.s32 $0x1C00;
	[sflag:s31] =	ssyncadd.s32 $0xFFFFE000  }
0xaa: {  	[spmem:s1] =	stream.indirect.scatter.add.f32 [tilespmem:s20], [sflag:$0x5], $0x80, s8, s23, $0xb8;
	[tilespmem:$0x1E000] =	vst v63  }
0xab: {  	_ =	swait.ge [sflag:s21], $0x2000  }
0xac: {  	[sflag:s21] =	ssyncset.done $0x0  }
0xad: {  	[sflag:s21] =	ssyncadd.s32 $0xFFFFE000  }
0xae: {  	[tilespmem:s20], [sflag:$0x1] =	stream.indirect.gather [hbm4b:s17+s23], $0x80, s9, s23, $0xb8;
	[tilespmem:$0x1E000] =	vst v63  }
0xaf: {  	_ =	swait.ge [sflag:s0], $0x2000  }
0xb0: {  	[sflag:s0] =	ssyncset.done $0x0  }
0xb1: {  	[sflag:s0] =	ssyncadd.s32 $0xFFFFE000  }
0xb2: {  	[spmem:s1] =	stream.indirect.scatter.add.f32 [tilespmem:s25], [sflag:$0x5], $0x80, s10, s23, $0xb8;
	[tilespmem:$0x1E000] =	vst v63  }
0xb3: {  	_ =	swait.ge [sflag:s21], $0x2000  }
0xb4: {  	[sflag:s21] =	ssyncset.done $0x0  }
0xb5: {  	[sflag:s21] =	ssyncadd.s32 $0xFFFFE000  }
0xb6: {  	[tilespmem:s25], [sflag:$0x2] =	stream.indirect.gather [hbm4b:s17+s23], $0x80, s11, s23, $0xb8;
	[tilespmem:$0x1E000] =	vst v63  }
0xb7: {  	_ =	swait.ge [sflag:s2], $0x2000  }
0xb8: {  	[sflag:s2] =	ssyncset.done $0x0  }
0xb9: {  	[sflag:s2] =	ssyncadd.s32 $0xFFFFE000  }
0xba: {  	[spmem:s1] =	stream.indirect.scatter.add.f32 [tilespmem:s28], [sflag:$0x5], $0x80, s12, s23, $0xb8;
	[tilespmem:$0x1E000] =	vst v63  }
0xbb: {  	_ =	swait.ge [sflag:s21], $0x2000  }
0xbc: {  	[sflag:s21] =	ssyncset.done $0x0  }
0xbd: {  	[sflag:s21] =	ssyncadd.s32 $0xFFFFE000  }
0xbe: {  	[tilespmem:s28], [sflag:$0x3] =	stream.indirect.gather [hbm4b:s17+s23], $0x80, s13, s23, $0xb8;
	[tilespmem:$0x1E000] =	vst v63  }
0xbf: {  	_ =	swait.ge [sflag:s7], $0x2000  }
0xc0: {  	[sflag:s7] =	ssyncset.done $0x0  }
0xc1: {  	[sflag:s7] =	ssyncadd.s32 $0xFFFFE000  }
0xc2: {  	[spmem:s1] =	stream.indirect.scatter.add.f32 [tilespmem:s30], [sflag:$0x5], $0x80, s14, s23, $0xb8;
	[tilespmem:$0x1E000] =	vst v63  }
0xc3: {  	_ =	swait.ge [sflag:s21], $0x2000  }
0xc4: {  	[sflag:s21] =	ssyncset.done $0x0  }
0xc5: {  	[sflag:s21] =	ssyncadd.s32 $0xFFFFE000  }
0xc6: {  	[tilespmem:s30], [sflag:$0x4] =	stream.indirect.gather [hbm4b:s17+s23], $0x80, s15, s23, $0xb8;
	[tilespmem:$0x1E000] =	vst v63  }
0xc7: {  	_ =	swait.ge [sflag:s31], $0x2000  }
0xc8: {  	[sflag:s31] =	ssyncset.done $0x0  }
0xc9: {  	[sflag:s31] =	ssyncadd.s32 $0xFFFFE000  }
0xca: {  	[spmem:s1] =	stream.indirect.scatter.add.f32 [tilespmem:s20], [sflag:$0x5], $0x80, s18, s23, $0xb8;
	[tilespmem:$0x1E000] =	vst v63  }
0xcb: {  	_ =	swait.ge [sflag:s21], $0x2000  }
0xcc: {  	[sflag:s21] =	ssyncset.done $0x0  }
0xcd: {  	[sflag:s21] =	ssyncadd.s32 $0xFFFFE000  }
0xce: {  	[tilespmem:s20], [sflag:$0x1] =	stream.indirect.gather [hbm4b:s17+s23], $0x80, s15, s23, $0xb8;
	[tilespmem:$0x1E000] =	vst v63  }
0xcf: {  	_ =	swait.ge [sflag:s0], $0x2000  }
0xd0: {  	[sflag:s0] =	ssyncset.done $0x0  }
0xd1: {  	[sflag:s0] =	ssyncadd.s32 $0xFFFFE000  }
0xd2: {  	[spmem:s1] =	stream.indirect.scatter.add.f32 [tilespmem:s25], [sflag:$0x5], $0x80, s19, s23, $0xb8;
	[tilespmem:$0x1E000] =	vst v63  }
0xd3: {  	_ =	swait.ge [sflag:s21], $0x2000  }
0xd4: {  	[sflag:s21] =	ssyncset.done $0x0  }
0xd5: {  	[sflag:s21] =	ssyncadd.s32 $0xFFFFE000  }
0xd6: {  	[tilespmem:s25], [sflag:$0x2] =	stream.indirect.gather [hbm4b:s17+s23], $0x80, s15, s23, $0xb8;
	[tilespmem:$0x1E000] =	vst v63  }
0xd7: {  	_ =	swait.ge [sflag:s2], $0x2000  }
0xd8: {  	[sflag:s2] =	ssyncset.done $0x0  }
0xd9: {  	[sflag:s2] =	ssyncadd.s32 $0xFFFFE000  }
0xda: {  	[spmem:s1] =	stream.indirect.scatter.add.f32 [tilespmem:s28], [sflag:$0x5], $0x80, s6, s23, $0xb8;
	[tilespmem:$0x1E000] =	vst v63  }
0xdb: {  	_ =	swait.ge [sflag:s21], $0x2000  }
0xdc: {  	[sflag:s21] =	ssyncset.done $0x0  }
0xdd: {  	[sflag:s21] =	ssyncadd.s32 $0xFFFFE000  }
0xde: {  	[tilespmem:s28], [sflag:$0x3] =	stream.indirect.gather [hbm4b:s17+s23], $0x80, s15, s23, $0xb8;
	[tilespmem:$0x1E000] =	vst v63  }
0xdf: {  	_ =	swait.ge [sflag:s7], $0x2000  }
0xe0: {  	[sflag:s7] =	ssyncset.done $0x0  }
0xe1: {  	[sflag:s7] =	ssyncadd.s32 $0xFFFFE000  }
0xe2: {  	[spmem:s1] =	stream.indirect.scatter.add.f32 [tilespmem:s30], [sflag:$0x5], $0x80, s3, s23, $0xb8;
	[tilespmem:$0x1E000] =	vst v63  }
0xe3: {  	_ =	swait.ge [sflag:s21], $0x2000  }
0xe4: {  	[sflag:s21] =	ssyncset.done $0x0  }
0xe5: {  	[sflag:s21] =	ssyncadd.s32 $0xFFFFE000  }
0xe6: {  	[tilespmem:s30], [sflag:$0x4] =	stream.indirect.gather [hbm4b:s17+s23], $0x80, s15, s23, $0xb8;
	[tilespmem:$0x1E000] =	vst v63  }
0xe7: {  	_ =	swait.ge [sflag:s31], $0x2000  }
0xe8: {  	[sflag:s31] =	ssyncset.done $0x0  }
0xe9: {  	[sflag:s31] =	ssyncadd.s32 $0xFFFFE000  }
0xea: {  	_ =	swait.ge [sflag:s0], $0x2000  }
0xeb: {  	[sflag:s0] =	ssyncset.done $0x0  }
0xec: {  	s24 =	sadd.s32 $0x1, s24;
	[sflag:s0] =	ssyncadd.s32 $0xFFFFE000  }
0xed: {  	p0 =	sne.s32 s24, $0x5;
	_ =	swait.ge [sflag:s2], $0x2000  }
.Ltmp2:
0xee: {  	[sflag:s2] =	ssyncset.done $0x0;
	(pc) =	sbr.rel @p0 .LBB2_4-.Ltmp2, $4  }
0xef: {  	[sflag:s2] =	ssyncadd.s32 $0xFFFFE000  }
0xf0: {  	_ =	swait.ge [sflag:s7], $0x2000  }
0xf1: {  	[sflag:s7] =	ssyncset.done $0x0  }
0xf2: {  	[sflag:s7] =	ssyncadd.s32 $0xFFFFE000  }
0xf3: {  	s8 =	stileid.u32;
	[bflag:$0x0] =	sbarrier.arrive $0xFFFF  }
0xf4: {  	s8 =	sshll.u32 s8, $0x6;
	s26 =	rddreg [dreg:$0x4]  }
0xf5: {  	s24 =	rddreg [dreg:$0xe];
	s8 =	sor.u32 $0x1C05, s8;
	s22 =	sshrl.u32 s26, $0x3  }
0xf6: {  	[hbm:s24], [sflag:s8] =	dma.local [spmem:s22], $0x2800  }
0xf7: {  	_ =	swait.ge [sflag:s21], $0x2800  }
0xf8: {  	s24 =	rddreg [dreg:$0x3]  }
0xf9: {  	s29 =	rddreg [dreg:$0xf];
	s22 =	sadd.s32 $0x1, s24  }
0xfa: {  	p0 =	sne.s32 s22, s29  }
.Ltmp3:
0xfb: {  	_ = 	snop;
	(pc) =	sbr.rel @p0 .LBB2_1-.Ltmp3, $3  }
0xfc: {  	_ =	sdelay $0x1  }
0xfd: {  	[sflag:s21] =	ssyncset.done $0x0  }
0xfe: {  	[sflag:s21] =	ssyncadd.s32 $0xFFFFD800  }
0xff: {  	_ =	sfence.sel $0x180000  }
0x100: {  	[bflag:$0x0] =	sbarrier.arrive $0xFFFF  }
0x101: {  	_ =	strace $0x90000050  }
0x102: {  	s0 =	stileid.u32;
	[bflag:$0x2] =	sbarrier.arrive $0xFFFF  }
0x103: {  	p0 =	sne.s32 s0, $0x0;
	s0 =	rddreg [dreg:$0x2]  }
0x104: {  	s0 =	sadd.s32 @!p0 $0x100000, s0  }
0x105: {  	[sflag:s0] =	ssyncadd.tile.s32 @!p0 $0x1;
	_ =	shalt  }
.Lfunc_end2:
_tile_overlayer_lowered:
.L_overlay_start_2:
0x106: {  	(tag) =	ssettag $0x2  }
0x107: {  	s0 =	rddreg [dreg:$0x0];
	s2 =	stileid.u32  }
0x108: {  	s1 =	rddreg [dreg:$0x1];
	p0 =	sne.s32 s2, $0x0  }
0x109: {  	s3 =	rddreg [dreg:$0x2];
	[bflag:$0x3] =	sbarrier.arrive $0xFFFF;
	s2 =	simm.s32 @!p0 $0x1C05  }
0x10a: {  	[timem:s3], [sflag:s2] =	dma.local @!p0 [hbm:s0], s1  }
0x10b: {  	s0 =	simm.s32 @!p0 $0x5  }
0x10c: {  	_ =	swait.ge @!p0 [sflag:s0], s1  }
0x10d: {  	s1 =	ssub.s32 @!p0 $0x0, s1;
	[sflag:s0] =	ssyncset.done @!p0 $0x0  }
0x10e: {  	[sflag:s0] =	ssyncadd.s32 @!p0 s1  }
0x10f: {  	[bflag:$0x3] =	sbarrier.arrive $0xFFFF  }
0x110: {  	_ =	shalt  }

</sc_bundles>
